<compile_context>
chip_gen: v7x
topology: tpu7x:2x2x1
jax: 0.10.2.dev20260603
libtpu: 0.0.44.dev20260713+nightly
codegen_flags: <defaults>
</compile_context>

<pallas_src>
import functools
import math

import jax
import jax.numpy as jnp
from jax import lax
from jax.experimental import pallas as pl
from jax.experimental.pallas import tpu as pltpu
from jax.experimental.pallas import tpu_sc as plsc

_NUM_CORES = 2
_NUM_SUBCORES = 16
_NUM_WORKERS = _NUM_CORES * _NUM_SUBCORES
_LANES = 16
_BBLK = 128
_K = 6
_RBLK = 384


def _worker_id():
    return lax.axis_index("s") * _NUM_CORES + lax.axis_index("c")


def _make_prep_kernel(vocab, d):
    rblk = 2048
    grid = -(-vocab // rblk)

    def body(tt_ref, eye_ref, out_ref):
        out_ref[:, 0:d] = lax.dot_general(
            tt_ref[...],
            eye_ref[...],
            (((0,), (0,)), ((), ())),
            preferred_element_type=jnp.float32,
            precision=lax.Precision.HIGHEST,
        )

    return pl.pallas_call(
        body,
        grid=(grid,),
        in_specs=[
            pl.BlockSpec((d, rblk), lambda i: (0, i)),
            pl.BlockSpec((d, d), lambda i: (0, 0)),
        ],
        out_specs=pl.BlockSpec((rblk, 2 * d), lambda i: (i, 0)),
        out_shape=jax.ShapeDtypeStruct((vocab, 2 * d), jnp.float32),
    )


def _make_gather_kernel(batch, seq, d):
    mesh = plsc.VectorSubcoreMesh(core_axis_name="c", subcore_axis_name="s")

    gbufs = [pltpu.VMEM((_BBLK, d), jnp.float32) for _ in range(_K)]
    tbufs = [pltpu.VMEM((d // 8, 8, _BBLK + 1), jnp.float32) for _ in range(_K)]

    @functools.partial(
        pl.kernel,
        out_type=jax.ShapeDtypeStruct(
            (seq, d // 8, batch // _BBLK, 8, _BBLK), jnp.float32
        ),
        mesh=mesh,
        compiler_params=pltpu.CompilerParams(
            use_tc_tiling_on_sc=False, needs_layout_passes=False
        ),
        scratch_types=[pltpu.VMEM((seq // 8, 8, _BBLK), jnp.int32)]
        + gbufs
        + tbufs
        + [pltpu.SemaphoreType.DMA, pltpu.SemaphoreType.DMA],
    )
    def emb(tr_hbm, idx_hbm, q_hbm, idx_v, *bufs_and_sems):
        gb = bufs_and_sems[:_K]
        tb = bufs_and_sems[_K : 2 * _K]
        gsem, wsem = bufs_and_sems[2 * _K], bufs_and_sems[2 * _K + 1]
        w = _worker_id()
        pltpu.sync_copy(idx_hbm.at[:, w], idx_v)
        lanes = lax.iota(jnp.int32, _LANES)
        i0s = [(g * _LANES + lanes) >> 3 for g in range(d // _LANES)]
        i1s = [(g * _LANES + lanes) & 7 for g in range(d // _LANES)]

        def body(i, carry):
            s0 = i * _K
            handles = [
                pltpu.async_copy(
                    tr_hbm.at[idx_v.at[(s0 + k) // 8, (s0 + k) % 8]],
                    gb[k],
                    gsem,
                )
                for k in range(_K)
            ]
            for k in range(_K):
                handles[k].wait()

                def bloop(b, carry2, g=gb[k], t=tb[k]):
                    bv = jnp.full((_LANES,), 0, jnp.int32) + b
                    for grp in range(d // _LANES):
                        vals = g[b, pl.ds(grp * _LANES, _LANES)]
                        plsc.store_scatter(t, [i0s[grp], i1s[grp], bv], vals)
                    return carry2

                lax.fori_loop(0, _BBLK, bloop, 0, unroll=8)

                @pl.when(i > 0)
                def _(t=tb[k]):
                    pltpu.make_async_copy(
                        q_hbm.at[0, :, w], t.at[:, :, pl.ds(0, _BBLK)], wsem
                    ).wait()

                pltpu.async_copy(
                    tb[k].at[:, :, pl.ds(0, _BBLK)], q_hbm.at[s0 + k, :, w], wsem
                )
            return carry

        lax.fori_loop(0, seq // _K, body, 0)
        for k in range(_K):
            pltpu.make_async_copy(
                q_hbm.at[0, :, w], tb[k].at[:, :, pl.ds(0, _BBLK)], wsem
            ).wait()

    return emb


def kernel(x, table):
    batch, seq = x.shape
    vocab, d = table.shape
    table_t = table.T
    x4 = (
        x.T.astype(jnp.int32)
        .reshape(seq // 8, 8, batch // _BBLK, _BBLK)
        .transpose(0, 2, 1, 3)
    ) * 2
    prep = _make_prep_kernel(vocab, d)
    eye = jnp.eye(d, dtype=jnp.float32) * math.sqrt(d)
    table_r = prep(table_t, eye).reshape(2 * vocab, d)
    emb = _make_gather_kernel(batch, seq, d)
    q = emb(table_r, x4)
    out = q.transpose(2, 4, 0, 1, 3).reshape(batch, seq, d)
    return out

# --- scband reference (transcript-rebuilt; emitter-appended) ---
"""Pipeline reference for scband-embedding-26388279067442 (READ-ONLY COPY).

The authoritative reference and input builder live on the scoring server;
editing this copy changes nothing except your own understanding.
"""

import jax, jax.numpy as jnp
import numpy as np
import math

VOCAB = 1000000
D_MODEL = 64

def setup_inputs(seed: int = 0) -> dict:
    key = jax.random.key(seed)
    k1, k2 = jax.random.split(key)
    x = jax.random.randint(k1, (4096, 200), 0, VOCAB, dtype=jnp.int64) if jax.config.jax_enable_x64 else jax.random.randint(k1, (4096, 200), 0, VOCAB, dtype=jnp.int32)
    table = jax.random.normal(k2, (VOCAB, D_MODEL), dtype=jnp.float32)
    return {"x": x, "table": table}

def reference(x, table):
    # Faithful to: self.emb(x) * math.sqrt(self.d_model)
    emb = jnp.take(table, x, axis=0)
    return emb * math.sqrt(D_MODEL)

if __name__ == "__main__":
    import jax
    _d = setup_inputs()
    print(jax.jit(kernel)(*tuple(_d.values())))

</pallas_src>

<mosaic_0001>
#map = affine_map<(d0, d1) -> (0, 0)>
#map1 = affine_map<(d0, d1) -> (0, 0, 0, 0)>
#map2 = affine_map<(d0, d1) -> (0, 0, 0, 0, 0)>
module attributes {stable_mosaic.version = 14 : i64} {
  func.func @emb(%arg0: i32, %arg1: i32, %arg2: memref<2000000x64xf32, #tpu.memory_space<hbm>>, %arg3: memref<25x32x8x128xi32, #tpu.memory_space<hbm>>, %arg4: memref<200x8x32x8x128xf32, #tpu.memory_space<hbm>>, %arg5: memref<25x8x128xi32, #tpu.memory_space<vmem>>, %arg6: memref<128x64xf32, #tpu.memory_space<vmem>>, %arg7: memref<128x64xf32, #tpu.memory_space<vmem>>, %arg8: memref<128x64xf32, #tpu.memory_space<vmem>>, %arg9: memref<128x64xf32, #tpu.memory_space<vmem>>, %arg10: memref<128x64xf32, #tpu.memory_space<vmem>>, %arg11: memref<128x64xf32, #tpu.memory_space<vmem>>, %arg12: memref<8x8x129xf32, #tpu.memory_space<vmem>>, %arg13: memref<8x8x129xf32, #tpu.memory_space<vmem>>, %arg14: memref<8x8x129xf32, #tpu.memory_space<vmem>>, %arg15: memref<8x8x129xf32, #tpu.memory_space<vmem>>, %arg16: memref<8x8x129xf32, #tpu.memory_space<vmem>>, %arg17: memref<8x8x129xf32, #tpu.memory_space<vmem>>, %arg18: memref<!tpu.dma_semaphore, #tpu.memory_space<semaphore_mem>>, %arg19: memref<!tpu.dma_semaphore, #tpu.memory_space<semaphore_mem>>) attributes {dimension_semantics = [#tpu.dimension_semantics<core_parallel>, #tpu.dimension_semantics<subcore_parallel>], iteration_bounds = array<i64: 2, 16>, scalar_prefetch = 0 : i64, scratch_operands = 15 : i64, tpu.core_type = #tpu.core_type<sc_vector_subcore>, window_params = [{transform_indices = #map}, {transform_indices = #map1}, {transform_indices = #map2}]} {
    %mul3A = arith.constant 2 : i32
    %mul3A_0 = arith.muli %arg1, %mul3A : i32
    %add3A = arith.addi %mul3A_0, %arg0 : i32
    "tpu.region"() ({
      %run_scoped3A = tpu.sem_alloc : memref<!tpu.dma_semaphore, #tpu.memory_space<semaphore_mem>>
      %dma_start3A = arith.constant 0 : i32
      %dma_start3A_165 = arith.constant 0 : i32
      %dma_start3A_166 = arith.constant 0 : i32
      %dma_start3A_167 = tpu.memref_slice %arg3[%dma_start3A, %add3A, %dma_start3A_165, %dma_start3A_166] : memref<25x32x8x128xi32, #tpu.memory_space<hbm>> -> memref<25x1x8x128xi32, #tpu.memory_space<hbm>>
      %dma_start3A_168 = tpu.memref_squeeze %dma_start3A_167 : memref<25x1x8x128xi32, #tpu.memory_space<hbm>> -> memref<25x8x128xi32, #tpu.memory_space<hbm>>
      %dma_start3A_169 = arith.constant 0 : i32
      %dma_start3A_170 = arith.constant 0 : i32
      %dma_start3A_171 = arith.constant 0 : i32
      %dma_start3A_172 = tpu.memref_slice %arg3[%dma_start3A_169, %add3A, %dma_start3A_170, %dma_start3A_171] : memref<25x32x8x128xi32, #tpu.memory_space<hbm>> -> memref<25x1x8x128xi32, #tpu.memory_space<hbm>>
      %dma_start3A_173 = tpu.memref_squeeze %dma_start3A_172 : memref<25x1x8x128xi32, #tpu.memory_space<hbm>> -> memref<25x8x128xi32, #tpu.memory_space<hbm>>
      tpu.enqueue_dma source(%dma_start3A_173 : memref<25x8x128xi32, #tpu.memory_space<hbm>>) target(%arg5 : memref<25x8x128xi32, #tpu.memory_space<vmem>>) target_semaphore(%run_scoped3A : memref<!tpu.dma_semaphore, #tpu.memory_space<semaphore_mem>>)
      %dma_wait3A_174 = arith.constant 0 : i32
      %dma_wait3A_175 = arith.constant 0 : i32
      %dma_wait3A_176 = arith.constant 0 : i32
      %dma_wait3A_177 = tpu.memref_slice %arg3[%dma_wait3A_174, %add3A, %dma_wait3A_175, %dma_wait3A_176] : memref<25x32x8x128xi32, #tpu.memory_space<hbm>> -> memref<25x1x8x128xi32, #tpu.memory_space<hbm>>
      %dma_wait3A_178 = tpu.memref_squeeze %dma_wait3A_177 : memref<25x1x8x128xi32, #tpu.memory_space<hbm>> -> memref<25x8x128xi32, #tpu.memory_space<hbm>>
      %dma_wait3A_179 = arith.constant 0 : i32
      %dma_wait3A_180 = arith.constant 0 : i32
      %dma_wait3A_181 = arith.constant 0 : i32
      %dma_wait3A_182 = tpu.memref_slice %arg3[%dma_wait3A_179, %add3A, %dma_wait3A_180, %dma_wait3A_181] : memref<25x32x8x128xi32, #tpu.memory_space<hbm>> -> memref<25x1x8x128xi32, #tpu.memory_space<hbm>>
      %dma_wait3A_183 = tpu.memref_squeeze %dma_wait3A_182 : memref<25x1x8x128xi32, #tpu.memory_space<hbm>> -> memref<25x8x128xi32, #tpu.memory_space<hbm>>
      tpu.wait_dma2 semaphore(%run_scoped3A : memref<!tpu.dma_semaphore, #tpu.memory_space<semaphore_mem>>) src(%dma_wait3A_183 : memref<25x8x128xi32, #tpu.memory_space<hbm>>) dst(%arg5 : memref<25x8x128xi32, #tpu.memory_space<vmem>>)
      tpu.yield
    }) : () -> ()
    %iota3A = tpu.iota {dimensions = array<i32: 0>} : vector<16xi32>
    %add3A_1 = arith.constant 0 : i32
    %add3A_2 = vector.broadcast %add3A_1 : i32 to vector<16xi32>
    %add3A_3 = arith.addi %add3A_2, %iota3A : vector<16xi32>
    %shift_right_arithmetic3A = arith.constant 3 : i32
    %shift_right_arithmetic3A_4 = vector.broadcast %shift_right_arithmetic3A : i32 to vector<16xi32>
    %shift_right_arithmetic3A_5 = arith.shrsi %add3A_3, %shift_right_arithmetic3A_4 : vector<16xi32>
    %add3A_6 = arith.constant 16 : i32
    %add3A_7 = vector.broadcast %add3A_6 : i32 to vector<16xi32>
    %add3A_8 = arith.addi %add3A_7, %iota3A : vector<16xi32>
    %shift_right_arithmetic3A_9 = arith.constant 3 : i32
    %shift_right_arithmetic3A_10 = vector.broadcast %shift_right_arithmetic3A_9 : i32 to vector<16xi32>
    %shift_right_arithmetic3A_11 = arith.shrsi %add3A_8, %shift_right_arithmetic3A_10 : vector<16xi32>
    %add3A_12 = arith.constant 32 : i32
    %add3A_13 = vector.broadcast %add3A_12 : i32 to vector<16xi32>
    %add3A_14 = arith.addi %add3A_13, %iota3A : vector<16xi32>
    %shift_right_arithmetic3A_15 = arith.constant 3 : i32
    %shift_right_arithmetic3A_16 = vector.broadcast %shift_right_arithmetic3A_15 : i32 to vector<16xi32>
    %shift_right_arithmetic3A_17 = arith.shrsi %add3A_14, %shift_right_arithmetic3A_16 : vector<16xi32>
    %add3A_18 = arith.constant 48 : i32
    %add3A_19 = vector.broadcast %add3A_18 : i32 to vector<16xi32>
    %add3A_20 = arith.addi %add3A_19, %iota3A : vector<16xi32>
    %shift_right_arithmetic3A_21 = arith.constant 3 : i32
    %shift_right_arithmetic3A_22 = vector.broadcast %shift_right_arithmetic3A_21 : i32 to vector<16xi32>
    %shift_right_arithmetic3A_23 = arith.shrsi %add3A_20, %shift_right_arithmetic3A_22 : vector<16xi32>
    %add3A_24 = arith.constant 0 : i32
    %add3A_25 = vector.broadcast %add3A_24 : i32 to vector<16xi32>
    %add3A_26 = arith.addi %add3A_25, %iota3A : vector<16xi32>
    %and3A = arith.constant 7 : i32
    %and3A_27 = vector.broadcast %and3A : i32 to vector<16xi32>
    %and3A_28 = arith.andi %add3A_26, %and3A_27 : vector<16xi32>
    %add3A_29 = arith.constant 16 : i32
    %add3A_30 = vector.broadcast %add3A_29 : i32 to vector<16xi32>
    %add3A_31 = arith.addi %add3A_30, %iota3A : vector<16xi32>
    %and3A_32 = arith.constant 7 : i32
    %and3A_33 = vector.broadcast %and3A_32 : i32 to vector<16xi32>
    %and3A_34 = arith.andi %add3A_31, %and3A_33 : vector<16xi32>
    %add3A_35 = arith.constant 32 : i32
    %add3A_36 = vector.broadcast %add3A_35 : i32 to vector<16xi32>
    %add3A_37 = arith.addi %add3A_36, %iota3A : vector<16xi32>
    %and3A_38 = arith.constant 7 : i32
    %and3A_39 = vector.broadcast %and3A_38 : i32 to vector<16xi32>
    %and3A_40 = arith.andi %add3A_37, %and3A_39 : vector<16xi32>
    %add3A_41 = arith.constant 48 : i32
    %add3A_42 = vector.broadcast %add3A_41 : i32 to vector<16xi32>
    %add3A_43 = arith.addi %add3A_42, %iota3A : vector<16xi32>
    %and3A_44 = arith.constant 7 : i32
    %and3A_45 = vector.broadcast %and3A_44 : i32 to vector<16xi32>
    %and3A_46 = arith.andi %add3A_43, %and3A_45 : vector<16xi32>
    %scan3A = arith.constant 0 : i32
    %scan3A_47 = arith.constant 0 : i32
    %scan3A_48 = arith.constant 33 : i32
    %scan3A_49 = arith.addi %scan3A_47, %scan3A_48 : i32
    %scan3A_50 = arith.constant 1 : i32
    scf.for %scan3A_165 = %scan3A_47 to %scan3A_49 step %scan3A_50  : i32 {
      %mul3A_166 = arith.constant 6 : i32
      %mul3A_167 = arith.muli %scan3A_165, %mul3A_166 : i32
      %add3A_168 = arith.constant 0 : i32
      %add3A_169 = arith.addi %mul3A_167, %add3A_168 : i32
      %jit3A = arith.constant 8 : i32
      %div3A = arith.divsi %add3A_169, %jit3A : i32
      %sign3A = arith.constant 0 : i32
      %sign3A_170 = arith.cmpi sgt, %add3A_169, %sign3A : i32
      %sign3A_171 = arith.extui %sign3A_170 : i1 to i32
      %sign3A_172 = arith.constant 0 : i32
      %sign3A_173 = arith.cmpi slt, %add3A_169, %sign3A_172 : i32
      %sign3A_174 = arith.extui %sign3A_173 : i1 to i32
      %sign3A_175 = arith.subi %sign3A_171, %sign3A_174 : i32
      %sign3A_176 = arith.constant 0 : i32
      %sign3A_177 = arith.cmpi sgt, %jit3A, %sign3A_176 : i32
      %sign3A_178 = arith.extui %sign3A_177 : i1 to i32
      %sign3A_179 = arith.constant 0 : i32
      %sign3A_180 = arith.cmpi slt, %jit3A, %sign3A_179 : i32
      %sign3A_181 = arith.extui %sign3A_180 : i1 to i32
      %sign3A_182 = arith.subi %sign3A_178, %sign3A_181 : i32
      %ne3A = arith.cmpi ne, %sign3A_175, %sign3A_182 : i32
      %rem3A = arith.remsi %add3A_169, %jit3A : i32
      %ne3A_183 = arith.constant 0 : i32
      %ne3A_184 = arith.cmpi ne, %rem3A, %ne3A_183 : i32
      %and3A_185 = arith.andi %ne3A, %ne3A_184 : i1
      %sub3A = arith.constant 1 : i32
      %sub3A_186 = arith.subi %div3A, %sub3A : i32
      %select_n3A = arith.select %and3A_185, %sub3A_186, %div3A : i32
      %add3A_187 = arith.constant 0 : i32
      %add3A_188 = arith.addi %mul3A_167, %add3A_187 : i32
      %jit3A_189 = arith.constant 8 : i32
      %eq3A = arith.constant 0 : i32
      %eq3A_190 = arith.cmpi eq, %jit3A_189, %eq3A : i32
      %jit3A_191 = arith.constant 1 : i32
      %select_n3A_192 = arith.select %eq3A_190, %jit3A_191, %jit3A_189 : i32
      %rem3A_193 = arith.remsi %add3A_188, %select_n3A_192 : i32
      %ne3A_194 = arith.constant 0 : i32
      %ne3A_195 = arith.cmpi ne, %rem3A_193, %ne3A_194 : i32
      %lt3A = arith.constant 0 : i32
      %lt3A_196 = arith.cmpi slt, %rem3A_193, %lt3A : i32
      %lt3A_197 = arith.constant 0 : i32
      %lt3A_198 = arith.cmpi slt, %select_n3A_192, %lt3A_197 : i32
      %ne3A_199 = arith.xori %lt3A_196, %lt3A_198 : i1
      %and3A_200 = arith.andi %ne3A_199, %ne3A_195 : i1
      %add3A_201 = arith.addi %rem3A_193, %select_n3A_192 : i32
      %select_n3A_202 = arith.select %and3A_200, %add3A_201, %rem3A_193 : i32
      %dma_start3A = arith.constant 0 : i32
      %dma_start3A_203 = tpu.memref_slice %arg5[%select_n3A, %select_n3A_202, %dma_start3A] : memref<25x8x128xi32, #tpu.memory_space<vmem>> -> memref<1x1x128xi32, #tpu.memory_space<vmem>>
      %dma_start3A_204 = tpu.memref_squeeze %dma_start3A_203 : memref<1x1x128xi32, #tpu.memory_space<vmem>> -> memref<128xi32, #tpu.memory_space<vmem>>
      %dma_start3A_205 = arith.constant 0 : i32
      %dma_start3A_206 = arith.constant 0 : i32
      %dma_start3A_207 = tpu.memref_slice %arg2[%dma_start3A_205, %dma_start3A_206] : memref<2000000x64xf32, #tpu.memory_space<hbm>> -> memref<2000000x64xf32, #tpu.memory_space<hbm>>
      tpu.enqueue_indirect_dma source(%dma_start3A_207 : memref<2000000x64xf32, #tpu.memory_space<hbm>>) target(%arg6 : memref<128x64xf32, #tpu.memory_space<vmem>>) offsets(%dma_start3A_204 : memref<128xi32, #tpu.memory_space<vmem>>) semaphore(%arg18 : memref<!tpu.dma_semaphore, #tpu.memory_space<semaphore_mem>>)
      %add3A_208 = arith.constant 1 : i32
      %add3A_209 = arith.addi %mul3A_167, %add3A_208 : i32
      %jit3A_210 = arith.constant 8 : i32
      %div3A_211 = arith.divsi %add3A_209, %jit3A_210 : i32
      %sign3A_212 = arith.constant 0 : i32
      %sign3A_213 = arith.cmpi sgt, %add3A_209, %sign3A_212 : i32
      %sign3A_214 = arith.extui %sign3A_213 : i1 to i32
      %sign3A_215 = arith.constant 0 : i32
      %sign3A_216 = arith.cmpi slt, %add3A_209, %sign3A_215 : i32
      %sign3A_217 = arith.extui %sign3A_216 : i1 to i32
      %sign3A_218 = arith.subi %sign3A_214, %sign3A_217 : i32
      %sign3A_219 = arith.constant 0 : i32
      %sign3A_220 = arith.cmpi sgt, %jit3A_210, %sign3A_219 : i32
      %sign3A_221 = arith.extui %sign3A_220 : i1 to i32
      %sign3A_222 = arith.constant 0 : i32
      %sign3A_223 = arith.cmpi slt, %jit3A_210, %sign3A_222 : i32
      %sign3A_224 = arith.extui %sign3A_223 : i1 to i32
      %sign3A_225 = arith.subi %sign3A_221, %sign3A_224 : i32
      %ne3A_226 = arith.cmpi ne, %sign3A_218, %sign3A_225 : i32
      %rem3A_227 = arith.remsi %add3A_209, %jit3A_210 : i32
      %ne3A_228 = arith.constant 0 : i32
      %ne3A_229 = arith.cmpi ne, %rem3A_227, %ne3A_228 : i32
      %and3A_230 = arith.andi %ne3A_226, %ne3A_229 : i1
      %sub3A_231 = arith.constant 1 : i32
      %sub3A_232 = arith.subi %div3A_211, %sub3A_231 : i32
      %select_n3A_233 = arith.select %and3A_230, %sub3A_232, %div3A_211 : i32
      %add3A_234 = arith.constant 1 : i32
      %add3A_235 = arith.addi %mul3A_167, %add3A_234 : i32
      %jit3A_236 = arith.constant 8 : i32
      %eq3A_237 = arith.constant 0 : i32
      %eq3A_238 = arith.cmpi eq, %jit3A_236, %eq3A_237 : i32
      %jit3A_239 = arith.constant 1 : i32
      %select_n3A_240 = arith.select %eq3A_238, %jit3A_239, %jit3A_236 : i32
      %rem3A_241 = arith.remsi %add3A_235, %select_n3A_240 : i32
      %ne3A_242 = arith.constant 0 : i32
      %ne3A_243 = arith.cmpi ne, %rem3A_241, %ne3A_242 : i32
      %lt3A_244 = arith.constant 0 : i32
      %lt3A_245 = arith.cmpi slt, %rem3A_241, %lt3A_244 : i32
      %lt3A_246 = arith.constant 0 : i32
      %lt3A_247 = arith.cmpi slt, %select_n3A_240, %lt3A_246 : i32
      %ne3A_248 = arith.xori %lt3A_245, %lt3A_247 : i1
      %and3A_249 = arith.andi %ne3A_248, %ne3A_243 : i1
      %add3A_250 = arith.addi %rem3A_241, %select_n3A_240 : i32
      %select_n3A_251 = arith.select %and3A_249, %add3A_250, %rem3A_241 : i32
      %dma_start3A_252 = arith.constant 0 : i32
      %dma_start3A_253 = tpu.memref_slice %arg5[%select_n3A_233, %select_n3A_251, %dma_start3A_252] : memref<25x8x128xi32, #tpu.memory_space<vmem>> -> memref<1x1x128xi32, #tpu.memory_space<vmem>>
      %dma_start3A_254 = tpu.memref_squeeze %dma_start3A_253 : memref<1x1x128xi32, #tpu.memory_space<vmem>> -> memref<128xi32, #tpu.memory_space<vmem>>
      %dma_start3A_255 = arith.constant 0 : i32
      %dma_start3A_256 = arith.constant 0 : i32
      %dma_start3A_257 = tpu.memref_slice %arg2[%dma_start3A_255, %dma_start3A_256] : memref<2000000x64xf32, #tpu.memory_space<hbm>> -> memref<2000000x64xf32, #tpu.memory_space<hbm>>
      tpu.enqueue_indirect_dma source(%dma_start3A_257 : memref<2000000x64xf32, #tpu.memory_space<hbm>>) target(%arg7 : memref<128x64xf32, #tpu.memory_space<vmem>>) offsets(%dma_start3A_254 : memref<128xi32, #tpu.memory_space<vmem>>) semaphore(%arg18 : memref<!tpu.dma_semaphore, #tpu.memory_space<semaphore_mem>>)
      %add3A_258 = arith.constant 2 : i32
      %add3A_259 = arith.addi %mul3A_167, %add3A_258 : i32
      %jit3A_260 = arith.constant 8 : i32
      %div3A_261 = arith.divsi %add3A_259, %jit3A_260 : i32
      %sign3A_262 = arith.constant 0 : i32
      %sign3A_263 = arith.cmpi sgt, %add3A_259, %sign3A_262 : i32
      %sign3A_264 = arith.extui %sign3A_263 : i1 to i32
      %sign3A_265 = arith.constant 0 : i32
      %sign3A_266 = arith.cmpi slt, %add3A_259, %sign3A_265 : i32
      %sign3A_267 = arith.extui %sign3A_266 : i1 to i32
      %sign3A_268 = arith.subi %sign3A_264, %sign3A_267 : i32
      %sign3A_269 = arith.constant 0 : i32
      %sign3A_270 = arith.cmpi sgt, %jit3A_260, %sign3A_269 : i32
      %sign3A_271 = arith.extui %sign3A_270 : i1 to i32
      %sign3A_272 = arith.constant 0 : i32
      %sign3A_273 = arith.cmpi slt, %jit3A_260, %sign3A_272 : i32
      %sign3A_274 = arith.extui %sign3A_273 : i1 to i32
      %sign3A_275 = arith.subi %sign3A_271, %sign3A_274 : i32
      %ne3A_276 = arith.cmpi ne, %sign3A_268, %sign3A_275 : i32
      %rem3A_277 = arith.remsi %add3A_259, %jit3A_260 : i32
      %ne3A_278 = arith.constant 0 : i32
      %ne3A_279 = arith.cmpi ne, %rem3A_277, %ne3A_278 : i32
      %and3A_280 = arith.andi %ne3A_276, %ne3A_279 : i1
      %sub3A_281 = arith.constant 1 : i32
      %sub3A_282 = arith.subi %div3A_261, %sub3A_281 : i32
      %select_n3A_283 = arith.select %and3A_280, %sub3A_282, %div3A_261 : i32
      %add3A_284 = arith.constant 2 : i32
      %add3A_285 = arith.addi %mul3A_167, %add3A_284 : i32
      %jit3A_286 = arith.constant 8 : i32
      %eq3A_287 = arith.constant 0 : i32
      %eq3A_288 = arith.cmpi eq, %jit3A_286, %eq3A_287 : i32
      %jit3A_289 = arith.constant 1 : i32
      %select_n3A_290 = arith.select %eq3A_288, %jit3A_289, %jit3A_286 : i32
      %rem3A_291 = arith.remsi %add3A_285, %select_n3A_290 : i32
      %ne3A_292 = arith.constant 0 : i32
      %ne3A_293 = arith.cmpi ne, %rem3A_291, %ne3A_292 : i32
      %lt3A_294 = arith.constant 0 : i32
      %lt3A_295 = arith.cmpi slt, %rem3A_291, %lt3A_294 : i32
      %lt3A_296 = arith.constant 0 : i32
      %lt3A_297 = arith.cmpi slt, %select_n3A_290, %lt3A_296 : i32
      %ne3A_298 = arith.xori %lt3A_295, %lt3A_297 : i1
      %and3A_299 = arith.andi %ne3A_298, %ne3A_293 : i1
      %add3A_300 = arith.addi %rem3A_291, %select_n3A_290 : i32
      %select_n3A_301 = arith.select %and3A_299, %add3A_300, %rem3A_291 : i32
      %dma_start3A_302 = arith.constant 0 : i32
      %dma_start3A_303 = tpu.memref_slice %arg5[%select_n3A_283, %select_n3A_301, %dma_start3A_302] : memref<25x8x128xi32, #tpu.memory_space<vmem>> -> memref<1x1x128xi32, #tpu.memory_space<vmem>>
      %dma_start3A_304 = tpu.memref_squeeze %dma_start3A_303 : memref<1x1x128xi32, #tpu.memory_space<vmem>> -> memref<128xi32, #tpu.memory_space<vmem>>
      %dma_start3A_305 = arith.constant 0 : i32
      %dma_start3A_306 = arith.constant 0 : i32
      %dma_start3A_307 = tpu.memref_slice %arg2[%dma_start3A_305, %dma_start3A_306] : memref<2000000x64xf32, #tpu.memory_space<hbm>> -> memref<2000000x64xf32, #tpu.memory_space<hbm>>
      tpu.enqueue_indirect_dma source(%dma_start3A_307 : memref<2000000x64xf32, #tpu.memory_space<hbm>>) target(%arg8 : memref<128x64xf32, #tpu.memory_space<vmem>>) offsets(%dma_start3A_304 : memref<128xi32, #tpu.memory_space<vmem>>) semaphore(%arg18 : memref<!tpu.dma_semaphore, #tpu.memory_space<semaphore_mem>>)
      %add3A_308 = arith.constant 3 : i32
      %add3A_309 = arith.addi %mul3A_167, %add3A_308 : i32
      %jit3A_310 = arith.constant 8 : i32
      %div3A_311 = arith.divsi %add3A_309, %jit3A_310 : i32
      %sign3A_312 = arith.constant 0 : i32
      %sign3A_313 = arith.cmpi sgt, %add3A_309, %sign3A_312 : i32
      %sign3A_314 = arith.extui %sign3A_313 : i1 to i32
      %sign3A_315 = arith.constant 0 : i32
      %sign3A_316 = arith.cmpi slt, %add3A_309, %sign3A_315 : i32
      %sign3A_317 = arith.extui %sign3A_316 : i1 to i32
      %sign3A_318 = arith.subi %sign3A_314, %sign3A_317 : i32
      %sign3A_319 = arith.constant 0 : i32
      %sign3A_320 = arith.cmpi sgt, %jit3A_310, %sign3A_319 : i32
      %sign3A_321 = arith.extui %sign3A_320 : i1 to i32
      %sign3A_322 = arith.constant 0 : i32
      %sign3A_323 = arith.cmpi slt, %jit3A_310, %sign3A_322 : i32
      %sign3A_324 = arith.extui %sign3A_323 : i1 to i32
      %sign3A_325 = arith.subi %sign3A_321, %sign3A_324 : i32
      %ne3A_326 = arith.cmpi ne, %sign3A_318, %sign3A_325 : i32
      %rem3A_327 = arith.remsi %add3A_309, %jit3A_310 : i32
      %ne3A_328 = arith.constant 0 : i32
      %ne3A_329 = arith.cmpi ne, %rem3A_327, %ne3A_328 : i32
      %and3A_330 = arith.andi %ne3A_326, %ne3A_329 : i1
      %sub3A_331 = arith.constant 1 : i32
      %sub3A_332 = arith.subi %div3A_311, %sub3A_331 : i32
      %select_n3A_333 = arith.select %and3A_330, %sub3A_332, %div3A_311 : i32
      %add3A_334 = arith.constant 3 : i32
      %add3A_335 = arith.addi %mul3A_167, %add3A_334 : i32
      %jit3A_336 = arith.constant 8 : i32
      %eq3A_337 = arith.constant 0 : i32
      %eq3A_338 = arith.cmpi eq, %jit3A_336, %eq3A_337 : i32
      %jit3A_339 = arith.constant 1 : i32
      %select_n3A_340 = arith.select %eq3A_338, %jit3A_339, %jit3A_336 : i32
      %rem3A_341 = arith.remsi %add3A_335, %select_n3A_340 : i32
      %ne3A_342 = arith.constant 0 : i32
      %ne3A_343 = arith.cmpi ne, %rem3A_341, %ne3A_342 : i32
      %lt3A_344 = arith.constant 0 : i32
      %lt3A_345 = arith.cmpi slt, %rem3A_341, %lt3A_344 : i32
      %lt3A_346 = arith.constant 0 : i32
      %lt3A_347 = arith.cmpi slt, %select_n3A_340, %lt3A_346 : i32
      %ne3A_348 = arith.xori %lt3A_345, %lt3A_347 : i1
      %and3A_349 = arith.andi %ne3A_348, %ne3A_343 : i1
      %add3A_350 = arith.addi %rem3A_341, %select_n3A_340 : i32
      %select_n3A_351 = arith.select %and3A_349, %add3A_350, %rem3A_341 : i32
      %dma_start3A_352 = arith.constant 0 : i32
      %dma_start3A_353 = tpu.memref_slice %arg5[%select_n3A_333, %select_n3A_351, %dma_start3A_352] : memref<25x8x128xi32, #tpu.memory_space<vmem>> -> memref<1x1x128xi32, #tpu.memory_space<vmem>>
      %dma_start3A_354 = tpu.memref_squeeze %dma_start3A_353 : memref<1x1x128xi32, #tpu.memory_space<vmem>> -> memref<128xi32, #tpu.memory_space<vmem>>
      %dma_start3A_355 = arith.constant 0 : i32
      %dma_start3A_356 = arith.constant 0 : i32
      %dma_start3A_357 = tpu.memref_slice %arg2[%dma_start3A_355, %dma_start3A_356] : memref<2000000x64xf32, #tpu.memory_space<hbm>> -> memref<2000000x64xf32, #tpu.memory_space<hbm>>
      tpu.enqueue_indirect_dma source(%dma_start3A_357 : memref<2000000x64xf32, #tpu.memory_space<hbm>>) target(%arg9 : memref<128x64xf32, #tpu.memory_space<vmem>>) offsets(%dma_start3A_354 : memref<128xi32, #tpu.memory_space<vmem>>) semaphore(%arg18 : memref<!tpu.dma_semaphore, #tpu.memory_space<semaphore_mem>>)
      %add3A_358 = arith.constant 4 : i32
      %add3A_359 = arith.addi %mul3A_167, %add3A_358 : i32
      %jit3A_360 = arith.constant 8 : i32
      %div3A_361 = arith.divsi %add3A_359, %jit3A_360 : i32
      %sign3A_362 = arith.constant 0 : i32
      %sign3A_363 = arith.cmpi sgt, %add3A_359, %sign3A_362 : i32
      %sign3A_364 = arith.extui %sign3A_363 : i1 to i32
      %sign3A_365 = arith.constant 0 : i32
      %sign3A_366 = arith.cmpi slt, %add3A_359, %sign3A_365 : i32
      %sign3A_367 = arith.extui %sign3A_366 : i1 to i32
      %sign3A_368 = arith.subi %sign3A_364, %sign3A_367 : i32
      %sign3A_369 = arith.constant 0 : i32
      %sign3A_370 = arith.cmpi sgt, %jit3A_360, %sign3A_369 : i32
      %sign3A_371 = arith.extui %sign3A_370 : i1 to i32
      %sign3A_372 = arith.constant 0 : i32
      %sign3A_373 = arith.cmpi slt, %jit3A_360, %sign3A_372 : i32
      %sign3A_374 = arith.extui %sign3A_373 : i1 to i32
      %sign3A_375 = arith.subi %sign3A_371, %sign3A_374 : i32
      %ne3A_376 = arith.cmpi ne, %sign3A_368, %sign3A_375 : i32
      %rem3A_377 = arith.remsi %add3A_359, %jit3A_360 : i32
      %ne3A_378 = arith.constant 0 : i32
      %ne3A_379 = arith.cmpi ne, %rem3A_377, %ne3A_378 : i32
      %and3A_380 = arith.andi %ne3A_376, %ne3A_379 : i1
      %sub3A_381 = arith.constant 1 : i32
      %sub3A_382 = arith.subi %div3A_361, %sub3A_381 : i32
      %select_n3A_383 = arith.select %and3A_380, %sub3A_382, %div3A_361 : i32
      %add3A_384 = arith.constant 4 : i32
      %add3A_385 = arith.addi %mul3A_167, %add3A_384 : i32
      %jit3A_386 = arith.constant 8 : i32
      %eq3A_387 = arith.constant 0 : i32
      %eq3A_388 = arith.cmpi eq, %jit3A_386, %eq3A_387 : i32
      %jit3A_389 = arith.constant 1 : i32
      %select_n3A_390 = arith.select %eq3A_388, %jit3A_389, %jit3A_386 : i32
      %rem3A_391 = arith.remsi %add3A_385, %select_n3A_390 : i32
      %ne3A_392 = arith.constant 0 : i32
      %ne3A_393 = arith.cmpi ne, %rem3A_391, %ne3A_392 : i32
      %lt3A_394 = arith.constant 0 : i32
      %lt3A_395 = arith.cmpi slt, %rem3A_391, %lt3A_394 : i32
      %lt3A_396 = arith.constant 0 : i32
      %lt3A_397 = arith.cmpi slt, %select_n3A_390, %lt3A_396 : i32
      %ne3A_398 = arith.xori %lt3A_395, %lt3A_397 : i1
      %and3A_399 = arith.andi %ne3A_398, %ne3A_393 : i1
      %add3A_400 = arith.addi %rem3A_391, %select_n3A_390 : i32
      %select_n3A_401 = arith.select %and3A_399, %add3A_400, %rem3A_391 : i32
      %dma_start3A_402 = arith.constant 0 : i32
      %dma_start3A_403 = tpu.memref_slice %arg5[%select_n3A_383, %select_n3A_401, %dma_start3A_402] : memref<25x8x128xi32, #tpu.memory_space<vmem>> -> memref<1x1x128xi32, #tpu.memory_space<vmem>>
      %dma_start3A_404 = tpu.memref_squeeze %dma_start3A_403 : memref<1x1x128xi32, #tpu.memory_space<vmem>> -> memref<128xi32, #tpu.memory_space<vmem>>
      %dma_start3A_405 = arith.constant 0 : i32
      %dma_start3A_406 = arith.constant 0 : i32
      %dma_start3A_407 = tpu.memref_slice %arg2[%dma_start3A_405, %dma_start3A_406] : memref<2000000x64xf32, #tpu.memory_space<hbm>> -> memref<2000000x64xf32, #tpu.memory_space<hbm>>
      tpu.enqueue_indirect_dma source(%dma_start3A_407 : memref<2000000x64xf32, #tpu.memory_space<hbm>>) target(%arg10 : memref<128x64xf32, #tpu.memory_space<vmem>>) offsets(%dma_start3A_404 : memref<128xi32, #tpu.memory_space<vmem>>) semaphore(%arg18 : memref<!tpu.dma_semaphore, #tpu.memory_space<semaphore_mem>>)
      %add3A_408 = arith.constant 5 : i32
      %add3A_409 = arith.addi %mul3A_167, %add3A_408 : i32
      %jit3A_410 = arith.constant 8 : i32
      %div3A_411 = arith.divsi %add3A_409, %jit3A_410 : i32
      %sign3A_412 = arith.constant 0 : i32
      %sign3A_413 = arith.cmpi sgt, %add3A_409, %sign3A_412 : i32
      %sign3A_414 = arith.extui %sign3A_413 : i1 to i32
      %sign3A_415 = arith.constant 0 : i32
      %sign3A_416 = arith.cmpi slt, %add3A_409, %sign3A_415 : i32
      %sign3A_417 = arith.extui %sign3A_416 : i1 to i32
      %sign3A_418 = arith.subi %sign3A_414, %sign3A_417 : i32
      %sign3A_419 = arith.constant 0 : i32
      %sign3A_420 = arith.cmpi sgt, %jit3A_410, %sign3A_419 : i32
      %sign3A_421 = arith.extui %sign3A_420 : i1 to i32
      %sign3A_422 = arith.constant 0 : i32
      %sign3A_423 = arith.cmpi slt, %jit3A_410, %sign3A_422 : i32
      %sign3A_424 = arith.extui %sign3A_423 : i1 to i32
      %sign3A_425 = arith.subi %sign3A_421, %sign3A_424 : i32
      %ne3A_426 = arith.cmpi ne, %sign3A_418, %sign3A_425 : i32
      %rem3A_427 = arith.remsi %add3A_409, %jit3A_410 : i32
      %ne3A_428 = arith.constant 0 : i32
      %ne3A_429 = arith.cmpi ne, %rem3A_427, %ne3A_428 : i32
      %and3A_430 = arith.andi %ne3A_426, %ne3A_429 : i1
      %sub3A_431 = arith.constant 1 : i32
      %sub3A_432 = arith.subi %div3A_411, %sub3A_431 : i32
      %select_n3A_433 = arith.select %and3A_430, %sub3A_432, %div3A_411 : i32
      %add3A_434 = arith.constant 5 : i32
      %add3A_435 = arith.addi %mul3A_167, %add3A_434 : i32
      %jit3A_436 = arith.constant 8 : i32
      %eq3A_437 = arith.constant 0 : i32
      %eq3A_438 = arith.cmpi eq, %jit3A_436, %eq3A_437 : i32
      %jit3A_439 = arith.constant 1 : i32
      %select_n3A_440 = arith.select %eq3A_438, %jit3A_439, %jit3A_436 : i32
      %rem3A_441 = arith.remsi %add3A_435, %select_n3A_440 : i32
      %ne3A_442 = arith.constant 0 : i32
      %ne3A_443 = arith.cmpi ne, %rem3A_441, %ne3A_442 : i32
      %lt3A_444 = arith.constant 0 : i32
      %lt3A_445 = arith.cmpi slt, %rem3A_441, %lt3A_444 : i32
      %lt3A_446 = arith.constant 0 : i32
      %lt3A_447 = arith.cmpi slt, %select_n3A_440, %lt3A_446 : i32
      %ne3A_448 = arith.xori %lt3A_445, %lt3A_447 : i1
      %and3A_449 = arith.andi %ne3A_448, %ne3A_443 : i1
      %add3A_450 = arith.addi %rem3A_441, %select_n3A_440 : i32
      %select_n3A_451 = arith.select %and3A_449, %add3A_450, %rem3A_441 : i32
      %dma_start3A_452 = arith.constant 0 : i32
      %dma_start3A_453 = tpu.memref_slice %arg5[%select_n3A_433, %select_n3A_451, %dma_start3A_452] : memref<25x8x128xi32, #tpu.memory_space<vmem>> -> memref<1x1x128xi32, #tpu.memory_space<vmem>>
      %dma_start3A_454 = tpu.memref_squeeze %dma_start3A_453 : memref<1x1x128xi32, #tpu.memory_space<vmem>> -> memref<128xi32, #tpu.memory_space<vmem>>
      %dma_start3A_455 = arith.constant 0 : i32
      %dma_start3A_456 = arith.constant 0 : i32
      %dma_start3A_457 = tpu.memref_slice %arg2[%dma_start3A_455, %dma_start3A_456] : memref<2000000x64xf32, #tpu.memory_space<hbm>> -> memref<2000000x64xf32, #tpu.memory_space<hbm>>
      tpu.enqueue_indirect_dma source(%dma_start3A_457 : memref<2000000x64xf32, #tpu.memory_space<hbm>>) target(%arg11 : memref<128x64xf32, #tpu.memory_space<vmem>>) offsets(%dma_start3A_454 : memref<128xi32, #tpu.memory_space<vmem>>) semaphore(%arg18 : memref<!tpu.dma_semaphore, #tpu.memory_space<semaphore_mem>>)
      %dma_wait3A_458 = arith.constant 0 : i32
      %dma_wait3A_459 = tpu.memref_slice %arg5[%select_n3A, %select_n3A_202, %dma_wait3A_458] : memref<25x8x128xi32, #tpu.memory_space<vmem>> -> memref<1x1x128xi32, #tpu.memory_space<vmem>>
      %dma_wait3A_460 = tpu.memref_squeeze %dma_wait3A_459 : memref<1x1x128xi32, #tpu.memory_space<vmem>> -> memref<128xi32, #tpu.memory_space<vmem>>
      %dma_wait3A_461 = arith.constant 0 : i32
      %dma_wait3A_462 = arith.constant 0 : i32
      %dma_wait3A_463 = tpu.memref_slice %arg2[%dma_wait3A_461, %dma_wait3A_462] : memref<2000000x64xf32, #tpu.memory_space<hbm>> -> memref<2000000x64xf32, #tpu.memory_space<hbm>>
      tpu.wait_indirect_dma semaphore(%arg18 : memref<!tpu.dma_semaphore, #tpu.memory_space<semaphore_mem>>) src(%dma_wait3A_463 : memref<2000000x64xf32, #tpu.memory_space<hbm>>) dst(%arg6 : memref<128x64xf32, #tpu.memory_space<vmem>>)
      %scan3A_464 = arith.constant 0 : i32
      %scan3A_465 = arith.constant 0 : i32
      %scan3A_466 = arith.constant 128 : i32
      %scan3A_467 = arith.addi %scan3A_465, %scan3A_466 : i32
      %scan3A_468 = arith.constant 8 : i32
      scf.for %scan3A_677 = %scan3A_465 to %scan3A_467 step %scan3A_468  : i32 {
        %broadcast_in_dim3A = arith.constant 0 : i32
        %broadcast_in_dim3A_678 = vector.broadcast %broadcast_in_dim3A : i32 to vector<16xi32>
        %add3A_679 = vector.broadcast %scan3A_677 : i32 to vector<16xi32>
        %add3A_680 = arith.addi %broadcast_in_dim3A_678, %add3A_679 : vector<16xi32>
        %get3A = arith.index_cast %scan3A_677 : i32 to index
        %get3A_681 = arith.constant 0 : index
        %get3A_682 = tpu.vector_load %arg6[%get3A, %get3A_681] {strides = array<i32>} : memref<128x64xf32, #tpu.memory_space<vmem>>, vector<16xf32>,
        tpu.vector_store_idx %arg12[%shift_right_arithmetic3A_5, %and3A_28, %add3A_680], %get3A_682 : memref<8x8x129xf32, #tpu.memory_space<vmem>>[vector<16xi32>, vector<16xi32>, vector<16xi32>], vector<16xf32>,
        %get3A_683 = arith.index_cast %scan3A_677 : i32 to index
        %get3A_684 = arith.constant 16 : index
        %get3A_685 = tpu.vector_load %arg6[%get3A_683, %get3A_684] {strides = array<i32>} : memref<128x64xf32, #tpu.memory_space<vmem>>, vector<16xf32>,
        tpu.vector_store_idx %arg12[%shift_right_arithmetic3A_11, %and3A_34, %add3A_680], %get3A_685 : memref<8x8x129xf32, #tpu.memory_space<vmem>>[vector<16xi32>, vector<16xi32>, vector<16xi32>], vector<16xf32>,
        %get3A_686 = arith.index_cast %scan3A_677 : i32 to index
        %get3A_687 = arith.constant 32 : index
        %get3A_688 = tpu.vector_load %arg6[%get3A_686, %get3A_687] {strides = array<i32>} : memref<128x64xf32, #tpu.memory_space<vmem>>, vector<16xf32>,
        tpu.vector_store_idx %arg12[%shift_right_arithmetic3A_17, %and3A_40, %add3A_680], %get3A_688 : memref<8x8x129xf32, #tpu.memory_space<vmem>>[vector<16xi32>, vector<16xi32>, vector<16xi32>], vector<16xf32>,
        %get3A_689 = arith.index_cast %scan3A_677 : i32 to index
        %get3A_690 = arith.constant 48 : index
        %get3A_691 = tpu.vector_load %arg6[%get3A_689, %get3A_690] {strides = array<i32>} : memref<128x64xf32, #tpu.memory_space<vmem>>, vector<16xf32>,
        tpu.vector_store_idx %arg12[%shift_right_arithmetic3A_23, %and3A_46, %add3A_680], %get3A_691 : memref<8x8x129xf32, #tpu.memory_space<vmem>>[vector<16xi32>, vector<16xi32>, vector<16xi32>], vector<16xf32>,
        %scan3A_692 = arith.constant 1 : i32
        %scan3A_693 = arith.addi %scan3A_677, %scan3A_692 : i32
        %broadcast_in_dim3A_694 = arith.constant 0 : i32
        %broadcast_in_dim3A_695 = vector.broadcast %broadcast_in_dim3A_694 : i32 to vector<16xi32>
        %add3A_696 = vector.broadcast %scan3A_693 : i32 to vector<16xi32>
        %add3A_697 = arith.addi %broadcast_in_dim3A_695, %add3A_696 : vector<16xi32>
        %get3A_698 = arith.index_cast %scan3A_693 : i32 to index
        %get3A_699 = arith.constant 0 : index
        %get3A_700 = tpu.vector_load %arg6[%get3A_698, %get3A_699] {strides = array<i32>} : memref<128x64xf32, #tpu.memory_space<vmem>>, vector<16xf32>,
        tpu.vector_store_idx %arg12[%shift_right_arithmetic3A_5, %and3A_28, %add3A_697], %get3A_700 : memref<8x8x129xf32, #tpu.memory_space<vmem>>[vector<16xi32>, vector<16xi32>, vector<16xi32>], vector<16xf32>,
        %get3A_701 = arith.index_cast %scan3A_693 : i32 to index
        %get3A_702 = arith.constant 16 : index
        %get3A_703 = tpu.vector_load %arg6[%get3A_701, %get3A_702] {strides = array<i32>} : memref<128x64xf32, #tpu.memory_space<vmem>>, vector<16xf32>,
        tpu.vector_store_idx %arg12[%shift_right_arithmetic3A_11, %and3A_34, %add3A_697], %get3A_703 : memref<8x8x129xf32, #tpu.memory_space<vmem>>[vector<16xi32>, vector<16xi32>, vector<16xi32>], vector<16xf32>,
        %get3A_704 = arith.index_cast %scan3A_693 : i32 to index
        %get3A_705 = arith.constant 32 : index
        %get3A_706 = tpu.vector_load %arg6[%get3A_704, %get3A_705] {strides = array<i32>} : memref<128x64xf32, #tpu.memory_space<vmem>>, vector<16xf32>,
        tpu.vector_store_idx %arg12[%shift_right_arithmetic3A_17, %and3A_40, %add3A_697], %get3A_706 : memref<8x8x129xf32, #tpu.memory_space<vmem>>[vector<16xi32>, vector<16xi32>, vector<16xi32>], vector<16xf32>,
        %get3A_707 = arith.index_cast %scan3A_693 : i32 to index
        %get3A_708 = arith.constant 48 : index
        %get3A_709 = tpu.vector_load %arg6[%get3A_707, %get3A_708] {strides = array<i32>} : memref<128x64xf32, #tpu.memory_space<vmem>>, vector<16xf32>,
        tpu.vector_store_idx %arg12[%shift_right_arithmetic3A_23, %and3A_46, %add3A_697], %get3A_709 : memref<8x8x129xf32, #tpu.memory_space<vmem>>[vector<16xi32>, vector<16xi32>, vector<16xi32>], vector<16xf32>,
        %scan3A_710 = arith.constant 2 : i32
        %scan3A_711 = arith.addi %scan3A_677, %scan3A_710 : i32
        %broadcast_in_dim3A_712 = arith.constant 0 : i32
        %broadcast_in_dim3A_713 = vector.broadcast %broadcast_in_dim3A_712 : i32 to vector<16xi32>
        %add3A_714 = vector.broadcast %scan3A_711 : i32 to vector<16xi32>
        %add3A_715 = arith.addi %broadcast_in_dim3A_713, %add3A_714 : vector<16xi32>
        %get3A_716 = arith.index_cast %scan3A_711 : i32 to index
        %get3A_717 = arith.constant 0 : index
        %get3A_718 = tpu.vector_load %arg6[%get3A_716, %get3A_717] {strides = array<i32>} : memref<128x64xf32, #tpu.memory_space<vmem>>, vector<16xf32>,
        tpu.vector_store_idx %arg12[%shift_right_arithmetic3A_5, %and3A_28, %add3A_715], %get3A_718 : memref<8x8x129xf32, #tpu.memory_space<vmem>>[vector<16xi32>, vector<16xi32>, vector<16xi32>], vector<16xf32>,
        %get3A_719 = arith.index_cast %scan3A_711 : i32 to index
        %get3A_720 = arith.constant 16 : index
        %get3A_721 = tpu.vector_load %arg6[%get3A_719, %get3A_720] {strides = array<i32>} : memref<128x64xf32, #tpu.memory_space<vmem>>, vector<16xf32>,
        tpu.vector_store_idx %arg12[%shift_right_arithmetic3A_11, %and3A_34, %add3A_715], %get3A_721 : memref<8x8x129xf32, #tpu.memory_space<vmem>>[vector<16xi32>, vector<16xi32>, vector<16xi32>], vector<16xf32>,
        %get3A_722 = arith.index_cast %scan3A_711 : i32 to index
        %get3A_723 = arith.constant 32 : index
        %get3A_724 = tpu.vector_load %arg6[%get3A_722, %get3A_723] {strides = array<i32>} : memref<128x64xf32, #tpu.memory_space<vmem>>, vector<16xf32>,
        tpu.vector_store_idx %arg12[%shift_right_arithmetic3A_17, %and3A_40, %add3A_715], %get3A_724 : memref<8x8x129xf32, #tpu.memory_space<vmem>>[vector<16xi32>, vector<16xi32>, vector<16xi32>], vector<16xf32>,
        %get3A_725 = arith.index_cast %scan3A_711 : i32 to index
        %get3A_726 = arith.constant 48 : index
        %get3A_727 = tpu.vector_load %arg6[%get3A_725, %get3A_726] {strides = array<i32>} : memref<128x64xf32, #tpu.memory_space<vmem>>, vector<16xf32>,
        tpu.vector_store_idx %arg12[%shift_right_arithmetic3A_23, %and3A_46, %add3A_715], %get3A_727 : memref<8x8x129xf32, #tpu.memory_space<vmem>>[vector<16xi32>, vector<16xi32>, vector<16xi32>], vector<16xf32>,
        %scan3A_728 = arith.constant 3 : i32
        %scan3A_729 = arith.addi %scan3A_677, %scan3A_728 : i32
        %broadcast_in_dim3A_730 = arith.constant 0 : i32
        %broadcast_in_dim3A_731 = vector.broadcast %broadcast_in_dim3A_730 : i32 to vector<16xi32>
        %add3A_732 = vector.broadcast %scan3A_729 : i32 to vector<16xi32>
        %add3A_733 = arith.addi %broadcast_in_dim3A_731, %add3A_732 : vector<16xi32>
        %get3A_734 = arith.index_cast %scan3A_729 : i32 to index
        %get3A_735 = arith.constant 0 : index
        %get3A_736 = tpu.vector_load %arg6[%get3A_734, %get3A_735] {strides = array<i32>} : memref<128x64xf32, #tpu.memory_space<vmem>>, vector<16xf32>,
        tpu.vector_store_idx %arg12[%shift_right_arithmetic3A_5, %and3A_28, %add3A_733], %get3A_736 : memref<8x8x129xf32, #tpu.memory_space<vmem>>[vector<16xi32>, vector<16xi32>, vector<16xi32>], vector<16xf32>,
        %get3A_737 = arith.index_cast %scan3A_729 : i32 to index
        %get3A_738 = arith.constant 16 : index
        %get3A_739 = tpu.vector_load %arg6[%get3A_737, %get3A_738] {strides = array<i32>} : memref<128x64xf32, #tpu.memory_space<vmem>>, vector<16xf32>,
        tpu.vector_store_idx %arg12[%shift_right_arithmetic3A_11, %and3A_34, %add3A_733], %get3A_739 : memref<8x8x129xf32, #tpu.memory_space<vmem>>[vector<16xi32>, vector<16xi32>, vector<16xi32>], vector<16xf32>,
        %get3A_740 = arith.index_cast %scan3A_729 : i32 to index
        %get3A_741 = arith.constant 32 : index
        %get3A_742 = tpu.vector_load %arg6[%get3A_740, %get3A_741] {strides = array<i32>} : memref<128x64xf32, #tpu.memory_space<vmem>>, vector<16xf32>,
        tpu.vector_store_idx %arg12[%shift_right_arithmetic3A_17, %and3A_40, %add3A_733], %get3A_742 : memref<8x8x129xf32, #tpu.memory_space<vmem>>[vector<16xi32>, vector<16xi32>, vector<16xi32>], vector<16xf32>,
        %get3A_743 = arith.index_cast %scan3A_729 : i32 to index
        %get3A_744 = arith.constant 48 : index
        %get3A_745 = tpu.vector_load %arg6[%get3A_743, %get3A_744] {strides = array<i32>} : memref<128x64xf32, #tpu.memory_space<vmem>>, vector<16xf32>,
        tpu.vector_store_idx %arg12[%shift_right_arithmetic3A_23, %and3A_46, %add3A_733], %get3A_745 : memref<8x8x129xf32, #tpu.memory_space<vmem>>[vector<16xi32>, vector<16xi32>, vector<16xi32>], vector<16xf32>,
        %scan3A_746 = arith.constant 4 : i32
        %scan3A_747 = arith.addi %scan3A_677, %scan3A_746 : i32
        %broadcast_in_dim3A_748 = arith.constant 0 : i32
        %broadcast_in_dim3A_749 = vector.broadcast %broadcast_in_dim3A_748 : i32 to vector<16xi32>
        %add3A_750 = vector.broadcast %scan3A_747 : i32 to vector<16xi32>
        %add3A_751 = arith.addi %broadcast_in_dim3A_749, %add3A_750 : vector<16xi32>
        %get3A_752 = arith.index_cast %scan3A_747 : i32 to index
        %get3A_753 = arith.constant 0 : index
        %get3A_754 = tpu.vector_load %arg6[%get3A_752, %get3A_753] {strides = array<i32>} : memref<128x64xf32, #tpu.memory_space<vmem>>, vector<16xf32>,
        tpu.vector_store_idx %arg12[%shift_right_arithmetic3A_5, %and3A_28, %add3A_751], %get3A_754 : memref<8x8x129xf32, #tpu.memory_space<vmem>>[vector<16xi32>, vector<16xi32>, vector<16xi32>], vector<16xf32>,
        %get3A_755 = arith.index_cast %scan3A_747 : i32 to index
        %get3A_756 = arith.constant 16 : index
        %get3A_757 = tpu.vector_load %arg6[%get3A_755, %get3A_756] {strides = array<i32>} : memref<128x64xf32, #tpu.memory_space<vmem>>, vector<16xf32>,
        tpu.vector_store_idx %arg12[%shift_right_arithmetic3A_11, %and3A_34, %add3A_751], %get3A_757 : memref<8x8x129xf32, #tpu.memory_space<vmem>>[vector<16xi32>, vector<16xi32>, vector<16xi32>], vector<16xf32>,
        %get3A_758 = arith.index_cast %scan3A_747 : i32 to index
        %get3A_759 = arith.constant 32 : index
        %get3A_760 = tpu.vector_load %arg6[%get3A_758, %get3A_759] {strides = array<i32>} : memref<128x64xf32, #tpu.memory_space<vmem>>, vector<16xf32>,
        tpu.vector_store_idx %arg12[%shift_right_arithmetic3A_17, %and3A_40, %add3A_751], %get3A_760 : memref<8x8x129xf32, #tpu.memory_space<vmem>>[vector<16xi32>, vector<16xi32>, vector<16xi32>], vector<16xf32>,
        %get3A_761 = arith.index_cast %scan3A_747 : i32 to index
        %get3A_762 = arith.constant 48 : index
        %get3A_763 = tpu.vector_load %arg6[%get3A_761, %get3A_762] {strides = array<i32>} : memref<128x64xf32, #tpu.memory_space<vmem>>, vector<16xf32>,
        tpu.vector_store_idx %arg12[%shift_right_arithmetic3A_23, %and3A_46, %add3A_751], %get3A_763 : memref<8x8x129xf32, #tpu.memory_space<vmem>>[vector<16xi32>, vector<16xi32>, vector<16xi32>], vector<16xf32>,
        %scan3A_764 = arith.constant 5 : i32
        %scan3A_765 = arith.addi %scan3A_677, %scan3A_764 : i32
        %broadcast_in_dim3A_766 = arith.constant 0 : i32
        %broadcast_in_dim3A_767 = vector.broadcast %broadcast_in_dim3A_766 : i32 to vector<16xi32>
        %add3A_768 = vector.broadcast %scan3A_765 : i32 to vector<16xi32>
        %add3A_769 = arith.addi %broadcast_in_dim3A_767, %add3A_768 : vector<16xi32>
        %get3A_770 = arith.index_cast %scan3A_765 : i32 to index
        %get3A_771 = arith.constant 0 : index
        %get3A_772 = tpu.vector_load %arg6[%get3A_770, %get3A_771] {strides = array<i32>} : memref<128x64xf32, #tpu.memory_space<vmem>>, vector<16xf32>,
        tpu.vector_store_idx %arg12[%shift_right_arithmetic3A_5, %and3A_28, %add3A_769], %get3A_772 : memref<8x8x129xf32, #tpu.memory_space<vmem>>[vector<16xi32>, vector<16xi32>, vector<16xi32>], vector<16xf32>,
        %get3A_773 = arith.index_cast %scan3A_765 : i32 to index
        %get3A_774 = arith.constant 16 : index
        %get3A_775 = tpu.vector_load %arg6[%get3A_773, %get3A_774] {strides = array<i32>} : memref<128x64xf32, #tpu.memory_space<vmem>>, vector<16xf32>,
        tpu.vector_store_idx %arg12[%shift_right_arithmetic3A_11, %and3A_34, %add3A_769], %get3A_775 : memref<8x8x129xf32, #tpu.memory_space<vmem>>[vector<16xi32>, vector<16xi32>, vector<16xi32>], vector<16xf32>,
        %get3A_776 = arith.index_cast %scan3A_765 : i32 to index
        %get3A_777 = arith.constant 32 : index
        %get3A_778 = tpu.vector_load %arg6[%get3A_776, %get3A_777] {strides = array<i32>} : memref<128x64xf32, #tpu.memory_space<vmem>>, vector<16xf32>,
        tpu.vector_store_idx %arg12[%shift_right_arithmetic3A_17, %and3A_40, %add3A_769], %get3A_778 : memref<8x8x129xf32, #tpu.memory_space<vmem>>[vector<16xi32>, vector<16xi32>, vector<16xi32>], vector<16xf32>,
        %get3A_779 = arith.index_cast %scan3A_765 : i32 to index
        %get3A_780 = arith.constant 48 : index
        %get3A_781 = tpu.vector_load %arg6[%get3A_779, %get3A_780] {strides = array<i32>} : memref<128x64xf32, #tpu.memory_space<vmem>>, vector<16xf32>,
        tpu.vector_store_idx %arg12[%shift_right_arithmetic3A_23, %and3A_46, %add3A_769], %get3A_781 : memref<8x8x129xf32, #tpu.memory_space<vmem>>[vector<16xi32>, vector<16xi32>, vector<16xi32>], vector<16xf32>,
        %scan3A_782 = arith.constant 6 : i32
        %scan3A_783 = arith.addi %scan3A_677, %scan3A_782 : i32
        %broadcast_in_dim3A_784 = arith.constant 0 : i32
        %broadcast_in_dim3A_785 = vector.broadcast %broadcast_in_dim3A_784 : i32 to vector<16xi32>
        %add3A_786 = vector.broadcast %scan3A_783 : i32 to vector<16xi32>
        %add3A_787 = arith.addi %broadcast_in_dim3A_785, %add3A_786 : vector<16xi32>
        %get3A_788 = arith.index_cast %scan3A_783 : i32 to index
        %get3A_789 = arith.constant 0 : index
        %get3A_790 = tpu.vector_load %arg6[%get3A_788, %get3A_789] {strides = array<i32>} : memref<128x64xf32, #tpu.memory_space<vmem>>, vector<16xf32>,
        tpu.vector_store_idx %arg12[%shift_right_arithmetic3A_5, %and3A_28, %add3A_787], %get3A_790 : memref<8x8x129xf32, #tpu.memory_space<vmem>>[vector<16xi32>, vector<16xi32>, vector<16xi32>], vector<16xf32>,
        %get3A_791 = arith.index_cast %scan3A_783 : i32 to index
        %get3A_792 = arith.constant 16 : index
        %get3A_793 = tpu.vector_load %arg6[%get3A_791, %get3A_792] {strides = array<i32>} : memref<128x64xf32, #tpu.memory_space<vmem>>, vector<16xf32>,
        tpu.vector_store_idx %arg12[%shift_right_arithmetic3A_11, %and3A_34, %add3A_787], %get3A_793 : memref<8x8x129xf32, #tpu.memory_space<vmem>>[vector<16xi32>, vector<16xi32>, vector<16xi32>], vector<16xf32>,
        %get3A_794 = arith.index_cast %scan3A_783 : i32 to index
        %get3A_795 = arith.constant 32 : index
        %get3A_796 = tpu.vector_load %arg6[%get3A_794, %get3A_795] {strides = array<i32>} : memref<128x64xf32, #tpu.memory_space<vmem>>, vector<16xf32>,
        tpu.vector_store_idx %arg12[%shift_right_arithmetic3A_17, %and3A_40, %add3A_787], %get3A_796 : memref<8x8x129xf32, #tpu.memory_space<vmem>>[vector<16xi32>, vector<16xi32>, vector<16xi32>], vector<16xf32>,
        %get3A_797 = arith.index_cast %scan3A_783 : i32 to index
        %get3A_798 = arith.constant 48 : index
        %get3A_799 = tpu.vector_load %arg6[%get3A_797, %get3A_798] {strides = array<i32>} : memref<128x64xf32, #tpu.memory_space<vmem>>, vector<16xf32>,
        tpu.vector_store_idx %arg12[%shift_right_arithmetic3A_23, %and3A_46, %add3A_787], %get3A_799 : memref<8x8x129xf32, #tpu.memory_space<vmem>>[vector<16xi32>, vector<16xi32>, vector<16xi32>], vector<16xf32>,
        %scan3A_800 = arith.constant 7 : i32
        %scan3A_801 = arith.addi %scan3A_677, %scan3A_800 : i32
        %broadcast_in_dim3A_802 = arith.constant 0 : i32
        %broadcast_in_dim3A_803 = vector.broadcast %broadcast_in_dim3A_802 : i32 to vector<16xi32>
        %add3A_804 = vector.broadcast %scan3A_801 : i32 to vector<16xi32>
        %add3A_805 = arith.addi %broadcast_in_dim3A_803, %add3A_804 : vector<16xi32>
        %get3A_806 = arith.index_cast %scan3A_801 : i32 to index
        %get3A_807 = arith.constant 0 : index
        %get3A_808 = tpu.vector_load %arg6[%get3A_806, %get3A_807] {strides = array<i32>} : memref<128x64xf32, #tpu.memory_space<vmem>>, vector<16xf32>,
        tpu.vector_store_idx %arg12[%shift_right_arithmetic3A_5, %and3A_28, %add3A_805], %get3A_808 : memref<8x8x129xf32, #tpu.memory_space<vmem>>[vector<16xi32>, vector<16xi32>, vector<16xi32>], vector<16xf32>,
        %get3A_809 = arith.index_cast %scan3A_801 : i32 to index
        %get3A_810 = arith.constant 16 : index
        %get3A_811 = tpu.vector_load %arg6[%get3A_809, %get3A_810] {strides = array<i32>} : memref<128x64xf32, #tpu.memory_space<vmem>>, vector<16xf32>,
        tpu.vector_store_idx %arg12[%shift_right_arithmetic3A_11, %and3A_34, %add3A_805], %get3A_811 : memref<8x8x129xf32, #tpu.memory_space<vmem>>[vector<16xi32>, vector<16xi32>, vector<16xi32>], vector<16xf32>,
        %get3A_812 = arith.index_cast %scan3A_801 : i32 to index
        %get3A_813 = arith.constant 32 : index
        %get3A_814 = tpu.vector_load %arg6[%get3A_812, %get3A_813] {strides = array<i32>} : memref<128x64xf32, #tpu.memory_space<vmem>>, vector<16xf32>,
        tpu.vector_store_idx %arg12[%shift_right_arithmetic3A_17, %and3A_40, %add3A_805], %get3A_814 : memref<8x8x129xf32, #tpu.memory_space<vmem>>[vector<16xi32>, vector<16xi32>, vector<16xi32>], vector<16xf32>,
        %get3A_815 = arith.index_cast %scan3A_801 : i32 to index
        %get3A_816 = arith.constant 48 : index
        %get3A_817 = tpu.vector_load %arg6[%get3A_815, %get3A_816] {strides = array<i32>} : memref<128x64xf32, #tpu.memory_space<vmem>>, vector<16xf32>,
        tpu.vector_store_idx %arg12[%shift_right_arithmetic3A_23, %and3A_46, %add3A_805], %get3A_817 : memref<8x8x129xf32, #tpu.memory_space<vmem>>[vector<16xi32>, vector<16xi32>, vector<16xi32>], vector<16xf32>,
      }
      %scan3A_469 = arith.constant 128 : i32
      %gt3A = arith.constant 0 : i32
      %gt3A_470 = arith.cmpi sgt, %scan3A_165, %gt3A : i32
      %convert_element_type3A = arith.extui %gt3A_470 : i1 to i32
      %cond3A = arith.constant 0 : i32
      %cond3A_471 = arith.cmpi ne, %convert_element_type3A, %cond3A : i32
      scf.if %cond3A_471 {
        %dma_wait3A_677 = arith.constant 0 : i32
        %dma_wait3A_678 = arith.constant 0 : i32
        %dma_wait3A_679 = arith.constant 0 : i32
        %dma_wait3A_680 = arith.constant 0 : i32
        %dma_wait3A_681 = tpu.memref_slice %arg12[%dma_wait3A_678, %dma_wait3A_679, %dma_wait3A_680] : memref<8x8x129xf32, #tpu.memory_space<vmem>> -> memref<8x8x128xf32, #tpu.memory_space<vmem>>
        %dma_wait3A_682 = arith.constant 0 : i32
        %dma_wait3A_683 = arith.constant 0 : i32
        %dma_wait3A_684 = arith.constant 0 : i32
        %dma_wait3A_685 = tpu.memref_slice %arg4[%dma_wait3A_677, %dma_wait3A_682, %add3A, %dma_wait3A_683, %dma_wait3A_684] : memref<200x8x32x8x128xf32, #tpu.memory_space<hbm>> -> memref<1x8x1x8x128xf32, #tpu.memory_space<hbm>>
        %dma_wait3A_686 = tpu.memref_squeeze %dma_wait3A_685 : memref<1x8x1x8x128xf32, #tpu.memory_space<hbm>> -> memref<8x8x128xf32, #tpu.memory_space<hbm>>
        %dma_wait3A_687 = arith.constant 0 : i32
        %dma_wait3A_688 = arith.constant 0 : i32
        %dma_wait3A_689 = arith.constant 0 : i32
        %dma_wait3A_690 = tpu.memref_slice %arg12[%dma_wait3A_687, %dma_wait3A_688, %dma_wait3A_689] : memref<8x8x129xf32, #tpu.memory_space<vmem>> -> memref<8x8x128xf32, #tpu.memory_space<vmem>>
        %dma_wait3A_691 = arith.constant 0 : i32
        %dma_wait3A_692 = arith.constant 0 : i32
        %dma_wait3A_693 = arith.constant 0 : i32
        %dma_wait3A_694 = tpu.memref_slice %arg4[%dma_wait3A_677, %dma_wait3A_691, %add3A, %dma_wait3A_692, %dma_wait3A_693] : memref<200x8x32x8x128xf32, #tpu.memory_space<hbm>> -> memref<1x8x1x8x128xf32, #tpu.memory_space<hbm>>
        %dma_wait3A_695 = tpu.memref_squeeze %dma_wait3A_694 : memref<1x8x1x8x128xf32, #tpu.memory_space<hbm>> -> memref<8x8x128xf32, #tpu.memory_space<hbm>>
        tpu.wait_dma2 semaphore(%arg19 : memref<!tpu.dma_semaphore, #tpu.memory_space<semaphore_mem>>) src(%dma_wait3A_695 : memref<8x8x128xf32, #tpu.memory_space<hbm>>) dst(%dma_wait3A_690 : memref<8x8x128xf32, #tpu.memory_space<vmem>>)
      } else {
      }
      %add3A_472 = arith.constant 0 : i32
      %add3A_473 = arith.addi %mul3A_167, %add3A_472 : i32
      %dma_start3A_474 = arith.constant 0 : i32
      %dma_start3A_475 = arith.constant 0 : i32
      %dma_start3A_476 = arith.constant 0 : i32
      %dma_start3A_477 = tpu.memref_slice %arg12[%dma_start3A_474, %dma_start3A_475, %dma_start3A_476] : memref<8x8x129xf32, #tpu.memory_space<vmem>> -> memref<8x8x128xf32, #tpu.memory_space<vmem>>
      %dma_start3A_478 = arith.constant 0 : i32
      %dma_start3A_479 = arith.constant 0 : i32
      %dma_start3A_480 = arith.constant 0 : i32
      %dma_start3A_481 = tpu.memref_slice %arg4[%add3A_473, %dma_start3A_478, %add3A, %dma_start3A_479, %dma_start3A_480] : memref<200x8x32x8x128xf32, #tpu.memory_space<hbm>> -> memref<1x8x1x8x128xf32, #tpu.memory_space<hbm>>
      %dma_start3A_482 = tpu.memref_squeeze %dma_start3A_481 : memref<1x8x1x8x128xf32, #tpu.memory_space<hbm>> -> memref<8x8x128xf32, #tpu.memory_space<hbm>>
      %dma_start3A_483 = arith.constant 0 : i32
      %dma_start3A_484 = arith.constant 0 : i32
      %dma_start3A_485 = arith.constant 0 : i32
      %dma_start3A_486 = tpu.memref_slice %arg4[%add3A_473, %dma_start3A_483, %add3A, %dma_start3A_484, %dma_start3A_485] : memref<200x8x32x8x128xf32, #tpu.memory_space<hbm>> -> memref<1x8x1x8x128xf32, #tpu.memory_space<hbm>>
      %dma_start3A_487 = tpu.memref_squeeze %dma_start3A_486 : memref<1x8x1x8x128xf32, #tpu.memory_space<hbm>> -> memref<8x8x128xf32, #tpu.memory_space<hbm>>
      %dma_start3A_488 = arith.constant 0 : i32
      %dma_start3A_489 = arith.constant 0 : i32
      %dma_start3A_490 = arith.constant 0 : i32
      %dma_start3A_491 = tpu.memref_slice %arg12[%dma_start3A_488, %dma_start3A_489, %dma_start3A_490] : memref<8x8x129xf32, #tpu.memory_space<vmem>> -> memref<8x8x128xf32, #tpu.memory_space<vmem>>
      tpu.enqueue_dma source(%dma_start3A_491 : memref<8x8x128xf32, #tpu.memory_space<vmem>>) target(%dma_start3A_487 : memref<8x8x128xf32, #tpu.memory_space<hbm>>) target_semaphore(%arg19 : memref<!tpu.dma_semaphore, #tpu.memory_space<semaphore_mem>>)
      %dma_wait3A_492 = arith.constant 0 : i32
      %dma_wait3A_493 = tpu.memref_slice %arg5[%select_n3A_233, %select_n3A_251, %dma_wait3A_492] : memref<25x8x128xi32, #tpu.memory_space<vmem>> -> memref<1x1x128xi32, #tpu.memory_space<vmem>>
      %dma_wait3A_494 = tpu.memref_squeeze %dma_wait3A_493 : memref<1x1x128xi32, #tpu.memory_space<vmem>> -> memref<128xi32, #tpu.memory_space<vmem>>
      %dma_wait3A_495 = arith.constant 0 : i32
      %dma_wait3A_496 = arith.constant 0 : i32
      %dma_wait3A_497 = tpu.memref_slice %arg2[%dma_wait3A_495, %dma_wait3A_496] : memref<2000000x64xf32, #tpu.memory_space<hbm>> -> memref<2000000x64xf32, #tpu.memory_space<hbm>>
      tpu.wait_indirect_dma semaphore(%arg18 : memref<!tpu.dma_semaphore, #tpu.memory_space<semaphore_mem>>) src(%dma_wait3A_497 : memref<2000000x64xf32, #tpu.memory_space<hbm>>) dst(%arg7 : memref<128x64xf32, #tpu.memory_space<vmem>>)
      %scan3A_498 = arith.constant 0 : i32
      %scan3A_499 = arith.constant 0 : i32
      %scan3A_500 = arith.constant 128 : i32
      %scan3A_501 = arith.addi %scan3A_499, %scan3A_500 : i32
      %scan3A_502 = arith.constant 8 : i32
      scf.for %scan3A_677 = %scan3A_499 to %scan3A_501 step %scan3A_502  : i32 {
        %broadcast_in_dim3A = arith.constant 0 : i32
        %broadcast_in_dim3A_678 = vector.broadcast %broadcast_in_dim3A : i32 to vector<16xi32>
        %add3A_679 = vector.broadcast %scan3A_677 : i32 to vector<16xi32>
        %add3A_680 = arith.addi %broadcast_in_dim3A_678, %add3A_679 : vector<16xi32>
        %get3A = arith.index_cast %scan3A_677 : i32 to index
        %get3A_681 = arith.constant 0 : index
        %get3A_682 = tpu.vector_load %arg7[%get3A, %get3A_681] {strides = array<i32>} : memref<128x64xf32, #tpu.memory_space<vmem>>, vector<16xf32>,
        tpu.vector_store_idx %arg13[%shift_right_arithmetic3A_5, %and3A_28, %add3A_680], %get3A_682 : memref<8x8x129xf32, #tpu.memory_space<vmem>>[vector<16xi32>, vector<16xi32>, vector<16xi32>], vector<16xf32>,
        %get3A_683 = arith.index_cast %scan3A_677 : i32 to index
        %get3A_684 = arith.constant 16 : index
        %get3A_685 = tpu.vector_load %arg7[%get3A_683, %get3A_684] {strides = array<i32>} : memref<128x64xf32, #tpu.memory_space<vmem>>, vector<16xf32>,
        tpu.vector_store_idx %arg13[%shift_right_arithmetic3A_11, %and3A_34, %add3A_680], %get3A_685 : memref<8x8x129xf32, #tpu.memory_space<vmem>>[vector<16xi32>, vector<16xi32>, vector<16xi32>], vector<16xf32>,
        %get3A_686 = arith.index_cast %scan3A_677 : i32 to index
        %get3A_687 = arith.constant 32 : index
        %get3A_688 = tpu.vector_load %arg7[%get3A_686, %get3A_687] {strides = array<i32>} : memref<128x64xf32, #tpu.memory_space<vmem>>, vector<16xf32>,
        tpu.vector_store_idx %arg13[%shift_right_arithmetic3A_17, %and3A_40, %add3A_680], %get3A_688 : memref<8x8x129xf32, #tpu.memory_space<vmem>>[vector<16xi32>, vector<16xi32>, vector<16xi32>], vector<16xf32>,
        %get3A_689 = arith.index_cast %scan3A_677 : i32 to index
        %get3A_690 = arith.constant 48 : index
        %get3A_691 = tpu.vector_load %arg7[%get3A_689, %get3A_690] {strides = array<i32>} : memref<128x64xf32, #tpu.memory_space<vmem>>, vector<16xf32>,
        tpu.vector_store_idx %arg13[%shift_right_arithmetic3A_23, %and3A_46, %add3A_680], %get3A_691 : memref<8x8x129xf32, #tpu.memory_space<vmem>>[vector<16xi32>, vector<16xi32>, vector<16xi32>], vector<16xf32>,
        %scan3A_692 = arith.constant 1 : i32
        %scan3A_693 = arith.addi %scan3A_677, %scan3A_692 : i32
        %broadcast_in_dim3A_694 = arith.constant 0 : i32
        %broadcast_in_dim3A_695 = vector.broadcast %broadcast_in_dim3A_694 : i32 to vector<16xi32>
        %add3A_696 = vector.broadcast %scan3A_693 : i32 to vector<16xi32>
        %add3A_697 = arith.addi %broadcast_in_dim3A_695, %add3A_696 : vector<16xi32>
        %get3A_698 = arith.index_cast %scan3A_693 : i32 to index
        %get3A_699 = arith.constant 0 : index
        %get3A_700 = tpu.vector_load %arg7[%get3A_698, %get3A_699] {strides = array<i32>} : memref<128x64xf32, #tpu.memory_space<vmem>>, vector<16xf32>,
        tpu.vector_store_idx %arg13[%shift_right_arithmetic3A_5, %and3A_28, %add3A_697], %get3A_700 : memref<8x8x129xf32, #tpu.memory_space<vmem>>[vector<16xi32>, vector<16xi32>, vector<16xi32>], vector<16xf32>,
        %get3A_701 = arith.index_cast %scan3A_693 : i32 to index
        %get3A_702 = arith.constant 16 : index
        %get3A_703 = tpu.vector_load %arg7[%get3A_701, %get3A_702] {strides = array<i32>} : memref<128x64xf32, #tpu.memory_space<vmem>>, vector<16xf32>,
        tpu.vector_store_idx %arg13[%shift_right_arithmetic3A_11, %and3A_34, %add3A_697], %get3A_703 : memref<8x8x129xf32, #tpu.memory_space<vmem>>[vector<16xi32>, vector<16xi32>, vector<16xi32>], vector<16xf32>,
        %get3A_704 = arith.index_cast %scan3A_693 : i32 to index
        %get3A_705 = arith.constant 32 : index
        %get3A_706 = tpu.vector_load %arg7[%get3A_704, %get3A_705] {strides = array<i32>} : memref<128x64xf32, #tpu.memory_space<vmem>>, vector<16xf32>,
        tpu.vector_store_idx %arg13[%shift_right_arithmetic3A_17, %and3A_40, %add3A_697], %get3A_706 : memref<8x8x129xf32, #tpu.memory_space<vmem>>[vector<16xi32>, vector<16xi32>, vector<16xi32>], vector<16xf32>,
        %get3A_707 = arith.index_cast %scan3A_693 : i32 to index
        %get3A_708 = arith.constant 48 : index
        %get3A_709 = tpu.vector_load %arg7[%get3A_707, %get3A_708] {strides = array<i32>} : memref<128x64xf32, #tpu.memory_space<vmem>>, vector<16xf32>,
        tpu.vector_store_idx %arg13[%shift_right_arithmetic3A_23, %and3A_46, %add3A_697], %get3A_709 : memref<8x8x129xf32, #tpu.memory_space<vmem>>[vector<16xi32>, vector<16xi32>, vector<16xi32>], vector<16xf32>,
        %scan3A_710 = arith.constant 2 : i32
        %scan3A_711 = arith.addi %scan3A_677, %scan3A_710 : i32
        %broadcast_in_dim3A_712 = arith.constant 0 : i32
        %broadcast_in_dim3A_713 = vector.broadcast %broadcast_in_dim3A_712 : i32 to vector<16xi32>
        %add3A_714 = vector.broadcast %scan3A_711 : i32 to vector<16xi32>
        %add3A_715 = arith.addi %broadcast_in_dim3A_713, %add3A_714 : vector<16xi32>
        %get3A_716 = arith.index_cast %scan3A_711 : i32 to index
        %get3A_717 = arith.constant 0 : index
        %get3A_718 = tpu.vector_load %arg7[%get3A_716, %get3A_717] {strides = array<i32>} : memref<128x64xf32, #tpu.memory_space<vmem>>, vector<16xf32>,
        tpu.vector_store_idx %arg13[%shift_right_arithmetic3A_5, %and3A_28, %add3A_715], %get3A_718 : memref<8x8x129xf32, #tpu.memory_space<vmem>>[vector<16xi32>, vector<16xi32>, vector<16xi32>], vector<16xf32>,
        %get3A_719 = arith.index_cast %scan3A_711 : i32 to index
        %get3A_720 = arith.constant 16 : index
        %get3A_721 = tpu.vector_load %arg7[%get3A_719, %get3A_720] {strides = array<i32>} : memref<128x64xf32, #tpu.memory_space<vmem>>, vector<16xf32>,
        tpu.vector_store_idx %arg13[%shift_right_arithmetic3A_11, %and3A_34, %add3A_715], %get3A_721 : memref<8x8x129xf32, #tpu.memory_space<vmem>>[vector<16xi32>, vector<16xi32>, vector<16xi32>], vector<16xf32>,
        %get3A_722 = arith.index_cast %scan3A_711 : i32 to index
        %get3A_723 = arith.constant 32 : index
        %get3A_724 = tpu.vector_load %arg7[%get3A_722, %get3A_723] {strides = array<i32>} : memref<128x64xf32, #tpu.memory_space<vmem>>, vector<16xf32>,
        tpu.vector_store_idx %arg13[%shift_right_arithmetic3A_17, %and3A_40, %add3A_715], %get3A_724 : memref<8x8x129xf32, #tpu.memory_space<vmem>>[vector<16xi32>, vector<16xi32>, vector<16xi32>], vector<16xf32>,
        %get3A_725 = arith.index_cast %scan3A_711 : i32 to index
        %get3A_726 = arith.constant 48 : index
        %get3A_727 = tpu.vector_load %arg7[%get3A_725, %get3A_726] {strides = array<i32>} : memref<128x64xf32, #tpu.memory_space<vmem>>, vector<16xf32>,
        tpu.vector_store_idx %arg13[%shift_right_arithmetic3A_23, %and3A_46, %add3A_715], %get3A_727 : memref<8x8x129xf32, #tpu.memory_space<vmem>>[vector<16xi32>, vector<16xi32>, vector<16xi32>], vector<16xf32>,
        %scan3A_728 = arith.constant 3 : i32
        %scan3A_729 = arith.addi %scan3A_677, %scan3A_728 : i32
        %broadcast_in_dim3A_730 = arith.constant 0 : i32
        %broadcast_in_dim3A_731 = vector.broadcast %broadcast_in_dim3A_730 : i32 to vector<16xi32>
        %add3A_732 = vector.broadcast %scan3A_729 : i32 to vector<16xi32>
        %add3A_733 = arith.addi %broadcast_in_dim3A_731, %add3A_732 : vector<16xi32>
        %get3A_734 = arith.index_cast %scan3A_729 : i32 to index
        %get3A_735 = arith.constant 0 : index
        %get3A_736 = tpu.vector_load %arg7[%get3A_734, %get3A_735] {strides = array<i32>} : memref<128x64xf32, #tpu.memory_space<vmem>>, vector<16xf32>,
        tpu.vector_store_idx %arg13[%shift_right_arithmetic3A_5, %and3A_28, %add3A_733], %get3A_736 : memref<8x8x129xf32, #tpu.memory_space<vmem>>[vector<16xi32>, vector<16xi32>, vector<16xi32>], vector<16xf32>,
        %get3A_737 = arith.index_cast %scan3A_729 : i32 to index
        %get3A_738 = arith.constant 16 : index
        %get3A_739 = tpu.vector_load %arg7[%get3A_737, %get3A_738] {strides = array<i32>} : memref<128x64xf32, #tpu.memory_space<vmem>>, vector<16xf32>,
        tpu.vector_store_idx %arg13[%shift_right_arithmetic3A_11, %and3A_34, %add3A_733], %get3A_739 : memref<8x8x129xf32, #tpu.memory_space<vmem>>[vector<16xi32>, vector<16xi32>, vector<16xi32>], vector<16xf32>,
        %get3A_740 = arith.index_cast %scan3A_729 : i32 to index
        %get3A_741 = arith.constant 32 : index
        %get3A_742 = tpu.vector_load %arg7[%get3A_740, %get3A_741] {strides = array<i32>} : memref<128x64xf32, #tpu.memory_space<vmem>>, vector<16xf32>,
        tpu.vector_store_idx %arg13[%shift_right_arithmetic3A_17, %and3A_40, %add3A_733], %get3A_742 : memref<8x8x129xf32, #tpu.memory_space<vmem>>[vector<16xi32>, vector<16xi32>, vector<16xi32>], vector<16xf32>,
        %get3A_743 = arith.index_cast %scan3A_729 : i32 to index
        %get3A_744 = arith.constant 48 : index
        %get3A_745 = tpu.vector_load %arg7[%get3A_743, %get3A_744] {strides = array<i32>} : memref<128x64xf32, #tpu.memory_space<vmem>>, vector<16xf32>,
        tpu.vector_store_idx %arg13[%shift_right_arithmetic3A_23, %and3A_46, %add3A_733], %get3A_745 : memref<8x8x129xf32, #tpu.memory_space<vmem>>[vector<16xi32>, vector<16xi32>, vector<16xi32>], vector<16xf32>,
        %scan3A_746 = arith.constant 4 : i32
        %scan3A_747 = arith.addi %scan3A_677, %scan3A_746 : i32
        %broadcast_in_dim3A_748 = arith.constant 0 : i32
        %broadcast_in_dim3A_749 = vector.broadcast %broadcast_in_dim3A_748 : i32 to vector<16xi32>
        %add3A_750 = vector.broadcast %scan3A_747 : i32 to vector<16xi32>
        %add3A_751 = arith.addi %broadcast_in_dim3A_749, %add3A_750 : vector<16xi32>
        %get3A_752 = arith.index_cast %scan3A_747 : i32 to index
        %get3A_753 = arith.constant 0 : index
        %get3A_754 = tpu.vector_load %arg7[%get3A_752, %get3A_753] {strides = array<i32>} : memref<128x64xf32, #tpu.memory_space<vmem>>, vector<16xf32>,
        tpu.vector_store_idx %arg13[%shift_right_arithmetic3A_5, %and3A_28, %add3A_751], %get3A_754 : memref<8x8x129xf32, #tpu.memory_space<vmem>>[vector<16xi32>, vector<16xi32>, vector<16xi32>], vector<16xf32>,
        %get3A_755 = arith.index_cast %scan3A_747 : i32 to index
        %get3A_756 = arith.constant 16 : index
        %get3A_757 = tpu.vector_load %arg7[%get3A_755, %get3A_756] {strides = array<i32>} : memref<128x64xf32, #tpu.memory_space<vmem>>, vector<16xf32>,
        tpu.vector_store_idx %arg13[%shift_right_arithmetic3A_11, %and3A_34, %add3A_751], %get3A_757 : memref<8x8x129xf32, #tpu.memory_space<vmem>>[vector<16xi32>, vector<16xi32>, vector<16xi32>], vector<16xf32>,
        %get3A_758 = arith.index_cast %scan3A_747 : i32 to index
        %get3A_759 = arith.constant 32 : index
        %get3A_760 = tpu.vector_load %arg7[%get3A_758, %get3A_759] {strides = array<i32>} : memref<128x64xf32, #tpu.memory_space<vmem>>, vector<16xf32>,
        tpu.vector_store_idx %arg13[%shift_right_arithmetic3A_17, %and3A_40, %add3A_751], %get3A_760 : memref<8x8x129xf32, #tpu.memory_space<vmem>>[vector<16xi32>, vector<16xi32>, vector<16xi32>], vector<16xf32>,
        %get3A_761 = arith.index_cast %scan3A_747 : i32 to index
        %get3A_762 = arith.constant 48 : index
        %get3A_763 = tpu.vector_load %arg7[%get3A_761, %get3A_762] {strides = array<i32>} : memref<128x64xf32, #tpu.memory_space<vmem>>, vector<16xf32>,
        tpu.vector_store_idx %arg13[%shift_right_arithmetic3A_23, %and3A_46, %add3A_751], %get3A_763 : memref<8x8x129xf32, #tpu.memory_space<vmem>>[vector<16xi32>, vector<16xi32>, vector<16xi32>], vector<16xf32>,
        %scan3A_764 = arith.constant 5 : i32
        %scan3A_765 = arith.addi %scan3A_677, %scan3A_764 : i32
        %broadcast_in_dim3A_766 = arith.constant 0 : i32
        %broadcast_in_dim3A_767 = vector.broadcast %broadcast_in_dim3A_766 : i32 to vector<16xi32>
        %add3A_768 = vector.broadcast %scan3A_765 : i32 to vector<16xi32>
        %add3A_769 = arith.addi %broadcast_in_dim3A_767, %add3A_768 : vector<16xi32>
        %get3A_770 = arith.index_cast %scan3A_765 : i32 to index
        %get3A_771 = arith.constant 0 : index
        %get3A_772 = tpu.vector_load %arg7[%get3A_770, %get3A_771] {strides = array<i32>} : memref<128x64xf32, #tpu.memory_space<vmem>>, vector<16xf32>,
        tpu.vector_store_idx %arg13[%shift_right_arithmetic3A_5, %and3A_28, %add3A_769], %get3A_772 : memref<8x8x129xf32, #tpu.memory_space<vmem>>[vector<16xi32>, vector<16xi32>, vector<16xi32>], vector<16xf32>,
        %get3A_773 = arith.index_cast %scan3A_765 : i32 to index
        %get3A_774 = arith.constant 16 : index
        %get3A_775 = tpu.vector_load %arg7[%get3A_773, %get3A_774] {strides = array<i32>} : memref<128x64xf32, #tpu.memory_space<vmem>>, vector<16xf32>,
        tpu.vector_store_idx %arg13[%shift_right_arithmetic3A_11, %and3A_34, %add3A_769], %get3A_775 : memref<8x8x129xf32, #tpu.memory_space<vmem>>[vector<16xi32>, vector<16xi32>, vector<16xi32>], vector<16xf32>,
        %get3A_776 = arith.index_cast %scan3A_765 : i32 to index
        %get3A_777 = arith.constant 32 : index
        %get3A_778 = tpu.vector_load %arg7[%get3A_776, %get3A_777] {strides = array<i32>} : memref<128x64xf32, #tpu.memory_space<vmem>>, vector<16xf32>,
        tpu.vector_store_idx %arg13[%shift_right_arithmetic3A_17, %and3A_40, %add3A_769], %get3A_778 : memref<8x8x129xf32, #tpu.memory_space<vmem>>[vector<16xi32>, vector<16xi32>, vector<16xi32>], vector<16xf32>,
        %get3A_779 = arith.index_cast %scan3A_765 : i32 to index
        %get3A_780 = arith.constant 48 : index
        %get3A_781 = tpu.vector_load %arg7[%get3A_779, %get3A_780] {strides = array<i32>} : memref<128x64xf32, #tpu.memory_space<vmem>>, vector<16xf32>,
        tpu.vector_store_idx %arg13[%shift_right_arithmetic3A_23, %and3A_46, %add3A_769], %get3A_781 : memref<8x8x129xf32, #tpu.memory_space<vmem>>[vector<16xi32>, vector<16xi32>, vector<16xi32>], vector<16xf32>,
        %scan3A_782 = arith.constant 6 : i32
        %scan3A_783 = arith.addi %scan3A_677, %scan3A_782 : i32
        %broadcast_in_dim3A_784 = arith.constant 0 : i32
        %broadcast_in_dim3A_785 = vector.broadcast %broadcast_in_dim3A_784 : i32 to vector<16xi32>
        %add3A_786 = vector.broadcast %scan3A_783 : i32 to vector<16xi32>
        %add3A_787 = arith.addi %broadcast_in_dim3A_785, %add3A_786 : vector<16xi32>
        %get3A_788 = arith.index_cast %scan3A_783 : i32 to index
        %get3A_789 = arith.constant 0 : index
        %get3A_790 = tpu.vector_load %arg7[%get3A_788, %get3A_789] {strides = array<i32>} : memref<128x64xf32, #tpu.memory_space<vmem>>, vector<16xf32>,
        tpu.vector_store_idx %arg13[%shift_right_arithmetic3A_5, %and3A_28, %add3A_787], %get3A_790 : memref<8x8x129xf32, #tpu.memory_space<vmem>>[vector<16xi32>, vector<16xi32>, vector<16xi32>], vector<16xf32>,
        %get3A_791 = arith.index_cast %scan3A_783 : i32 to index
        %get3A_792 = arith.constant 16 : index
        %get3A_793 = tpu.vector_load %arg7[%get3A_791, %get3A_792] {strides = array<i32>} : memref<128x64xf32, #tpu.memory_space<vmem>>, vector<16xf32>,
        tpu.vector_store_idx %arg13[%shift_right_arithmetic3A_11, %and3A_34, %add3A_787], %get3A_793 : memref<8x8x129xf32, #tpu.memory_space<vmem>>[vector<16xi32>, vector<16xi32>, vector<16xi32>], vector<16xf32>,
        %get3A_794 = arith.index_cast %scan3A_783 : i32 to index
        %get3A_795 = arith.constant 32 : index
        %get3A_796 = tpu.vector_load %arg7[%get3A_794, %get3A_795] {strides = array<i32>} : memref<128x64xf32, #tpu.memory_space<vmem>>, vector<16xf32>,
        tpu.vector_store_idx %arg13[%shift_right_arithmetic3A_17, %and3A_40, %add3A_787], %get3A_796 : memref<8x8x129xf32, #tpu.memory_space<vmem>>[vector<16xi32>, vector<16xi32>, vector<16xi32>], vector<16xf32>,
        %get3A_797 = arith.index_cast %scan3A_783 : i32 to index
        %get3A_798 = arith.constant 48 : index
        %get3A_799 = tpu.vector_load %arg7[%get3A_797, %get3A_798] {strides = array<i32>} : memref<128x64xf32, #tpu.memory_space<vmem>>, vector<16xf32>,
        tpu.vector_store_idx %arg13[%shift_right_arithmetic3A_23, %and3A_46, %add3A_787], %get3A_799 : memref<8x8x129xf32, #tpu.memory_space<vmem>>[vector<16xi32>, vector<16xi32>, vector<16xi32>], vector<16xf32>,
        %scan3A_800 = arith.constant 7 : i32
        %scan3A_801 = arith.addi %scan3A_677, %scan3A_800 : i32
        %broadcast_in_dim3A_802 = arith.constant 0 : i32
        %broadcast_in_dim3A_803 = vector.broadcast %broadcast_in_dim3A_802 : i32 to vector<16xi32>
        %add3A_804 = vector.broadcast %scan3A_801 : i32 to vector<16xi32>
        %add3A_805 = arith.addi %broadcast_in_dim3A_803, %add3A_804 : vector<16xi32>
        %get3A_806 = arith.index_cast %scan3A_801 : i32 to index
        %get3A_807 = arith.constant 0 : index
        %get3A_808 = tpu.vector_load %arg7[%get3A_806, %get3A_807] {strides = array<i32>} : memref<128x64xf32, #tpu.memory_space<vmem>>, vector<16xf32>,
        tpu.vector_store_idx %arg13[%shift_right_arithmetic3A_5, %and3A_28, %add3A_805], %get3A_808 : memref<8x8x129xf32, #tpu.memory_space<vmem>>[vector<16xi32>, vector<16xi32>, vector<16xi32>], vector<16xf32>,
        %get3A_809 = arith.index_cast %scan3A_801 : i32 to index
        %get3A_810 = arith.constant 16 : index
        %get3A_811 = tpu.vector_load %arg7[%get3A_809, %get3A_810] {strides = array<i32>} : memref<128x64xf32, #tpu.memory_space<vmem>>, vector<16xf32>,
        tpu.vector_store_idx %arg13[%shift_right_arithmetic3A_11, %and3A_34, %add3A_805], %get3A_811 : memref<8x8x129xf32, #tpu.memory_space<vmem>>[vector<16xi32>, vector<16xi32>, vector<16xi32>], vector<16xf32>,
        %get3A_812 = arith.index_cast %scan3A_801 : i32 to index
        %get3A_813 = arith.constant 32 : index
        %get3A_814 = tpu.vector_load %arg7[%get3A_812, %get3A_813] {strides = array<i32>} : memref<128x64xf32, #tpu.memory_space<vmem>>, vector<16xf32>,
        tpu.vector_store_idx %arg13[%shift_right_arithmetic3A_17, %and3A_40, %add3A_805], %get3A_814 : memref<8x8x129xf32, #tpu.memory_space<vmem>>[vector<16xi32>, vector<16xi32>, vector<16xi32>], vector<16xf32>,
        %get3A_815 = arith.index_cast %scan3A_801 : i32 to index
        %get3A_816 = arith.constant 48 : index
        %get3A_817 = tpu.vector_load %arg7[%get3A_815, %get3A_816] {strides = array<i32>} : memref<128x64xf32, #tpu.memory_space<vmem>>, vector<16xf32>,
        tpu.vector_store_idx %arg13[%shift_right_arithmetic3A_23, %and3A_46, %add3A_805], %get3A_817 : memref<8x8x129xf32, #tpu.memory_space<vmem>>[vector<16xi32>, vector<16xi32>, vector<16xi32>], vector<16xf32>,
      }
      %scan3A_503 = arith.constant 128 : i32
      %gt3A_504 = arith.constant 0 : i32
      %gt3A_505 = arith.cmpi sgt, %scan3A_165, %gt3A_504 : i32
      %convert_element_type3A_506 = arith.extui %gt3A_505 : i1 to i32
      %cond3A_507 = arith.constant 0 : i32
      %cond3A_508 = arith.cmpi ne, %convert_element_type3A_506, %cond3A_507 : i32
      scf.if %cond3A_508 {
        %dma_wait3A_677 = arith.constant 0 : i32
        %dma_wait3A_678 = arith.constant 0 : i32
        %dma_wait3A_679 = arith.constant 0 : i32
        %dma_wait3A_680 = arith.constant 0 : i32
        %dma_wait3A_681 = tpu.memref_slice %arg13[%dma_wait3A_678, %dma_wait3A_679, %dma_wait3A_680] : memref<8x8x129xf32, #tpu.memory_space<vmem>> -> memref<8x8x128xf32, #tpu.memory_space<vmem>>
        %dma_wait3A_682 = arith.constant 0 : i32
        %dma_wait3A_683 = arith.constant 0 : i32
        %dma_wait3A_684 = arith.constant 0 : i32
        %dma_wait3A_685 = tpu.memref_slice %arg4[%dma_wait3A_677, %dma_wait3A_682, %add3A, %dma_wait3A_683, %dma_wait3A_684] : memref<200x8x32x8x128xf32, #tpu.memory_space<hbm>> -> memref<1x8x1x8x128xf32, #tpu.memory_space<hbm>>
        %dma_wait3A_686 = tpu.memref_squeeze %dma_wait3A_685 : memref<1x8x1x8x128xf32, #tpu.memory_space<hbm>> -> memref<8x8x128xf32, #tpu.memory_space<hbm>>
        %dma_wait3A_687 = arith.constant 0 : i32
        %dma_wait3A_688 = arith.constant 0 : i32
        %dma_wait3A_689 = arith.constant 0 : i32
        %dma_wait3A_690 = tpu.memref_slice %arg13[%dma_wait3A_687, %dma_wait3A_688, %dma_wait3A_689] : memref<8x8x129xf32, #tpu.memory_space<vmem>> -> memref<8x8x128xf32, #tpu.memory_space<vmem>>
        %dma_wait3A_691 = arith.constant 0 : i32
        %dma_wait3A_692 = arith.constant 0 : i32
        %dma_wait3A_693 = arith.constant 0 : i32
        %dma_wait3A_694 = tpu.memref_slice %arg4[%dma_wait3A_677, %dma_wait3A_691, %add3A, %dma_wait3A_692, %dma_wait3A_693] : memref<200x8x32x8x128xf32, #tpu.memory_space<hbm>> -> memref<1x8x1x8x128xf32, #tpu.memory_space<hbm>>
        %dma_wait3A_695 = tpu.memref_squeeze %dma_wait3A_694 : memref<1x8x1x8x128xf32, #tpu.memory_space<hbm>> -> memref<8x8x128xf32, #tpu.memory_space<hbm>>
        tpu.wait_dma2 semaphore(%arg19 : memref<!tpu.dma_semaphore, #tpu.memory_space<semaphore_mem>>) src(%dma_wait3A_695 : memref<8x8x128xf32, #tpu.memory_space<hbm>>) dst(%dma_wait3A_690 : memref<8x8x128xf32, #tpu.memory_space<vmem>>)
      } else {
      }
      %add3A_509 = arith.constant 1 : i32
      %add3A_510 = arith.addi %mul3A_167, %add3A_509 : i32
      %dma_start3A_511 = arith.constant 0 : i32
      %dma_start3A_512 = arith.constant 0 : i32
      %dma_start3A_513 = arith.constant 0 : i32
      %dma_start3A_514 = tpu.memref_slice %arg13[%dma_start3A_511, %dma_start3A_512, %dma_start3A_513] : memref<8x8x129xf32, #tpu.memory_space<vmem>> -> memref<8x8x128xf32, #tpu.memory_space<vmem>>
      %dma_start3A_515 = arith.constant 0 : i32
      %dma_start3A_516 = arith.constant 0 : i32
      %dma_start3A_517 = arith.constant 0 : i32
      %dma_start3A_518 = tpu.memref_slice %arg4[%add3A_510, %dma_start3A_515, %add3A, %dma_start3A_516, %dma_start3A_517] : memref<200x8x32x8x128xf32, #tpu.memory_space<hbm>> -> memref<1x8x1x8x128xf32, #tpu.memory_space<hbm>>
      %dma_start3A_519 = tpu.memref_squeeze %dma_start3A_518 : memref<1x8x1x8x128xf32, #tpu.memory_space<hbm>> -> memref<8x8x128xf32, #tpu.memory_space<hbm>>
      %dma_start3A_520 = arith.constant 0 : i32
      %dma_start3A_521 = arith.constant 0 : i32
      %dma_start3A_522 = arith.constant 0 : i32
      %dma_start3A_523 = tpu.memref_slice %arg4[%add3A_510, %dma_start3A_520, %add3A, %dma_start3A_521, %dma_start3A_522] : memref<200x8x32x8x128xf32, #tpu.memory_space<hbm>> -> memref<1x8x1x8x128xf32, #tpu.memory_space<hbm>>
      %dma_start3A_524 = tpu.memref_squeeze %dma_start3A_523 : memref<1x8x1x8x128xf32, #tpu.memory_space<hbm>> -> memref<8x8x128xf32, #tpu.memory_space<hbm>>
      %dma_start3A_525 = arith.constant 0 : i32
      %dma_start3A_526 = arith.constant 0 : i32
      %dma_start3A_527 = arith.constant 0 : i32
      %dma_start3A_528 = tpu.memref_slice %arg13[%dma_start3A_525, %dma_start3A_526, %dma_start3A_527] : memref<8x8x129xf32, #tpu.memory_space<vmem>> -> memref<8x8x128xf32, #tpu.memory_space<vmem>>
      tpu.enqueue_dma source(%dma_start3A_528 : memref<8x8x128xf32, #tpu.memory_space<vmem>>) target(%dma_start3A_524 : memref<8x8x128xf32, #tpu.memory_space<hbm>>) target_semaphore(%arg19 : memref<!tpu.dma_semaphore, #tpu.memory_space<semaphore_mem>>)
      %dma_wait3A_529 = arith.constant 0 : i32
      %dma_wait3A_530 = tpu.memref_slice %arg5[%select_n3A_283, %select_n3A_301, %dma_wait3A_529] : memref<25x8x128xi32, #tpu.memory_space<vmem>> -> memref<1x1x128xi32, #tpu.memory_space<vmem>>
      %dma_wait3A_531 = tpu.memref_squeeze %dma_wait3A_530 : memref<1x1x128xi32, #tpu.memory_space<vmem>> -> memref<128xi32, #tpu.memory_space<vmem>>
      %dma_wait3A_532 = arith.constant 0 : i32
      %dma_wait3A_533 = arith.constant 0 : i32
      %dma_wait3A_534 = tpu.memref_slice %arg2[%dma_wait3A_532, %dma_wait3A_533] : memref<2000000x64xf32, #tpu.memory_space<hbm>> -> memref<2000000x64xf32, #tpu.memory_space<hbm>>
      tpu.wait_indirect_dma semaphore(%arg18 : memref<!tpu.dma_semaphore, #tpu.memory_space<semaphore_mem>>) src(%dma_wait3A_534 : memref<2000000x64xf32, #tpu.memory_space<hbm>>) dst(%arg8 : memref<128x64xf32, #tpu.memory_space<vmem>>)
      %scan3A_535 = arith.constant 0 : i32
      %scan3A_536 = arith.constant 0 : i32
      %scan3A_537 = arith.constant 128 : i32
      %scan3A_538 = arith.addi %scan3A_536, %scan3A_537 : i32
      %scan3A_539 = arith.constant 8 : i32
      scf.for %scan3A_677 = %scan3A_536 to %scan3A_538 step %scan3A_539  : i32 {
        %broadcast_in_dim3A = arith.constant 0 : i32
        %broadcast_in_dim3A_678 = vector.broadcast %broadcast_in_dim3A : i32 to vector<16xi32>
        %add3A_679 = vector.broadcast %scan3A_677 : i32 to vector<16xi32>
        %add3A_680 = arith.addi %broadcast_in_dim3A_678, %add3A_679 : vector<16xi32>
        %get3A = arith.index_cast %scan3A_677 : i32 to index
        %get3A_681 = arith.constant 0 : index
        %get3A_682 = tpu.vector_load %arg8[%get3A, %get3A_681] {strides = array<i32>} : memref<128x64xf32, #tpu.memory_space<vmem>>, vector<16xf32>,
        tpu.vector_store_idx %arg14[%shift_right_arithmetic3A_5, %and3A_28, %add3A_680], %get3A_682 : memref<8x8x129xf32, #tpu.memory_space<vmem>>[vector<16xi32>, vector<16xi32>, vector<16xi32>], vector<16xf32>,
        %get3A_683 = arith.index_cast %scan3A_677 : i32 to index
        %get3A_684 = arith.constant 16 : index
        %get3A_685 = tpu.vector_load %arg8[%get3A_683, %get3A_684] {strides = array<i32>} : memref<128x64xf32, #tpu.memory_space<vmem>>, vector<16xf32>,
        tpu.vector_store_idx %arg14[%shift_right_arithmetic3A_11, %and3A_34, %add3A_680], %get3A_685 : memref<8x8x129xf32, #tpu.memory_space<vmem>>[vector<16xi32>, vector<16xi32>, vector<16xi32>], vector<16xf32>,
        %get3A_686 = arith.index_cast %scan3A_677 : i32 to index
        %get3A_687 = arith.constant 32 : index
        %get3A_688 = tpu.vector_load %arg8[%get3A_686, %get3A_687] {strides = array<i32>} : memref<128x64xf32, #tpu.memory_space<vmem>>, vector<16xf32>,
        tpu.vector_store_idx %arg14[%shift_right_arithmetic3A_17, %and3A_40, %add3A_680], %get3A_688 : memref<8x8x129xf32, #tpu.memory_space<vmem>>[vector<16xi32>, vector<16xi32>, vector<16xi32>], vector<16xf32>,
        %get3A_689 = arith.index_cast %scan3A_677 : i32 to index
        %get3A_690 = arith.constant 48 : index
        %get3A_691 = tpu.vector_load %arg8[%get3A_689, %get3A_690] {strides = array<i32>} : memref<128x64xf32, #tpu.memory_space<vmem>>, vector<16xf32>,
        tpu.vector_store_idx %arg14[%shift_right_arithmetic3A_23, %and3A_46, %add3A_680], %get3A_691 : memref<8x8x129xf32, #tpu.memory_space<vmem>>[vector<16xi32>, vector<16xi32>, vector<16xi32>], vector<16xf32>,
        %scan3A_692 = arith.constant 1 : i32
        %scan3A_693 = arith.addi %scan3A_677, %scan3A_692 : i32
        %broadcast_in_dim3A_694 = arith.constant 0 : i32
        %broadcast_in_dim3A_695 = vector.broadcast %broadcast_in_dim3A_694 : i32 to vector<16xi32>
        %add3A_696 = vector.broadcast %scan3A_693 : i32 to vector<16xi32>
        %add3A_697 = arith.addi %broadcast_in_dim3A_695, %add3A_696 : vector<16xi32>
        %get3A_698 = arith.index_cast %scan3A_693 : i32 to index
        %get3A_699 = arith.constant 0 : index
        %get3A_700 = tpu.vector_load %arg8[%get3A_698, %get3A_699] {strides = array<i32>} : memref<128x64xf32, #tpu.memory_space<vmem>>, vector<16xf32>,
        tpu.vector_store_idx %arg14[%shift_right_arithmetic3A_5, %and3A_28, %add3A_697], %get3A_700 : memref<8x8x129xf32, #tpu.memory_space<vmem>>[vector<16xi32>, vector<16xi32>, vector<16xi32>], vector<16xf32>,
        %get3A_701 = arith.index_cast %scan3A_693 : i32 to index
        %get3A_702 = arith.constant 16 : index
        %get3A_703 = tpu.vector_load %arg8[%get3A_701, %get3A_702] {strides = array<i32>} : memref<128x64xf32, #tpu.memory_space<vmem>>, vector<16xf32>,
        tpu.vector_store_idx %arg14[%shift_right_arithmetic3A_11, %and3A_34, %add3A_697], %get3A_703 : memref<8x8x129xf32, #tpu.memory_space<vmem>>[vector<16xi32>, vector<16xi32>, vector<16xi32>], vector<16xf32>,
        %get3A_704 = arith.index_cast %scan3A_693 : i32 to index
        %get3A_705 = arith.constant 32 : index
        %get3A_706 = tpu.vector_load %arg8[%get3A_704, %get3A_705] {strides = array<i32>} : memref<128x64xf32, #tpu.memory_space<vmem>>, vector<16xf32>,
        tpu.vector_store_idx %arg14[%shift_right_arithmetic3A_17, %and3A_40, %add3A_697], %get3A_706 : memref<8x8x129xf32, #tpu.memory_space<vmem>>[vector<16xi32>, vector<16xi32>, vector<16xi32>], vector<16xf32>,
        %get3A_707 = arith.index_cast %scan3A_693 : i32 to index
        %get3A_708 = arith.constant 48 : index
        %get3A_709 = tpu.vector_load %arg8[%get3A_707, %get3A_708] {strides = array<i32>} : memref<128x64xf32, #tpu.memory_space<vmem>>, vector<16xf32>,
        tpu.vector_store_idx %arg14[%shift_right_arithmetic3A_23, %and3A_46, %add3A_697], %get3A_709 : memref<8x8x129xf32, #tpu.memory_space<vmem>>[vector<16xi32>, vector<16xi32>, vector<16xi32>], vector<16xf32>,
        %scan3A_710 = arith.constant 2 : i32
        %scan3A_711 = arith.addi %scan3A_677, %scan3A_710 : i32
        %broadcast_in_dim3A_712 = arith.constant 0 : i32
        %broadcast_in_dim3A_713 = vector.broadcast %broadcast_in_dim3A_712 : i32 to vector<16xi32>
        %add3A_714 = vector.broadcast %scan3A_711 : i32 to vector<16xi32>
        %add3A_715 = arith.addi %broadcast_in_dim3A_713, %add3A_714 : vector<16xi32>
        %get3A_716 = arith.index_cast %scan3A_711 : i32 to index
        %get3A_717 = arith.constant 0 : index
        %get3A_718 = tpu.vector_load %arg8[%get3A_716, %get3A_717] {strides = array<i32>} : memref<128x64xf32, #tpu.memory_space<vmem>>, vector<16xf32>,
        tpu.vector_store_idx %arg14[%shift_right_arithmetic3A_5, %and3A_28, %add3A_715], %get3A_718 : memref<8x8x129xf32, #tpu.memory_space<vmem>>[vector<16xi32>, vector<16xi32>, vector<16xi32>], vector<16xf32>,
        %get3A_719 = arith.index_cast %scan3A_711 : i32 to index
        %get3A_720 = arith.constant 16 : index
        %get3A_721 = tpu.vector_load %arg8[%get3A_719, %get3A_720] {strides = array<i32>} : memref<128x64xf32, #tpu.memory_space<vmem>>, vector<16xf32>,
        tpu.vector_store_idx %arg14[%shift_right_arithmetic3A_11, %and3A_34, %add3A_715], %get3A_721 : memref<8x8x129xf32, #tpu.memory_space<vmem>>[vector<16xi32>, vector<16xi32>, vector<16xi32>], vector<16xf32>,
        %get3A_722 = arith.index_cast %scan3A_711 : i32 to index
        %get3A_723 = arith.constant 32 : index
        %get3A_724 = tpu.vector_load %arg8[%get3A_722, %get3A_723] {strides = array<i32>} : memref<128x64xf32, #tpu.memory_space<vmem>>, vector<16xf32>,
        tpu.vector_store_idx %arg14[%shift_right_arithmetic3A_17, %and3A_40, %add3A_715], %get3A_724 : memref<8x8x129xf32, #tpu.memory_space<vmem>>[vector<16xi32>, vector<16xi32>, vector<16xi32>], vector<16xf32>,
        %get3A_725 = arith.index_cast %scan3A_711 : i32 to index
        %get3A_726 = arith.constant 48 : index
        %get3A_727 = tpu.vector_load %arg8[%get3A_725, %get3A_726] {strides = array<i32>} : memref<128x64xf32, #tpu.memory_space<vmem>>, vector<16xf32>,
        tpu.vector_store_idx %arg14[%shift_right_arithmetic3A_23, %and3A_46, %add3A_715], %get3A_727 : memref<8x8x129xf32, #tpu.memory_space<vmem>>[vector<16xi32>, vector<16xi32>, vector<16xi32>], vector<16xf32>,
        %scan3A_728 = arith.constant 3 : i32
        %scan3A_729 = arith.addi %scan3A_677, %scan3A_728 : i32
        %broadcast_in_dim3A_730 = arith.constant 0 : i32
        %broadcast_in_dim3A_731 = vector.broadcast %broadcast_in_dim3A_730 : i32 to vector<16xi32>
        %add3A_732 = vector.broadcast %scan3A_729 : i32 to vector<16xi32>
        %add3A_733 = arith.addi %broadcast_in_dim3A_731, %add3A_732 : vector<16xi32>
        %get3A_734 = arith.index_cast %scan3A_729 : i32 to index
        %get3A_735 = arith.constant 0 : index
        %get3A_736 = tpu.vector_load %arg8[%get3A_734, %get3A_735] {strides = array<i32>} : memref<128x64xf32, #tpu.memory_space<vmem>>, vector<16xf32>,
        tpu.vector_store_idx %arg14[%shift_right_arithmetic3A_5, %and3A_28, %add3A_733], %get3A_736 : memref<8x8x129xf32, #tpu.memory_space<vmem>>[vector<16xi32>, vector<16xi32>, vector<16xi32>], vector<16xf32>,
        %get3A_737 = arith.index_cast %scan3A_729 : i32 to index
        %get3A_738 = arith.constant 16 : index
        %get3A_739 = tpu.vector_load %arg8[%get3A_737, %get3A_738] {strides = array<i32>} : memref<128x64xf32, #tpu.memory_space<vmem>>, vector<16xf32>,
        tpu.vector_store_idx %arg14[%shift_right_arithmetic3A_11, %and3A_34, %add3A_733], %get3A_739 : memref<8x8x129xf32, #tpu.memory_space<vmem>>[vector<16xi32>, vector<16xi32>, vector<16xi32>], vector<16xf32>,
        %get3A_740 = arith.index_cast %scan3A_729 : i32 to index
        %get3A_741 = arith.constant 32 : index
        %get3A_742 = tpu.vector_load %arg8[%get3A_740, %get3A_741] {strides = array<i32>} : memref<128x64xf32, #tpu.memory_space<vmem>>, vector<16xf32>,
        tpu.vector_store_idx %arg14[%shift_right_arithmetic3A_17, %and3A_40, %add3A_733], %get3A_742 : memref<8x8x129xf32, #tpu.memory_space<vmem>>[vector<16xi32>, vector<16xi32>, vector<16xi32>], vector<16xf32>,
        %get3A_743 = arith.index_cast %scan3A_729 : i32 to index
        %get3A_744 = arith.constant 48 : index
        %get3A_745 = tpu.vector_load %arg8[%get3A_743, %get3A_744] {strides = array<i32>} : memref<128x64xf32, #tpu.memory_space<vmem>>, vector<16xf32>,
        tpu.vector_store_idx %arg14[%shift_right_arithmetic3A_23, %and3A_46, %add3A_733], %get3A_745 : memref<8x8x129xf32, #tpu.memory_space<vmem>>[vector<16xi32>, vector<16xi32>, vector<16xi32>], vector<16xf32>,
        %scan3A_746 = arith.constant 4 : i32
        %scan3A_747 = arith.addi %scan3A_677, %scan3A_746 : i32
        %broadcast_in_dim3A_748 = arith.constant 0 : i32
        %broadcast_in_dim3A_749 = vector.broadcast %broadcast_in_dim3A_748 : i32 to vector<16xi32>
        %add3A_750 = vector.broadcast %scan3A_747 : i32 to vector<16xi32>
        %add3A_751 = arith.addi %broadcast_in_dim3A_749, %add3A_750 : vector<16xi32>
        %get3A_752 = arith.index_cast %scan3A_747 : i32 to index
        %get3A_753 = arith.constant 0 : index
        %get3A_754 = tpu.vector_load %arg8[%get3A_752, %get3A_753] {strides = array<i32>} : memref<128x64xf32, #tpu.memory_space<vmem>>, vector<16xf32>,
        tpu.vector_store_idx %arg14[%shift_right_arithmetic3A_5, %and3A_28, %add3A_751], %get3A_754 : memref<8x8x129xf32, #tpu.memory_space<vmem>>[vector<16xi32>, vector<16xi32>, vector<16xi32>], vector<16xf32>,
        %get3A_755 = arith.index_cast %scan3A_747 : i32 to index
        %get3A_756 = arith.constant 16 : index
        %get3A_757 = tpu.vector_load %arg8[%get3A_755, %get3A_756] {strides = array<i32>} : memref<128x64xf32, #tpu.memory_space<vmem>>, vector<16xf32>,
        tpu.vector_store_idx %arg14[%shift_right_arithmetic3A_11, %and3A_34, %add3A_751], %get3A_757 : memref<8x8x129xf32, #tpu.memory_space<vmem>>[vector<16xi32>, vector<16xi32>, vector<16xi32>], vector<16xf32>,
        %get3A_758 = arith.index_cast %scan3A_747 : i32 to index
        %get3A_759 = arith.constant 32 : index
        %get3A_760 = tpu.vector_load %arg8[%get3A_758, %get3A_759] {strides = array<i32>} : memref<128x64xf32, #tpu.memory_space<vmem>>, vector<16xf32>,
        tpu.vector_store_idx %arg14[%shift_right_arithmetic3A_17, %and3A_40, %add3A_751], %get3A_760 : memref<8x8x129xf32, #tpu.memory_space<vmem>>[vector<16xi32>, vector<16xi32>, vector<16xi32>], vector<16xf32>,
        %get3A_761 = arith.index_cast %scan3A_747 : i32 to index
        %get3A_762 = arith.constant 48 : index
        %get3A_763 = tpu.vector_load %arg8[%get3A_761, %get3A_762] {strides = array<i32>} : memref<128x64xf32, #tpu.memory_space<vmem>>, vector<16xf32>,
        tpu.vector_store_idx %arg14[%shift_right_arithmetic3A_23, %and3A_46, %add3A_751], %get3A_763 : memref<8x8x129xf32, #tpu.memory_space<vmem>>[vector<16xi32>, vector<16xi32>, vector<16xi32>], vector<16xf32>,
        %scan3A_764 = arith.constant 5 : i32
        %scan3A_765 = arith.addi %scan3A_677, %scan3A_764 : i32
        %broadcast_in_dim3A_766 = arith.constant 0 : i32
        %broadcast_in_dim3A_767 = vector.broadcast %broadcast_in_dim3A_766 : i32 to vector<16xi32>
        %add3A_768 = vector.broadcast %scan3A_765 : i32 to vector<16xi32>
        %add3A_769 = arith.addi %broadcast_in_dim3A_767, %add3A_768 : vector<16xi32>
        %get3A_770 = arith.index_cast %scan3A_765 : i32 to index
        %get3A_771 = arith.constant 0 : index
        %get3A_772 = tpu.vector_load %arg8[%get3A_770, %get3A_771] {strides = array<i32>} : memref<128x64xf32, #tpu.memory_space<vmem>>, vector<16xf32>,
        tpu.vector_store_idx %arg14[%shift_right_arithmetic3A_5, %and3A_28, %add3A_769], %get3A_772 : memref<8x8x129xf32, #tpu.memory_space<vmem>>[vector<16xi32>, vector<16xi32>, vector<16xi32>], vector<16xf32>,
        %get3A_773 = arith.index_cast %scan3A_765 : i32 to index
        %get3A_774 = arith.constant 16 : index
        %get3A_775 = tpu.vector_load %arg8[%get3A_773, %get3A_774] {strides = array<i32>} : memref<128x64xf32, #tpu.memory_space<vmem>>, vector<16xf32>,
        tpu.vector_store_idx %arg14[%shift_right_arithmetic3A_11, %and3A_34, %add3A_769], %get3A_775 : memref<8x8x129xf32, #tpu.memory_space<vmem>>[vector<16xi32>, vector<16xi32>, vector<16xi32>], vector<16xf32>,
        %get3A_776 = arith.index_cast %scan3A_765 : i32 to index
        %get3A_777 = arith.constant 32 : index
        %get3A_778 = tpu.vector_load %arg8[%get3A_776, %get3A_777] {strides = array<i32>} : memref<128x64xf32, #tpu.memory_space<vmem>>, vector<16xf32>,
        tpu.vector_store_idx %arg14[%shift_right_arithmetic3A_17, %and3A_40, %add3A_769], %get3A_778 : memref<8x8x129xf32, #tpu.memory_space<vmem>>[vector<16xi32>, vector<16xi32>, vector<16xi32>], vector<16xf32>,
        %get3A_779 = arith.index_cast %scan3A_765 : i32 to index
        %get3A_780 = arith.constant 48 : index
        %get3A_781 = tpu.vector_load %arg8[%get3A_779, %get3A_780] {strides = array<i32>} : memref<128x64xf32, #tpu.memory_space<vmem>>, vector<16xf32>,
        tpu.vector_store_idx %arg14[%shift_right_arithmetic3A_23, %and3A_46, %add3A_769], %get3A_781 : memref<8x8x129xf32, #tpu.memory_space<vmem>>[vector<16xi32>, vector<16xi32>, vector<16xi32>], vector<16xf32>,
        %scan3A_782 = arith.constant 6 : i32
        %scan3A_783 = arith.addi %scan3A_677, %scan3A_782 : i32
        %broadcast_in_dim3A_784 = arith.constant 0 : i32
        %broadcast_in_dim3A_785 = vector.broadcast %broadcast_in_dim3A_784 : i32 to vector<16xi32>
        %add3A_786 = vector.broadcast %scan3A_783 : i32 to vector<16xi32>
        %add3A_787 = arith.addi %broadcast_in_dim3A_785, %add3A_786 : vector<16xi32>
        %get3A_788 = arith.index_cast %scan3A_783 : i32 to index
        %get3A_789 = arith.constant 0 : index
        %get3A_790 = tpu.vector_load %arg8[%get3A_788, %get3A_789] {strides = array<i32>} : memref<128x64xf32, #tpu.memory_space<vmem>>, vector<16xf32>,
        tpu.vector_store_idx %arg14[%shift_right_arithmetic3A_5, %and3A_28, %add3A_787], %get3A_790 : memref<8x8x129xf32, #tpu.memory_space<vmem>>[vector<16xi32>, vector<16xi32>, vector<16xi32>], vector<16xf32>,
        %get3A_791 = arith.index_cast %scan3A_783 : i32 to index
        %get3A_792 = arith.constant 16 : index
        %get3A_793 = tpu.vector_load %arg8[%get3A_791, %get3A_792] {strides = array<i32>} : memref<128x64xf32, #tpu.memory_space<vmem>>, vector<16xf32>,
        tpu.vector_store_idx %arg14[%shift_right_arithmetic3A_11, %and3A_34, %add3A_787], %get3A_793 : memref<8x8x129xf32, #tpu.memory_space<vmem>>[vector<16xi32>, vector<16xi32>, vector<16xi32>], vector<16xf32>,
        %get3A_794 = arith.index_cast %scan3A_783 : i32 to index
        %get3A_795 = arith.constant 32 : index
        %get3A_796 = tpu.vector_load %arg8[%get3A_794, %get3A_795] {strides = array<i32>} : memref<128x64xf32, #tpu.memory_space<vmem>>, vector<16xf32>,
        tpu.vector_store_idx %arg14[%shift_right_arithmetic3A_17, %and3A_40, %add3A_787], %get3A_796 : memref<8x8x129xf32, #tpu.memory_space<vmem>>[vector<16xi32>, vector<16xi32>, vector<16xi32>], vector<16xf32>,
        %get3A_797 = arith.index_cast %scan3A_783 : i32 to index
        %get3A_798 = arith.constant 48 : index
        %get3A_799 = tpu.vector_load %arg8[%get3A_797, %get3A_798] {strides = array<i32>} : memref<128x64xf32, #tpu.memory_space<vmem>>, vector<16xf32>,
        tpu.vector_store_idx %arg14[%shift_right_arithmetic3A_23, %and3A_46, %add3A_787], %get3A_799 : memref<8x8x129xf32, #tpu.memory_space<vmem>>[vector<16xi32>, vector<16xi32>, vector<16xi32>], vector<16xf32>,
        %scan3A_800 = arith.constant 7 : i32
        %scan3A_801 = arith.addi %scan3A_677, %scan3A_800 : i32
        %broadcast_in_dim3A_802 = arith.constant 0 : i32
        %broadcast_in_dim3A_803 = vector.broadcast %broadcast_in_dim3A_802 : i32 to vector<16xi32>
        %add3A_804 = vector.broadcast %scan3A_801 : i32 to vector<16xi32>
        %add3A_805 = arith.addi %broadcast_in_dim3A_803, %add3A_804 : vector<16xi32>
        %get3A_806 = arith.index_cast %scan3A_801 : i32 to index
        %get3A_807 = arith.constant 0 : index
        %get3A_808 = tpu.vector_load %arg8[%get3A_806, %get3A_807] {strides = array<i32>} : memref<128x64xf32, #tpu.memory_space<vmem>>, vector<16xf32>,
        tpu.vector_store_idx %arg14[%shift_right_arithmetic3A_5, %and3A_28, %add3A_805], %get3A_808 : memref<8x8x129xf32, #tpu.memory_space<vmem>>[vector<16xi32>, vector<16xi32>, vector<16xi32>], vector<16xf32>,
        %get3A_809 = arith.index_cast %scan3A_801 : i32 to index
        %get3A_810 = arith.constant 16 : index
        %get3A_811 = tpu.vector_load %arg8[%get3A_809, %get3A_810] {strides = array<i32>} : memref<128x64xf32, #tpu.memory_space<vmem>>, vector<16xf32>,
        tpu.vector_store_idx %arg14[%shift_right_arithmetic3A_11, %and3A_34, %add3A_805], %get3A_811 : memref<8x8x129xf32, #tpu.memory_space<vmem>>[vector<16xi32>, vector<16xi32>, vector<16xi32>], vector<16xf32>,
        %get3A_812 = arith.index_cast %scan3A_801 : i32 to index
        %get3A_813 = arith.constant 32 : index
        %get3A_814 = tpu.vector_load %arg8[%get3A_812, %get3A_813] {strides = array<i32>} : memref<128x64xf32, #tpu.memory_space<vmem>>, vector<16xf32>,
        tpu.vector_store_idx %arg14[%shift_right_arithmetic3A_17, %and3A_40, %add3A_805], %get3A_814 : memref<8x8x129xf32, #tpu.memory_space<vmem>>[vector<16xi32>, vector<16xi32>, vector<16xi32>], vector<16xf32>,
        %get3A_815 = arith.index_cast %scan3A_801 : i32 to index
        %get3A_816 = arith.constant 48 : index
        %get3A_817 = tpu.vector_load %arg8[%get3A_815, %get3A_816] {strides = array<i32>} : memref<128x64xf32, #tpu.memory_space<vmem>>, vector<16xf32>,
        tpu.vector_store_idx %arg14[%shift_right_arithmetic3A_23, %and3A_46, %add3A_805], %get3A_817 : memref<8x8x129xf32, #tpu.memory_space<vmem>>[vector<16xi32>, vector<16xi32>, vector<16xi32>], vector<16xf32>,
      }
      %scan3A_540 = arith.constant 128 : i32
      %gt3A_541 = arith.constant 0 : i32
      %gt3A_542 = arith.cmpi sgt, %scan3A_165, %gt3A_541 : i32
      %convert_element_type3A_543 = arith.extui %gt3A_542 : i1 to i32
      %cond3A_544 = arith.constant 0 : i32
      %cond3A_545 = arith.cmpi ne, %convert_element_type3A_543, %cond3A_544 : i32
      scf.if %cond3A_545 {
        %dma_wait3A_677 = arith.constant 0 : i32
        %dma_wait3A_678 = arith.constant 0 : i32
        %dma_wait3A_679 = arith.constant 0 : i32
        %dma_wait3A_680 = arith.constant 0 : i32
        %dma_wait3A_681 = tpu.memref_slice %arg14[%dma_wait3A_678, %dma_wait3A_679, %dma_wait3A_680] : memref<8x8x129xf32, #tpu.memory_space<vmem>> -> memref<8x8x128xf32, #tpu.memory_space<vmem>>
        %dma_wait3A_682 = arith.constant 0 : i32
        %dma_wait3A_683 = arith.constant 0 : i32
        %dma_wait3A_684 = arith.constant 0 : i32
        %dma_wait3A_685 = tpu.memref_slice %arg4[%dma_wait3A_677, %dma_wait3A_682, %add3A, %dma_wait3A_683, %dma_wait3A_684] : memref<200x8x32x8x128xf32, #tpu.memory_space<hbm>> -> memref<1x8x1x8x128xf32, #tpu.memory_space<hbm>>
        %dma_wait3A_686 = tpu.memref_squeeze %dma_wait3A_685 : memref<1x8x1x8x128xf32, #tpu.memory_space<hbm>> -> memref<8x8x128xf32, #tpu.memory_space<hbm>>
        %dma_wait3A_687 = arith.constant 0 : i32
        %dma_wait3A_688 = arith.constant 0 : i32
        %dma_wait3A_689 = arith.constant 0 : i32
        %dma_wait3A_690 = tpu.memref_slice %arg14[%dma_wait3A_687, %dma_wait3A_688, %dma_wait3A_689] : memref<8x8x129xf32, #tpu.memory_space<vmem>> -> memref<8x8x128xf32, #tpu.memory_space<vmem>>
        %dma_wait3A_691 = arith.constant 0 : i32
        %dma_wait3A_692 = arith.constant 0 : i32
        %dma_wait3A_693 = arith.constant 0 : i32
        %dma_wait3A_694 = tpu.memref_slice %arg4[%dma_wait3A_677, %dma_wait3A_691, %add3A, %dma_wait3A_692, %dma_wait3A_693] : memref<200x8x32x8x128xf32, #tpu.memory_space<hbm>> -> memref<1x8x1x8x128xf32, #tpu.memory_space<hbm>>
        %dma_wait3A_695 = tpu.memref_squeeze %dma_wait3A_694 : memref<1x8x1x8x128xf32, #tpu.memory_space<hbm>> -> memref<8x8x128xf32, #tpu.memory_space<hbm>>
        tpu.wait_dma2 semaphore(%arg19 : memref<!tpu.dma_semaphore, #tpu.memory_space<semaphore_mem>>) src(%dma_wait3A_695 : memref<8x8x128xf32, #tpu.memory_space<hbm>>) dst(%dma_wait3A_690 : memref<8x8x128xf32, #tpu.memory_space<vmem>>)
      } else {
      }
      %add3A_546 = arith.constant 2 : i32
      %add3A_547 = arith.addi %mul3A_167, %add3A_546 : i32
      %dma_start3A_548 = arith.constant 0 : i32
      %dma_start3A_549 = arith.constant 0 : i32
      %dma_start3A_550 = arith.constant 0 : i32
      %dma_start3A_551 = tpu.memref_slice %arg14[%dma_start3A_548, %dma_start3A_549, %dma_start3A_550] : memref<8x8x129xf32, #tpu.memory_space<vmem>> -> memref<8x8x128xf32, #tpu.memory_space<vmem>>
      %dma_start3A_552 = arith.constant 0 : i32
      %dma_start3A_553 = arith.constant 0 : i32
      %dma_start3A_554 = arith.constant 0 : i32
      %dma_start3A_555 = tpu.memref_slice %arg4[%add3A_547, %dma_start3A_552, %add3A, %dma_start3A_553, %dma_start3A_554] : memref<200x8x32x8x128xf32, #tpu.memory_space<hbm>> -> memref<1x8x1x8x128xf32, #tpu.memory_space<hbm>>
      %dma_start3A_556 = tpu.memref_squeeze %dma_start3A_555 : memref<1x8x1x8x128xf32, #tpu.memory_space<hbm>> -> memref<8x8x128xf32, #tpu.memory_space<hbm>>
      %dma_start3A_557 = arith.constant 0 : i32
      %dma_start3A_558 = arith.constant 0 : i32
      %dma_start3A_559 = arith.constant 0 : i32
      %dma_start3A_560 = tpu.memref_slice %arg4[%add3A_547, %dma_start3A_557, %add3A, %dma_start3A_558, %dma_start3A_559] : memref<200x8x32x8x128xf32, #tpu.memory_space<hbm>> -> memref<1x8x1x8x128xf32, #tpu.memory_space<hbm>>
      %dma_start3A_561 = tpu.memref_squeeze %dma_start3A_560 : memref<1x8x1x8x128xf32, #tpu.memory_space<hbm>> -> memref<8x8x128xf32, #tpu.memory_space<hbm>>
      %dma_start3A_562 = arith.constant 0 : i32
      %dma_start3A_563 = arith.constant 0 : i32
      %dma_start3A_564 = arith.constant 0 : i32
      %dma_start3A_565 = tpu.memref_slice %arg14[%dma_start3A_562, %dma_start3A_563, %dma_start3A_564] : memref<8x8x129xf32, #tpu.memory_space<vmem>> -> memref<8x8x128xf32, #tpu.memory_space<vmem>>
      tpu.enqueue_dma source(%dma_start3A_565 : memref<8x8x128xf32, #tpu.memory_space<vmem>>) target(%dma_start3A_561 : memref<8x8x128xf32, #tpu.memory_space<hbm>>) target_semaphore(%arg19 : memref<!tpu.dma_semaphore, #tpu.memory_space<semaphore_mem>>)
      %dma_wait3A_566 = arith.constant 0 : i32
      %dma_wait3A_567 = tpu.memref_slice %arg5[%select_n3A_333, %select_n3A_351, %dma_wait3A_566] : memref<25x8x128xi32, #tpu.memory_space<vmem>> -> memref<1x1x128xi32, #tpu.memory_space<vmem>>
      %dma_wait3A_568 = tpu.memref_squeeze %dma_wait3A_567 : memref<1x1x128xi32, #tpu.memory_space<vmem>> -> memref<128xi32, #tpu.memory_space<vmem>>
      %dma_wait3A_569 = arith.constant 0 : i32
      %dma_wait3A_570 = arith.constant 0 : i32
      %dma_wait3A_571 = tpu.memref_slice %arg2[%dma_wait3A_569, %dma_wait3A_570] : memref<2000000x64xf32, #tpu.memory_space<hbm>> -> memref<2000000x64xf32, #tpu.memory_space<hbm>>
      tpu.wait_indirect_dma semaphore(%arg18 : memref<!tpu.dma_semaphore, #tpu.memory_space<semaphore_mem>>) src(%dma_wait3A_571 : memref<2000000x64xf32, #tpu.memory_space<hbm>>) dst(%arg9 : memref<128x64xf32, #tpu.memory_space<vmem>>)
      %scan3A_572 = arith.constant 0 : i32
      %scan3A_573 = arith.constant 0 : i32
      %scan3A_574 = arith.constant 128 : i32
      %scan3A_575 = arith.addi %scan3A_573, %scan3A_574 : i32
      %scan3A_576 = arith.constant 8 : i32
      scf.for %scan3A_677 = %scan3A_573 to %scan3A_575 step %scan3A_576  : i32 {
        %broadcast_in_dim3A = arith.constant 0 : i32
        %broadcast_in_dim3A_678 = vector.broadcast %broadcast_in_dim3A : i32 to vector<16xi32>
        %add3A_679 = vector.broadcast %scan3A_677 : i32 to vector<16xi32>
        %add3A_680 = arith.addi %broadcast_in_dim3A_678, %add3A_679 : vector<16xi32>
        %get3A = arith.index_cast %scan3A_677 : i32 to index
        %get3A_681 = arith.constant 0 : index
        %get3A_682 = tpu.vector_load %arg9[%get3A, %get3A_681] {strides = array<i32>} : memref<128x64xf32, #tpu.memory_space<vmem>>, vector<16xf32>,
        tpu.vector_store_idx %arg15[%shift_right_arithmetic3A_5, %and3A_28, %add3A_680], %get3A_682 : memref<8x8x129xf32, #tpu.memory_space<vmem>>[vector<16xi32>, vector<16xi32>, vector<16xi32>], vector<16xf32>,
        %get3A_683 = arith.index_cast %scan3A_677 : i32 to index
        %get3A_684 = arith.constant 16 : index
        %get3A_685 = tpu.vector_load %arg9[%get3A_683, %get3A_684] {strides = array<i32>} : memref<128x64xf32, #tpu.memory_space<vmem>>, vector<16xf32>,
        tpu.vector_store_idx %arg15[%shift_right_arithmetic3A_11, %and3A_34, %add3A_680], %get3A_685 : memref<8x8x129xf32, #tpu.memory_space<vmem>>[vector<16xi32>, vector<16xi32>, vector<16xi32>], vector<16xf32>,
        %get3A_686 = arith.index_cast %scan3A_677 : i32 to index
        %get3A_687 = arith.constant 32 : index
        %get3A_688 = tpu.vector_load %arg9[%get3A_686, %get3A_687] {strides = array<i32>} : memref<128x64xf32, #tpu.memory_space<vmem>>, vector<16xf32>,
        tpu.vector_store_idx %arg15[%shift_right_arithmetic3A_17, %and3A_40, %add3A_680], %get3A_688 : memref<8x8x129xf32, #tpu.memory_space<vmem>>[vector<16xi32>, vector<16xi32>, vector<16xi32>], vector<16xf32>,
        %get3A_689 = arith.index_cast %scan3A_677 : i32 to index
        %get3A_690 = arith.constant 48 : index
        %get3A_691 = tpu.vector_load %arg9[%get3A_689, %get3A_690] {strides = array<i32>} : memref<128x64xf32, #tpu.memory_space<vmem>>, vector<16xf32>,
        tpu.vector_store_idx %arg15[%shift_right_arithmetic3A_23, %and3A_46, %add3A_680], %get3A_691 : memref<8x8x129xf32, #tpu.memory_space<vmem>>[vector<16xi32>, vector<16xi32>, vector<16xi32>], vector<16xf32>,
        %scan3A_692 = arith.constant 1 : i32
        %scan3A_693 = arith.addi %scan3A_677, %scan3A_692 : i32
        %broadcast_in_dim3A_694 = arith.constant 0 : i32
        %broadcast_in_dim3A_695 = vector.broadcast %broadcast_in_dim3A_694 : i32 to vector<16xi32>
        %add3A_696 = vector.broadcast %scan3A_693 : i32 to vector<16xi32>
        %add3A_697 = arith.addi %broadcast_in_dim3A_695, %add3A_696 : vector<16xi32>
        %get3A_698 = arith.index_cast %scan3A_693 : i32 to index
        %get3A_699 = arith.constant 0 : index
        %get3A_700 = tpu.vector_load %arg9[%get3A_698, %get3A_699] {strides = array<i32>} : memref<128x64xf32, #tpu.memory_space<vmem>>, vector<16xf32>,
        tpu.vector_store_idx %arg15[%shift_right_arithmetic3A_5, %and3A_28, %add3A_697], %get3A_700 : memref<8x8x129xf32, #tpu.memory_space<vmem>>[vector<16xi32>, vector<16xi32>, vector<16xi32>], vector<16xf32>,
        %get3A_701 = arith.index_cast %scan3A_693 : i32 to index
        %get3A_702 = arith.constant 16 : index
        %get3A_703 = tpu.vector_load %arg9[%get3A_701, %get3A_702] {strides = array<i32>} : memref<128x64xf32, #tpu.memory_space<vmem>>, vector<16xf32>,
        tpu.vector_store_idx %arg15[%shift_right_arithmetic3A_11, %and3A_34, %add3A_697], %get3A_703 : memref<8x8x129xf32, #tpu.memory_space<vmem>>[vector<16xi32>, vector<16xi32>, vector<16xi32>], vector<16xf32>,
        %get3A_704 = arith.index_cast %scan3A_693 : i32 to index
        %get3A_705 = arith.constant 32 : index
        %get3A_706 = tpu.vector_load %arg9[%get3A_704, %get3A_705] {strides = array<i32>} : memref<128x64xf32, #tpu.memory_space<vmem>>, vector<16xf32>,
        tpu.vector_store_idx %arg15[%shift_right_arithmetic3A_17, %and3A_40, %add3A_697], %get3A_706 : memref<8x8x129xf32, #tpu.memory_space<vmem>>[vector<16xi32>, vector<16xi32>, vector<16xi32>], vector<16xf32>,
        %get3A_707 = arith.index_cast %scan3A_693 : i32 to index
        %get3A_708 = arith.constant 48 : index
        %get3A_709 = tpu.vector_load %arg9[%get3A_707, %get3A_708] {strides = array<i32>} : memref<128x64xf32, #tpu.memory_space<vmem>>, vector<16xf32>,
        tpu.vector_store_idx %arg15[%shift_right_arithmetic3A_23, %and3A_46, %add3A_697], %get3A_709 : memref<8x8x129xf32, #tpu.memory_space<vmem>>[vector<16xi32>, vector<16xi32>, vector<16xi32>], vector<16xf32>,
        %scan3A_710 = arith.constant 2 : i32
        %scan3A_711 = arith.addi %scan3A_677, %scan3A_710 : i32
        %broadcast_in_dim3A_712 = arith.constant 0 : i32
        %broadcast_in_dim3A_713 = vector.broadcast %broadcast_in_dim3A_712 : i32 to vector<16xi32>
        %add3A_714 = vector.broadcast %scan3A_711 : i32 to vector<16xi32>
        %add3A_715 = arith.addi %broadcast_in_dim3A_713, %add3A_714 : vector<16xi32>
        %get3A_716 = arith.index_cast %scan3A_711 : i32 to index
        %get3A_717 = arith.constant 0 : index
        %get3A_718 = tpu.vector_load %arg9[%get3A_716, %get3A_717] {strides = array<i32>} : memref<128x64xf32, #tpu.memory_space<vmem>>, vector<16xf32>,
        tpu.vector_store_idx %arg15[%shift_right_arithmetic3A_5, %and3A_28, %add3A_715], %get3A_718 : memref<8x8x129xf32, #tpu.memory_space<vmem>>[vector<16xi32>, vector<16xi32>, vector<16xi32>], vector<16xf32>,
        %get3A_719 = arith.index_cast %scan3A_711 : i32 to index
        %get3A_720 = arith.constant 16 : index
        %get3A_721 = tpu.vector_load %arg9[%get3A_719, %get3A_720] {strides = array<i32>} : memref<128x64xf32, #tpu.memory_space<vmem>>, vector<16xf32>,
        tpu.vector_store_idx %arg15[%shift_right_arithmetic3A_11, %and3A_34, %add3A_715], %get3A_721 : memref<8x8x129xf32, #tpu.memory_space<vmem>>[vector<16xi32>, vector<16xi32>, vector<16xi32>], vector<16xf32>,
        %get3A_722 = arith.index_cast %scan3A_711 : i32 to index
        %get3A_723 = arith.constant 32 : index
        %get3A_724 = tpu.vector_load %arg9[%get3A_722, %get3A_723] {strides = array<i32>} : memref<128x64xf32, #tpu.memory_space<vmem>>, vector<16xf32>,
        tpu.vector_store_idx %arg15[%shift_right_arithmetic3A_17, %and3A_40, %add3A_715], %get3A_724 : memref<8x8x129xf32, #tpu.memory_space<vmem>>[vector<16xi32>, vector<16xi32>, vector<16xi32>], vector<16xf32>,
        %get3A_725 = arith.index_cast %scan3A_711 : i32 to index
        %get3A_726 = arith.constant 48 : index
        %get3A_727 = tpu.vector_load %arg9[%get3A_725, %get3A_726] {strides = array<i32>} : memref<128x64xf32, #tpu.memory_space<vmem>>, vector<16xf32>,
        tpu.vector_store_idx %arg15[%shift_right_arithmetic3A_23, %and3A_46, %add3A_715], %get3A_727 : memref<8x8x129xf32, #tpu.memory_space<vmem>>[vector<16xi32>, vector<16xi32>, vector<16xi32>], vector<16xf32>,
        %scan3A_728 = arith.constant 3 : i32
        %scan3A_729 = arith.addi %scan3A_677, %scan3A_728 : i32
        %broadcast_in_dim3A_730 = arith.constant 0 : i32
        %broadcast_in_dim3A_731 = vector.broadcast %broadcast_in_dim3A_730 : i32 to vector<16xi32>
        %add3A_732 = vector.broadcast %scan3A_729 : i32 to vector<16xi32>
        %add3A_733 = arith.addi %broadcast_in_dim3A_731, %add3A_732 : vector<16xi32>
        %get3A_734 = arith.index_cast %scan3A_729 : i32 to index
        %get3A_735 = arith.constant 0 : index
        %get3A_736 = tpu.vector_load %arg9[%get3A_734, %get3A_735] {strides = array<i32>} : memref<128x64xf32, #tpu.memory_space<vmem>>, vector<16xf32>,
        tpu.vector_store_idx %arg15[%shift_right_arithmetic3A_5, %and3A_28, %add3A_733], %get3A_736 : memref<8x8x129xf32, #tpu.memory_space<vmem>>[vector<16xi32>, vector<16xi32>, vector<16xi32>], vector<16xf32>,
        %get3A_737 = arith.index_cast %scan3A_729 : i32 to index
        %get3A_738 = arith.constant 16 : index
        %get3A_739 = tpu.vector_load %arg9[%get3A_737, %get3A_738] {strides = array<i32>} : memref<128x64xf32, #tpu.memory_space<vmem>>, vector<16xf32>,
        tpu.vector_store_idx %arg15[%shift_right_arithmetic3A_11, %and3A_34, %add3A_733], %get3A_739 : memref<8x8x129xf32, #tpu.memory_space<vmem>>[vector<16xi32>, vector<16xi32>, vector<16xi32>], vector<16xf32>,
        %get3A_740 = arith.index_cast %scan3A_729 : i32 to index
        %get3A_741 = arith.constant 32 : index
        %get3A_742 = tpu.vector_load %arg9[%get3A_740, %get3A_741] {strides = array<i32>} : memref<128x64xf32, #tpu.memory_space<vmem>>, vector<16xf32>,
        tpu.vector_store_idx %arg15[%shift_right_arithmetic3A_17, %and3A_40, %add3A_733], %get3A_742 : memref<8x8x129xf32, #tpu.memory_space<vmem>>[vector<16xi32>, vector<16xi32>, vector<16xi32>], vector<16xf32>,
        %get3A_743 = arith.index_cast %scan3A_729 : i32 to index
        %get3A_744 = arith.constant 48 : index
        %get3A_745 = tpu.vector_load %arg9[%get3A_743, %get3A_744] {strides = array<i32>} : memref<128x64xf32, #tpu.memory_space<vmem>>, vector<16xf32>,
        tpu.vector_store_idx %arg15[%shift_right_arithmetic3A_23, %and3A_46, %add3A_733], %get3A_745 : memref<8x8x129xf32, #tpu.memory_space<vmem>>[vector<16xi32>, vector<16xi32>, vector<16xi32>], vector<16xf32>,
        %scan3A_746 = arith.constant 4 : i32
        %scan3A_747 = arith.addi %scan3A_677, %scan3A_746 : i32
        %broadcast_in_dim3A_748 = arith.constant 0 : i32
        %broadcast_in_dim3A_749 = vector.broadcast %broadcast_in_dim3A_748 : i32 to vector<16xi32>
        %add3A_750 = vector.broadcast %scan3A_747 : i32 to vector<16xi32>
        %add3A_751 = arith.addi %broadcast_in_dim3A_749, %add3A_750 : vector<16xi32>
        %get3A_752 = arith.index_cast %scan3A_747 : i32 to index
        %get3A_753 = arith.constant 0 : index
        %get3A_754 = tpu.vector_load %arg9[%get3A_752, %get3A_753] {strides = array<i32>} : memref<128x64xf32, #tpu.memory_space<vmem>>, vector<16xf32>,
        tpu.vector_store_idx %arg15[%shift_right_arithmetic3A_5, %and3A_28, %add3A_751], %get3A_754 : memref<8x8x129xf32, #tpu.memory_space<vmem>>[vector<16xi32>, vector<16xi32>, vector<16xi32>], vector<16xf32>,
        %get3A_755 = arith.index_cast %scan3A_747 : i32 to index
        %get3A_756 = arith.constant 16 : index
        %get3A_757 = tpu.vector_load %arg9[%get3A_755, %get3A_756] {strides = array<i32>} : memref<128x64xf32, #tpu.memory_space<vmem>>, vector<16xf32>,
        tpu.vector_store_idx %arg15[%shift_right_arithmetic3A_11, %and3A_34, %add3A_751], %get3A_757 : memref<8x8x129xf32, #tpu.memory_space<vmem>>[vector<16xi32>, vector<16xi32>, vector<16xi32>], vector<16xf32>,
        %get3A_758 = arith.index_cast %scan3A_747 : i32 to index
        %get3A_759 = arith.constant 32 : index
        %get3A_760 = tpu.vector_load %arg9[%get3A_758, %get3A_759] {strides = array<i32>} : memref<128x64xf32, #tpu.memory_space<vmem>>, vector<16xf32>,
        tpu.vector_store_idx %arg15[%shift_right_arithmetic3A_17, %and3A_40, %add3A_751], %get3A_760 : memref<8x8x129xf32, #tpu.memory_space<vmem>>[vector<16xi32>, vector<16xi32>, vector<16xi32>], vector<16xf32>,
        %get3A_761 = arith.index_cast %scan3A_747 : i32 to index
        %get3A_762 = arith.constant 48 : index
        %get3A_763 = tpu.vector_load %arg9[%get3A_761, %get3A_762] {strides = array<i32>} : memref<128x64xf32, #tpu.memory_space<vmem>>, vector<16xf32>,
        tpu.vector_store_idx %arg15[%shift_right_arithmetic3A_23, %and3A_46, %add3A_751], %get3A_763 : memref<8x8x129xf32, #tpu.memory_space<vmem>>[vector<16xi32>, vector<16xi32>, vector<16xi32>], vector<16xf32>,
        %scan3A_764 = arith.constant 5 : i32
        %scan3A_765 = arith.addi %scan3A_677, %scan3A_764 : i32
        %broadcast_in_dim3A_766 = arith.constant 0 : i32
        %broadcast_in_dim3A_767 = vector.broadcast %broadcast_in_dim3A_766 : i32 to vector<16xi32>
        %add3A_768 = vector.broadcast %scan3A_765 : i32 to vector<16xi32>
        %add3A_769 = arith.addi %broadcast_in_dim3A_767, %add3A_768 : vector<16xi32>
        %get3A_770 = arith.index_cast %scan3A_765 : i32 to index
        %get3A_771 = arith.constant 0 : index
        %get3A_772 = tpu.vector_load %arg9[%get3A_770, %get3A_771] {strides = array<i32>} : memref<128x64xf32, #tpu.memory_space<vmem>>, vector<16xf32>,
        tpu.vector_store_idx %arg15[%shift_right_arithmetic3A_5, %and3A_28, %add3A_769], %get3A_772 : memref<8x8x129xf32, #tpu.memory_space<vmem>>[vector<16xi32>, vector<16xi32>, vector<16xi32>], vector<16xf32>,
        %get3A_773 = arith.index_cast %scan3A_765 : i32 to index
        %get3A_774 = arith.constant 16 : index
        %get3A_775 = tpu.vector_load %arg9[%get3A_773, %get3A_774] {strides = array<i32>} : memref<128x64xf32, #tpu.memory_space<vmem>>, vector<16xf32>,
        tpu.vector_store_idx %arg15[%shift_right_arithmetic3A_11, %and3A_34, %add3A_769], %get3A_775 : memref<8x8x129xf32, #tpu.memory_space<vmem>>[vector<16xi32>, vector<16xi32>, vector<16xi32>], vector<16xf32>,
        %get3A_776 = arith.index_cast %scan3A_765 : i32 to index
        %get3A_777 = arith.constant 32 : index
        %get3A_778 = tpu.vector_load %arg9[%get3A_776, %get3A_777] {strides = array<i32>} : memref<128x64xf32, #tpu.memory_space<vmem>>, vector<16xf32>,
        tpu.vector_store_idx %arg15[%shift_right_arithmetic3A_17, %and3A_40, %add3A_769], %get3A_778 : memref<8x8x129xf32, #tpu.memory_space<vmem>>[vector<16xi32>, vector<16xi32>, vector<16xi32>], vector<16xf32>,
        %get3A_779 = arith.index_cast %scan3A_765 : i32 to index
        %get3A_780 = arith.constant 48 : index
        %get3A_781 = tpu.vector_load %arg9[%get3A_779, %get3A_780] {strides = array<i32>} : memref<128x64xf32, #tpu.memory_space<vmem>>, vector<16xf32>,
        tpu.vector_store_idx %arg15[%shift_right_arithmetic3A_23, %and3A_46, %add3A_769], %get3A_781 : memref<8x8x129xf32, #tpu.memory_space<vmem>>[vector<16xi32>, vector<16xi32>, vector<16xi32>], vector<16xf32>,
        %scan3A_782 = arith.constant 6 : i32
        %scan3A_783 = arith.addi %scan3A_677, %scan3A_782 : i32
        %broadcast_in_dim3A_784 = arith.constant 0 : i32
        %broadcast_in_dim3A_785 = vector.broadcast %broadcast_in_dim3A_784 : i32 to vector<16xi32>
        %add3A_786 = vector.broadcast %scan3A_783 : i32 to vector<16xi32>
        %add3A_787 = arith.addi %broadcast_in_dim3A_785, %add3A_786 : vector<16xi32>
        %get3A_788 = arith.index_cast %scan3A_783 : i32 to index
        %get3A_789 = arith.constant 0 : index
        %get3A_790 = tpu.vector_load %arg9[%get3A_788, %get3A_789] {strides = array<i32>} : memref<128x64xf32, #tpu.memory_space<vmem>>, vector<16xf32>,
        tpu.vector_store_idx %arg15[%shift_right_arithmetic3A_5, %and3A_28, %add3A_787], %get3A_790 : memref<8x8x129xf32, #tpu.memory_space<vmem>>[vector<16xi32>, vector<16xi32>, vector<16xi32>], vector<16xf32>,
        %get3A_791 = arith.index_cast %scan3A_783 : i32 to index
        %get3A_792 = arith.constant 16 : index
        %get3A_793 = tpu.vector_load %arg9[%get3A_791, %get3A_792] {strides = array<i32>} : memref<128x64xf32, #tpu.memory_space<vmem>>, vector<16xf32>,
        tpu.vector_store_idx %arg15[%shift_right_arithmetic3A_11, %and3A_34, %add3A_787], %get3A_793 : memref<8x8x129xf32, #tpu.memory_space<vmem>>[vector<16xi32>, vector<16xi32>, vector<16xi32>], vector<16xf32>,
        %get3A_794 = arith.index_cast %scan3A_783 : i32 to index
        %get3A_795 = arith.constant 32 : index
        %get3A_796 = tpu.vector_load %arg9[%get3A_794, %get3A_795] {strides = array<i32>} : memref<128x64xf32, #tpu.memory_space<vmem>>, vector<16xf32>,
        tpu.vector_store_idx %arg15[%shift_right_arithmetic3A_17, %and3A_40, %add3A_787], %get3A_796 : memref<8x8x129xf32, #tpu.memory_space<vmem>>[vector<16xi32>, vector<16xi32>, vector<16xi32>], vector<16xf32>,
        %get3A_797 = arith.index_cast %scan3A_783 : i32 to index
        %get3A_798 = arith.constant 48 : index
        %get3A_799 = tpu.vector_load %arg9[%get3A_797, %get3A_798] {strides = array<i32>} : memref<128x64xf32, #tpu.memory_space<vmem>>, vector<16xf32>,
        tpu.vector_store_idx %arg15[%shift_right_arithmetic3A_23, %and3A_46, %add3A_787], %get3A_799 : memref<8x8x129xf32, #tpu.memory_space<vmem>>[vector<16xi32>, vector<16xi32>, vector<16xi32>], vector<16xf32>,
        %scan3A_800 = arith.constant 7 : i32
        %scan3A_801 = arith.addi %scan3A_677, %scan3A_800 : i32
        %broadcast_in_dim3A_802 = arith.constant 0 : i32
        %broadcast_in_dim3A_803 = vector.broadcast %broadcast_in_dim3A_802 : i32 to vector<16xi32>
        %add3A_804 = vector.broadcast %scan3A_801 : i32 to vector<16xi32>
        %add3A_805 = arith.addi %broadcast_in_dim3A_803, %add3A_804 : vector<16xi32>
        %get3A_806 = arith.index_cast %scan3A_801 : i32 to index
        %get3A_807 = arith.constant 0 : index
        %get3A_808 = tpu.vector_load %arg9[%get3A_806, %get3A_807] {strides = array<i32>} : memref<128x64xf32, #tpu.memory_space<vmem>>, vector<16xf32>,
        tpu.vector_store_idx %arg15[%shift_right_arithmetic3A_5, %and3A_28, %add3A_805], %get3A_808 : memref<8x8x129xf32, #tpu.memory_space<vmem>>[vector<16xi32>, vector<16xi32>, vector<16xi32>], vector<16xf32>,
        %get3A_809 = arith.index_cast %scan3A_801 : i32 to index
        %get3A_810 = arith.constant 16 : index
        %get3A_811 = tpu.vector_load %arg9[%get3A_809, %get3A_810] {strides = array<i32>} : memref<128x64xf32, #tpu.memory_space<vmem>>, vector<16xf32>,
        tpu.vector_store_idx %arg15[%shift_right_arithmetic3A_11, %and3A_34, %add3A_805], %get3A_811 : memref<8x8x129xf32, #tpu.memory_space<vmem>>[vector<16xi32>, vector<16xi32>, vector<16xi32>], vector<16xf32>,
        %get3A_812 = arith.index_cast %scan3A_801 : i32 to index
        %get3A_813 = arith.constant 32 : index
        %get3A_814 = tpu.vector_load %arg9[%get3A_812, %get3A_813] {strides = array<i32>} : memref<128x64xf32, #tpu.memory_space<vmem>>, vector<16xf32>,
        tpu.vector_store_idx %arg15[%shift_right_arithmetic3A_17, %and3A_40, %add3A_805], %get3A_814 : memref<8x8x129xf32, #tpu.memory_space<vmem>>[vector<16xi32>, vector<16xi32>, vector<16xi32>], vector<16xf32>,
        %get3A_815 = arith.index_cast %scan3A_801 : i32 to index
        %get3A_816 = arith.constant 48 : index
        %get3A_817 = tpu.vector_load %arg9[%get3A_815, %get3A_816] {strides = array<i32>} : memref<128x64xf32, #tpu.memory_space<vmem>>, vector<16xf32>,
        tpu.vector_store_idx %arg15[%shift_right_arithmetic3A_23, %and3A_46, %add3A_805], %get3A_817 : memref<8x8x129xf32, #tpu.memory_space<vmem>>[vector<16xi32>, vector<16xi32>, vector<16xi32>], vector<16xf32>,
      }
      %scan3A_577 = arith.constant 128 : i32
      %gt3A_578 = arith.constant 0 : i32
      %gt3A_579 = arith.cmpi sgt, %scan3A_165, %gt3A_578 : i32
      %convert_element_type3A_580 = arith.extui %gt3A_579 : i1 to i32
      %cond3A_581 = arith.constant 0 : i32
      %cond3A_582 = arith.cmpi ne, %convert_element_type3A_580, %cond3A_581 : i32
      scf.if %cond3A_582 {
        %dma_wait3A_677 = arith.constant 0 : i32
        %dma_wait3A_678 = arith.constant 0 : i32
        %dma_wait3A_679 = arith.constant 0 : i32
        %dma_wait3A_680 = arith.constant 0 : i32
        %dma_wait3A_681 = tpu.memref_slice %arg15[%dma_wait3A_678, %dma_wait3A_679, %dma_wait3A_680] : memref<8x8x129xf32, #tpu.memory_space<vmem>> -> memref<8x8x128xf32, #tpu.memory_space<vmem>>
        %dma_wait3A_682 = arith.constant 0 : i32
        %dma_wait3A_683 = arith.constant 0 : i32
        %dma_wait3A_684 = arith.constant 0 : i32
        %dma_wait3A_685 = tpu.memref_slice %arg4[%dma_wait3A_677, %dma_wait3A_682, %add3A, %dma_wait3A_683, %dma_wait3A_684] : memref<200x8x32x8x128xf32, #tpu.memory_space<hbm>> -> memref<1x8x1x8x128xf32, #tpu.memory_space<hbm>>
        %dma_wait3A_686 = tpu.memref_squeeze %dma_wait3A_685 : memref<1x8x1x8x128xf32, #tpu.memory_space<hbm>> -> memref<8x8x128xf32, #tpu.memory_space<hbm>>
        %dma_wait3A_687 = arith.constant 0 : i32
        %dma_wait3A_688 = arith.constant 0 : i32
        %dma_wait3A_689 = arith.constant 0 : i32
        %dma_wait3A_690 = tpu.memref_slice %arg15[%dma_wait3A_687, %dma_wait3A_688, %dma_wait3A_689] : memref<8x8x129xf32, #tpu.memory_space<vmem>> -> memref<8x8x128xf32, #tpu.memory_space<vmem>>
        %dma_wait3A_691 = arith.constant 0 : i32
        %dma_wait3A_692 = arith.constant 0 : i32
        %dma_wait3A_693 = arith.constant 0 : i32
        %dma_wait3A_694 = tpu.memref_slice %arg4[%dma_wait3A_677, %dma_wait3A_691, %add3A, %dma_wait3A_692, %dma_wait3A_693] : memref<200x8x32x8x128xf32, #tpu.memory_space<hbm>> -> memref<1x8x1x8x128xf32, #tpu.memory_space<hbm>>
        %dma_wait3A_695 = tpu.memref_squeeze %dma_wait3A_694 : memref<1x8x1x8x128xf32, #tpu.memory_space<hbm>> -> memref<8x8x128xf32, #tpu.memory_space<hbm>>
        tpu.wait_dma2 semaphore(%arg19 : memref<!tpu.dma_semaphore, #tpu.memory_space<semaphore_mem>>) src(%dma_wait3A_695 : memref<8x8x128xf32, #tpu.memory_space<hbm>>) dst(%dma_wait3A_690 : memref<8x8x128xf32, #tpu.memory_space<vmem>>)
      } else {
      }
      %add3A_583 = arith.constant 3 : i32
      %add3A_584 = arith.addi %mul3A_167, %add3A_583 : i32
      %dma_start3A_585 = arith.constant 0 : i32
      %dma_start3A_586 = arith.constant 0 : i32
      %dma_start3A_587 = arith.constant 0 : i32
      %dma_start3A_588 = tpu.memref_slice %arg15[%dma_start3A_585, %dma_start3A_586, %dma_start3A_587] : memref<8x8x129xf32, #tpu.memory_space<vmem>> -> memref<8x8x128xf32, #tpu.memory_space<vmem>>
      %dma_start3A_589 = arith.constant 0 : i32
      %dma_start3A_590 = arith.constant 0 : i32
      %dma_start3A_591 = arith.constant 0 : i32
      %dma_start3A_592 = tpu.memref_slice %arg4[%add3A_584, %dma_start3A_589, %add3A, %dma_start3A_590, %dma_start3A_591] : memref<200x8x32x8x128xf32, #tpu.memory_space<hbm>> -> memref<1x8x1x8x128xf32, #tpu.memory_space<hbm>>
      %dma_start3A_593 = tpu.memref_squeeze %dma_start3A_592 : memref<1x8x1x8x128xf32, #tpu.memory_space<hbm>> -> memref<8x8x128xf32, #tpu.memory_space<hbm>>
      %dma_start3A_594 = arith.constant 0 : i32
      %dma_start3A_595 = arith.constant 0 : i32
      %dma_start3A_596 = arith.constant 0 : i32
      %dma_start3A_597 = tpu.memref_slice %arg4[%add3A_584, %dma_start3A_594, %add3A, %dma_start3A_595, %dma_start3A_596] : memref<200x8x32x8x128xf32, #tpu.memory_space<hbm>> -> memref<1x8x1x8x128xf32, #tpu.memory_space<hbm>>
      %dma_start3A_598 = tpu.memref_squeeze %dma_start3A_597 : memref<1x8x1x8x128xf32, #tpu.memory_space<hbm>> -> memref<8x8x128xf32, #tpu.memory_space<hbm>>
      %dma_start3A_599 = arith.constant 0 : i32
      %dma_start3A_600 = arith.constant 0 : i32
      %dma_start3A_601 = arith.constant 0 : i32
      %dma_start3A_602 = tpu.memref_slice %arg15[%dma_start3A_599, %dma_start3A_600, %dma_start3A_601] : memref<8x8x129xf32, #tpu.memory_space<vmem>> -> memref<8x8x128xf32, #tpu.memory_space<vmem>>
      tpu.enqueue_dma source(%dma_start3A_602 : memref<8x8x128xf32, #tpu.memory_space<vmem>>) target(%dma_start3A_598 : memref<8x8x128xf32, #tpu.memory_space<hbm>>) target_semaphore(%arg19 : memref<!tpu.dma_semaphore, #tpu.memory_space<semaphore_mem>>)
      %dma_wait3A_603 = arith.constant 0 : i32
      %dma_wait3A_604 = tpu.memref_slice %arg5[%select_n3A_383, %select_n3A_401, %dma_wait3A_603] : memref<25x8x128xi32, #tpu.memory_space<vmem>> -> memref<1x1x128xi32, #tpu.memory_space<vmem>>
      %dma_wait3A_605 = tpu.memref_squeeze %dma_wait3A_604 : memref<1x1x128xi32, #tpu.memory_space<vmem>> -> memref<128xi32, #tpu.memory_space<vmem>>
      %dma_wait3A_606 = arith.constant 0 : i32
      %dma_wait3A_607 = arith.constant 0 : i32
      %dma_wait3A_608 = tpu.memref_slice %arg2[%dma_wait3A_606, %dma_wait3A_607] : memref<2000000x64xf32, #tpu.memory_space<hbm>> -> memref<2000000x64xf32, #tpu.memory_space<hbm>>
      tpu.wait_indirect_dma semaphore(%arg18 : memref<!tpu.dma_semaphore, #tpu.memory_space<semaphore_mem>>) src(%dma_wait3A_608 : memref<2000000x64xf32, #tpu.memory_space<hbm>>) dst(%arg10 : memref<128x64xf32, #tpu.memory_space<vmem>>)
      %scan3A_609 = arith.constant 0 : i32
      %scan3A_610 = arith.constant 0 : i32
      %scan3A_611 = arith.constant 128 : i32
      %scan3A_612 = arith.addi %scan3A_610, %scan3A_611 : i32
      %scan3A_613 = arith.constant 8 : i32
      scf.for %scan3A_677 = %scan3A_610 to %scan3A_612 step %scan3A_613  : i32 {
        %broadcast_in_dim3A = arith.constant 0 : i32
        %broadcast_in_dim3A_678 = vector.broadcast %broadcast_in_dim3A : i32 to vector<16xi32>
        %add3A_679 = vector.broadcast %scan3A_677 : i32 to vector<16xi32>
        %add3A_680 = arith.addi %broadcast_in_dim3A_678, %add3A_679 : vector<16xi32>
        %get3A = arith.index_cast %scan3A_677 : i32 to index
        %get3A_681 = arith.constant 0 : index
        %get3A_682 = tpu.vector_load %arg10[%get3A, %get3A_681] {strides = array<i32>} : memref<128x64xf32, #tpu.memory_space<vmem>>, vector<16xf32>,
        tpu.vector_store_idx %arg16[%shift_right_arithmetic3A_5, %and3A_28, %add3A_680], %get3A_682 : memref<8x8x129xf32, #tpu.memory_space<vmem>>[vector<16xi32>, vector<16xi32>, vector<16xi32>], vector<16xf32>,
        %get3A_683 = arith.index_cast %scan3A_677 : i32 to index
        %get3A_684 = arith.constant 16 : index
        %get3A_685 = tpu.vector_load %arg10[%get3A_683, %get3A_684] {strides = array<i32>} : memref<128x64xf32, #tpu.memory_space<vmem>>, vector<16xf32>,
        tpu.vector_store_idx %arg16[%shift_right_arithmetic3A_11, %and3A_34, %add3A_680], %get3A_685 : memref<8x8x129xf32, #tpu.memory_space<vmem>>[vector<16xi32>, vector<16xi32>, vector<16xi32>], vector<16xf32>,
        %get3A_686 = arith.index_cast %scan3A_677 : i32 to index
        %get3A_687 = arith.constant 32 : index
        %get3A_688 = tpu.vector_load %arg10[%get3A_686, %get3A_687] {strides = array<i32>} : memref<128x64xf32, #tpu.memory_space<vmem>>, vector<16xf32>,
        tpu.vector_store_idx %arg16[%shift_right_arithmetic3A_17, %and3A_40, %add3A_680], %get3A_688 : memref<8x8x129xf32, #tpu.memory_space<vmem>>[vector<16xi32>, vector<16xi32>, vector<16xi32>], vector<16xf32>,
        %get3A_689 = arith.index_cast %scan3A_677 : i32 to index
        %get3A_690 = arith.constant 48 : index
        %get3A_691 = tpu.vector_load %arg10[%get3A_689, %get3A_690] {strides = array<i32>} : memref<128x64xf32, #tpu.memory_space<vmem>>, vector<16xf32>,
        tpu.vector_store_idx %arg16[%shift_right_arithmetic3A_23, %and3A_46, %add3A_680], %get3A_691 : memref<8x8x129xf32, #tpu.memory_space<vmem>>[vector<16xi32>, vector<16xi32>, vector<16xi32>], vector<16xf32>,
        %scan3A_692 = arith.constant 1 : i32
        %scan3A_693 = arith.addi %scan3A_677, %scan3A_692 : i32
        %broadcast_in_dim3A_694 = arith.constant 0 : i32
        %broadcast_in_dim3A_695 = vector.broadcast %broadcast_in_dim3A_694 : i32 to vector<16xi32>
        %add3A_696 = vector.broadcast %scan3A_693 : i32 to vector<16xi32>
        %add3A_697 = arith.addi %broadcast_in_dim3A_695, %add3A_696 : vector<16xi32>
        %get3A_698 = arith.index_cast %scan3A_693 : i32 to index
        %get3A_699 = arith.constant 0 : index
        %get3A_700 = tpu.vector_load %arg10[%get3A_698, %get3A_699] {strides = array<i32>} : memref<128x64xf32, #tpu.memory_space<vmem>>, vector<16xf32>,
        tpu.vector_store_idx %arg16[%shift_right_arithmetic3A_5, %and3A_28, %add3A_697], %get3A_700 : memref<8x8x129xf32, #tpu.memory_space<vmem>>[vector<16xi32>, vector<16xi32>, vector<16xi32>], vector<16xf32>,
        %get3A_701 = arith.index_cast %scan3A_693 : i32 to index
        %get3A_702 = arith.constant 16 : index
        %get3A_703 = tpu.vector_load %arg10[%get3A_701, %get3A_702] {strides = array<i32>} : memref<128x64xf32, #tpu.memory_space<vmem>>, vector<16xf32>,
        tpu.vector_store_idx %arg16[%shift_right_arithmetic3A_11, %and3A_34, %add3A_697], %get3A_703 : memref<8x8x129xf32, #tpu.memory_space<vmem>>[vector<16xi32>, vector<16xi32>, vector<16xi32>], vector<16xf32>,
        %get3A_704 = arith.index_cast %scan3A_693 : i32 to index
        %get3A_705 = arith.constant 32 : index
        %get3A_706 = tpu.vector_load %arg10[%get3A_704, %get3A_705] {strides = array<i32>} : memref<128x64xf32, #tpu.memory_space<vmem>>, vector<16xf32>,
        tpu.vector_store_idx %arg16[%shift_right_arithmetic3A_17, %and3A_40, %add3A_697], %get3A_706 : memref<8x8x129xf32, #tpu.memory_space<vmem>>[vector<16xi32>, vector<16xi32>, vector<16xi32>], vector<16xf32>,
        %get3A_707 = arith.index_cast %scan3A_693 : i32 to index
        %get3A_708 = arith.constant 48 : index
        %get3A_709 = tpu.vector_load %arg10[%get3A_707, %get3A_708] {strides = array<i32>} : memref<128x64xf32, #tpu.memory_space<vmem>>, vector<16xf32>,
        tpu.vector_store_idx %arg16[%shift_right_arithmetic3A_23, %and3A_46, %add3A_697], %get3A_709 : memref<8x8x129xf32, #tpu.memory_space<vmem>>[vector<16xi32>, vector<16xi32>, vector<16xi32>], vector<16xf32>,
        %scan3A_710 = arith.constant 2 : i32
        %scan3A_711 = arith.addi %scan3A_677, %scan3A_710 : i32
        %broadcast_in_dim3A_712 = arith.constant 0 : i32
        %broadcast_in_dim3A_713 = vector.broadcast %broadcast_in_dim3A_712 : i32 to vector<16xi32>
        %add3A_714 = vector.broadcast %scan3A_711 : i32 to vector<16xi32>
        %add3A_715 = arith.addi %broadcast_in_dim3A_713, %add3A_714 : vector<16xi32>
        %get3A_716 = arith.index_cast %scan3A_711 : i32 to index
        %get3A_717 = arith.constant 0 : index
        %get3A_718 = tpu.vector_load %arg10[%get3A_716, %get3A_717] {strides = array<i32>} : memref<128x64xf32, #tpu.memory_space<vmem>>, vector<16xf32>,
        tpu.vector_store_idx %arg16[%shift_right_arithmetic3A_5, %and3A_28, %add3A_715], %get3A_718 : memref<8x8x129xf32, #tpu.memory_space<vmem>>[vector<16xi32>, vector<16xi32>, vector<16xi32>], vector<16xf32>,
        %get3A_719 = arith.index_cast %scan3A_711 : i32 to index
        %get3A_720 = arith.constant 16 : index
        %get3A_721 = tpu.vector_load %arg10[%get3A_719, %get3A_720] {strides = array<i32>} : memref<128x64xf32, #tpu.memory_space<vmem>>, vector<16xf32>,
        tpu.vector_store_idx %arg16[%shift_right_arithmetic3A_11, %and3A_34, %add3A_715], %get3A_721 : memref<8x8x129xf32, #tpu.memory_space<vmem>>[vector<16xi32>, vector<16xi32>, vector<16xi32>], vector<16xf32>,
        %get3A_722 = arith.index_cast %scan3A_711 : i32 to index
        %get3A_723 = arith.constant 32 : index
        %get3A_724 = tpu.vector_load %arg10[%get3A_722, %get3A_723] {strides = array<i32>} : memref<128x64xf32, #tpu.memory_space<vmem>>, vector<16xf32>,
        tpu.vector_store_idx %arg16[%shift_right_arithmetic3A_17, %and3A_40, %add3A_715], %get3A_724 : memref<8x8x129xf32, #tpu.memory_space<vmem>>[vector<16xi32>, vector<16xi32>, vector<16xi32>], vector<16xf32>,
        %get3A_725 = arith.index_cast %scan3A_711 : i32 to index
        %get3A_726 = arith.constant 48 : index
        %get3A_727 = tpu.vector_load %arg10[%get3A_725, %get3A_726] {strides = array<i32>} : memref<128x64xf32, #tpu.memory_space<vmem>>, vector<16xf32>,
        tpu.vector_store_idx %arg16[%shift_right_arithmetic3A_23, %and3A_46, %add3A_715], %get3A_727 : memref<8x8x129xf32, #tpu.memory_space<vmem>>[vector<16xi32>, vector<16xi32>, vector<16xi32>], vector<16xf32>,
        %scan3A_728 = arith.constant 3 : i32
        %scan3A_729 = arith.addi %scan3A_677, %scan3A_728 : i32
        %broadcast_in_dim3A_730 = arith.constant 0 : i32
        %broadcast_in_dim3A_731 = vector.broadcast %broadcast_in_dim3A_730 : i32 to vector<16xi32>
        %add3A_732 = vector.broadcast %scan3A_729 : i32 to vector<16xi32>
        %add3A_733 = arith.addi %broadcast_in_dim3A_731, %add3A_732 : vector<16xi32>
        %get3A_734 = arith.index_cast %scan3A_729 : i32 to index
        %get3A_735 = arith.constant 0 : index
        %get3A_736 = tpu.vector_load %arg10[%get3A_734, %get3A_735] {strides = array<i32>} : memref<128x64xf32, #tpu.memory_space<vmem>>, vector<16xf32>,
        tpu.vector_store_idx %arg16[%shift_right_arithmetic3A_5, %and3A_28, %add3A_733], %get3A_736 : memref<8x8x129xf32, #tpu.memory_space<vmem>>[vector<16xi32>, vector<16xi32>, vector<16xi32>], vector<16xf32>,
        %get3A_737 = arith.index_cast %scan3A_729 : i32 to index
        %get3A_738 = arith.constant 16 : index
        %get3A_739 = tpu.vector_load %arg10[%get3A_737, %get3A_738] {strides = array<i32>} : memref<128x64xf32, #tpu.memory_space<vmem>>, vector<16xf32>,
        tpu.vector_store_idx %arg16[%shift_right_arithmetic3A_11, %and3A_34, %add3A_733], %get3A_739 : memref<8x8x129xf32, #tpu.memory_space<vmem>>[vector<16xi32>, vector<16xi32>, vector<16xi32>], vector<16xf32>,
        %get3A_740 = arith.index_cast %scan3A_729 : i32 to index
        %get3A_741 = arith.constant 32 : index
        %get3A_742 = tpu.vector_load %arg10[%get3A_740, %get3A_741] {strides = array<i32>} : memref<128x64xf32, #tpu.memory_space<vmem>>, vector<16xf32>,
        tpu.vector_store_idx %arg16[%shift_right_arithmetic3A_17, %and3A_40, %add3A_733], %get3A_742 : memref<8x8x129xf32, #tpu.memory_space<vmem>>[vector<16xi32>, vector<16xi32>, vector<16xi32>], vector<16xf32>,
        %get3A_743 = arith.index_cast %scan3A_729 : i32 to index
        %get3A_744 = arith.constant 48 : index
        %get3A_745 = tpu.vector_load %arg10[%get3A_743, %get3A_744] {strides = array<i32>} : memref<128x64xf32, #tpu.memory_space<vmem>>, vector<16xf32>,
        tpu.vector_store_idx %arg16[%shift_right_arithmetic3A_23, %and3A_46, %add3A_733], %get3A_745 : memref<8x8x129xf32, #tpu.memory_space<vmem>>[vector<16xi32>, vector<16xi32>, vector<16xi32>], vector<16xf32>,
        %scan3A_746 = arith.constant 4 : i32
        %scan3A_747 = arith.addi %scan3A_677, %scan3A_746 : i32
        %broadcast_in_dim3A_748 = arith.constant 0 : i32
        %broadcast_in_dim3A_749 = vector.broadcast %broadcast_in_dim3A_748 : i32 to vector<16xi32>
        %add3A_750 = vector.broadcast %scan3A_747 : i32 to vector<16xi32>
        %add3A_751 = arith.addi %broadcast_in_dim3A_749, %add3A_750 : vector<16xi32>
        %get3A_752 = arith.index_cast %scan3A_747 : i32 to index
        %get3A_753 = arith.constant 0 : index
        %get3A_754 = tpu.vector_load %arg10[%get3A_752, %get3A_753] {strides = array<i32>} : memref<128x64xf32, #tpu.memory_space<vmem>>, vector<16xf32>,
        tpu.vector_store_idx %arg16[%shift_right_arithmetic3A_5, %and3A_28, %add3A_751], %get3A_754 : memref<8x8x129xf32, #tpu.memory_space<vmem>>[vector<16xi32>, vector<16xi32>, vector<16xi32>], vector<16xf32>,
        %get3A_755 = arith.index_cast %scan3A_747 : i32 to index
        %get3A_756 = arith.constant 16 : index
        %get3A_757 = tpu.vector_load %arg10[%get3A_755, %get3A_756] {strides = array<i32>} : memref<128x64xf32, #tpu.memory_space<vmem>>, vector<16xf32>,
        tpu.vector_store_idx %arg16[%shift_right_arithmetic3A_11, %and3A_34, %add3A_751], %get3A_757 : memref<8x8x129xf32, #tpu.memory_space<vmem>>[vector<16xi32>, vector<16xi32>, vector<16xi32>], vector<16xf32>,
        %get3A_758 = arith.index_cast %scan3A_747 : i32 to index
        %get3A_759 = arith.constant 32 : index
        %get3A_760 = tpu.vector_load %arg10[%get3A_758, %get3A_759] {strides = array<i32>} : memref<128x64xf32, #tpu.memory_space<vmem>>, vector<16xf32>,
        tpu.vector_store_idx %arg16[%shift_right_arithmetic3A_17, %and3A_40, %add3A_751], %get3A_760 : memref<8x8x129xf32, #tpu.memory_space<vmem>>[vector<16xi32>, vector<16xi32>, vector<16xi32>], vector<16xf32>,
        %get3A_761 = arith.index_cast %scan3A_747 : i32 to index
        %get3A_762 = arith.constant 48 : index
        %get3A_763 = tpu.vector_load %arg10[%get3A_761, %get3A_762] {strides = array<i32>} : memref<128x64xf32, #tpu.memory_space<vmem>>, vector<16xf32>,
        tpu.vector_store_idx %arg16[%shift_right_arithmetic3A_23, %and3A_46, %add3A_751], %get3A_763 : memref<8x8x129xf32, #tpu.memory_space<vmem>>[vector<16xi32>, vector<16xi32>, vector<16xi32>], vector<16xf32>,
        %scan3A_764 = arith.constant 5 : i32
        %scan3A_765 = arith.addi %scan3A_677, %scan3A_764 : i32
        %broadcast_in_dim3A_766 = arith.constant 0 : i32
        %broadcast_in_dim3A_767 = vector.broadcast %broadcast_in_dim3A_766 : i32 to vector<16xi32>
        %add3A_768 = vector.broadcast %scan3A_765 : i32 to vector<16xi32>
        %add3A_769 = arith.addi %broadcast_in_dim3A_767, %add3A_768 : vector<16xi32>
        %get3A_770 = arith.index_cast %scan3A_765 : i32 to index
        %get3A_771 = arith.constant 0 : index
        %get3A_772 = tpu.vector_load %arg10[%get3A_770, %get3A_771] {strides = array<i32>} : memref<128x64xf32, #tpu.memory_space<vmem>>, vector<16xf32>,
        tpu.vector_store_idx %arg16[%shift_right_arithmetic3A_5, %and3A_28, %add3A_769], %get3A_772 : memref<8x8x129xf32, #tpu.memory_space<vmem>>[vector<16xi32>, vector<16xi32>, vector<16xi32>], vector<16xf32>,
        %get3A_773 = arith.index_cast %scan3A_765 : i32 to index
        %get3A_774 = arith.constant 16 : index
        %get3A_775 = tpu.vector_load %arg10[%get3A_773, %get3A_774] {strides = array<i32>} : memref<128x64xf32, #tpu.memory_space<vmem>>, vector<16xf32>,
        tpu.vector_store_idx %arg16[%shift_right_arithmetic3A_11, %and3A_34, %add3A_769], %get3A_775 : memref<8x8x129xf32, #tpu.memory_space<vmem>>[vector<16xi32>, vector<16xi32>, vector<16xi32>], vector<16xf32>,
        %get3A_776 = arith.index_cast %scan3A_765 : i32 to index
        %get3A_777 = arith.constant 32 : index
        %get3A_778 = tpu.vector_load %arg10[%get3A_776, %get3A_777] {strides = array<i32>} : memref<128x64xf32, #tpu.memory_space<vmem>>, vector<16xf32>,
        tpu.vector_store_idx %arg16[%shift_right_arithmetic3A_17, %and3A_40, %add3A_769], %get3A_778 : memref<8x8x129xf32, #tpu.memory_space<vmem>>[vector<16xi32>, vector<16xi32>, vector<16xi32>], vector<16xf32>,
        %get3A_779 = arith.index_cast %scan3A_765 : i32 to index
        %get3A_780 = arith.constant 48 : index
        %get3A_781 = tpu.vector_load %arg10[%get3A_779, %get3A_780] {strides = array<i32>} : memref<128x64xf32, #tpu.memory_space<vmem>>, vector<16xf32>,
        tpu.vector_store_idx %arg16[%shift_right_arithmetic3A_23, %and3A_46, %add3A_769], %get3A_781 : memref<8x8x129xf32, #tpu.memory_space<vmem>>[vector<16xi32>, vector<16xi32>, vector<16xi32>], vector<16xf32>,
        %scan3A_782 = arith.constant 6 : i32
        %scan3A_783 = arith.addi %scan3A_677, %scan3A_782 : i32
        %broadcast_in_dim3A_784 = arith.constant 0 : i32
        %broadcast_in_dim3A_785 = vector.broadcast %broadcast_in_dim3A_784 : i32 to vector<16xi32>
        %add3A_786 = vector.broadcast %scan3A_783 : i32 to vector<16xi32>
        %add3A_787 = arith.addi %broadcast_in_dim3A_785, %add3A_786 : vector<16xi32>
        %get3A_788 = arith.index_cast %scan3A_783 : i32 to index
        %get3A_789 = arith.constant 0 : index
        %get3A_790 = tpu.vector_load %arg10[%get3A_788, %get3A_789] {strides = array<i32>} : memref<128x64xf32, #tpu.memory_space<vmem>>, vector<16xf32>,
        tpu.vector_store_idx %arg16[%shift_right_arithmetic3A_5, %and3A_28, %add3A_787], %get3A_790 : memref<8x8x129xf32, #tpu.memory_space<vmem>>[vector<16xi32>, vector<16xi32>, vector<16xi32>], vector<16xf32>,
        %get3A_791 = arith.index_cast %scan3A_783 : i32 to index
        %get3A_792 = arith.constant 16 : index
        %get3A_793 = tpu.vector_load %arg10[%get3A_791, %get3A_792] {strides = array<i32>} : memref<128x64xf32, #tpu.memory_space<vmem>>, vector<16xf32>,
        tpu.vector_store_idx %arg16[%shift_right_arithmetic3A_11, %and3A_34, %add3A_787], %get3A_793 : memref<8x8x129xf32, #tpu.memory_space<vmem>>[vector<16xi32>, vector<16xi32>, vector<16xi32>], vector<16xf32>,
        %get3A_794 = arith.index_cast %scan3A_783 : i32 to index
        %get3A_795 = arith.constant 32 : index
        %get3A_796 = tpu.vector_load %arg10[%get3A_794, %get3A_795] {strides = array<i32>} : memref<128x64xf32, #tpu.memory_space<vmem>>, vector<16xf32>,
        tpu.vector_store_idx %arg16[%shift_right_arithmetic3A_17, %and3A_40, %add3A_787], %get3A_796 : memref<8x8x129xf32, #tpu.memory_space<vmem>>[vector<16xi32>, vector<16xi32>, vector<16xi32>], vector<16xf32>,
        %get3A_797 = arith.index_cast %scan3A_783 : i32 to index
        %get3A_798 = arith.constant 48 : index
        %get3A_799 = tpu.vector_load %arg10[%get3A_797, %get3A_798] {strides = array<i32>} : memref<128x64xf32, #tpu.memory_space<vmem>>, vector<16xf32>,
        tpu.vector_store_idx %arg16[%shift_right_arithmetic3A_23, %and3A_46, %add3A_787], %get3A_799 : memref<8x8x129xf32, #tpu.memory_space<vmem>>[vector<16xi32>, vector<16xi32>, vector<16xi32>], vector<16xf32>,
        %scan3A_800 = arith.constant 7 : i32
        %scan3A_801 = arith.addi %scan3A_677, %scan3A_800 : i32
        %broadcast_in_dim3A_802 = arith.constant 0 : i32
        %broadcast_in_dim3A_803 = vector.broadcast %broadcast_in_dim3A_802 : i32 to vector<16xi32>
        %add3A_804 = vector.broadcast %scan3A_801 : i32 to vector<16xi32>
        %add3A_805 = arith.addi %broadcast_in_dim3A_803, %add3A_804 : vector<16xi32>
        %get3A_806 = arith.index_cast %scan3A_801 : i32 to index
        %get3A_807 = arith.constant 0 : index
        %get3A_808 = tpu.vector_load %arg10[%get3A_806, %get3A_807] {strides = array<i32>} : memref<128x64xf32, #tpu.memory_space<vmem>>, vector<16xf32>,
        tpu.vector_store_idx %arg16[%shift_right_arithmetic3A_5, %and3A_28, %add3A_805], %get3A_808 : memref<8x8x129xf32, #tpu.memory_space<vmem>>[vector<16xi32>, vector<16xi32>, vector<16xi32>], vector<16xf32>,
        %get3A_809 = arith.index_cast %scan3A_801 : i32 to index
        %get3A_810 = arith.constant 16 : index
        %get3A_811 = tpu.vector_load %arg10[%get3A_809, %get3A_810] {strides = array<i32>} : memref<128x64xf32, #tpu.memory_space<vmem>>, vector<16xf32>,
        tpu.vector_store_idx %arg16[%shift_right_arithmetic3A_11, %and3A_34, %add3A_805], %get3A_811 : memref<8x8x129xf32, #tpu.memory_space<vmem>>[vector<16xi32>, vector<16xi32>, vector<16xi32>], vector<16xf32>,
        %get3A_812 = arith.index_cast %scan3A_801 : i32 to index
        %get3A_813 = arith.constant 32 : index
        %get3A_814 = tpu.vector_load %arg10[%get3A_812, %get3A_813] {strides = array<i32>} : memref<128x64xf32, #tpu.memory_space<vmem>>, vector<16xf32>,
        tpu.vector_store_idx %arg16[%shift_right_arithmetic3A_17, %and3A_40, %add3A_805], %get3A_814 : memref<8x8x129xf32, #tpu.memory_space<vmem>>[vector<16xi32>, vector<16xi32>, vector<16xi32>], vector<16xf32>,
        %get3A_815 = arith.index_cast %scan3A_801 : i32 to index
        %get3A_816 = arith.constant 48 : index
        %get3A_817 = tpu.vector_load %arg10[%get3A_815, %get3A_816] {strides = array<i32>} : memref<128x64xf32, #tpu.memory_space<vmem>>, vector<16xf32>,
        tpu.vector_store_idx %arg16[%shift_right_arithmetic3A_23, %and3A_46, %add3A_805], %get3A_817 : memref<8x8x129xf32, #tpu.memory_space<vmem>>[vector<16xi32>, vector<16xi32>, vector<16xi32>], vector<16xf32>,
      }
      %scan3A_614 = arith.constant 128 : i32
      %gt3A_615 = arith.constant 0 : i32
      %gt3A_616 = arith.cmpi sgt, %scan3A_165, %gt3A_615 : i32
      %convert_element_type3A_617 = arith.extui %gt3A_616 : i1 to i32
      %cond3A_618 = arith.constant 0 : i32
      %cond3A_619 = arith.cmpi ne, %convert_element_type3A_617, %cond3A_618 : i32
      scf.if %cond3A_619 {
        %dma_wait3A_677 = arith.constant 0 : i32
        %dma_wait3A_678 = arith.constant 0 : i32
        %dma_wait3A_679 = arith.constant 0 : i32
        %dma_wait3A_680 = arith.constant 0 : i32
        %dma_wait3A_681 = tpu.memref_slice %arg16[%dma_wait3A_678, %dma_wait3A_679, %dma_wait3A_680] : memref<8x8x129xf32, #tpu.memory_space<vmem>> -> memref<8x8x128xf32, #tpu.memory_space<vmem>>
        %dma_wait3A_682 = arith.constant 0 : i32
        %dma_wait3A_683 = arith.constant 0 : i32
        %dma_wait3A_684 = arith.constant 0 : i32
        %dma_wait3A_685 = tpu.memref_slice %arg4[%dma_wait3A_677, %dma_wait3A_682, %add3A, %dma_wait3A_683, %dma_wait3A_684] : memref<200x8x32x8x128xf32, #tpu.memory_space<hbm>> -> memref<1x8x1x8x128xf32, #tpu.memory_space<hbm>>
        %dma_wait3A_686 = tpu.memref_squeeze %dma_wait3A_685 : memref<1x8x1x8x128xf32, #tpu.memory_space<hbm>> -> memref<8x8x128xf32, #tpu.memory_space<hbm>>
        %dma_wait3A_687 = arith.constant 0 : i32
        %dma_wait3A_688 = arith.constant 0 : i32
        %dma_wait3A_689 = arith.constant 0 : i32
        %dma_wait3A_690 = tpu.memref_slice %arg16[%dma_wait3A_687, %dma_wait3A_688, %dma_wait3A_689] : memref<8x8x129xf32, #tpu.memory_space<vmem>> -> memref<8x8x128xf32, #tpu.memory_space<vmem>>
        %dma_wait3A_691 = arith.constant 0 : i32
        %dma_wait3A_692 = arith.constant 0 : i32
        %dma_wait3A_693 = arith.constant 0 : i32
        %dma_wait3A_694 = tpu.memref_slice %arg4[%dma_wait3A_677, %dma_wait3A_691, %add3A, %dma_wait3A_692, %dma_wait3A_693] : memref<200x8x32x8x128xf32, #tpu.memory_space<hbm>> -> memref<1x8x1x8x128xf32, #tpu.memory_space<hbm>>
        %dma_wait3A_695 = tpu.memref_squeeze %dma_wait3A_694 : memref<1x8x1x8x128xf32, #tpu.memory_space<hbm>> -> memref<8x8x128xf32, #tpu.memory_space<hbm>>
        tpu.wait_dma2 semaphore(%arg19 : memref<!tpu.dma_semaphore, #tpu.memory_space<semaphore_mem>>) src(%dma_wait3A_695 : memref<8x8x128xf32, #tpu.memory_space<hbm>>) dst(%dma_wait3A_690 : memref<8x8x128xf32, #tpu.memory_space<vmem>>)
      } else {
      }
      %add3A_620 = arith.constant 4 : i32
      %add3A_621 = arith.addi %mul3A_167, %add3A_620 : i32
      %dma_start3A_622 = arith.constant 0 : i32
      %dma_start3A_623 = arith.constant 0 : i32
      %dma_start3A_624 = arith.constant 0 : i32
      %dma_start3A_625 = tpu.memref_slice %arg16[%dma_start3A_622, %dma_start3A_623, %dma_start3A_624] : memref<8x8x129xf32, #tpu.memory_space<vmem>> -> memref<8x8x128xf32, #tpu.memory_space<vmem>>
      %dma_start3A_626 = arith.constant 0 : i32
      %dma_start3A_627 = arith.constant 0 : i32
      %dma_start3A_628 = arith.constant 0 : i32
      %dma_start3A_629 = tpu.memref_slice %arg4[%add3A_621, %dma_start3A_626, %add3A, %dma_start3A_627, %dma_start3A_628] : memref<200x8x32x8x128xf32, #tpu.memory_space<hbm>> -> memref<1x8x1x8x128xf32, #tpu.memory_space<hbm>>
      %dma_start3A_630 = tpu.memref_squeeze %dma_start3A_629 : memref<1x8x1x8x128xf32, #tpu.memory_space<hbm>> -> memref<8x8x128xf32, #tpu.memory_space<hbm>>
      %dma_start3A_631 = arith.constant 0 : i32
      %dma_start3A_632 = arith.constant 0 : i32
      %dma_start3A_633 = arith.constant 0 : i32
      %dma_start3A_634 = tpu.memref_slice %arg4[%add3A_621, %dma_start3A_631, %add3A, %dma_start3A_632, %dma_start3A_633] : memref<200x8x32x8x128xf32, #tpu.memory_space<hbm>> -> memref<1x8x1x8x128xf32, #tpu.memory_space<hbm>>
      %dma_start3A_635 = tpu.memref_squeeze %dma_start3A_634 : memref<1x8x1x8x128xf32, #tpu.memory_space<hbm>> -> memref<8x8x128xf32, #tpu.memory_space<hbm>>
      %dma_start3A_636 = arith.constant 0 : i32
      %dma_start3A_637 = arith.constant 0 : i32
      %dma_start3A_638 = arith.constant 0 : i32
      %dma_start3A_639 = tpu.memref_slice %arg16[%dma_start3A_636, %dma_start3A_637, %dma_start3A_638] : memref<8x8x129xf32, #tpu.memory_space<vmem>> -> memref<8x8x128xf32, #tpu.memory_space<vmem>>
      tpu.enqueue_dma source(%dma_start3A_639 : memref<8x8x128xf32, #tpu.memory_space<vmem>>) target(%dma_start3A_635 : memref<8x8x128xf32, #tpu.memory_space<hbm>>) target_semaphore(%arg19 : memref<!tpu.dma_semaphore, #tpu.memory_space<semaphore_mem>>)
      %dma_wait3A_640 = arith.constant 0 : i32
      %dma_wait3A_641 = tpu.memref_slice %arg5[%select_n3A_433, %select_n3A_451, %dma_wait3A_640] : memref<25x8x128xi32, #tpu.memory_space<vmem>> -> memref<1x1x128xi32, #tpu.memory_space<vmem>>
      %dma_wait3A_642 = tpu.memref_squeeze %dma_wait3A_641 : memref<1x1x128xi32, #tpu.memory_space<vmem>> -> memref<128xi32, #tpu.memory_space<vmem>>
      %dma_wait3A_643 = arith.constant 0 : i32
      %dma_wait3A_644 = arith.constant 0 : i32
      %dma_wait3A_645 = tpu.memref_slice %arg2[%dma_wait3A_643, %dma_wait3A_644] : memref<2000000x64xf32, #tpu.memory_space<hbm>> -> memref<2000000x64xf32, #tpu.memory_space<hbm>>
      tpu.wait_indirect_dma semaphore(%arg18 : memref<!tpu.dma_semaphore, #tpu.memory_space<semaphore_mem>>) src(%dma_wait3A_645 : memref<2000000x64xf32, #tpu.memory_space<hbm>>) dst(%arg11 : memref<128x64xf32, #tpu.memory_space<vmem>>)
      %scan3A_646 = arith.constant 0 : i32
      %scan3A_647 = arith.constant 0 : i32
      %scan3A_648 = arith.constant 128 : i32
      %scan3A_649 = arith.addi %scan3A_647, %scan3A_648 : i32
      %scan3A_650 = arith.constant 8 : i32
      scf.for %scan3A_677 = %scan3A_647 to %scan3A_649 step %scan3A_650  : i32 {
        %broadcast_in_dim3A = arith.constant 0 : i32
        %broadcast_in_dim3A_678 = vector.broadcast %broadcast_in_dim3A : i32 to vector<16xi32>
        %add3A_679 = vector.broadcast %scan3A_677 : i32 to vector<16xi32>
        %add3A_680 = arith.addi %broadcast_in_dim3A_678, %add3A_679 : vector<16xi32>
        %get3A = arith.index_cast %scan3A_677 : i32 to index
        %get3A_681 = arith.constant 0 : index
        %get3A_682 = tpu.vector_load %arg11[%get3A, %get3A_681] {strides = array<i32>} : memref<128x64xf32, #tpu.memory_space<vmem>>, vector<16xf32>,
        tpu.vector_store_idx %arg17[%shift_right_arithmetic3A_5, %and3A_28, %add3A_680], %get3A_682 : memref<8x8x129xf32, #tpu.memory_space<vmem>>[vector<16xi32>, vector<16xi32>, vector<16xi32>], vector<16xf32>,
        %get3A_683 = arith.index_cast %scan3A_677 : i32 to index
        %get3A_684 = arith.constant 16 : index
        %get3A_685 = tpu.vector_load %arg11[%get3A_683, %get3A_684] {strides = array<i32>} : memref<128x64xf32, #tpu.memory_space<vmem>>, vector<16xf32>,
        tpu.vector_store_idx %arg17[%shift_right_arithmetic3A_11, %and3A_34, %add3A_680], %get3A_685 : memref<8x8x129xf32, #tpu.memory_space<vmem>>[vector<16xi32>, vector<16xi32>, vector<16xi32>], vector<16xf32>,
        %get3A_686 = arith.index_cast %scan3A_677 : i32 to index
        %get3A_687 = arith.constant 32 : index
        %get3A_688 = tpu.vector_load %arg11[%get3A_686, %get3A_687] {strides = array<i32>} : memref<128x64xf32, #tpu.memory_space<vmem>>, vector<16xf32>,
        tpu.vector_store_idx %arg17[%shift_right_arithmetic3A_17, %and3A_40, %add3A_680], %get3A_688 : memref<8x8x129xf32, #tpu.memory_space<vmem>>[vector<16xi32>, vector<16xi32>, vector<16xi32>], vector<16xf32>,
        %get3A_689 = arith.index_cast %scan3A_677 : i32 to index
        %get3A_690 = arith.constant 48 : index
        %get3A_691 = tpu.vector_load %arg11[%get3A_689, %get3A_690] {strides = array<i32>} : memref<128x64xf32, #tpu.memory_space<vmem>>, vector<16xf32>,
        tpu.vector_store_idx %arg17[%shift_right_arithmetic3A_23, %and3A_46, %add3A_680], %get3A_691 : memref<8x8x129xf32, #tpu.memory_space<vmem>>[vector<16xi32>, vector<16xi32>, vector<16xi32>], vector<16xf32>,
        %scan3A_692 = arith.constant 1 : i32
        %scan3A_693 = arith.addi %scan3A_677, %scan3A_692 : i32
        %broadcast_in_dim3A_694 = arith.constant 0 : i32
        %broadcast_in_dim3A_695 = vector.broadcast %broadcast_in_dim3A_694 : i32 to vector<16xi32>
        %add3A_696 = vector.broadcast %scan3A_693 : i32 to vector<16xi32>
        %add3A_697 = arith.addi %broadcast_in_dim3A_695, %add3A_696 : vector<16xi32>
        %get3A_698 = arith.index_cast %scan3A_693 : i32 to index
        %get3A_699 = arith.constant 0 : index
        %get3A_700 = tpu.vector_load %arg11[%get3A_698, %get3A_699] {strides = array<i32>} : memref<128x64xf32, #tpu.memory_space<vmem>>, vector<16xf32>,
        tpu.vector_store_idx %arg17[%shift_right_arithmetic3A_5, %and3A_28, %add3A_697], %get3A_700 : memref<8x8x129xf32, #tpu.memory_space<vmem>>[vector<16xi32>, vector<16xi32>, vector<16xi32>], vector<16xf32>,
        %get3A_701 = arith.index_cast %scan3A_693 : i32 to index
        %get3A_702 = arith.constant 16 : index
        %get3A_703 = tpu.vector_load %arg11[%get3A_701, %get3A_702] {strides = array<i32>} : memref<128x64xf32, #tpu.memory_space<vmem>>, vector<16xf32>,
        tpu.vector_store_idx %arg17[%shift_right_arithmetic3A_11, %and3A_34, %add3A_697], %get3A_703 : memref<8x8x129xf32, #tpu.memory_space<vmem>>[vector<16xi32>, vector<16xi32>, vector<16xi32>], vector<16xf32>,
        %get3A_704 = arith.index_cast %scan3A_693 : i32 to index
        %get3A_705 = arith.constant 32 : index
        %get3A_706 = tpu.vector_load %arg11[%get3A_704, %get3A_705] {strides = array<i32>} : memref<128x64xf32, #tpu.memory_space<vmem>>, vector<16xf32>,
        tpu.vector_store_idx %arg17[%shift_right_arithmetic3A_17, %and3A_40, %add3A_697], %get3A_706 : memref<8x8x129xf32, #tpu.memory_space<vmem>>[vector<16xi32>, vector<16xi32>, vector<16xi32>], vector<16xf32>,
        %get3A_707 = arith.index_cast %scan3A_693 : i32 to index
        %get3A_708 = arith.constant 48 : index
        %get3A_709 = tpu.vector_load %arg11[%get3A_707, %get3A_708] {strides = array<i32>} : memref<128x64xf32, #tpu.memory_space<vmem>>, vector<16xf32>,
        tpu.vector_store_idx %arg17[%shift_right_arithmetic3A_23, %and3A_46, %add3A_697], %get3A_709 : memref<8x8x129xf32, #tpu.memory_space<vmem>>[vector<16xi32>, vector<16xi32>, vector<16xi32>], vector<16xf32>,
        %scan3A_710 = arith.constant 2 : i32
        %scan3A_711 = arith.addi %scan3A_677, %scan3A_710 : i32
        %broadcast_in_dim3A_712 = arith.constant 0 : i32
        %broadcast_in_dim3A_713 = vector.broadcast %broadcast_in_dim3A_712 : i32 to vector<16xi32>
        %add3A_714 = vector.broadcast %scan3A_711 : i32 to vector<16xi32>
        %add3A_715 = arith.addi %broadcast_in_dim3A_713, %add3A_714 : vector<16xi32>
        %get3A_716 = arith.index_cast %scan3A_711 : i32 to index
        %get3A_717 = arith.constant 0 : index
        %get3A_718 = tpu.vector_load %arg11[%get3A_716, %get3A_717] {strides = array<i32>} : memref<128x64xf32, #tpu.memory_space<vmem>>, vector<16xf32>,
        tpu.vector_store_idx %arg17[%shift_right_arithmetic3A_5, %and3A_28, %add3A_715], %get3A_718 : memref<8x8x129xf32, #tpu.memory_space<vmem>>[vector<16xi32>, vector<16xi32>, vector<16xi32>], vector<16xf32>,
        %get3A_719 = arith.index_cast %scan3A_711 : i32 to index
        %get3A_720 = arith.constant 16 : index
        %get3A_721 = tpu.vector_load %arg11[%get3A_719, %get3A_720] {strides = array<i32>} : memref<128x64xf32, #tpu.memory_space<vmem>>, vector<16xf32>,
        tpu.vector_store_idx %arg17[%shift_right_arithmetic3A_11, %and3A_34, %add3A_715], %get3A_721 : memref<8x8x129xf32, #tpu.memory_space<vmem>>[vector<16xi32>, vector<16xi32>, vector<16xi32>], vector<16xf32>,
        %get3A_722 = arith.index_cast %scan3A_711 : i32 to index
        %get3A_723 = arith.constant 32 : index
        %get3A_724 = tpu.vector_load %arg11[%get3A_722, %get3A_723] {strides = array<i32>} : memref<128x64xf32, #tpu.memory_space<vmem>>, vector<16xf32>,
        tpu.vector_store_idx %arg17[%shift_right_arithmetic3A_17, %and3A_40, %add3A_715], %get3A_724 : memref<8x8x129xf32, #tpu.memory_space<vmem>>[vector<16xi32>, vector<16xi32>, vector<16xi32>], vector<16xf32>,
        %get3A_725 = arith.index_cast %scan3A_711 : i32 to index
        %get3A_726 = arith.constant 48 : index
        %get3A_727 = tpu.vector_load %arg11[%get3A_725, %get3A_726] {strides = array<i32>} : memref<128x64xf32, #tpu.memory_space<vmem>>, vector<16xf32>,
        tpu.vector_store_idx %arg17[%shift_right_arithmetic3A_23, %and3A_46, %add3A_715], %get3A_727 : memref<8x8x129xf32, #tpu.memory_space<vmem>>[vector<16xi32>, vector<16xi32>, vector<16xi32>], vector<16xf32>,
        %scan3A_728 = arith.constant 3 : i32
        %scan3A_729 = arith.addi %scan3A_677, %scan3A_728 : i32
        %broadcast_in_dim3A_730 = arith.constant 0 : i32
        %broadcast_in_dim3A_731 = vector.broadcast %broadcast_in_dim3A_730 : i32 to vector<16xi32>
        %add3A_732 = vector.broadcast %scan3A_729 : i32 to vector<16xi32>
        %add3A_733 = arith.addi %broadcast_in_dim3A_731, %add3A_732 : vector<16xi32>
        %get3A_734 = arith.index_cast %scan3A_729 : i32 to index
        %get3A_735 = arith.constant 0 : index
        %get3A_736 = tpu.vector_load %arg11[%get3A_734, %get3A_735] {strides = array<i32>} : memref<128x64xf32, #tpu.memory_space<vmem>>, vector<16xf32>,
        tpu.vector_store_idx %arg17[%shift_right_arithmetic3A_5, %and3A_28, %add3A_733], %get3A_736 : memref<8x8x129xf32, #tpu.memory_space<vmem>>[vector<16xi32>, vector<16xi32>, vector<16xi32>], vector<16xf32>,
        %get3A_737 = arith.index_cast %scan3A_729 : i32 to index
        %get3A_738 = arith.constant 16 : index
        %get3A_739 = tpu.vector_load %arg11[%get3A_737, %get3A_738] {strides = array<i32>} : memref<128x64xf32, #tpu.memory_space<vmem>>, vector<16xf32>,
        tpu.vector_store_idx %arg17[%shift_right_arithmetic3A_11, %and3A_34, %add3A_733], %get3A_739 : memref<8x8x129xf32, #tpu.memory_space<vmem>>[vector<16xi32>, vector<16xi32>, vector<16xi32>], vector<16xf32>,
        %get3A_740 = arith.index_cast %scan3A_729 : i32 to index
        %get3A_741 = arith.constant 32 : index
        %get3A_742 = tpu.vector_load %arg11[%get3A_740, %get3A_741] {strides = array<i32>} : memref<128x64xf32, #tpu.memory_space<vmem>>, vector<16xf32>,
        tpu.vector_store_idx %arg17[%shift_right_arithmetic3A_17, %and3A_40, %add3A_733], %get3A_742 : memref<8x8x129xf32, #tpu.memory_space<vmem>>[vector<16xi32>, vector<16xi32>, vector<16xi32>], vector<16xf32>,
        %get3A_743 = arith.index_cast %scan3A_729 : i32 to index
        %get3A_744 = arith.constant 48 : index
        %get3A_745 = tpu.vector_load %arg11[%get3A_743, %get3A_744] {strides = array<i32>} : memref<128x64xf32, #tpu.memory_space<vmem>>, vector<16xf32>,
        tpu.vector_store_idx %arg17[%shift_right_arithmetic3A_23, %and3A_46, %add3A_733], %get3A_745 : memref<8x8x129xf32, #tpu.memory_space<vmem>>[vector<16xi32>, vector<16xi32>, vector<16xi32>], vector<16xf32>,
        %scan3A_746 = arith.constant 4 : i32
        %scan3A_747 = arith.addi %scan3A_677, %scan3A_746 : i32
        %broadcast_in_dim3A_748 = arith.constant 0 : i32
        %broadcast_in_dim3A_749 = vector.broadcast %broadcast_in_dim3A_748 : i32 to vector<16xi32>
        %add3A_750 = vector.broadcast %scan3A_747 : i32 to vector<16xi32>
        %add3A_751 = arith.addi %broadcast_in_dim3A_749, %add3A_750 : vector<16xi32>
        %get3A_752 = arith.index_cast %scan3A_747 : i32 to index
        %get3A_753 = arith.constant 0 : index
        %get3A_754 = tpu.vector_load %arg11[%get3A_752, %get3A_753] {strides = array<i32>} : memref<128x64xf32, #tpu.memory_space<vmem>>, vector<16xf32>,
        tpu.vector_store_idx %arg17[%shift_right_arithmetic3A_5, %and3A_28, %add3A_751], %get3A_754 : memref<8x8x129xf32, #tpu.memory_space<vmem>>[vector<16xi32>, vector<16xi32>, vector<16xi32>], vector<16xf32>,
        %get3A_755 = arith.index_cast %scan3A_747 : i32 to index
        %get3A_756 = arith.constant 16 : index
        %get3A_757 = tpu.vector_load %arg11[%get3A_755, %get3A_756] {strides = array<i32>} : memref<128x64xf32, #tpu.memory_space<vmem>>, vector<16xf32>,
        tpu.vector_store_idx %arg17[%shift_right_arithmetic3A_11, %and3A_34, %add3A_751], %get3A_757 : memref<8x8x129xf32, #tpu.memory_space<vmem>>[vector<16xi32>, vector<16xi32>, vector<16xi32>], vector<16xf32>,
        %get3A_758 = arith.index_cast %scan3A_747 : i32 to index
        %get3A_759 = arith.constant 32 : index
        %get3A_760 = tpu.vector_load %arg11[%get3A_758, %get3A_759] {strides = array<i32>} : memref<128x64xf32, #tpu.memory_space<vmem>>, vector<16xf32>,
        tpu.vector_store_idx %arg17[%shift_right_arithmetic3A_17, %and3A_40, %add3A_751], %get3A_760 : memref<8x8x129xf32, #tpu.memory_space<vmem>>[vector<16xi32>, vector<16xi32>, vector<16xi32>], vector<16xf32>,
        %get3A_761 = arith.index_cast %scan3A_747 : i32 to index
        %get3A_762 = arith.constant 48 : index
        %get3A_763 = tpu.vector_load %arg11[%get3A_761, %get3A_762] {strides = array<i32>} : memref<128x64xf32, #tpu.memory_space<vmem>>, vector<16xf32>,
        tpu.vector_store_idx %arg17[%shift_right_arithmetic3A_23, %and3A_46, %add3A_751], %get3A_763 : memref<8x8x129xf32, #tpu.memory_space<vmem>>[vector<16xi32>, vector<16xi32>, vector<16xi32>], vector<16xf32>,
        %scan3A_764 = arith.constant 5 : i32
        %scan3A_765 = arith.addi %scan3A_677, %scan3A_764 : i32
        %broadcast_in_dim3A_766 = arith.constant 0 : i32
        %broadcast_in_dim3A_767 = vector.broadcast %broadcast_in_dim3A_766 : i32 to vector<16xi32>
        %add3A_768 = vector.broadcast %scan3A_765 : i32 to vector<16xi32>
        %add3A_769 = arith.addi %broadcast_in_dim3A_767, %add3A_768 : vector<16xi32>
        %get3A_770 = arith.index_cast %scan3A_765 : i32 to index
        %get3A_771 = arith.constant 0 : index
        %get3A_772 = tpu.vector_load %arg11[%get3A_770, %get3A_771] {strides = array<i32>} : memref<128x64xf32, #tpu.memory_space<vmem>>, vector<16xf32>,
        tpu.vector_store_idx %arg17[%shift_right_arithmetic3A_5, %and3A_28, %add3A_769], %get3A_772 : memref<8x8x129xf32, #tpu.memory_space<vmem>>[vector<16xi32>, vector<16xi32>, vector<16xi32>], vector<16xf32>,
        %get3A_773 = arith.index_cast %scan3A_765 : i32 to index
        %get3A_774 = arith.constant 16 : index
        %get3A_775 = tpu.vector_load %arg11[%get3A_773, %get3A_774] {strides = array<i32>} : memref<128x64xf32, #tpu.memory_space<vmem>>, vector<16xf32>,
        tpu.vector_store_idx %arg17[%shift_right_arithmetic3A_11, %and3A_34, %add3A_769], %get3A_775 : memref<8x8x129xf32, #tpu.memory_space<vmem>>[vector<16xi32>, vector<16xi32>, vector<16xi32>], vector<16xf32>,
        %get3A_776 = arith.index_cast %scan3A_765 : i32 to index
        %get3A_777 = arith.constant 32 : index
        %get3A_778 = tpu.vector_load %arg11[%get3A_776, %get3A_777] {strides = array<i32>} : memref<128x64xf32, #tpu.memory_space<vmem>>, vector<16xf32>,
        tpu.vector_store_idx %arg17[%shift_right_arithmetic3A_17, %and3A_40, %add3A_769], %get3A_778 : memref<8x8x129xf32, #tpu.memory_space<vmem>>[vector<16xi32>, vector<16xi32>, vector<16xi32>], vector<16xf32>,
        %get3A_779 = arith.index_cast %scan3A_765 : i32 to index
        %get3A_780 = arith.constant 48 : index
        %get3A_781 = tpu.vector_load %arg11[%get3A_779, %get3A_780] {strides = array<i32>} : memref<128x64xf32, #tpu.memory_space<vmem>>, vector<16xf32>,
        tpu.vector_store_idx %arg17[%shift_right_arithmetic3A_23, %and3A_46, %add3A_769], %get3A_781 : memref<8x8x129xf32, #tpu.memory_space<vmem>>[vector<16xi32>, vector<16xi32>, vector<16xi32>], vector<16xf32>,
        %scan3A_782 = arith.constant 6 : i32
        %scan3A_783 = arith.addi %scan3A_677, %scan3A_782 : i32
        %broadcast_in_dim3A_784 = arith.constant 0 : i32
        %broadcast_in_dim3A_785 = vector.broadcast %broadcast_in_dim3A_784 : i32 to vector<16xi32>
        %add3A_786 = vector.broadcast %scan3A_783 : i32 to vector<16xi32>
        %add3A_787 = arith.addi %broadcast_in_dim3A_785, %add3A_786 : vector<16xi32>
        %get3A_788 = arith.index_cast %scan3A_783 : i32 to index
        %get3A_789 = arith.constant 0 : index
        %get3A_790 = tpu.vector_load %arg11[%get3A_788, %get3A_789] {strides = array<i32>} : memref<128x64xf32, #tpu.memory_space<vmem>>, vector<16xf32>,
        tpu.vector_store_idx %arg17[%shift_right_arithmetic3A_5, %and3A_28, %add3A_787], %get3A_790 : memref<8x8x129xf32, #tpu.memory_space<vmem>>[vector<16xi32>, vector<16xi32>, vector<16xi32>], vector<16xf32>,
        %get3A_791 = arith.index_cast %scan3A_783 : i32 to index
        %get3A_792 = arith.constant 16 : index
        %get3A_793 = tpu.vector_load %arg11[%get3A_791, %get3A_792] {strides = array<i32>} : memref<128x64xf32, #tpu.memory_space<vmem>>, vector<16xf32>,
        tpu.vector_store_idx %arg17[%shift_right_arithmetic3A_11, %and3A_34, %add3A_787], %get3A_793 : memref<8x8x129xf32, #tpu.memory_space<vmem>>[vector<16xi32>, vector<16xi32>, vector<16xi32>], vector<16xf32>,
        %get3A_794 = arith.index_cast %scan3A_783 : i32 to index
        %get3A_795 = arith.constant 32 : index
        %get3A_796 = tpu.vector_load %arg11[%get3A_794, %get3A_795] {strides = array<i32>} : memref<128x64xf32, #tpu.memory_space<vmem>>, vector<16xf32>,
        tpu.vector_store_idx %arg17[%shift_right_arithmetic3A_17, %and3A_40, %add3A_787], %get3A_796 : memref<8x8x129xf32, #tpu.memory_space<vmem>>[vector<16xi32>, vector<16xi32>, vector<16xi32>], vector<16xf32>,
        %get3A_797 = arith.index_cast %scan3A_783 : i32 to index
        %get3A_798 = arith.constant 48 : index
        %get3A_799 = tpu.vector_load %arg11[%get3A_797, %get3A_798] {strides = array<i32>} : memref<128x64xf32, #tpu.memory_space<vmem>>, vector<16xf32>,
        tpu.vector_store_idx %arg17[%shift_right_arithmetic3A_23, %and3A_46, %add3A_787], %get3A_799 : memref<8x8x129xf32, #tpu.memory_space<vmem>>[vector<16xi32>, vector<16xi32>, vector<16xi32>], vector<16xf32>,
        %scan3A_800 = arith.constant 7 : i32
        %scan3A_801 = arith.addi %scan3A_677, %scan3A_800 : i32
        %broadcast_in_dim3A_802 = arith.constant 0 : i32
        %broadcast_in_dim3A_803 = vector.broadcast %broadcast_in_dim3A_802 : i32 to vector<16xi32>
        %add3A_804 = vector.broadcast %scan3A_801 : i32 to vector<16xi32>
        %add3A_805 = arith.addi %broadcast_in_dim3A_803, %add3A_804 : vector<16xi32>
        %get3A_806 = arith.index_cast %scan3A_801 : i32 to index
        %get3A_807 = arith.constant 0 : index
        %get3A_808 = tpu.vector_load %arg11[%get3A_806, %get3A_807] {strides = array<i32>} : memref<128x64xf32, #tpu.memory_space<vmem>>, vector<16xf32>,
        tpu.vector_store_idx %arg17[%shift_right_arithmetic3A_5, %and3A_28, %add3A_805], %get3A_808 : memref<8x8x129xf32, #tpu.memory_space<vmem>>[vector<16xi32>, vector<16xi32>, vector<16xi32>], vector<16xf32>,
        %get3A_809 = arith.index_cast %scan3A_801 : i32 to index
        %get3A_810 = arith.constant 16 : index
        %get3A_811 = tpu.vector_load %arg11[%get3A_809, %get3A_810] {strides = array<i32>} : memref<128x64xf32, #tpu.memory_space<vmem>>, vector<16xf32>,
        tpu.vector_store_idx %arg17[%shift_right_arithmetic3A_11, %and3A_34, %add3A_805], %get3A_811 : memref<8x8x129xf32, #tpu.memory_space<vmem>>[vector<16xi32>, vector<16xi32>, vector<16xi32>], vector<16xf32>,
        %get3A_812 = arith.index_cast %scan3A_801 : i32 to index
        %get3A_813 = arith.constant 32 : index
        %get3A_814 = tpu.vector_load %arg11[%get3A_812, %get3A_813] {strides = array<i32>} : memref<128x64xf32, #tpu.memory_space<vmem>>, vector<16xf32>,
        tpu.vector_store_idx %arg17[%shift_right_arithmetic3A_17, %and3A_40, %add3A_805], %get3A_814 : memref<8x8x129xf32, #tpu.memory_space<vmem>>[vector<16xi32>, vector<16xi32>, vector<16xi32>], vector<16xf32>,
        %get3A_815 = arith.index_cast %scan3A_801 : i32 to index
        %get3A_816 = arith.constant 48 : index
        %get3A_817 = tpu.vector_load %arg11[%get3A_815, %get3A_816] {strides = array<i32>} : memref<128x64xf32, #tpu.memory_space<vmem>>, vector<16xf32>,
        tpu.vector_store_idx %arg17[%shift_right_arithmetic3A_23, %and3A_46, %add3A_805], %get3A_817 : memref<8x8x129xf32, #tpu.memory_space<vmem>>[vector<16xi32>, vector<16xi32>, vector<16xi32>], vector<16xf32>,
      }
      %scan3A_651 = arith.constant 128 : i32
      %gt3A_652 = arith.constant 0 : i32
      %gt3A_653 = arith.cmpi sgt, %scan3A_165, %gt3A_652 : i32
      %convert_element_type3A_654 = arith.extui %gt3A_653 : i1 to i32
      %cond3A_655 = arith.constant 0 : i32
      %cond3A_656 = arith.cmpi ne, %convert_element_type3A_654, %cond3A_655 : i32
      scf.if %cond3A_656 {
        %dma_wait3A_677 = arith.constant 0 : i32
        %dma_wait3A_678 = arith.constant 0 : i32
        %dma_wait3A_679 = arith.constant 0 : i32
        %dma_wait3A_680 = arith.constant 0 : i32
        %dma_wait3A_681 = tpu.memref_slice %arg17[%dma_wait3A_678, %dma_wait3A_679, %dma_wait3A_680] : memref<8x8x129xf32, #tpu.memory_space<vmem>> -> memref<8x8x128xf32, #tpu.memory_space<vmem>>
        %dma_wait3A_682 = arith.constant 0 : i32
        %dma_wait3A_683 = arith.constant 0 : i32
        %dma_wait3A_684 = arith.constant 0 : i32
        %dma_wait3A_685 = tpu.memref_slice %arg4[%dma_wait3A_677, %dma_wait3A_682, %add3A, %dma_wait3A_683, %dma_wait3A_684] : memref<200x8x32x8x128xf32, #tpu.memory_space<hbm>> -> memref<1x8x1x8x128xf32, #tpu.memory_space<hbm>>
        %dma_wait3A_686 = tpu.memref_squeeze %dma_wait3A_685 : memref<1x8x1x8x128xf32, #tpu.memory_space<hbm>> -> memref<8x8x128xf32, #tpu.memory_space<hbm>>
        %dma_wait3A_687 = arith.constant 0 : i32
        %dma_wait3A_688 = arith.constant 0 : i32
        %dma_wait3A_689 = arith.constant 0 : i32
        %dma_wait3A_690 = tpu.memref_slice %arg17[%dma_wait3A_687, %dma_wait3A_688, %dma_wait3A_689] : memref<8x8x129xf32, #tpu.memory_space<vmem>> -> memref<8x8x128xf32, #tpu.memory_space<vmem>>
        %dma_wait3A_691 = arith.constant 0 : i32
        %dma_wait3A_692 = arith.constant 0 : i32
        %dma_wait3A_693 = arith.constant 0 : i32
        %dma_wait3A_694 = tpu.memref_slice %arg4[%dma_wait3A_677, %dma_wait3A_691, %add3A, %dma_wait3A_692, %dma_wait3A_693] : memref<200x8x32x8x128xf32, #tpu.memory_space<hbm>> -> memref<1x8x1x8x128xf32, #tpu.memory_space<hbm>>
        %dma_wait3A_695 = tpu.memref_squeeze %dma_wait3A_694 : memref<1x8x1x8x128xf32, #tpu.memory_space<hbm>> -> memref<8x8x128xf32, #tpu.memory_space<hbm>>
        tpu.wait_dma2 semaphore(%arg19 : memref<!tpu.dma_semaphore, #tpu.memory_space<semaphore_mem>>) src(%dma_wait3A_695 : memref<8x8x128xf32, #tpu.memory_space<hbm>>) dst(%dma_wait3A_690 : memref<8x8x128xf32, #tpu.memory_space<vmem>>)
      } else {
      }
      %add3A_657 = arith.constant 5 : i32
      %add3A_658 = arith.addi %mul3A_167, %add3A_657 : i32
      %dma_start3A_659 = arith.constant 0 : i32
      %dma_start3A_660 = arith.constant 0 : i32
      %dma_start3A_661 = arith.constant 0 : i32
      %dma_start3A_662 = tpu.memref_slice %arg17[%dma_start3A_659, %dma_start3A_660, %dma_start3A_661] : memref<8x8x129xf32, #tpu.memory_space<vmem>> -> memref<8x8x128xf32, #tpu.memory_space<vmem>>
      %dma_start3A_663 = arith.constant 0 : i32
      %dma_start3A_664 = arith.constant 0 : i32
      %dma_start3A_665 = arith.constant 0 : i32
      %dma_start3A_666 = tpu.memref_slice %arg4[%add3A_658, %dma_start3A_663, %add3A, %dma_start3A_664, %dma_start3A_665] : memref<200x8x32x8x128xf32, #tpu.memory_space<hbm>> -> memref<1x8x1x8x128xf32, #tpu.memory_space<hbm>>
      %dma_start3A_667 = tpu.memref_squeeze %dma_start3A_666 : memref<1x8x1x8x128xf32, #tpu.memory_space<hbm>> -> memref<8x8x128xf32, #tpu.memory_space<hbm>>
      %dma_start3A_668 = arith.constant 0 : i32
      %dma_start3A_669 = arith.constant 0 : i32
      %dma_start3A_670 = arith.constant 0 : i32
      %dma_start3A_671 = tpu.memref_slice %arg4[%add3A_658, %dma_start3A_668, %add3A, %dma_start3A_669, %dma_start3A_670] : memref<200x8x32x8x128xf32, #tpu.memory_space<hbm>> -> memref<1x8x1x8x128xf32, #tpu.memory_space<hbm>>
      %dma_start3A_672 = tpu.memref_squeeze %dma_start3A_671 : memref<1x8x1x8x128xf32, #tpu.memory_space<hbm>> -> memref<8x8x128xf32, #tpu.memory_space<hbm>>
      %dma_start3A_673 = arith.constant 0 : i32
      %dma_start3A_674 = arith.constant 0 : i32
      %dma_start3A_675 = arith.constant 0 : i32
      %dma_start3A_676 = tpu.memref_slice %arg17[%dma_start3A_673, %dma_start3A_674, %dma_start3A_675] : memref<8x8x129xf32, #tpu.memory_space<vmem>> -> memref<8x8x128xf32, #tpu.memory_space<vmem>>
      tpu.enqueue_dma source(%dma_start3A_676 : memref<8x8x128xf32, #tpu.memory_space<vmem>>) target(%dma_start3A_672 : memref<8x8x128xf32, #tpu.memory_space<hbm>>) target_semaphore(%arg19 : memref<!tpu.dma_semaphore, #tpu.memory_space<semaphore_mem>>)
    }
    %scan3A_51 = arith.constant 33 : i32
    %dma_wait3A = arith.constant 0 : i32
    %dma_wait3A_52 = arith.constant 0 : i32
    %dma_wait3A_53 = arith.constant 0 : i32
    %dma_wait3A_54 = arith.constant 0 : i32
    %dma_wait3A_55 = tpu.memref_slice %arg12[%dma_wait3A_52, %dma_wait3A_53, %dma_wait3A_54] : memref<8x8x129xf32, #tpu.memory_space<vmem>> -> memref<8x8x128xf32, #tpu.memory_space<vmem>>
    %dma_wait3A_56 = arith.constant 0 : i32
    %dma_wait3A_57 = arith.constant 0 : i32
    %dma_wait3A_58 = arith.constant 0 : i32
    %dma_wait3A_59 = tpu.memref_slice %arg4[%dma_wait3A, %dma_wait3A_56, %add3A, %dma_wait3A_57, %dma_wait3A_58] : memref<200x8x32x8x128xf32, #tpu.memory_space<hbm>> -> memref<1x8x1x8x128xf32, #tpu.memory_space<hbm>>
    %dma_wait3A_60 = tpu.memref_squeeze %dma_wait3A_59 : memref<1x8x1x8x128xf32, #tpu.memory_space<hbm>> -> memref<8x8x128xf32, #tpu.memory_space<hbm>>
    %dma_wait3A_61 = arith.constant 0 : i32
    %dma_wait3A_62 = arith.constant 0 : i32
    %dma_wait3A_63 = arith.constant 0 : i32
    %dma_wait3A_64 = tpu.memref_slice %arg12[%dma_wait3A_61, %dma_wait3A_62, %dma_wait3A_63] : memref<8x8x129xf32, #tpu.memory_space<vmem>> -> memref<8x8x128xf32, #tpu.memory_space<vmem>>
    %dma_wait3A_65 = arith.constant 0 : i32
    %dma_wait3A_66 = arith.constant 0 : i32
    %dma_wait3A_67 = arith.constant 0 : i32
    %dma_wait3A_68 = tpu.memref_slice %arg4[%dma_wait3A, %dma_wait3A_65, %add3A, %dma_wait3A_66, %dma_wait3A_67] : memref<200x8x32x8x128xf32, #tpu.memory_space<hbm>> -> memref<1x8x1x8x128xf32, #tpu.memory_space<hbm>>
    %dma_wait3A_69 = tpu.memref_squeeze %dma_wait3A_68 : memref<1x8x1x8x128xf32, #tpu.memory_space<hbm>> -> memref<8x8x128xf32, #tpu.memory_space<hbm>>
    tpu.wait_dma2 semaphore(%arg19 : memref<!tpu.dma_semaphore, #tpu.memory_space<semaphore_mem>>) src(%dma_wait3A_69 : memref<8x8x128xf32, #tpu.memory_space<hbm>>) dst(%dma_wait3A_64 : memref<8x8x128xf32, #tpu.memory_space<vmem>>)
    %dma_wait3A_70 = arith.constant 0 : i32
    %dma_wait3A_71 = arith.constant 0 : i32
    %dma_wait3A_72 = arith.constant 0 : i32
    %dma_wait3A_73 = arith.constant 0 : i32
    %dma_wait3A_74 = tpu.memref_slice %arg13[%dma_wait3A_71, %dma_wait3A_72, %dma_wait3A_73] : memref<8x8x129xf32, #tpu.memory_space<vmem>> -> memref<8x8x128xf32, #tpu.memory_space<vmem>>
    %dma_wait3A_75 = arith.constant 0 : i32
    %dma_wait3A_76 = arith.constant 0 : i32
    %dma_wait3A_77 = arith.constant 0 : i32
    %dma_wait3A_78 = tpu.memref_slice %arg4[%dma_wait3A_70, %dma_wait3A_75, %add3A, %dma_wait3A_76, %dma_wait3A_77] : memref<200x8x32x8x128xf32, #tpu.memory_space<hbm>> -> memref<1x8x1x8x128xf32, #tpu.memory_space<hbm>>
    %dma_wait3A_79 = tpu.memref_squeeze %dma_wait3A_78 : memref<1x8x1x8x128xf32, #tpu.memory_space<hbm>> -> memref<8x8x128xf32, #tpu.memory_space<hbm>>
    %dma_wait3A_80 = arith.constant 0 : i32
    %dma_wait3A_81 = arith.constant 0 : i32
    %dma_wait3A_82 = arith.constant 0 : i32
    %dma_wait3A_83 = tpu.memref_slice %arg13[%dma_wait3A_80, %dma_wait3A_81, %dma_wait3A_82] : memref<8x8x129xf32, #tpu.memory_space<vmem>> -> memref<8x8x128xf32, #tpu.memory_space<vmem>>
    %dma_wait3A_84 = arith.constant 0 : i32
    %dma_wait3A_85 = arith.constant 0 : i32
    %dma_wait3A_86 = arith.constant 0 : i32
    %dma_wait3A_87 = tpu.memref_slice %arg4[%dma_wait3A_70, %dma_wait3A_84, %add3A, %dma_wait3A_85, %dma_wait3A_86] : memref<200x8x32x8x128xf32, #tpu.memory_space<hbm>> -> memref<1x8x1x8x128xf32, #tpu.memory_space<hbm>>
    %dma_wait3A_88 = tpu.memref_squeeze %dma_wait3A_87 : memref<1x8x1x8x128xf32, #tpu.memory_space<hbm>> -> memref<8x8x128xf32, #tpu.memory_space<hbm>>
    tpu.wait_dma2 semaphore(%arg19 : memref<!tpu.dma_semaphore, #tpu.memory_space<semaphore_mem>>) src(%dma_wait3A_88 : memref<8x8x128xf32, #tpu.memory_space<hbm>>) dst(%dma_wait3A_83 : memref<8x8x128xf32, #tpu.memory_space<vmem>>)
    %dma_wait3A_89 = arith.constant 0 : i32
    %dma_wait3A_90 = arith.constant 0 : i32
    %dma_wait3A_91 = arith.constant 0 : i32
    %dma_wait3A_92 = arith.constant 0 : i32
    %dma_wait3A_93 = tpu.memref_slice %arg14[%dma_wait3A_90, %dma_wait3A_91, %dma_wait3A_92] : memref<8x8x129xf32, #tpu.memory_space<vmem>> -> memref<8x8x128xf32, #tpu.memory_space<vmem>>
    %dma_wait3A_94 = arith.constant 0 : i32
    %dma_wait3A_95 = arith.constant 0 : i32
    %dma_wait3A_96 = arith.constant 0 : i32
    %dma_wait3A_97 = tpu.memref_slice %arg4[%dma_wait3A_89, %dma_wait3A_94, %add3A, %dma_wait3A_95, %dma_wait3A_96] : memref<200x8x32x8x128xf32, #tpu.memory_space<hbm>> -> memref<1x8x1x8x128xf32, #tpu.memory_space<hbm>>
    %dma_wait3A_98 = tpu.memref_squeeze %dma_wait3A_97 : memref<1x8x1x8x128xf32, #tpu.memory_space<hbm>> -> memref<8x8x128xf32, #tpu.memory_space<hbm>>
    %dma_wait3A_99 = arith.constant 0 : i32
    %dma_wait3A_100 = arith.constant 0 : i32
    %dma_wait3A_101 = arith.constant 0 : i32
    %dma_wait3A_102 = tpu.memref_slice %arg14[%dma_wait3A_99, %dma_wait3A_100, %dma_wait3A_101] : memref<8x8x129xf32, #tpu.memory_space<vmem>> -> memref<8x8x128xf32, #tpu.memory_space<vmem>>
    %dma_wait3A_103 = arith.constant 0 : i32
    %dma_wait3A_104 = arith.constant 0 : i32
    %dma_wait3A_105 = arith.constant 0 : i32
    %dma_wait3A_106 = tpu.memref_slice %arg4[%dma_wait3A_89, %dma_wait3A_103, %add3A, %dma_wait3A_104, %dma_wait3A_105] : memref<200x8x32x8x128xf32, #tpu.memory_space<hbm>> -> memref<1x8x1x8x128xf32, #tpu.memory_space<hbm>>
    %dma_wait3A_107 = tpu.memref_squeeze %dma_wait3A_106 : memref<1x8x1x8x128xf32, #tpu.memory_space<hbm>> -> memref<8x8x128xf32, #tpu.memory_space<hbm>>
    tpu.wait_dma2 semaphore(%arg19 : memref<!tpu.dma_semaphore, #tpu.memory_space<semaphore_mem>>) src(%dma_wait3A_107 : memref<8x8x128xf32, #tpu.memory_space<hbm>>) dst(%dma_wait3A_102 : memref<8x8x128xf32, #tpu.memory_space<vmem>>)
    %dma_wait3A_108 = arith.constant 0 : i32
    %dma_wait3A_109 = arith.constant 0 : i32
    %dma_wait3A_110 = arith.constant 0 : i32
    %dma_wait3A_111 = arith.constant 0 : i32
    %dma_wait3A_112 = tpu.memref_slice %arg15[%dma_wait3A_109, %dma_wait3A_110, %dma_wait3A_111] : memref<8x8x129xf32, #tpu.memory_space<vmem>> -> memref<8x8x128xf32, #tpu.memory_space<vmem>>
    %dma_wait3A_113 = arith.constant 0 : i32
    %dma_wait3A_114 = arith.constant 0 : i32
    %dma_wait3A_115 = arith.constant 0 : i32
    %dma_wait3A_116 = tpu.memref_slice %arg4[%dma_wait3A_108, %dma_wait3A_113, %add3A, %dma_wait3A_114, %dma_wait3A_115] : memref<200x8x32x8x128xf32, #tpu.memory_space<hbm>> -> memref<1x8x1x8x128xf32, #tpu.memory_space<hbm>>
    %dma_wait3A_117 = tpu.memref_squeeze %dma_wait3A_116 : memref<1x8x1x8x128xf32, #tpu.memory_space<hbm>> -> memref<8x8x128xf32, #tpu.memory_space<hbm>>
    %dma_wait3A_118 = arith.constant 0 : i32
    %dma_wait3A_119 = arith.constant 0 : i32
    %dma_wait3A_120 = arith.constant 0 : i32
    %dma_wait3A_121 = tpu.memref_slice %arg15[%dma_wait3A_118, %dma_wait3A_119, %dma_wait3A_120] : memref<8x8x129xf32, #tpu.memory_space<vmem>> -> memref<8x8x128xf32, #tpu.memory_space<vmem>>
    %dma_wait3A_122 = arith.constant 0 : i32
    %dma_wait3A_123 = arith.constant 0 : i32
    %dma_wait3A_124 = arith.constant 0 : i32
    %dma_wait3A_125 = tpu.memref_slice %arg4[%dma_wait3A_108, %dma_wait3A_122, %add3A, %dma_wait3A_123, %dma_wait3A_124] : memref<200x8x32x8x128xf32, #tpu.memory_space<hbm>> -> memref<1x8x1x8x128xf32, #tpu.memory_space<hbm>>
    %dma_wait3A_126 = tpu.memref_squeeze %dma_wait3A_125 : memref<1x8x1x8x128xf32, #tpu.memory_space<hbm>> -> memref<8x8x128xf32, #tpu.memory_space<hbm>>
    tpu.wait_dma2 semaphore(%arg19 : memref<!tpu.dma_semaphore, #tpu.memory_space<semaphore_mem>>) src(%dma_wait3A_126 : memref<8x8x128xf32, #tpu.memory_space<hbm>>) dst(%dma_wait3A_121 : memref<8x8x128xf32, #tpu.memory_space<vmem>>)
    %dma_wait3A_127 = arith.constant 0 : i32
    %dma_wait3A_128 = arith.constant 0 : i32
    %dma_wait3A_129 = arith.constant 0 : i32
    %dma_wait3A_130 = arith.constant 0 : i32
    %dma_wait3A_131 = tpu.memref_slice %arg16[%dma_wait3A_128, %dma_wait3A_129, %dma_wait3A_130] : memref<8x8x129xf32, #tpu.memory_space<vmem>> -> memref<8x8x128xf32, #tpu.memory_space<vmem>>
    %dma_wait3A_132 = arith.constant 0 : i32
    %dma_wait3A_133 = arith.constant 0 : i32
    %dma_wait3A_134 = arith.constant 0 : i32
    %dma_wait3A_135 = tpu.memref_slice %arg4[%dma_wait3A_127, %dma_wait3A_132, %add3A, %dma_wait3A_133, %dma_wait3A_134] : memref<200x8x32x8x128xf32, #tpu.memory_space<hbm>> -> memref<1x8x1x8x128xf32, #tpu.memory_space<hbm>>
    %dma_wait3A_136 = tpu.memref_squeeze %dma_wait3A_135 : memref<1x8x1x8x128xf32, #tpu.memory_space<hbm>> -> memref<8x8x128xf32, #tpu.memory_space<hbm>>
    %dma_wait3A_137 = arith.constant 0 : i32
    %dma_wait3A_138 = arith.constant 0 : i32
    %dma_wait3A_139 = arith.constant 0 : i32
    %dma_wait3A_140 = tpu.memref_slice %arg16[%dma_wait3A_137, %dma_wait3A_138, %dma_wait3A_139] : memref<8x8x129xf32, #tpu.memory_space<vmem>> -> memref<8x8x128xf32, #tpu.memory_space<vmem>>
    %dma_wait3A_141 = arith.constant 0 : i32
    %dma_wait3A_142 = arith.constant 0 : i32
    %dma_wait3A_143 = arith.constant 0 : i32
    %dma_wait3A_144 = tpu.memref_slice %arg4[%dma_wait3A_127, %dma_wait3A_141, %add3A, %dma_wait3A_142, %dma_wait3A_143] : memref<200x8x32x8x128xf32, #tpu.memory_space<hbm>> -> memref<1x8x1x8x128xf32, #tpu.memory_space<hbm>>
    %dma_wait3A_145 = tpu.memref_squeeze %dma_wait3A_144 : memref<1x8x1x8x128xf32, #tpu.memory_space<hbm>> -> memref<8x8x128xf32, #tpu.memory_space<hbm>>
    tpu.wait_dma2 semaphore(%arg19 : memref<!tpu.dma_semaphore, #tpu.memory_space<semaphore_mem>>) src(%dma_wait3A_145 : memref<8x8x128xf32, #tpu.memory_space<hbm>>) dst(%dma_wait3A_140 : memref<8x8x128xf32, #tpu.memory_space<vmem>>)
    %dma_wait3A_146 = arith.constant 0 : i32
    %dma_wait3A_147 = arith.constant 0 : i32
    %dma_wait3A_148 = arith.constant 0 : i32
    %dma_wait3A_149 = arith.constant 0 : i32
    %dma_wait3A_150 = tpu.memref_slice %arg17[%dma_wait3A_147, %dma_wait3A_148, %dma_wait3A_149] : memref<8x8x129xf32, #tpu.memory_space<vmem>> -> memref<8x8x128xf32, #tpu.memory_space<vmem>>
    %dma_wait3A_151 = arith.constant 0 : i32
    %dma_wait3A_152 = arith.constant 0 : i32
    %dma_wait3A_153 = arith.constant 0 : i32
    %dma_wait3A_154 = tpu.memref_slice %arg4[%dma_wait3A_146, %dma_wait3A_151, %add3A, %dma_wait3A_152, %dma_wait3A_153] : memref<200x8x32x8x128xf32, #tpu.memory_space<hbm>> -> memref<1x8x1x8x128xf32, #tpu.memory_space<hbm>>
    %dma_wait3A_155 = tpu.memref_squeeze %dma_wait3A_154 : memref<1x8x1x8x128xf32, #tpu.memory_space<hbm>> -> memref<8x8x128xf32, #tpu.memory_space<hbm>>
    %dma_wait3A_156 = arith.constant 0 : i32
    %dma_wait3A_157 = arith.constant 0 : i32
    %dma_wait3A_158 = arith.constant 0 : i32
    %dma_wait3A_159 = tpu.memref_slice %arg17[%dma_wait3A_156, %dma_wait3A_157, %dma_wait3A_158] : memref<8x8x129xf32, #tpu.memory_space<vmem>> -> memref<8x8x128xf32, #tpu.memory_space<vmem>>
    %dma_wait3A_160 = arith.constant 0 : i32
    %dma_wait3A_161 = arith.constant 0 : i32
    %dma_wait3A_162 = arith.constant 0 : i32
    %dma_wait3A_163 = tpu.memref_slice %arg4[%dma_wait3A_146, %dma_wait3A_160, %add3A, %dma_wait3A_161, %dma_wait3A_162] : memref<200x8x32x8x128xf32, #tpu.memory_space<hbm>> -> memref<1x8x1x8x128xf32, #tpu.memory_space<hbm>>
    %dma_wait3A_164 = tpu.memref_squeeze %dma_wait3A_163 : memref<1x8x1x8x128xf32, #tpu.memory_space<hbm>> -> memref<8x8x128xf32, #tpu.memory_space<hbm>>
    tpu.wait_dma2 semaphore(%arg19 : memref<!tpu.dma_semaphore, #tpu.memory_space<semaphore_mem>>) src(%dma_wait3A_164 : memref<8x8x128xf32, #tpu.memory_space<hbm>>) dst(%dma_wait3A_159 : memref<8x8x128xf32, #tpu.memory_space<vmem>>)
    return
  }
}

module attributes {stable_mosaic.version = 14 : i64} {
  func.func @body(%arg0: i32, %arg1: memref<64x2048xf32, #tpu.memory_space<vmem>>, %arg2: memref<64x64xf32, #tpu.memory_space<vmem>>, %arg3: memref<2048x128xf32, #tpu.memory_space<vmem>>) attributes {dimension_semantics = [#tpu.dimension_semantics<arbitrary>], iteration_bounds = array<i64: 489>, scalar_prefetch = 0 : i64, scratch_operands = 0 : i64, tpu.core_type = #tpu.core_type<tc>, window_params = [{transform_indices = @transform_0, window_bounds = array<i64: 64, 2048>}, {pipeline_mode = #tpu.pipeline_mode<synchronous>, transform_indices = @transform_1, window_bounds = array<i64: 64, 64>}, {transform_indices = @transform_2, window_bounds = array<i64: 2048, 128>}]} {
    %get3A = arith.constant 0 : index
    %get3A_0 = arith.constant 0 : index
    %get3A_1 = vector.load %arg1[%get3A, %get3A_0] : memref<64x2048xf32, #tpu.memory_space<vmem>>, vector<64x2048xf32>
    %get3A_2 = arith.constant 0 : index
    %get3A_3 = arith.constant 0 : index
    %get3A_4 = vector.load %arg2[%get3A_2, %get3A_3] : memref<64x64xf32, #tpu.memory_space<vmem>>, vector<64x64xf32>
    %dot_general3A = arith.constant dense<0.000000e+00> : vector<2048x64xf32>
    %dot_general3A_5 = tpu.matmul %get3A_1, %get3A_4, %dot_general3A {dimension_numbers = #tpu.dot_dimension_numbers<[0], [0], [1], [1], [0, 1, 1, 1], [], []>, precision = #tpu.contract_precision<fp32>, transpose_lhs_hint = false} : vector<64x2048xf32>, vector<64x64xf32>, vector<2048x64xf32> -> vector<2048x64xf32>
    %swap3A = arith.constant 0 : index
    %swap3A_6 = arith.constant 0 : index
    %swap3A_7 = vector.load %arg3[%swap3A, %swap3A_6] : memref<2048x128xf32, #tpu.memory_space<vmem>>, vector<2048x64xf32>
    tpu.vector_store %arg3[%swap3A, %swap3A_6], %dot_general3A_5 {strides = array<i32>} : memref<2048x128xf32, #tpu.memory_space<vmem>>, vector<2048x64xf32>,
    return
  }
  func.func @transform_0(%arg0: i32) -> (i32, i32) {
    %c0_i32 = arith.constant 0 : i32
    %c0_i32_0 = arith.constant 0 : i32
    return %c0_i32, %arg0 : i32, i32
  }
  func.func @transform_1(%arg0: i32) -> (i32, i32) {
    %c0_i32 = arith.constant 0 : i32
    %c0_i32_0 = arith.constant 0 : i32
    %c0_i32_1 = arith.constant 0 : i32
    return %c0_i32, %c0_i32_0 : i32, i32
  }
  func.func @transform_2(%arg0: i32) -> (i32, i32) {
    %c0_i32 = arith.constant 0 : i32
    %c0_i32_0 = arith.constant 0 : i32
    return %arg0, %c0_i32 : i32, i32
  }
}

</mosaic_0001>

<sc_bundles>
// kernel: kernel.4.cloned.1.call-start
scs
__scs_entry_jumppad:
0x0: {  	(pc) =	sbr.rel $0x88, $3  }
0x1: {  	(tag) =	ssettag $0x0;
	lr =	simm.s32 $0x1  }
0x2: {  	[smem:$0x3F9F] =	sst lr;
	_ =	strace $0xD0000000  }
0x3: {  	_ = 	snop  }
0x4: {  	_ = 	snop  }
0x5: {  	_ = 	snop  }
0x6: {  	_ = 	snop  }
0x7: {  	_ = 	snop  }
__scs_overlays_trampoline_lowered:
0x8: {  	[smem:$0x3FAE] =	sst s0  }
0x9: {  	[smem:$0x3FAF] =	sst s1  }
0xa: {  	[smem:$0x3FB0] =	sst s2  }
0xb: {  	[smem:$0x3FB1] =	sst s3  }
0xc: {  	[smem:$0x3FB2] =	sst s4  }
0xd: {  	[smem:$0x3FB3] =	sst s5  }
0xe: {  	[smem:$0x3FB4] =	sst s6  }
0xf: {  	[smem:$0x3FB5] =	sst s7  }
0x10: {  	[smem:$0x3FB6] =	sst s8  }
0x11: {  	[smem:$0x3FB7] =	sst s9;
	s0 =	simm.s32 @!p0 $0x0  }
0x12: {  	s1 =	sld [smem:$0x3F9D];
	s0 =	simm.s32 @p0 $0x1  }
0x13: {  	[smem:$0x3FB8] =	sst s0;
	s0 =	simm.s32 @!p1 $0x0  }
0x14: {  	s2 =	sld [smem:$0x3F9C];
	s0 =	simm.s32 @p1 $0x1  }
0x15: {  	[smem:$0x3FB9] =	sst s0;
	s0 =	simm.s32 @!p2 $0x0  }
0x16: {  	s3 =	sld [smem:$0x3FDB];
	s0 =	simm.s32 @p2 $0x1  }
0x17: {  	s4 =	simm.s32 $0x1BF5;
	[smem:$0x3FBB] =	sst s0  }
0x18: {  	s0 =	sld [smem:$0x3F9E];
	_ =	swait.ge [sflag:s4], $0x0  }
0x19: {  	s7 =	sld [smem:$0x3F9F]  }
0x1a: {  	s8 =	sadd.s32 $0xFFFFE003, lr  }
0x1b: {  	s9 =	sadd.s32 $0xFFFFFEF7, lr;
	s5 =	simm.s32 $0xFFFFFFFF;
	p2 =	slt.u32 s8, $0xFFFFF086  }
0x1c: {  	p1 =	slt.u32 s9, $0xF7A;
	s5 =	simm.s32 @!p2 $0x0  }
0x1d: {  	s5 =	simm.s32 @p1 $0x1;
	p0 =	seq.s32 s7, s2  }
0x1e: {  	s7 =	smul.u32 @!p0 $0xF7A, s2;
	p2 =	seq.s32 @!p0 s5, $0x0  }
0x1f: {  	s9 =	smul.u32 $0xF7A, s1;
	s8 =	simm.s32 @!p0 $0x1BF5;
	p2 =	por !p2, p0  }
0x20: {  	[sflag:s8] =	ssyncset.s32 @!p0 $0xFFFFF086;
	s6 =	sadd.s32 @!p0 s3, s7;
	s7 =	simm.s32 @!p0 $0x108  }
0x21: {  	s3 =	sadd.s32 s3, s9;
	s6 =	sadd.s32 @!p0 $0x88, s6;
	s7 =	simm.s32 @p2 $0x1082  }
0x22: {  	[simem:s7], [sflag:s8] =	dma.local @!p0 [hbm:s6], $0xF7A  }
0x23: {  	s9 =	sor.u32 $0xD0000000, s2;
	s6 =	simm.s32 $0x108;
	_ =	swait.ge @!p0 [sflag:s8], $0x0  }
0x24: {  	s3 =	sadd.s32 $0x88, s3;
	s6 =	simm.s32 @!p1 $0x1082;
	[sflag:s4] =	ssyncset.s32 $0xFFFFF086  }
0x25: {  	[simem:s6], [sflag:s4] =	dma.local [hbm:s3], $0xF7A  }
0x26: {  	[smem:$0x3F9F] =	sst s1;
	(tag) =	ssettag s2;
	_ =	strace s9  }
0x27: {  	s1 =	sld [smem:$0x3FAF]  }
0x28: {  	s2 =	sld [smem:$0x3FB0]  }
0x29: {  	s4 =	sld [smem:$0x3FB2]  }
0x2a: {  	p0 =	seq.s32 s5, $0x0;
	s5 =	sld [smem:$0x3FB3]  }
0x2b: {  	s6 =	sld [smem:$0x3FB4]  }
0x2c: {  	s7 =	sld [smem:$0x3FB5]  }
0x2d: {  	s3 =	simm.s32 $0x108;
	s8 =	sld [smem:$0x3FB6]  }
0x2e: {  	s3 =	simm.s32 @!p0 $0x1082;
	s9 =	sld [smem:$0x3FB7]  }
0x2f: {  	lr =	sadd.s32 s0, s3;
	s0 =	sld [smem:$0x3FAE]  }
0x30: {  	s3 =	sld [smem:$0x3FB1]  }
0x31: {  	[smem:$0x3FBA] =	sst s10  }
0x32: {  	s10 =	sld [smem:$0x3FB8];
	_ =	sdelay $0x3  }
0x33: {  	p0 =	seq.s32 s10, $0x1;
	s10 =	sld [smem:$0x3FBA];
	_ =	sdelay $0x3  }
0x34: {  	[smem:$0x3FBA] =	sst s10  }
0x35: {  	s10 =	sld [smem:$0x3FB9];
	_ =	sdelay $0x3  }
0x36: {  	p1 =	seq.s32 s10, $0x1;
	s10 =	sld [smem:$0x3FBA];
	_ =	sdelay $0x3  }
0x37: {  	[smem:$0x3FBA] =	sst s10  }
0x38: {  	s10 =	sld [smem:$0x3FBB]  }
0x39: {  	_ = 	snop;
	(pc) =	sbr.ind lr, $3  }
0x3a: {  	_ = 	snop  }
0x3b: {  	_ = 	snop  }
0x3c: {  	p2 =	seq.s32 s10, $0x1;
	s10 =	sld [smem:$0x3FBA]  }
0x3d: {  	_ =	shalt  }
0x3e: {  	_ =	shalt  }
0x3f: {  	_ =	shalt  }
0x40: {  	_ =	shalt  }
0x41: {  	_ =	shalt  }
0x42: {  	_ =	shalt  }
0x43: {  	_ =	shalt  }
0x44: {  	_ =	shalt  }
0x45: {  	_ =	shalt  }
0x46: {  	_ =	shalt  }
0x47: {  	_ =	shalt  }
0x48: {  	_ =	shalt  }
0x49: {  	_ =	shalt  }
0x4a: {  	_ =	shalt  }
0x4b: {  	_ =	shalt  }
0x4c: {  	_ =	shalt  }
0x4d: {  	_ =	shalt  }
0x4e: {  	_ =	shalt  }
0x4f: {  	_ =	shalt  }
0x50: {  	_ =	shalt  }
0x51: {  	_ =	shalt  }
0x52: {  	_ =	shalt  }
0x53: {  	_ =	shalt  }
0x54: {  	_ =	shalt  }
0x55: {  	_ =	shalt  }
0x56: {  	_ =	shalt  }
0x57: {  	_ =	shalt  }
0x58: {  	_ =	shalt  }
0x59: {  	_ =	shalt  }
0x5a: {  	_ =	shalt  }
0x5b: {  	_ =	shalt  }
0x5c: {  	_ =	shalt  }
0x5d: {  	_ =	shalt  }
0x5e: {  	_ =	shalt  }
0x5f: {  	_ =	shalt  }
0x60: {  	_ =	shalt  }
0x61: {  	_ =	shalt  }
0x62: {  	_ =	shalt  }
0x63: {  	_ =	shalt  }
0x64: {  	_ =	shalt  }
0x65: {  	_ =	shalt  }
0x66: {  	_ =	shalt  }
0x67: {  	_ =	shalt  }
0x68: {  	_ =	shalt  }
0x69: {  	_ =	shalt  }
0x6a: {  	_ =	shalt  }
0x6b: {  	_ =	shalt  }
0x6c: {  	_ =	shalt  }
0x6d: {  	_ =	shalt  }
0x6e: {  	_ =	shalt  }
0x6f: {  	_ =	shalt  }
0x70: {  	_ =	shalt  }
0x71: {  	_ =	shalt  }
0x72: {  	_ =	shalt  }
0x73: {  	_ =	shalt  }
0x74: {  	_ =	shalt  }
0x75: {  	_ =	shalt  }
0x76: {  	_ =	shalt  }
0x77: {  	_ =	shalt  }
0x78: {  	_ =	shalt  }
0x79: {  	_ =	shalt  }
0x7a: {  	_ =	shalt  }
0x7b: {  	_ =	shalt  }
0x7c: {  	_ =	shalt  }
0x7d: {  	_ =	shalt  }
0x7e: {  	_ =	shalt  }
0x7f: {  	_ =	shalt  }
0x80: {  	_ =	shalt  }
0x81: {  	_ =	shalt  }
0x82: {  	_ =	shalt  }
0x83: {  	_ =	shalt  }
0x84: {  	_ =	shalt  }
0x85: {  	_ =	shalt  }
0x86: {  	_ =	shalt  }
0x87: {  	_ =	shalt  }
.Lfunc_end0:
.L_simem_size_0:
called_computation_lowered:
.L_overlay_start_0:
0x88: {  	s2 =	sld [smem:$0x3FD9]  }
0x89: {  	s3 =	sld [smem:$0x3FFE];
	_ =	sdelay $0x1  }
0x8a: {  	s1 =	srdreg.scid  }
0x8b: {  	s0 =	sand.u32 $0x1, s1  }
0x8c: {  	s17 =	sshll.u32 s0, $0xA;
	s2 =	sadd.s32 s3, s2  }
0x8d: {  	s2 =	sadd.s32 s2, s17  }
0x8e: {  	[smem:$0x3FC6] =	sst s2  }
0x8f: {  	_ = 	snop  }
0x90: {  	s2 =	sld [smem:$0x3FD0];
	(tm) =	ssettm $0x1  }
0x91: {  	s18 =	sld [smem:$0x3FFB];
	_ =	sdelay $0x3  }
0x92: {  	_ =	strace s18  }
0x93: {  	s3 =	sld [smem:$0x3FFC];
	_ =	sdelay $0x3  }
0x94: {  	_ =	strace s3  }
0x95: {  	s3 =	sld [smem:$0x3FFD];
	_ =	sdelay $0x3  }
0x96: {  	_ =	strace s3  }
0x97: {  	_ =	strace $0x8FFFFFFF  }
0x98: {  	s19 =	sld [smem:$0x3FDB];
	_ =	sdelay $0x1  }
0x99: {  	s4 =	simm.s32 $_scs_section_size  }
0x9a: {  	s5 =	simm.s32 $_size__tile_overlayer_lowered;
	s6 =	simm.s32 $_tile_overlayer_lowered  }
0x9b: {  	s22 =	simm.s32 $0x1BFF;
	s21 =	sshll.u32 s6, $0x1;
	s3 =	sadd.s32 s4, s19  }
0x9c: {  	s7 =	simm.s32 $0x0;
	s20 =	sshll.u32 s5, $0x1;
	s5 =	sadd.s32 s21, s3  }
0x9d: {  	[timem:s7], [sflag:s22] =	dma.local [hbm:s5], s20  }
0x9e: {  	_ =	swait.ge [sflag:s22], s20  }
0x9f: {  	s4 =	ssub.s32 $0x0, s20;
	[sflag:s22] =	ssyncset.done $0x0  }
0xa0: {  	[sflag:s22] =	ssyncadd.s32 s4;
	_ =	sdelay $0x1  }
0xa1: {  	s23 =	simm.s32 $0x1B8B  }
0xa2: {  	_ =	swait.ge [sflag:s23], $0x1  }
0xa3: {  	[sflag:s23] =	ssyncset.done $0x0  }
0xa4: {  	s25 =	simm.s32 $0x1B8E;
	s24 =	sld [smem:$0x3FFE];
	[sflag:s23] =	ssyncadd.s32 $0xFFFFFFFF  }
0xa5: {  	s26 =	simm.s32 $execute0_lowered;
	[smem:$0x3FD2] =	sst s25  }
0xa6: {  	s5 =	sshll.u32 s26, $0x1;
	_ =	strace $0x80000046;
	[dreg:$0x1] =	wrdreg $0xFFFFFFFF  }
0xa7: {  	s28 =	simm.s32 $_size_execute0_lowered;
	s3 =	sadd.s32 s3, s5;
	[dreg:$0x0] =	wrdreg $0x0  }
0xa8: {  	s5 =	sshll.u32 s28, $0x1;
	[dreg:$0x2] =	wrdreg s3  }
0xa9: {  	[dreg:$0x3] =	wrdreg s5  }
0xaa: {  	[dreg:$0x4] =	wrdreg $0xC0  }
0xab: {  	_ =	task [dreg:s7], $0x5FFFF  }
0xac: {  	[dreg:$0x1] =	wrdreg $0xFFFFFFFF  }
0xad: {  	[dreg:$0x0] =	wrdreg $0x60  }
0xae: {  	[dreg:$0x2] =	wrdreg s24  }
0xaf: {  	[dreg:$0x3] =	wrdreg s2  }
0xb0: {  	[dreg:$0x4] =	wrdreg $0x9  }
0xb1: {  	_ =	task.clear_ibuf [dreg:s7], $0x5FFFF;
	_ =	strace $0x90000046  }
0xb2: {  	s29 =	simm.s32 $0x9;
	_ =	strace $0x80000048  }
0xb3: {  	_ =	swait.ge [sflag:s29], $0x1  }
0xb4: {  	[sflag:s29] =	ssyncadd.s32 $0xFFFFFFFF  }
0xb5: {  	_ =	strace $0x90000048  }
0xb6: {  	_ =	sfence  }
0xb7: {  	s30 =	sld [smem:$0x0];
	_ =	sdelay $0x2  }
0xb8: {  	s31 =	sshll.u32 s1, $0xD;
	s1 =	sshrl.u32 s1, $0x2  }
0xb9: {  	s3 =	sand.u32 $0x4000, s31;
	s1 =	sadd.s32 s1, s30  }
0xba: {  	s0 =	sor.u32 s3, s0;
	s1 =	sshll.u32 s1, $0x11  }
0xbb: {  	s0 =	sor.u32 s1, s0  }
0xbc: {  	s0 =	sadd.s32 $0x8F2B, s0  }
0xbd: {  	[sflag:s0] =	ssyncadd.remote.s32 $0x1  }
0xbe: {  	_ =	sfence.sel $0xFFFF  }
0xbf: {  	[dreg:$0x0] =	wrdreg $0xFFFFFFFF;
	(pc) =	sbr.abs _section_cstart, $3  }
0xc0: {  	[dreg:$0x1] =	wrdreg $0xFFFFFFFF  }
0xc1: {  	_ =	task.clear_ibuf [dreg:s7], $0x2FFFF;
	_ =	strace $0x9FFFFFFF  }
0xc2: {  	(tm) =	ssettm $0x7FFFFFFF  }
0xc3: {  	_ =	shalt  }
tec
execute0_lowered:
.L_overlay_start_1:
0x0: {  	(tag) =	ssettag $0x1  }
0x1: {  	s0 =	rddreg [dreg:$0x0];
	v0 =	vlaneseq.u32  }
0x2: {  	s2 =	rddreg [dreg:$0x1];
	v0 =	vmul.u32 $0x88, v0  }
0x3: {  	s1 =	srdreg.scid;
	s4 =	stileid.u32;
	v1 =	vimm.s32 $0x0;
	vm0 =	vcmask $0x300  }
0x4: {  	s3 =	simm.s32 $0x0;
	s11 =	simm.s32 $0x80;
	s12 =	simm.s32 $0x6400;
	v1 =	vsel vm0, $0x3, v1;
	v2 =	vadd.s32 $0x880, v0  }
0x5: {  	s13 =	simm.s32 $0x8400;
	s14 =	simm.s32 $0xA400;
	s15 =	simm.s32 $0xC400;
	v3 =	vadd.s32 $0x1100, v0;
	v4 =	vadd.s32 $0x1980, v0;
	v5 =	vor.u32 $0x1, v0  }
0x6: {  	s16 =	simm.s32 $0xE400;
	s17 =	simm.s32 $0x10400;
	s18 =	simm.s32 $0x1;
	v6 =	vadd.s32 $0x881, v0;
	v7 =	vadd.s32 $0x1101, v0;
	v8 =	vadd.s32 $0x1981, v0  }
0x7: {  	s19 =	simm.s32 $0x12400;
	s20 =	simm.s32 $0x14600;
	s21 =	simm.s32 $0x16800;
	v9 =	vor.u32 $0x2, v0;
	v10 =	vadd.s32 $0x882, v0;
	v11 =	vadd.s32 $0x1102, v0  }
0x8: {  	s22 =	simm.s32 $0x18A00;
	s23 =	simm.s32 $0x1AC00;
	s1 =	sand.u32 $0x1, s1;
	v12 =	vadd.s32 $0x1982, v0;
	v13 =	vor.u32 $0x3, v0;
	v14 =	vadd.s32 $0x883, v0  }
0x9: {  	s4 =	sshll.u32 s4, $0xB;
	s5 =	sshll.u32 s1, $0xA;
	s1 =	ssub.s32 $0x2, s1;
	v15 =	vadd.s32 $0x1103, v0;
	v16 =	vadd.s32 $0x1983, v0;
	v17 =	vor.u32 $0x4, v0  }
0xa: {  	s24 =	simm.s32 $0x1CE00;
	s4 =	sor.u32 s5, s4;
	s7 =	sshrl.u32 s1, $0x1;
	v18 =	vadd.s32 $0x884, v0;
	v19 =	vadd.s32 $0x1104, v0;
	v20 =	vadd.s32 $0x1984, v0  }
0xb: {  	[smem:$0x7FF] =	sst s3;
	v21 =	vor.u32 $0x5, v0;
	v22 =	vadd.s32 $0x885, v0;
	v23 =	vadd.s32 $0x1105, v0;
	s6 =	sshrl.u32 s4, $0x3;
	s1 =	ssub.s32 s1, s7  }
0xc: {  	s5 =	sadd.s32 $0x19400, s0;
	v24 =	vadd.s32 $0x1985, v0;
	v25 =	vor.u32 $0x6, v0;
	v26 =	vadd.s32 $0x886, v0;
	s0 =	sadd.s32 s6, s0;
	s31 =	smax.u32 s1, $0x1  }
0xd: {  	_ =	strace $0x80000047;
	v27 =	vadd.s32 $0x1106, v0;
	v28 =	vadd.s32 $0x1986, v0;
	v29 =	vor.u32 $0x7, v0;
	s0 =	sadd.s32 $0x400, s0;
	[dreg:$0x4] =	wrdreg s31  }
0xe: {  	s25 =	simm.s32 $0x2;
	v30 =	vadd.s32 $0x887, v0;
	v31 =	vadd.s32 $0x1107, v0;
	v32 =	vadd.s32 $0x1987, v0;
	s1 =	simm.s32 $0x0;
	[dreg:$0x3] =	wrdreg s0  }
.LBB2_1:
0xf: {  	[dreg:$0x5] =	wrdreg s1  }
0x10: {  	s0 =	rddreg [dreg:$0x3]  }
0x11: {  	s30 =	simm.s32 $0x400;
	s6 =	simm.s32 $0x8000;
	s31 =	simm.s32 $0x3  }
0x12: {  	[tilespmem:s3], [sflag:$0x3] =	stream.strided.gather [hbm4b:s0+s30], $0x6400, s6, s30, $0x38;
	[tilespmem:$0x1F000] =	vst v63  }
0x13: {  	_ =	swait.ge [sflag:s31], $0x6400  }
0x14: {  	[sflag:s31] =	ssyncset.done $0x0  }
0x15: {  	s28 =	simm.s32 $0x0;
	[sflag:s31] =	ssyncadd.s32 $0xFFFF9C00  }
.LBB2_2:
0x16: {  	s0 =	smul.u32 $0xC00, s28  }
0x17: {  	s1 =	smul.u32 $0x300, s28  }
0x18: {  	s0 =	sand.u32 $0x3F000, s0  }
0x19: {  	s1 =	sand.u32 $0x300, s1;
	s0 =	sshrl.u32 s0, $0x2  }
0x1a: {  	s6 =	smul.u32 $0x6, s28;
	s1 =	sor.u32 s1, s0  }
0x1b: {  	[tilespmem:s12], [sflag:$0x1] =	stream.indirect.gather [hbm4b:s5+s11], $0x40, s1, s11, $0xb8;
	[tilespmem:$0x1F000] =	vst v63  }
0x1c: {  	s1 =	sor.u32 $0x1, s6  }
0x1d: {  	s7 =	sshll.u32 s1, $0x7  }
0x1e: {  	s7 =	sand.u32 $0x380, s7  }
0x1f: {  	s0 =	sor.u32 s7, s0  }
0x20: {  	[tilespmem:s13], [sflag:$0x1] =	stream.indirect.gather [hbm4b:s5+s11], $0x40, s0, s11, $0xb8;
	[tilespmem:$0x1F000] =	vst v63  }
0x21: {  	s0 =	sadd.s32 $0x2, s6  }
0x22: {  	s31 =	sadd.s32 $0x3, s6;
	s9 =	sshll.u32 s0, $0x7  }
0x23: {  	s30 =	sadd.s32 $0x4, s6;
	s10 =	sshll.u32 s31, $0x7;
	s7 =	sand.u32 $0x1FF00, s9  }
0x24: {  	[tilespmem:s14], [sflag:$0x1] =	stream.indirect.gather [hbm4b:s5+s11], $0x40, s7, s11, $0xb8;
	[tilespmem:$0x1F000] =	vst v63  }
0x25: {  	s29 =	sadd.s32 $0x5, s6;
	s26 =	sshll.u32 s30, $0x7;
	s7 =	sand.u32 $0x1FF80, s10  }
0x26: {  	[tilespmem:s15], [sflag:$0x1] =	stream.indirect.gather [hbm4b:s5+s11], $0x40, s7, s11, $0xb8;
	[tilespmem:$0x1F000] =	vst v63  }
0x27: {  	s8 =	simm.s32 $0x0;
	s6 =	sshll.u32 s29, $0x7;
	s7 =	sand.u32 $0x1FF00, s26  }
0x28: {  	[tilespmem:s16], [sflag:$0x1] =	stream.indirect.gather [hbm4b:s5+s11], $0x40, s7, s11, $0xb8;
	[tilespmem:$0x1F000] =	vst v63  }
0x29: {  	v33 =	vmov s8;
	s6 =	sand.u32 $0x1FF80, s6  }
0x2a: {  	v33 =	vshrl.u32 v33, $0x3;
	[tilespmem:s17], [sflag:$0x1] =	stream.indirect.gather [hbm4b:s5+s11], $0x40, s6, s11, $0xb8;
	[tilespmem:$0x1F000] =	vst v63  }
0x2b: {  	v33 =	vshll.u32 v33, v1;
	_ =	swait.ge [sflag:s18], $0x2000  }
0x2c: {  	v33 =	vbroadcast v33, $0x0;
	[sflag:s18] =	ssyncset.done $0x0  }
0x2d: {  	s8 =	simm.s32 $0x6500;
	[sflag:s18] =	ssyncadd.s32 $0xFFFFE000  }
0x2e: {  	v35 =	vadd.s32 v0, v33;
	v34 =	vld [tilespmem:s8+$0xFFFFFF00];
	_ =	sdelay $0x4  }
0x2f: {  	[tilespmem:v35+s19+$0x0] =	vst.idx.msk $0xffff, v34  }
0x30: {  	v56 =	vadd.s32 v2, v33;
	v34 =	vld [tilespmem:s8+$0xFFFFFF10];
	_ =	sdelay $0x4  }
0x31: {  	[tilespmem:v56+s19+$0x0] =	vst.idx.msk $0xffff, v34  }
0x32: {  	v57 =	vadd.s32 v3, v33;
	v34 =	vld [tilespmem:s8+$0xFFFFFF20];
	_ =	sdelay $0x4  }
0x33: {  	[tilespmem:v57+s19+$0x0] =	vst.idx.msk $0xffff, v34  }
0x34: {  	v33 =	vadd.s32 v4, v33;
	s9 =	simm.s32 $0x1;
	v34 =	vld [tilespmem:s8+$0xFFFFFF30]  }
0x35: {  	v58 =	vmov s9  }
0x36: {  	v35 =	vshrl.u32 v58, $0x3  }
0x37: {  	v35 =	vshll.u32 v35, v1  }
0x38: {  	v35 =	vbroadcast v35, $0x0  }
0x39: {  	[tilespmem:v33+s19+$0x0] =	vst.idx.msk $0xffff, v34  }
0x3a: {  	v59 =	vadd.s32 v5, v35;
	v33 =	vld [tilespmem:s8+$0xFFFFFF40];
	_ =	sdelay $0x4  }
0x3b: {  	[tilespmem:v59+s19+$0x0] =	vst.idx.msk $0xffff, v33  }
0x3c: {  	v60 =	vadd.s32 v6, v35;
	v33 =	vld [tilespmem:s8+$0xFFFFFF50];
	_ =	sdelay $0x4  }
0x3d: {  	[tilespmem:v60+s19+$0x0] =	vst.idx.msk $0xffff, v33  }
0x3e: {  	v61 =	vadd.s32 v7, v35;
	v33 =	vld [tilespmem:s8+$0xFFFFFF60];
	_ =	sdelay $0x4  }
0x3f: {  	[tilespmem:v61+s19+$0x0] =	vst.idx.msk $0xffff, v33  }
0x40: {  	s10 =	simm.s32 $0x2;
	v62 =	vadd.s32 v8, v35;
	v33 =	vld [tilespmem:s8+$0xFFFFFF70]  }
0x41: {  	v63 =	vmov s10  }
0x42: {  	v35 =	vshrl.u32 v63, $0x3  }
0x43: {  	v35 =	vshll.u32 v35, v1  }
0x44: {  	v35 =	vbroadcast v35, $0x0  }
0x45: {  	[tilespmem:v62+s19+$0x0] =	vst.idx.msk $0xffff, v33  }
0x46: {  	v36 =	vadd.s32 v9, v35;
	v33 =	vld [tilespmem:s8+$0xFFFFFF80];
	_ =	sdelay $0x4  }
0x47: {  	[tilespmem:v36+s19+$0x0] =	vst.idx.msk $0xffff, v33  }
0x48: {  	v37 =	vadd.s32 v10, v35;
	v33 =	vld [tilespmem:s8+$0xFFFFFF90];
	_ =	sdelay $0x4  }
0x49: {  	[tilespmem:v37+s19+$0x0] =	vst.idx.msk $0xffff, v33  }
0x4a: {  	v38 =	vadd.s32 v11, v35;
	v33 =	vld [tilespmem:s8+$0xFFFFFFA0];
	_ =	sdelay $0x4  }
0x4b: {  	[tilespmem:v38+s19+$0x0] =	vst.idx.msk $0xffff, v33  }
0x4c: {  	s26 =	simm.s32 $0x3;
	v39 =	vadd.s32 v12, v35;
	v33 =	vld [tilespmem:s8+$0xFFFFFFB0]  }
0x4d: {  	v40 =	vmov s26  }
0x4e: {  	v35 =	vshrl.u32 v40, $0x3  }
0x4f: {  	v35 =	vshll.u32 v35, v1  }
0x50: {  	v35 =	vbroadcast v35, $0x0  }
0x51: {  	[tilespmem:v39+s19+$0x0] =	vst.idx.msk $0xffff, v33  }
0x52: {  	v41 =	vadd.s32 v13, v35;
	v33 =	vld [tilespmem:s8+$0xFFFFFFC0];
	_ =	sdelay $0x4  }
0x53: {  	[tilespmem:v41+s19+$0x0] =	vst.idx.msk $0xffff, v33  }
0x54: {  	v42 =	vadd.s32 v14, v35;
	v33 =	vld [tilespmem:s8+$0xFFFFFFD0];
	_ =	sdelay $0x4  }
0x55: {  	[tilespmem:v42+s19+$0x0] =	vst.idx.msk $0xffff, v33  }
0x56: {  	v43 =	vadd.s32 v15, v35;
	v33 =	vld [tilespmem:s8+$0xFFFFFFE0];
	_ =	sdelay $0x4  }
0x57: {  	[tilespmem:v43+s19+$0x0] =	vst.idx.msk $0xffff, v33  }
0x58: {  	s7 =	simm.s32 $0x4;
	v44 =	vadd.s32 v16, v35;
	v33 =	vld [tilespmem:s8+$0xFFFFFFF0]  }
0x59: {  	v45 =	vmov s7  }
0x5a: {  	v35 =	vshrl.u32 v45, $0x3  }
0x5b: {  	v35 =	vshll.u32 v35, v1  }
0x5c: {  	v35 =	vbroadcast v35, $0x0  }
0x5d: {  	[tilespmem:v44+s19+$0x0] =	vst.idx.msk $0xffff, v33  }
0x5e: {  	v46 =	vadd.s32 v17, v35;
	v33 =	vld [tilespmem:s8+$0x0];
	_ =	sdelay $0x4  }
0x5f: {  	[tilespmem:v46+s19+$0x0] =	vst.idx.msk $0xffff, v33  }
0x60: {  	v47 =	vadd.s32 v18, v35;
	v33 =	vld [tilespmem:s8+$0x10];
	_ =	sdelay $0x4  }
0x61: {  	[tilespmem:v47+s19+$0x0] =	vst.idx.msk $0xffff, v33  }
0x62: {  	v48 =	vadd.s32 v19, v35;
	v33 =	vld [tilespmem:s8+$0x20];
	_ =	sdelay $0x4  }
0x63: {  	[tilespmem:v48+s19+$0x0] =	vst.idx.msk $0xffff, v33  }
0x64: {  	s9 =	simm.s32 $0x5;
	v49 =	vadd.s32 v20, v35;
	v33 =	vld [tilespmem:s8+$0x30]  }
0x65: {  	v50 =	vmov s9  }
0x66: {  	v35 =	vshrl.u32 v50, $0x3  }
0x67: {  	v35 =	vshll.u32 v35, v1  }
0x68: {  	v35 =	vbroadcast v35, $0x0  }
0x69: {  	[tilespmem:v49+s19+$0x0] =	vst.idx.msk $0xffff, v33  }
0x6a: {  	v51 =	vadd.s32 v21, v35;
	v33 =	vld [tilespmem:s8+$0x40];
	_ =	sdelay $0x4  }
0x6b: {  	[tilespmem:v51+s19+$0x0] =	vst.idx.msk $0xffff, v33  }
0x6c: {  	v52 =	vadd.s32 v22, v35;
	v33 =	vld [tilespmem:s8+$0x50];
	_ =	sdelay $0x4  }
0x6d: {  	[tilespmem:v52+s19+$0x0] =	vst.idx.msk $0xffff, v33  }
0x6e: {  	v53 =	vadd.s32 v23, v35;
	v33 =	vld [tilespmem:s8+$0x60];
	_ =	sdelay $0x4  }
0x6f: {  	[tilespmem:v53+s19+$0x0] =	vst.idx.msk $0xffff, v33  }
0x70: {  	s10 =	simm.s32 $0x6;
	v54 =	vadd.s32 v24, v35;
	v33 =	vld [tilespmem:s8+$0x70]  }
0x71: {  	v55 =	vmov s10  }
0x72: {  	v35 =	vshrl.u32 v55, $0x3  }
0x73: {  	v35 =	vshll.u32 v35, v1  }
0x74: {  	v35 =	vbroadcast v35, $0x0  }
0x75: {  	[tilespmem:v54+s19+$0x0] =	vst.idx.msk $0xffff, v33  }
0x76: {  	v56 =	vadd.s32 v25, v35;
	v33 =	vld [tilespmem:s8+$0x80];
	_ =	sdelay $0x4  }
0x77: {  	[tilespmem:v56+s19+$0x0] =	vst.idx.msk $0xffff, v33  }
0x78: {  	v57 =	vadd.s32 v26, v35;
	v33 =	vld [tilespmem:s8+$0x90];
	_ =	sdelay $0x4  }
0x79: {  	[tilespmem:v57+s19+$0x0] =	vst.idx.msk $0xffff, v33  }
0x7a: {  	v58 =	vadd.s32 v27, v35;
	v33 =	vld [tilespmem:s8+$0xA0];
	_ =	sdelay $0x4  }
0x7b: {  	[tilespmem:v58+s19+$0x0] =	vst.idx.msk $0xffff, v33  }
0x7c: {  	s26 =	simm.s32 $0x7;
	v59 =	vadd.s32 v28, v35;
	v33 =	vld [tilespmem:s8+$0xB0]  }
0x7d: {  	v60 =	vmov s26  }
0x7e: {  	v35 =	vshrl.u32 v60, $0x3  }
0x7f: {  	v35 =	vshll.u32 v35, v1  }
0x80: {  	v35 =	vbroadcast v35, $0x0  }
0x81: {  	[tilespmem:v59+s19+$0x0] =	vst.idx.msk $0xffff, v33  }
0x82: {  	v61 =	vadd.s32 v29, v35;
	v33 =	vld [tilespmem:s8+$0xC0];
	_ =	sdelay $0x4  }
0x83: {  	[tilespmem:v61+s19+$0x0] =	vst.idx.msk $0xffff, v33  }
0x84: {  	v62 =	vadd.s32 v30, v35;
	v33 =	vld [tilespmem:s8+$0xD0];
	_ =	sdelay $0x4  }
0x85: {  	[tilespmem:v62+s19+$0x0] =	vst.idx.msk $0xffff, v33  }
0x86: {  	v63 =	vadd.s32 v31, v35;
	v33 =	vld [tilespmem:s8+$0xE0];
	_ =	sdelay $0x4  }
0x87: {  	[tilespmem:v63+s19+$0x0] =	vst.idx.msk $0xffff, v33  }
0x88: {  	s9 =	simm.s32 $0x8;
	v34 =	vadd.s32 v32, v35;
	v33 =	vld [tilespmem:s8+$0xF0]  }
0x89: {  	s6 =	simm.s32 $0x10;
	v35 =	vmov s9  }
.LBB2_3:
0x8a: {  	p0 =	slt.u32 s6, $0x78;
	v35 =	vshrl.u32 v35, $0x3  }
0x8b: {  	v35 =	vshll.u32 v35, v1  }
0x8c: {  	v35 =	vbroadcast v35, $0x0  }
0x8d: {  	s8 =	sadd.s32 $0x200, s8;
	[tilespmem:v34+s19+$0x0] =	vst.idx.msk $0xffff, v33  }
0x8e: {  	v33 =	vld [tilespmem:s8+$0xFFFFFF00];
	v34 =	vadd.s32 v0, v35;
	_ =	sdelay $0x4  }
0x8f: {  	[tilespmem:v34+s19+$0x0] =	vst.idx.msk $0xffff, v33  }
0x90: {  	v34 =	vadd.s32 v2, v35;
	v33 =	vld [tilespmem:s8+$0xFFFFFF10];
	_ =	sdelay $0x4  }
0x91: {  	[tilespmem:v34+s19+$0x0] =	vst.idx.msk $0xffff, v33  }
0x92: {  	v34 =	vadd.s32 v3, v35;
	v33 =	vld [tilespmem:s8+$0xFFFFFF20];
	_ =	sdelay $0x4  }
0x93: {  	[tilespmem:v34+s19+$0x0] =	vst.idx.msk $0xffff, v33  }
0x94: {  	s7 =	sadd.s32 $0x1, s9;
	v34 =	vadd.s32 v4, v35;
	v33 =	vld [tilespmem:s8+$0xFFFFFF30]  }
0x95: {  	v35 =	vmov s7  }
0x96: {  	v35 =	vshrl.u32 v35, $0x3  }
0x97: {  	v35 =	vshll.u32 v35, v1  }
0x98: {  	v35 =	vbroadcast v35, $0x0  }
0x99: {  	[tilespmem:v34+s19+$0x0] =	vst.idx.msk $0xffff, v33  }
0x9a: {  	v34 =	vadd.s32 v5, v35;
	v33 =	vld [tilespmem:s8+$0xFFFFFF40];
	_ =	sdelay $0x4  }
0x9b: {  	[tilespmem:v34+s19+$0x0] =	vst.idx.msk $0xffff, v33  }
0x9c: {  	v34 =	vadd.s32 v6, v35;
	v33 =	vld [tilespmem:s8+$0xFFFFFF50];
	_ =	sdelay $0x4  }
0x9d: {  	[tilespmem:v34+s19+$0x0] =	vst.idx.msk $0xffff, v33  }
0x9e: {  	v34 =	vadd.s32 v7, v35;
	v33 =	vld [tilespmem:s8+$0xFFFFFF60];
	_ =	sdelay $0x4  }
0x9f: {  	[tilespmem:v34+s19+$0x0] =	vst.idx.msk $0xffff, v33  }
0xa0: {  	s7 =	sadd.s32 $0x2, s9;
	v34 =	vadd.s32 v8, v35;
	v33 =	vld [tilespmem:s8+$0xFFFFFF70]  }
0xa1: {  	v35 =	vmov s7  }
0xa2: {  	v35 =	vshrl.u32 v35, $0x3  }
0xa3: {  	v35 =	vshll.u32 v35, v1  }
0xa4: {  	v35 =	vbroadcast v35, $0x0  }
0xa5: {  	[tilespmem:v34+s19+$0x0] =	vst.idx.msk $0xffff, v33  }
0xa6: {  	v34 =	vadd.s32 v9, v35;
	v33 =	vld [tilespmem:s8+$0xFFFFFF80];
	_ =	sdelay $0x4  }
0xa7: {  	[tilespmem:v34+s19+$0x0] =	vst.idx.msk $0xffff, v33  }
0xa8: {  	v34 =	vadd.s32 v10, v35;
	v33 =	vld [tilespmem:s8+$0xFFFFFF90];
	_ =	sdelay $0x4  }
0xa9: {  	[tilespmem:v34+s19+$0x0] =	vst.idx.msk $0xffff, v33  }
0xaa: {  	v34 =	vadd.s32 v11, v35;
	v33 =	vld [tilespmem:s8+$0xFFFFFFA0];
	_ =	sdelay $0x4  }
0xab: {  	[tilespmem:v34+s19+$0x0] =	vst.idx.msk $0xffff, v33  }
0xac: {  	s7 =	sadd.s32 $0x3, s9;
	v34 =	vadd.s32 v12, v35;
	v33 =	vld [tilespmem:s8+$0xFFFFFFB0]  }
0xad: {  	v35 =	vmov s7  }
0xae: {  	v35 =	vshrl.u32 v35, $0x3  }
0xaf: {  	v35 =	vshll.u32 v35, v1  }
0xb0: {  	v35 =	vbroadcast v35, $0x0  }
0xb1: {  	[tilespmem:v34+s19+$0x0] =	vst.idx.msk $0xffff, v33  }
0xb2: {  	v34 =	vadd.s32 v13, v35;
	v33 =	vld [tilespmem:s8+$0xFFFFFFC0];
	_ =	sdelay $0x4  }
0xb3: {  	[tilespmem:v34+s19+$0x0] =	vst.idx.msk $0xffff, v33  }
0xb4: {  	v34 =	vadd.s32 v14, v35;
	v33 =	vld [tilespmem:s8+$0xFFFFFFD0];
	_ =	sdelay $0x4  }
0xb5: {  	[tilespmem:v34+s19+$0x0] =	vst.idx.msk $0xffff, v33  }
0xb6: {  	v34 =	vadd.s32 v15, v35;
	v33 =	vld [tilespmem:s8+$0xFFFFFFE0];
	_ =	sdelay $0x4  }
0xb7: {  	[tilespmem:v34+s19+$0x0] =	vst.idx.msk $0xffff, v33  }
0xb8: {  	s7 =	sadd.s32 $0x4, s9;
	v34 =	vadd.s32 v16, v35;
	v33 =	vld [tilespmem:s8+$0xFFFFFFF0]  }
0xb9: {  	v35 =	vmov s7  }
0xba: {  	v35 =	vshrl.u32 v35, $0x3  }
0xbb: {  	v35 =	vshll.u32 v35, v1  }
0xbc: {  	v35 =	vbroadcast v35, $0x0  }
0xbd: {  	[tilespmem:v34+s19+$0x0] =	vst.idx.msk $0xffff, v33  }
0xbe: {  	v34 =	vadd.s32 v17, v35;
	v33 =	vld [tilespmem:s8+$0x0];
	_ =	sdelay $0x4  }
0xbf: {  	[tilespmem:v34+s19+$0x0] =	vst.idx.msk $0xffff, v33  }
0xc0: {  	v34 =	vadd.s32 v18, v35;
	v33 =	vld [tilespmem:s8+$0x10];
	_ =	sdelay $0x4  }
0xc1: {  	[tilespmem:v34+s19+$0x0] =	vst.idx.msk $0xffff, v33  }
0xc2: {  	v34 =	vadd.s32 v19, v35;
	v33 =	vld [tilespmem:s8+$0x20];
	_ =	sdelay $0x4  }
0xc3: {  	[tilespmem:v34+s19+$0x0] =	vst.idx.msk $0xffff, v33  }
0xc4: {  	s7 =	sadd.s32 $0x5, s9;
	v34 =	vadd.s32 v20, v35;
	v33 =	vld [tilespmem:s8+$0x30]  }
0xc5: {  	v35 =	vmov s7  }
0xc6: {  	v35 =	vshrl.u32 v35, $0x3  }
0xc7: {  	v35 =	vshll.u32 v35, v1  }
0xc8: {  	v35 =	vbroadcast v35, $0x0  }
0xc9: {  	[tilespmem:v34+s19+$0x0] =	vst.idx.msk $0xffff, v33  }
0xca: {  	v34 =	vadd.s32 v21, v35;
	v33 =	vld [tilespmem:s8+$0x40];
	_ =	sdelay $0x4  }
0xcb: {  	[tilespmem:v34+s19+$0x0] =	vst.idx.msk $0xffff, v33  }
0xcc: {  	v34 =	vadd.s32 v22, v35;
	v33 =	vld [tilespmem:s8+$0x50];
	_ =	sdelay $0x4  }
0xcd: {  	[tilespmem:v34+s19+$0x0] =	vst.idx.msk $0xffff, v33  }
0xce: {  	v34 =	vadd.s32 v23, v35;
	v33 =	vld [tilespmem:s8+$0x60];
	_ =	sdelay $0x4  }
0xcf: {  	[tilespmem:v34+s19+$0x0] =	vst.idx.msk $0xffff, v33  }
0xd0: {  	s7 =	sadd.s32 $0x6, s9;
	v34 =	vadd.s32 v24, v35;
	v33 =	vld [tilespmem:s8+$0x70]  }
0xd1: {  	v35 =	vmov s7  }
0xd2: {  	v35 =	vshrl.u32 v35, $0x3  }
0xd3: {  	v35 =	vshll.u32 v35, v1  }
0xd4: {  	v35 =	vbroadcast v35, $0x0  }
0xd5: {  	[tilespmem:v34+s19+$0x0] =	vst.idx.msk $0xffff, v33  }
0xd6: {  	v34 =	vadd.s32 v25, v35;
	v33 =	vld [tilespmem:s8+$0x80];
	_ =	sdelay $0x4  }
0xd7: {  	[tilespmem:v34+s19+$0x0] =	vst.idx.msk $0xffff, v33  }
0xd8: {  	v34 =	vadd.s32 v26, v35;
	v33 =	vld [tilespmem:s8+$0x90];
	_ =	sdelay $0x4  }
0xd9: {  	[tilespmem:v34+s19+$0x0] =	vst.idx.msk $0xffff, v33  }
0xda: {  	v34 =	vadd.s32 v27, v35;
	v33 =	vld [tilespmem:s8+$0xA0];
	_ =	sdelay $0x4  }
0xdb: {  	[tilespmem:v34+s19+$0x0] =	vst.idx.msk $0xffff, v33  }
0xdc: {  	s7 =	sadd.s32 $0x7, s9;
	s9 =	smov.u32 s6;
	v34 =	vadd.s32 v28, v35;
	v33 =	vld [tilespmem:s8+$0xB0]  }
0xdd: {  	v35 =	vmov s7  }
0xde: {  	v35 =	vshrl.u32 v35, $0x3  }
0xdf: {  	v35 =	vshll.u32 v35, v1  }
0xe0: {  	v35 =	vbroadcast v35, $0x0  }
0xe1: {  	[tilespmem:v34+s19+$0x0] =	vst.idx.msk $0xffff, v33  }
0xe2: {  	v34 =	vadd.s32 v29, v35;
	v33 =	vld [tilespmem:s8+$0xC0];
	_ =	sdelay $0x4  }
0xe3: {  	[tilespmem:v34+s19+$0x0] =	vst.idx.msk $0xffff, v33  }
0xe4: {  	v34 =	vadd.s32 v30, v35;
	v33 =	vld [tilespmem:s8+$0xD0];
	_ =	sdelay $0x4  }
0xe5: {  	[tilespmem:v34+s19+$0x0] =	vst.idx.msk $0xffff, v33  }
0xe6: {  	v34 =	vadd.s32 v31, v35;
	v33 =	vld [tilespmem:s8+$0xE0];
	_ =	sdelay $0x2  }
.Ltmp0:
0xe7: {  	(pc) =	sbr.rel @p0 .LBB2_3-.Ltmp0, $4  }
0xe8: {  	_ = 	snop  }
0xe9: {  	[tilespmem:v34+s19+$0x0] =	vst.idx.msk $0xffff, v33  }
0xea: {  	v34 =	vadd.s32 v32, v35;
	v33 =	vld [tilespmem:s8+$0xF0]  }
0xeb: {  	s6 =	sadd.s32 $0x8, s6;
	v35 =	vmov s9  }
0xec: {  	_ = 	snop  }
0xed: {  	v35 =	vshrl.u32 v35, $0x3  }
0xee: {  	v35 =	vshll.u32 v35, v1  }
0xef: {  	v35 =	vbroadcast v35, $0x0  }
0xf0: {  	s6 =	sadd.s32 $0x200, s8;
	[tilespmem:v34+s19+$0x0] =	vst.idx.msk $0xffff, v33  }
0xf1: {  	v33 =	vld [tilespmem:s6+$0xFFFFFF00];
	v53 =	vadd.s32 v0, v35;
	_ =	sdelay $0x4  }
0xf2: {  	[tilespmem:v53+s19+$0x0] =	vst.idx.msk $0xffff, v33  }
0xf3: {  	v54 =	vadd.s32 v2, v35;
	v33 =	vld [tilespmem:s6+$0xFFFFFF10];
	_ =	sdelay $0x4  }
0xf4: {  	[tilespmem:v54+s19+$0x0] =	vst.idx.msk $0xffff, v33  }
0xf5: {  	v55 =	vadd.s32 v3, v35;
	v33 =	vld [tilespmem:s6+$0xFFFFFF20];
	_ =	sdelay $0x4  }
0xf6: {  	[tilespmem:v55+s19+$0x0] =	vst.idx.msk $0xffff, v33  }
0xf7: {  	s7 =	sadd.s32 $0x1, s9;
	v56 =	vadd.s32 v4, v35;
	v33 =	vld [tilespmem:s6+$0xFFFFFF30]  }
0xf8: {  	v57 =	vmov s7  }
0xf9: {  	v35 =	vshrl.u32 v57, $0x3  }
0xfa: {  	v35 =	vshll.u32 v35, v1  }
0xfb: {  	v35 =	vbroadcast v35, $0x0  }
0xfc: {  	[tilespmem:v56+s19+$0x0] =	vst.idx.msk $0xffff, v33  }
0xfd: {  	v58 =	vadd.s32 v5, v35;
	v33 =	vld [tilespmem:s6+$0xFFFFFF40];
	_ =	sdelay $0x4  }
0xfe: {  	[tilespmem:v58+s19+$0x0] =	vst.idx.msk $0xffff, v33  }
0xff: {  	v59 =	vadd.s32 v6, v35;
	v33 =	vld [tilespmem:s6+$0xFFFFFF50];
	_ =	sdelay $0x4  }
0x100: {  	[tilespmem:v59+s19+$0x0] =	vst.idx.msk $0xffff, v33  }
0x101: {  	v60 =	vadd.s32 v7, v35;
	v33 =	vld [tilespmem:s6+$0xFFFFFF60];
	_ =	sdelay $0x4  }
0x102: {  	[tilespmem:v60+s19+$0x0] =	vst.idx.msk $0xffff, v33  }
0x103: {  	s26 =	sadd.s32 $0x2, s9;
	v61 =	vadd.s32 v8, v35;
	v33 =	vld [tilespmem:s6+$0xFFFFFF70]  }
0x104: {  	v62 =	vmov s26  }
0x105: {  	v35 =	vshrl.u32 v62, $0x3  }
0x106: {  	v35 =	vshll.u32 v35, v1  }
0x107: {  	v35 =	vbroadcast v35, $0x0  }
0x108: {  	[tilespmem:v61+s19+$0x0] =	vst.idx.msk $0xffff, v33  }
0x109: {  	v63 =	vadd.s32 v9, v35;
	v33 =	vld [tilespmem:s6+$0xFFFFFF80];
	_ =	sdelay $0x4  }
0x10a: {  	[tilespmem:v63+s19+$0x0] =	vst.idx.msk $0xffff, v33  }
0x10b: {  	v36 =	vadd.s32 v10, v35;
	v33 =	vld [tilespmem:s6+$0xFFFFFF90];
	_ =	sdelay $0x4  }
0x10c: {  	[tilespmem:v36+s19+$0x0] =	vst.idx.msk $0xffff, v33  }
0x10d: {  	v37 =	vadd.s32 v11, v35;
	v33 =	vld [tilespmem:s6+$0xFFFFFFA0];
	_ =	sdelay $0x4  }
0x10e: {  	[tilespmem:v37+s19+$0x0] =	vst.idx.msk $0xffff, v33  }
0x10f: {  	s8 =	sadd.s32 $0x3, s9;
	v38 =	vadd.s32 v12, v35;
	v33 =	vld [tilespmem:s6+$0xFFFFFFB0]  }
0x110: {  	v39 =	vmov s8  }
0x111: {  	v35 =	vshrl.u32 v39, $0x3  }
0x112: {  	v35 =	vshll.u32 v35, v1  }
0x113: {  	v35 =	vbroadcast v35, $0x0  }
0x114: {  	[tilespmem:v38+s19+$0x0] =	vst.idx.msk $0xffff, v33  }
0x115: {  	v40 =	vadd.s32 v13, v35;
	v33 =	vld [tilespmem:s6+$0xFFFFFFC0];
	_ =	sdelay $0x4  }
0x116: {  	[tilespmem:v40+s19+$0x0] =	vst.idx.msk $0xffff, v33  }
0x117: {  	v41 =	vadd.s32 v14, v35;
	v33 =	vld [tilespmem:s6+$0xFFFFFFD0];
	_ =	sdelay $0x4  }
0x118: {  	[tilespmem:v41+s19+$0x0] =	vst.idx.msk $0xffff, v33  }
0x119: {  	v42 =	vadd.s32 v15, v35;
	v33 =	vld [tilespmem:s6+$0xFFFFFFE0];
	_ =	sdelay $0x4  }
0x11a: {  	[tilespmem:v42+s19+$0x0] =	vst.idx.msk $0xffff, v33  }
0x11b: {  	s10 =	sadd.s32 $0x4, s9;
	v43 =	vadd.s32 v16, v35;
	v33 =	vld [tilespmem:s6+$0xFFFFFFF0]  }
0x11c: {  	v44 =	vmov s10  }
0x11d: {  	v35 =	vshrl.u32 v44, $0x3  }
0x11e: {  	v35 =	vshll.u32 v35, v1  }
0x11f: {  	v35 =	vbroadcast v35, $0x0  }
0x120: {  	[tilespmem:v43+s19+$0x0] =	vst.idx.msk $0xffff, v33  }
0x121: {  	v45 =	vadd.s32 v17, v35;
	v33 =	vld [tilespmem:s6+$0x0];
	_ =	sdelay $0x4  }
0x122: {  	[tilespmem:v45+s19+$0x0] =	vst.idx.msk $0xffff, v33  }
0x123: {  	v46 =	vadd.s32 v18, v35;
	v33 =	vld [tilespmem:s6+$0x10];
	_ =	sdelay $0x4  }
0x124: {  	[tilespmem:v46+s19+$0x0] =	vst.idx.msk $0xffff, v33  }
0x125: {  	v47 =	vadd.s32 v19, v35;
	v33 =	vld [tilespmem:s6+$0x20];
	_ =	sdelay $0x4  }
0x126: {  	[tilespmem:v47+s19+$0x0] =	vst.idx.msk $0xffff, v33  }
0x127: {  	s26 =	sadd.s32 $0x5, s9;
	v48 =	vadd.s32 v20, v35;
	v33 =	vld [tilespmem:s6+$0x30]  }
0x128: {  	v49 =	vmov s26  }
0x129: {  	v35 =	vshrl.u32 v49, $0x3  }
0x12a: {  	v35 =	vshll.u32 v35, v1  }
0x12b: {  	v35 =	vbroadcast v35, $0x0  }
0x12c: {  	[tilespmem:v48+s19+$0x0] =	vst.idx.msk $0xffff, v33  }
0x12d: {  	v50 =	vadd.s32 v21, v35;
	v33 =	vld [tilespmem:s6+$0x40];
	_ =	sdelay $0x4  }
0x12e: {  	[tilespmem:v50+s19+$0x0] =	vst.idx.msk $0xffff, v33  }
0x12f: {  	v51 =	vadd.s32 v22, v35;
	v33 =	vld [tilespmem:s6+$0x50];
	_ =	sdelay $0x4  }
0x130: {  	[tilespmem:v51+s19+$0x0] =	vst.idx.msk $0xffff, v33  }
0x131: {  	v52 =	vadd.s32 v23, v35;
	v33 =	vld [tilespmem:s6+$0x60];
	_ =	sdelay $0x4  }
0x132: {  	[tilespmem:v52+s19+$0x0] =	vst.idx.msk $0xffff, v33  }
0x133: {  	s8 =	sadd.s32 $0x6, s9;
	v53 =	vadd.s32 v24, v35;
	v33 =	vld [tilespmem:s6+$0x70]  }
0x134: {  	v54 =	vmov s8  }
0x135: {  	v35 =	vshrl.u32 v54, $0x3  }
0x136: {  	v35 =	vshll.u32 v35, v1  }
0x137: {  	v35 =	vbroadcast v35, $0x0  }
0x138: {  	[tilespmem:v53+s19+$0x0] =	vst.idx.msk $0xffff, v33  }
0x139: {  	v55 =	vadd.s32 v25, v35;
	v33 =	vld [tilespmem:s6+$0x80];
	_ =	sdelay $0x4  }
0x13a: {  	[tilespmem:v55+s19+$0x0] =	vst.idx.msk $0xffff, v33  }
0x13b: {  	v56 =	vadd.s32 v26, v35;
	v33 =	vld [tilespmem:s6+$0x90];
	_ =	sdelay $0x4  }
0x13c: {  	[tilespmem:v56+s19+$0x0] =	vst.idx.msk $0xffff, v33  }
0x13d: {  	v57 =	vadd.s32 v27, v35;
	v33 =	vld [tilespmem:s6+$0xA0];
	_ =	sdelay $0x4  }
0x13e: {  	[tilespmem:v57+s19+$0x0] =	vst.idx.msk $0xffff, v33  }
0x13f: {  	s9 =	sadd.s32 $0x7, s9;
	v58 =	vadd.s32 v28, v35;
	v33 =	vld [tilespmem:s6+$0xB0]  }
0x140: {  	v59 =	vmov s9  }
0x141: {  	v35 =	vshrl.u32 v59, $0x3  }
0x142: {  	v35 =	vshll.u32 v35, v1  }
0x143: {  	v35 =	vbroadcast v35, $0x0  }
0x144: {  	[tilespmem:v58+s19+$0x0] =	vst.idx.msk $0xffff, v33  }
0x145: {  	v60 =	vadd.s32 v29, v35;
	v33 =	vld [tilespmem:s6+$0xC0];
	_ =	sdelay $0x4  }
0x146: {  	[tilespmem:v60+s19+$0x0] =	vst.idx.msk $0xffff, v33  }
0x147: {  	v61 =	vadd.s32 v30, v35;
	v33 =	vld [tilespmem:s6+$0xD0];
	_ =	sdelay $0x4  }
0x148: {  	[tilespmem:v61+s19+$0x0] =	vst.idx.msk $0xffff, v33  }
0x149: {  	v62 =	vadd.s32 v31, v35;
	v33 =	vld [tilespmem:s6+$0xE0];
	_ =	sdelay $0x4  }
0x14a: {  	[tilespmem:v62+s19+$0x0] =	vst.idx.msk $0xffff, v33  }
0x14b: {  	v63 =	vadd.s32 v32, v35;
	v33 =	vld [tilespmem:s6+$0xF0];
	_ =	sdelay $0x3  }
0x14c: {  	p0 =	seq.s32 s28, $0x0;
	s10 =	smul.u32 $0x180000, s28  }
0x14d: {  	s7 =	simm.s32 @!p0 $0x2;
	[tilespmem:v63+s19+$0x0] =	vst.idx.msk $0xffff, v33  }
0x14e: {  	s6 =	sor.u32 s4, s10;
	_ =	swait.ge @!p0 [sflag:s7], $0x2000  }
0x14f: {  	s6 =	sshrl.u32 s6, $0x3;
	[sflag:s7] =	ssyncset.done @!p0 $0x0  }
0x150: {  	s26 =	simm.s32 $0x12400;
	s8 =	sadd.s32 s2, s6;
	[sflag:s7] =	ssyncadd.s32 @!p0 $0xFFFFE000  }
0x151: {  	[hbm4b:s8+s3] =	stream.linear.scatter [tilespmem:s26], [sflag:$0x2], $0x80, $0x38;
	[tilespmem:$0x1F000] =	vst v63  }
0x152: {  	s9 =	sadd.s32 $0x10, s8;
	s7 =	simm.s32 $0x12488  }
0x153: {  	[hbm4b:s9+s3] =	stream.linear.scatter [tilespmem:s7], [sflag:$0x2], $0x80, $0x38;
	[tilespmem:$0x1F000] =	vst v63  }
0x154: {  	s10 =	simm.s32 $0x12510;
	s26 =	sadd.s32 $0x20, s8  }
0x155: {  	[hbm4b:s26+s3] =	stream.linear.scatter [tilespmem:s10], [sflag:$0x2], $0x80, $0x38;
	[tilespmem:$0x1F000] =	vst v63  }
0x156: {  	s7 =	simm.s32 $0x12598;
	s9 =	sadd.s32 $0x30, s8  }
0x157: {  	[hbm4b:s9+s3] =	stream.linear.scatter [tilespmem:s7], [sflag:$0x2], $0x80, $0x38;
	[tilespmem:$0x1F000] =	vst v63  }
0x158: {  	s10 =	simm.s32 $0x12620;
	s26 =	sadd.s32 $0x40, s8  }
0x159: {  	[hbm4b:s26+s3] =	stream.linear.scatter [tilespmem:s10], [sflag:$0x2], $0x80, $0x38;
	[tilespmem:$0x1F000] =	vst v63  }
0x15a: {  	s6 =	simm.s32 $0x440;
	s7 =	simm.s32 $0x126A8;
	s9 =	sadd.s32 $0x50, s8  }
0x15b: {  	[hbm4b:s9+s3] =	stream.linear.scatter [tilespmem:s7], [sflag:$0x2], $0x80, $0x38;
	[tilespmem:$0x1F000] =	vst v63  }
0x15c: {  	s10 =	simm.s32 $0x12730;
	s26 =	sadd.s32 $0x60, s8;
	s9 =	simm.s32 $0x2200  }
0x15d: {  	[hbm4b:s26+s3] =	stream.linear.scatter [tilespmem:s10], [sflag:$0x2], $0x80, $0x38;
	[tilespmem:$0x1F000] =	vst v63  }
0x15e: {  	s7 =	simm.s32 $0x127B8;
	s10 =	sadd.s32 $0x70, s8;
	s8 =	sadd.s32 $0x1000, s8  }
.LBB2_5:
0x15f: {  	[hbm4b:s10+s3] =	stream.linear.scatter [tilespmem:s7], [sflag:$0x2], $0x80, $0x38;
	[tilespmem:$0x1F000] =	vst v63  }
0x160: {  	s7 =	smov.u32 s6;
	s6 =	smov.u32 s9  }
0x161: {  	s26 =	sadd.s32 $0x1100, s9;
	s6 =	sshra.s32 s6, $0x2;
	s10 =	sadd.s32 $0x12400, s7  }
0x162: {  	[hbm4b:s8+s3] =	stream.linear.scatter [tilespmem:s10], [sflag:$0x2], $0x80, $0x38;
	[tilespmem:$0x1F000] =	vst v63  }
0x163: {  	p1 =	sne.s32 s9, $0x7700;
	s9 =	sadd.s32 $0x12488, s7;
	s10 =	sadd.s32 $0x10, s8  }
0x164: {  	[hbm4b:s10+s3] =	stream.linear.scatter [tilespmem:s9], [sflag:$0x2], $0x80, $0x38;
	[tilespmem:$0x1F000] =	vst v63  }
0x165: {  	s9 =	sadd.s32 $0x12510, s7;
	s10 =	sadd.s32 $0x20, s8  }
0x166: {  	[hbm4b:s10+s3] =	stream.linear.scatter [tilespmem:s9], [sflag:$0x2], $0x80, $0x38;
	[tilespmem:$0x1F000] =	vst v63  }
0x167: {  	s9 =	sadd.s32 $0x12598, s7;
	s10 =	sadd.s32 $0x30, s8  }
0x168: {  	[hbm4b:s10+s3] =	stream.linear.scatter [tilespmem:s9], [sflag:$0x2], $0x80, $0x38;
	[tilespmem:$0x1F000] =	vst v63  }
0x169: {  	s9 =	sadd.s32 $0x12620, s7;
	s10 =	sadd.s32 $0x40, s8  }
0x16a: {  	[hbm4b:s10+s3] =	stream.linear.scatter [tilespmem:s9], [sflag:$0x2], $0x80, $0x38;
	[tilespmem:$0x1F000] =	vst v63  }
.Ltmp1:
0x16b: {  	s9 =	sadd.s32 $0x126A8, s7;
	s10 =	sadd.s32 $0x50, s8;
	(pc) =	sbr.rel @p1 .LBB2_5-.Ltmp1, $4  }
0x16c: {  	[hbm4b:s10+s3] =	stream.linear.scatter [tilespmem:s9], [sflag:$0x2], $0x80, $0x38;
	[tilespmem:$0x1F000] =	vst v63  }
0x16d: {  	s9 =	sadd.s32 $0x12730, s7;
	s10 =	sadd.s32 $0x60, s8;
	s7 =	sadd.s32 $0x127B8, s7  }
0x16e: {  	[hbm4b:s10+s3] =	stream.linear.scatter [tilespmem:s9], [sflag:$0x2], $0x80, $0x38;
	[tilespmem:$0x1F000] =	vst v63  }
0x16f: {  	s10 =	sadd.s32 $0x70, s8;
	s8 =	sadd.s32 $0x1000, s8;
	s9 =	smov.u32 s26  }
0x170: {  	[hbm4b:s10+s3] =	stream.linear.scatter [tilespmem:s7], [sflag:$0x2], $0x80, $0x38;
	[tilespmem:$0x1F000] =	vst v63  }
0x171: {  	s10 =	sadd.s32 $0x12400, s6  }
0x172: {  	[hbm4b:s8+s3] =	stream.linear.scatter [tilespmem:s10], [sflag:$0x2], $0x80, $0x38;
	[tilespmem:$0x1F000] =	vst v63  }
0x173: {  	s26 =	sadd.s32 $0x12488, s6;
	s9 =	sadd.s32 $0x10, s8  }
0x174: {  	[hbm4b:s9+s3] =	stream.linear.scatter [tilespmem:s26], [sflag:$0x2], $0x80, $0x38;
	[tilespmem:$0x1F000] =	vst v63  }
0x175: {  	s10 =	sadd.s32 $0x12510, s6;
	s26 =	sadd.s32 $0x20, s8  }
0x176: {  	[hbm4b:s26+s3] =	stream.linear.scatter [tilespmem:s10], [sflag:$0x2], $0x80, $0x38;
	[tilespmem:$0x1F000] =	vst v63  }
0x177: {  	s10 =	sadd.s32 $0x12598, s6;
	s26 =	sadd.s32 $0x30, s8  }
0x178: {  	[hbm4b:s26+s3] =	stream.linear.scatter [tilespmem:s10], [sflag:$0x2], $0x80, $0x38;
	[tilespmem:$0x1F000] =	vst v63  }
0x179: {  	s10 =	sadd.s32 $0x12620, s6;
	s26 =	sadd.s32 $0x40, s8  }
0x17a: {  	[hbm4b:s26+s3] =	stream.linear.scatter [tilespmem:s10], [sflag:$0x2], $0x80, $0x38;
	[tilespmem:$0x1F000] =	vst v63  }
0x17b: {  	s10 =	sadd.s32 $0x126A8, s6;
	s26 =	sadd.s32 $0x50, s8  }
0x17c: {  	[hbm4b:s26+s3] =	stream.linear.scatter [tilespmem:s10], [sflag:$0x2], $0x80, $0x38;
	[tilespmem:$0x1F000] =	vst v63  }
0x17d: {  	s9 =	simm.s32 $0x0;
	s10 =	sadd.s32 $0x12730, s6;
	s26 =	sadd.s32 $0x60, s8  }
0x17e: {  	[hbm4b:s26+s3] =	stream.linear.scatter [tilespmem:s10], [sflag:$0x2], $0x80, $0x38;
	[tilespmem:$0x1F000] =	vst v63  }
0x17f: {  	v33 =	vmov s9;
	s10 =	sadd.s32 $0x127B8, s6;
	s26 =	sadd.s32 $0x70, s8  }
0x180: {  	v33 =	vshrl.u32 v33, $0x3;
	[hbm4b:s26+s3] =	stream.linear.scatter [tilespmem:s10], [sflag:$0x2], $0x80, $0x38;
	[tilespmem:$0x1F000] =	vst v63  }
0x181: {  	v33 =	vshll.u32 v33, v1;
	_ =	swait.ge [sflag:s18], $0x2000  }
0x182: {  	v33 =	vbroadcast v33, $0x0;
	[sflag:s18] =	ssyncset.done $0x0  }
0x183: {  	s8 =	simm.s32 $0x8500;
	[sflag:s18] =	ssyncadd.s32 $0xFFFFE000  }
0x184: {  	v35 =	vadd.s32 v0, v33;
	v34 =	vld [tilespmem:s8+$0xFFFFFF00];
	_ =	sdelay $0x4  }
0x185: {  	[tilespmem:v35+s20+$0x0] =	vst.idx.msk $0xffff, v34  }
0x186: {  	v56 =	vadd.s32 v2, v33;
	v34 =	vld [tilespmem:s8+$0xFFFFFF10];
	_ =	sdelay $0x4  }
0x187: {  	[tilespmem:v56+s20+$0x0] =	vst.idx.msk $0xffff, v34  }
0x188: {  	v57 =	vadd.s32 v3, v33;
	v34 =	vld [tilespmem:s8+$0xFFFFFF20];
	_ =	sdelay $0x4  }
0x189: {  	[tilespmem:v57+s20+$0x0] =	vst.idx.msk $0xffff, v34  }
0x18a: {  	s9 =	simm.s32 $0x1;
	v33 =	vadd.s32 v4, v33;
	v34 =	vld [tilespmem:s8+$0xFFFFFF30]  }
0x18b: {  	v58 =	vmov s9  }
0x18c: {  	v35 =	vshrl.u32 v58, $0x3  }
0x18d: {  	v35 =	vshll.u32 v35, v1  }
0x18e: {  	v35 =	vbroadcast v35, $0x0  }
0x18f: {  	[tilespmem:v33+s20+$0x0] =	vst.idx.msk $0xffff, v34  }
0x190: {  	v59 =	vadd.s32 v5, v35;
	v33 =	vld [tilespmem:s8+$0xFFFFFF40];
	_ =	sdelay $0x4  }
0x191: {  	[tilespmem:v59+s20+$0x0] =	vst.idx.msk $0xffff, v33  }
0x192: {  	v60 =	vadd.s32 v6, v35;
	v33 =	vld [tilespmem:s8+$0xFFFFFF50];
	_ =	sdelay $0x4  }
0x193: {  	[tilespmem:v60+s20+$0x0] =	vst.idx.msk $0xffff, v33  }
0x194: {  	v61 =	vadd.s32 v7, v35;
	v33 =	vld [tilespmem:s8+$0xFFFFFF60];
	_ =	sdelay $0x4  }
0x195: {  	[tilespmem:v61+s20+$0x0] =	vst.idx.msk $0xffff, v33  }
0x196: {  	s10 =	simm.s32 $0x2;
	v62 =	vadd.s32 v8, v35;
	v33 =	vld [tilespmem:s8+$0xFFFFFF70]  }
0x197: {  	v63 =	vmov s10  }
0x198: {  	v35 =	vshrl.u32 v63, $0x3  }
0x199: {  	v35 =	vshll.u32 v35, v1  }
0x19a: {  	v35 =	vbroadcast v35, $0x0  }
0x19b: {  	[tilespmem:v62+s20+$0x0] =	vst.idx.msk $0xffff, v33  }
0x19c: {  	v36 =	vadd.s32 v9, v35;
	v33 =	vld [tilespmem:s8+$0xFFFFFF80];
	_ =	sdelay $0x4  }
0x19d: {  	[tilespmem:v36+s20+$0x0] =	vst.idx.msk $0xffff, v33  }
0x19e: {  	v37 =	vadd.s32 v10, v35;
	v33 =	vld [tilespmem:s8+$0xFFFFFF90];
	_ =	sdelay $0x4  }
0x19f: {  	[tilespmem:v37+s20+$0x0] =	vst.idx.msk $0xffff, v33  }
0x1a0: {  	v38 =	vadd.s32 v11, v35;
	v33 =	vld [tilespmem:s8+$0xFFFFFFA0];
	_ =	sdelay $0x4  }
0x1a1: {  	[tilespmem:v38+s20+$0x0] =	vst.idx.msk $0xffff, v33  }
0x1a2: {  	s26 =	simm.s32 $0x3;
	v39 =	vadd.s32 v12, v35;
	v33 =	vld [tilespmem:s8+$0xFFFFFFB0]  }
0x1a3: {  	v40 =	vmov s26  }
0x1a4: {  	v35 =	vshrl.u32 v40, $0x3  }
0x1a5: {  	v35 =	vshll.u32 v35, v1  }
0x1a6: {  	v35 =	vbroadcast v35, $0x0  }
0x1a7: {  	[tilespmem:v39+s20+$0x0] =	vst.idx.msk $0xffff, v33  }
0x1a8: {  	v41 =	vadd.s32 v13, v35;
	v33 =	vld [tilespmem:s8+$0xFFFFFFC0];
	_ =	sdelay $0x4  }
0x1a9: {  	[tilespmem:v41+s20+$0x0] =	vst.idx.msk $0xffff, v33  }
0x1aa: {  	v42 =	vadd.s32 v14, v35;
	v33 =	vld [tilespmem:s8+$0xFFFFFFD0];
	_ =	sdelay $0x4  }
0x1ab: {  	[tilespmem:v42+s20+$0x0] =	vst.idx.msk $0xffff, v33  }
0x1ac: {  	v43 =	vadd.s32 v15, v35;
	v33 =	vld [tilespmem:s8+$0xFFFFFFE0];
	_ =	sdelay $0x4  }
0x1ad: {  	[tilespmem:v43+s20+$0x0] =	vst.idx.msk $0xffff, v33  }
0x1ae: {  	s7 =	simm.s32 $0x4;
	v44 =	vadd.s32 v16, v35;
	v33 =	vld [tilespmem:s8+$0xFFFFFFF0]  }
0x1af: {  	v45 =	vmov s7  }
0x1b0: {  	v35 =	vshrl.u32 v45, $0x3  }
0x1b1: {  	v35 =	vshll.u32 v35, v1  }
0x1b2: {  	v35 =	vbroadcast v35, $0x0  }
0x1b3: {  	[tilespmem:v44+s20+$0x0] =	vst.idx.msk $0xffff, v33  }
0x1b4: {  	v46 =	vadd.s32 v17, v35;
	v33 =	vld [tilespmem:s8+$0x0];
	_ =	sdelay $0x4  }
0x1b5: {  	[tilespmem:v46+s20+$0x0] =	vst.idx.msk $0xffff, v33  }
0x1b6: {  	v47 =	vadd.s32 v18, v35;
	v33 =	vld [tilespmem:s8+$0x10];
	_ =	sdelay $0x4  }
0x1b7: {  	[tilespmem:v47+s20+$0x0] =	vst.idx.msk $0xffff, v33  }
0x1b8: {  	v48 =	vadd.s32 v19, v35;
	v33 =	vld [tilespmem:s8+$0x20];
	_ =	sdelay $0x4  }
0x1b9: {  	[tilespmem:v48+s20+$0x0] =	vst.idx.msk $0xffff, v33  }
0x1ba: {  	s9 =	simm.s32 $0x5;
	v49 =	vadd.s32 v20, v35;
	v33 =	vld [tilespmem:s8+$0x30]  }
0x1bb: {  	v50 =	vmov s9  }
0x1bc: {  	v35 =	vshrl.u32 v50, $0x3  }
0x1bd: {  	v35 =	vshll.u32 v35, v1  }
0x1be: {  	v35 =	vbroadcast v35, $0x0  }
0x1bf: {  	[tilespmem:v49+s20+$0x0] =	vst.idx.msk $0xffff, v33  }
0x1c0: {  	v51 =	vadd.s32 v21, v35;
	v33 =	vld [tilespmem:s8+$0x40];
	_ =	sdelay $0x4  }
0x1c1: {  	[tilespmem:v51+s20+$0x0] =	vst.idx.msk $0xffff, v33  }
0x1c2: {  	v52 =	vadd.s32 v22, v35;
	v33 =	vld [tilespmem:s8+$0x50];
	_ =	sdelay $0x4  }
0x1c3: {  	[tilespmem:v52+s20+$0x0] =	vst.idx.msk $0xffff, v33  }
0x1c4: {  	v53 =	vadd.s32 v23, v35;
	v33 =	vld [tilespmem:s8+$0x60];
	_ =	sdelay $0x4  }
0x1c5: {  	[tilespmem:v53+s20+$0x0] =	vst.idx.msk $0xffff, v33  }
0x1c6: {  	s10 =	simm.s32 $0x6;
	v54 =	vadd.s32 v24, v35;
	v33 =	vld [tilespmem:s8+$0x70]  }
0x1c7: {  	v55 =	vmov s10  }
0x1c8: {  	v35 =	vshrl.u32 v55, $0x3  }
0x1c9: {  	v35 =	vshll.u32 v35, v1  }
0x1ca: {  	v35 =	vbroadcast v35, $0x0  }
0x1cb: {  	[tilespmem:v54+s20+$0x0] =	vst.idx.msk $0xffff, v33  }
0x1cc: {  	v56 =	vadd.s32 v25, v35;
	v33 =	vld [tilespmem:s8+$0x80];
	_ =	sdelay $0x4  }
0x1cd: {  	[tilespmem:v56+s20+$0x0] =	vst.idx.msk $0xffff, v33  }
0x1ce: {  	v57 =	vadd.s32 v26, v35;
	v33 =	vld [tilespmem:s8+$0x90];
	_ =	sdelay $0x4  }
0x1cf: {  	[tilespmem:v57+s20+$0x0] =	vst.idx.msk $0xffff, v33  }
0x1d0: {  	v58 =	vadd.s32 v27, v35;
	v33 =	vld [tilespmem:s8+$0xA0];
	_ =	sdelay $0x4  }
0x1d1: {  	[tilespmem:v58+s20+$0x0] =	vst.idx.msk $0xffff, v33  }
0x1d2: {  	s26 =	simm.s32 $0x7;
	v59 =	vadd.s32 v28, v35;
	v33 =	vld [tilespmem:s8+$0xB0]  }
0x1d3: {  	v60 =	vmov s26  }
0x1d4: {  	v35 =	vshrl.u32 v60, $0x3  }
0x1d5: {  	v35 =	vshll.u32 v35, v1  }
0x1d6: {  	v35 =	vbroadcast v35, $0x0  }
0x1d7: {  	[tilespmem:v59+s20+$0x0] =	vst.idx.msk $0xffff, v33  }
0x1d8: {  	v61 =	vadd.s32 v29, v35;
	v33 =	vld [tilespmem:s8+$0xC0];
	_ =	sdelay $0x4  }
0x1d9: {  	[tilespmem:v61+s20+$0x0] =	vst.idx.msk $0xffff, v33  }
0x1da: {  	v62 =	vadd.s32 v30, v35;
	v33 =	vld [tilespmem:s8+$0xD0];
	_ =	sdelay $0x4  }
0x1db: {  	[tilespmem:v62+s20+$0x0] =	vst.idx.msk $0xffff, v33  }
0x1dc: {  	v63 =	vadd.s32 v31, v35;
	v33 =	vld [tilespmem:s8+$0xE0];
	_ =	sdelay $0x4  }
0x1dd: {  	[tilespmem:v63+s20+$0x0] =	vst.idx.msk $0xffff, v33  }
0x1de: {  	s9 =	simm.s32 $0x8;
	v34 =	vadd.s32 v32, v35;
	v33 =	vld [tilespmem:s8+$0xF0]  }
0x1df: {  	s6 =	simm.s32 $0x10;
	v35 =	vmov s9  }
.LBB2_7:
0x1e0: {  	p1 =	slt.u32 s6, $0x78;
	v35 =	vshrl.u32 v35, $0x3  }
0x1e1: {  	v35 =	vshll.u32 v35, v1  }
0x1e2: {  	v35 =	vbroadcast v35, $0x0  }
0x1e3: {  	s8 =	sadd.s32 $0x200, s8;
	[tilespmem:v34+s20+$0x0] =	vst.idx.msk $0xffff, v33  }
0x1e4: {  	v33 =	vld [tilespmem:s8+$0xFFFFFF00];
	v34 =	vadd.s32 v0, v35;
	_ =	sdelay $0x4  }
0x1e5: {  	[tilespmem:v34+s20+$0x0] =	vst.idx.msk $0xffff, v33  }
0x1e6: {  	v34 =	vadd.s32 v2, v35;
	v33 =	vld [tilespmem:s8+$0xFFFFFF10];
	_ =	sdelay $0x4  }
0x1e7: {  	[tilespmem:v34+s20+$0x0] =	vst.idx.msk $0xffff, v33  }
0x1e8: {  	v34 =	vadd.s32 v3, v35;
	v33 =	vld [tilespmem:s8+$0xFFFFFF20];
	_ =	sdelay $0x4  }
0x1e9: {  	[tilespmem:v34+s20+$0x0] =	vst.idx.msk $0xffff, v33  }
0x1ea: {  	s7 =	sadd.s32 $0x1, s9;
	v34 =	vadd.s32 v4, v35;
	v33 =	vld [tilespmem:s8+$0xFFFFFF30]  }
0x1eb: {  	v35 =	vmov s7  }
0x1ec: {  	v35 =	vshrl.u32 v35, $0x3  }
0x1ed: {  	v35 =	vshll.u32 v35, v1  }
0x1ee: {  	v35 =	vbroadcast v35, $0x0  }
0x1ef: {  	[tilespmem:v34+s20+$0x0] =	vst.idx.msk $0xffff, v33  }
0x1f0: {  	v34 =	vadd.s32 v5, v35;
	v33 =	vld [tilespmem:s8+$0xFFFFFF40];
	_ =	sdelay $0x4  }
0x1f1: {  	[tilespmem:v34+s20+$0x0] =	vst.idx.msk $0xffff, v33  }
0x1f2: {  	v34 =	vadd.s32 v6, v35;
	v33 =	vld [tilespmem:s8+$0xFFFFFF50];
	_ =	sdelay $0x4  }
0x1f3: {  	[tilespmem:v34+s20+$0x0] =	vst.idx.msk $0xffff, v33  }
0x1f4: {  	v34 =	vadd.s32 v7, v35;
	v33 =	vld [tilespmem:s8+$0xFFFFFF60];
	_ =	sdelay $0x4  }
0x1f5: {  	[tilespmem:v34+s20+$0x0] =	vst.idx.msk $0xffff, v33  }
0x1f6: {  	s7 =	sadd.s32 $0x2, s9;
	v34 =	vadd.s32 v8, v35;
	v33 =	vld [tilespmem:s8+$0xFFFFFF70]  }
0x1f7: {  	v35 =	vmov s7  }
0x1f8: {  	v35 =	vshrl.u32 v35, $0x3  }
0x1f9: {  	v35 =	vshll.u32 v35, v1  }
0x1fa: {  	v35 =	vbroadcast v35, $0x0  }
0x1fb: {  	[tilespmem:v34+s20+$0x0] =	vst.idx.msk $0xffff, v33  }
0x1fc: {  	v34 =	vadd.s32 v9, v35;
	v33 =	vld [tilespmem:s8+$0xFFFFFF80];
	_ =	sdelay $0x4  }
0x1fd: {  	[tilespmem:v34+s20+$0x0] =	vst.idx.msk $0xffff, v33  }
0x1fe: {  	v34 =	vadd.s32 v10, v35;
	v33 =	vld [tilespmem:s8+$0xFFFFFF90];
	_ =	sdelay $0x4  }
0x1ff: {  	[tilespmem:v34+s20+$0x0] =	vst.idx.msk $0xffff, v33  }
0x200: {  	v34 =	vadd.s32 v11, v35;
	v33 =	vld [tilespmem:s8+$0xFFFFFFA0];
	_ =	sdelay $0x4  }
0x201: {  	[tilespmem:v34+s20+$0x0] =	vst.idx.msk $0xffff, v33  }
0x202: {  	s7 =	sadd.s32 $0x3, s9;
	v34 =	vadd.s32 v12, v35;
	v33 =	vld [tilespmem:s8+$0xFFFFFFB0]  }
0x203: {  	v35 =	vmov s7  }
0x204: {  	v35 =	vshrl.u32 v35, $0x3  }
0x205: {  	v35 =	vshll.u32 v35, v1  }
0x206: {  	v35 =	vbroadcast v35, $0x0  }
0x207: {  	[tilespmem:v34+s20+$0x0] =	vst.idx.msk $0xffff, v33  }
0x208: {  	v34 =	vadd.s32 v13, v35;
	v33 =	vld [tilespmem:s8+$0xFFFFFFC0];
	_ =	sdelay $0x4  }
0x209: {  	[tilespmem:v34+s20+$0x0] =	vst.idx.msk $0xffff, v33  }
0x20a: {  	v34 =	vadd.s32 v14, v35;
	v33 =	vld [tilespmem:s8+$0xFFFFFFD0];
	_ =	sdelay $0x4  }
0x20b: {  	[tilespmem:v34+s20+$0x0] =	vst.idx.msk $0xffff, v33  }
0x20c: {  	v34 =	vadd.s32 v15, v35;
	v33 =	vld [tilespmem:s8+$0xFFFFFFE0];
	_ =	sdelay $0x4  }
0x20d: {  	[tilespmem:v34+s20+$0x0] =	vst.idx.msk $0xffff, v33  }
0x20e: {  	s7 =	sadd.s32 $0x4, s9;
	v34 =	vadd.s32 v16, v35;
	v33 =	vld [tilespmem:s8+$0xFFFFFFF0]  }
0x20f: {  	v35 =	vmov s7  }
0x210: {  	v35 =	vshrl.u32 v35, $0x3  }
0x211: {  	v35 =	vshll.u32 v35, v1  }
0x212: {  	v35 =	vbroadcast v35, $0x0  }
0x213: {  	[tilespmem:v34+s20+$0x0] =	vst.idx.msk $0xffff, v33  }
0x214: {  	v34 =	vadd.s32 v17, v35;
	v33 =	vld [tilespmem:s8+$0x0];
	_ =	sdelay $0x4  }
0x215: {  	[tilespmem:v34+s20+$0x0] =	vst.idx.msk $0xffff, v33  }
0x216: {  	v34 =	vadd.s32 v18, v35;
	v33 =	vld [tilespmem:s8+$0x10];
	_ =	sdelay $0x4  }
0x217: {  	[tilespmem:v34+s20+$0x0] =	vst.idx.msk $0xffff, v33  }
0x218: {  	v34 =	vadd.s32 v19, v35;
	v33 =	vld [tilespmem:s8+$0x20];
	_ =	sdelay $0x4  }
0x219: {  	[tilespmem:v34+s20+$0x0] =	vst.idx.msk $0xffff, v33  }
0x21a: {  	s7 =	sadd.s32 $0x5, s9;
	v34 =	vadd.s32 v20, v35;
	v33 =	vld [tilespmem:s8+$0x30]  }
0x21b: {  	v35 =	vmov s7  }
0x21c: {  	v35 =	vshrl.u32 v35, $0x3  }
0x21d: {  	v35 =	vshll.u32 v35, v1  }
0x21e: {  	v35 =	vbroadcast v35, $0x0  }
0x21f: {  	[tilespmem:v34+s20+$0x0] =	vst.idx.msk $0xffff, v33  }
0x220: {  	v34 =	vadd.s32 v21, v35;
	v33 =	vld [tilespmem:s8+$0x40];
	_ =	sdelay $0x4  }
0x221: {  	[tilespmem:v34+s20+$0x0] =	vst.idx.msk $0xffff, v33  }
0x222: {  	v34 =	vadd.s32 v22, v35;
	v33 =	vld [tilespmem:s8+$0x50];
	_ =	sdelay $0x4  }
0x223: {  	[tilespmem:v34+s20+$0x0] =	vst.idx.msk $0xffff, v33  }
0x224: {  	v34 =	vadd.s32 v23, v35;
	v33 =	vld [tilespmem:s8+$0x60];
	_ =	sdelay $0x4  }
0x225: {  	[tilespmem:v34+s20+$0x0] =	vst.idx.msk $0xffff, v33  }
0x226: {  	s7 =	sadd.s32 $0x6, s9;
	v34 =	vadd.s32 v24, v35;
	v33 =	vld [tilespmem:s8+$0x70]  }
0x227: {  	v35 =	vmov s7  }
0x228: {  	v35 =	vshrl.u32 v35, $0x3  }
0x229: {  	v35 =	vshll.u32 v35, v1  }
0x22a: {  	v35 =	vbroadcast v35, $0x0  }
0x22b: {  	[tilespmem:v34+s20+$0x0] =	vst.idx.msk $0xffff, v33  }
0x22c: {  	v34 =	vadd.s32 v25, v35;
	v33 =	vld [tilespmem:s8+$0x80];
	_ =	sdelay $0x4  }
0x22d: {  	[tilespmem:v34+s20+$0x0] =	vst.idx.msk $0xffff, v33  }
0x22e: {  	v34 =	vadd.s32 v26, v35;
	v33 =	vld [tilespmem:s8+$0x90];
	_ =	sdelay $0x4  }
0x22f: {  	[tilespmem:v34+s20+$0x0] =	vst.idx.msk $0xffff, v33  }
0x230: {  	v34 =	vadd.s32 v27, v35;
	v33 =	vld [tilespmem:s8+$0xA0];
	_ =	sdelay $0x4  }
0x231: {  	[tilespmem:v34+s20+$0x0] =	vst.idx.msk $0xffff, v33  }
0x232: {  	s7 =	sadd.s32 $0x7, s9;
	s9 =	smov.u32 s6;
	v34 =	vadd.s32 v28, v35;
	v33 =	vld [tilespmem:s8+$0xB0]  }
0x233: {  	v35 =	vmov s7  }
0x234: {  	v35 =	vshrl.u32 v35, $0x3  }
0x235: {  	v35 =	vshll.u32 v35, v1  }
0x236: {  	v35 =	vbroadcast v35, $0x0  }
0x237: {  	[tilespmem:v34+s20+$0x0] =	vst.idx.msk $0xffff, v33  }
0x238: {  	v34 =	vadd.s32 v29, v35;
	v33 =	vld [tilespmem:s8+$0xC0];
	_ =	sdelay $0x4  }
0x239: {  	[tilespmem:v34+s20+$0x0] =	vst.idx.msk $0xffff, v33  }
0x23a: {  	v34 =	vadd.s32 v30, v35;
	v33 =	vld [tilespmem:s8+$0xD0];
	_ =	sdelay $0x4  }
0x23b: {  	[tilespmem:v34+s20+$0x0] =	vst.idx.msk $0xffff, v33  }
0x23c: {  	v34 =	vadd.s32 v31, v35;
	v33 =	vld [tilespmem:s8+$0xE0];
	_ =	sdelay $0x2  }
.Ltmp2:
0x23d: {  	(pc) =	sbr.rel @p1 .LBB2_7-.Ltmp2, $4  }
0x23e: {  	_ = 	snop  }
0x23f: {  	[tilespmem:v34+s20+$0x0] =	vst.idx.msk $0xffff, v33  }
0x240: {  	v34 =	vadd.s32 v32, v35;
	v33 =	vld [tilespmem:s8+$0xF0]  }
0x241: {  	s6 =	sadd.s32 $0x8, s6;
	v35 =	vmov s9  }
0x242: {  	_ = 	snop  }
0x243: {  	v35 =	vshrl.u32 v35, $0x3  }
0x244: {  	v35 =	vshll.u32 v35, v1  }
0x245: {  	v35 =	vbroadcast v35, $0x0  }
0x246: {  	s6 =	sadd.s32 $0x200, s8;
	[tilespmem:v34+s20+$0x0] =	vst.idx.msk $0xffff, v33  }
0x247: {  	v33 =	vld [tilespmem:s6+$0xFFFFFF00];
	v53 =	vadd.s32 v0, v35;
	_ =	sdelay $0x4  }
0x248: {  	[tilespmem:v53+s20+$0x0] =	vst.idx.msk $0xffff, v33  }
0x249: {  	v54 =	vadd.s32 v2, v35;
	v33 =	vld [tilespmem:s6+$0xFFFFFF10];
	_ =	sdelay $0x4  }
0x24a: {  	[tilespmem:v54+s20+$0x0] =	vst.idx.msk $0xffff, v33  }
0x24b: {  	v55 =	vadd.s32 v3, v35;
	v33 =	vld [tilespmem:s6+$0xFFFFFF20];
	_ =	sdelay $0x4  }
0x24c: {  	[tilespmem:v55+s20+$0x0] =	vst.idx.msk $0xffff, v33  }
0x24d: {  	s7 =	sadd.s32 $0x1, s9;
	v56 =	vadd.s32 v4, v35;
	v33 =	vld [tilespmem:s6+$0xFFFFFF30]  }
0x24e: {  	v57 =	vmov s7  }
0x24f: {  	v35 =	vshrl.u32 v57, $0x3  }
0x250: {  	v35 =	vshll.u32 v35, v1  }
0x251: {  	v35 =	vbroadcast v35, $0x0  }
0x252: {  	[tilespmem:v56+s20+$0x0] =	vst.idx.msk $0xffff, v33  }
0x253: {  	v58 =	vadd.s32 v5, v35;
	v33 =	vld [tilespmem:s6+$0xFFFFFF40];
	_ =	sdelay $0x4  }
0x254: {  	[tilespmem:v58+s20+$0x0] =	vst.idx.msk $0xffff, v33  }
0x255: {  	v59 =	vadd.s32 v6, v35;
	v33 =	vld [tilespmem:s6+$0xFFFFFF50];
	_ =	sdelay $0x4  }
0x256: {  	[tilespmem:v59+s20+$0x0] =	vst.idx.msk $0xffff, v33  }
0x257: {  	v60 =	vadd.s32 v7, v35;
	v33 =	vld [tilespmem:s6+$0xFFFFFF60];
	_ =	sdelay $0x4  }
0x258: {  	[tilespmem:v60+s20+$0x0] =	vst.idx.msk $0xffff, v33  }
0x259: {  	s8 =	sadd.s32 $0x2, s9;
	v61 =	vadd.s32 v8, v35;
	v33 =	vld [tilespmem:s6+$0xFFFFFF70]  }
0x25a: {  	v62 =	vmov s8  }
0x25b: {  	v35 =	vshrl.u32 v62, $0x3  }
0x25c: {  	v35 =	vshll.u32 v35, v1  }
0x25d: {  	v35 =	vbroadcast v35, $0x0  }
0x25e: {  	[tilespmem:v61+s20+$0x0] =	vst.idx.msk $0xffff, v33  }
0x25f: {  	v63 =	vadd.s32 v9, v35;
	v33 =	vld [tilespmem:s6+$0xFFFFFF80];
	_ =	sdelay $0x4  }
0x260: {  	[tilespmem:v63+s20+$0x0] =	vst.idx.msk $0xffff, v33  }
0x261: {  	v36 =	vadd.s32 v10, v35;
	v33 =	vld [tilespmem:s6+$0xFFFFFF90];
	_ =	sdelay $0x4  }
0x262: {  	[tilespmem:v36+s20+$0x0] =	vst.idx.msk $0xffff, v33  }
0x263: {  	v37 =	vadd.s32 v11, v35;
	v33 =	vld [tilespmem:s6+$0xFFFFFFA0];
	_ =	sdelay $0x4  }
0x264: {  	[tilespmem:v37+s20+$0x0] =	vst.idx.msk $0xffff, v33  }
0x265: {  	s10 =	sadd.s32 $0x3, s9;
	v38 =	vadd.s32 v12, v35;
	v33 =	vld [tilespmem:s6+$0xFFFFFFB0]  }
0x266: {  	v39 =	vmov s10  }
0x267: {  	v35 =	vshrl.u32 v39, $0x3  }
0x268: {  	v35 =	vshll.u32 v35, v1  }
0x269: {  	v35 =	vbroadcast v35, $0x0  }
0x26a: {  	[tilespmem:v38+s20+$0x0] =	vst.idx.msk $0xffff, v33  }
0x26b: {  	v40 =	vadd.s32 v13, v35;
	v33 =	vld [tilespmem:s6+$0xFFFFFFC0];
	_ =	sdelay $0x4  }
0x26c: {  	[tilespmem:v40+s20+$0x0] =	vst.idx.msk $0xffff, v33  }
0x26d: {  	v41 =	vadd.s32 v14, v35;
	v33 =	vld [tilespmem:s6+$0xFFFFFFD0];
	_ =	sdelay $0x4  }
0x26e: {  	[tilespmem:v41+s20+$0x0] =	vst.idx.msk $0xffff, v33  }
0x26f: {  	v42 =	vadd.s32 v15, v35;
	v33 =	vld [tilespmem:s6+$0xFFFFFFE0];
	_ =	sdelay $0x4  }
0x270: {  	[tilespmem:v42+s20+$0x0] =	vst.idx.msk $0xffff, v33  }
0x271: {  	s26 =	sadd.s32 $0x4, s9;
	v43 =	vadd.s32 v16, v35;
	v33 =	vld [tilespmem:s6+$0xFFFFFFF0]  }
0x272: {  	v44 =	vmov s26  }
0x273: {  	v35 =	vshrl.u32 v44, $0x3  }
0x274: {  	v35 =	vshll.u32 v35, v1  }
0x275: {  	v35 =	vbroadcast v35, $0x0  }
0x276: {  	[tilespmem:v43+s20+$0x0] =	vst.idx.msk $0xffff, v33  }
0x277: {  	v45 =	vadd.s32 v17, v35;
	v33 =	vld [tilespmem:s6+$0x0];
	_ =	sdelay $0x4  }
0x278: {  	[tilespmem:v45+s20+$0x0] =	vst.idx.msk $0xffff, v33  }
0x279: {  	v46 =	vadd.s32 v18, v35;
	v33 =	vld [tilespmem:s6+$0x10];
	_ =	sdelay $0x4  }
0x27a: {  	[tilespmem:v46+s20+$0x0] =	vst.idx.msk $0xffff, v33  }
0x27b: {  	v47 =	vadd.s32 v19, v35;
	v33 =	vld [tilespmem:s6+$0x20];
	_ =	sdelay $0x4  }
0x27c: {  	[tilespmem:v47+s20+$0x0] =	vst.idx.msk $0xffff, v33  }
0x27d: {  	s8 =	sadd.s32 $0x5, s9;
	v48 =	vadd.s32 v20, v35;
	v33 =	vld [tilespmem:s6+$0x30]  }
0x27e: {  	v49 =	vmov s8  }
0x27f: {  	v35 =	vshrl.u32 v49, $0x3  }
0x280: {  	v35 =	vshll.u32 v35, v1  }
0x281: {  	v35 =	vbroadcast v35, $0x0  }
0x282: {  	[tilespmem:v48+s20+$0x0] =	vst.idx.msk $0xffff, v33  }
0x283: {  	v50 =	vadd.s32 v21, v35;
	v33 =	vld [tilespmem:s6+$0x40];
	_ =	sdelay $0x4  }
0x284: {  	[tilespmem:v50+s20+$0x0] =	vst.idx.msk $0xffff, v33  }
0x285: {  	v51 =	vadd.s32 v22, v35;
	v33 =	vld [tilespmem:s6+$0x50];
	_ =	sdelay $0x4  }
0x286: {  	[tilespmem:v51+s20+$0x0] =	vst.idx.msk $0xffff, v33  }
0x287: {  	v52 =	vadd.s32 v23, v35;
	v33 =	vld [tilespmem:s6+$0x60];
	_ =	sdelay $0x4  }
0x288: {  	[tilespmem:v52+s20+$0x0] =	vst.idx.msk $0xffff, v33  }
0x289: {  	s10 =	sadd.s32 $0x6, s9;
	v53 =	vadd.s32 v24, v35;
	v33 =	vld [tilespmem:s6+$0x70]  }
0x28a: {  	v54 =	vmov s10  }
0x28b: {  	v35 =	vshrl.u32 v54, $0x3  }
0x28c: {  	v35 =	vshll.u32 v35, v1  }
0x28d: {  	v35 =	vbroadcast v35, $0x0  }
0x28e: {  	[tilespmem:v53+s20+$0x0] =	vst.idx.msk $0xffff, v33  }
0x28f: {  	v55 =	vadd.s32 v25, v35;
	v33 =	vld [tilespmem:s6+$0x80];
	_ =	sdelay $0x4  }
0x290: {  	[tilespmem:v55+s20+$0x0] =	vst.idx.msk $0xffff, v33  }
0x291: {  	v56 =	vadd.s32 v26, v35;
	v33 =	vld [tilespmem:s6+$0x90];
	_ =	sdelay $0x4  }
0x292: {  	[tilespmem:v56+s20+$0x0] =	vst.idx.msk $0xffff, v33  }
0x293: {  	v57 =	vadd.s32 v27, v35;
	v33 =	vld [tilespmem:s6+$0xA0];
	_ =	sdelay $0x4  }
0x294: {  	[tilespmem:v57+s20+$0x0] =	vst.idx.msk $0xffff, v33  }
0x295: {  	s26 =	sadd.s32 $0x7, s9;
	v58 =	vadd.s32 v28, v35;
	v33 =	vld [tilespmem:s6+$0xB0]  }
0x296: {  	v59 =	vmov s26  }
0x297: {  	v35 =	vshrl.u32 v59, $0x3  }
0x298: {  	v35 =	vshll.u32 v35, v1  }
0x299: {  	v35 =	vbroadcast v35, $0x0  }
0x29a: {  	[tilespmem:v58+s20+$0x0] =	vst.idx.msk $0xffff, v33  }
0x29b: {  	v60 =	vadd.s32 v29, v35;
	v33 =	vld [tilespmem:s6+$0xC0];
	_ =	sdelay $0x4  }
0x29c: {  	[tilespmem:v60+s20+$0x0] =	vst.idx.msk $0xffff, v33  }
0x29d: {  	v61 =	vadd.s32 v30, v35;
	v33 =	vld [tilespmem:s6+$0xD0];
	_ =	sdelay $0x4  }
0x29e: {  	[tilespmem:v61+s20+$0x0] =	vst.idx.msk $0xffff, v33  }
0x29f: {  	v62 =	vadd.s32 v31, v35;
	v33 =	vld [tilespmem:s6+$0xE0];
	_ =	sdelay $0x4  }
0x2a0: {  	[tilespmem:v62+s20+$0x0] =	vst.idx.msk $0xffff, v33  }
0x2a1: {  	v63 =	vadd.s32 v32, v35;
	v33 =	vld [tilespmem:s6+$0xF0];
	_ =	sdelay $0x4  }
0x2a2: {  	s1 =	sshll.u32 s1, $0x12;
	s6 =	simm.s32 @!p0 $0x2;
	[tilespmem:v63+s20+$0x0] =	vst.idx.msk $0xffff, v33  }
0x2a3: {  	s1 =	sor.u32 s4, s1;
	_ =	swait.ge @!p0 [sflag:s6], $0x2000  }
0x2a4: {  	s1 =	sshrl.u32 s1, $0x3;
	[sflag:s6] =	ssyncset.done @!p0 $0x0  }
0x2a5: {  	s7 =	simm.s32 $0x14600;
	[sflag:s6] =	ssyncadd.s32 @!p0 $0xFFFFE000;
	s6 =	sadd.s32 s2, s1  }
0x2a6: {  	[hbm4b:s6+s3] =	stream.linear.scatter [tilespmem:s7], [sflag:$0x2], $0x80, $0x38;
	[tilespmem:$0x1F000] =	vst v63  }
0x2a7: {  	s8 =	simm.s32 $0x14688;
	s9 =	sadd.s32 $0x10, s6  }
0x2a8: {  	[hbm4b:s9+s3] =	stream.linear.scatter [tilespmem:s8], [sflag:$0x2], $0x80, $0x38;
	[tilespmem:$0x1F000] =	vst v63  }
0x2a9: {  	s10 =	simm.s32 $0x14710;
	s1 =	simm.s32 $0x440;
	s26 =	sadd.s32 $0x20, s6  }
0x2aa: {  	[hbm4b:s26+s3] =	stream.linear.scatter [tilespmem:s10], [sflag:$0x2], $0x80, $0x38;
	[tilespmem:$0x1F000] =	vst v63  }
0x2ab: {  	s7 =	simm.s32 $0x149B8;
	s8 =	simm.s32 $0x14798;
	s9 =	sadd.s32 $0x30, s6  }
0x2ac: {  	[hbm4b:s9+s3] =	stream.linear.scatter [tilespmem:s8], [sflag:$0x2], $0x80, $0x38;
	[tilespmem:$0x1F000] =	vst v63  }
0x2ad: {  	s10 =	simm.s32 $0x14820;
	s26 =	sadd.s32 $0x40, s6;
	s8 =	simm.s32 $0x148A8  }
0x2ae: {  	[hbm4b:s26+s3] =	stream.linear.scatter [tilespmem:s10], [sflag:$0x2], $0x80, $0x38;
	[tilespmem:$0x1F000] =	vst v63  }
0x2af: {  	s9 =	sadd.s32 $0x50, s6;
	s10 =	simm.s32 $0x14930;
	s26 =	sadd.s32 $0x60, s6  }
0x2b0: {  	[hbm4b:s9+s3] =	stream.linear.scatter [tilespmem:s8], [sflag:$0x2], $0x80, $0x38;
	[tilespmem:$0x1F000] =	vst v63  }
0x2b1: {  	s8 =	simm.s32 $0x2200;
	s9 =	sadd.s32 $0x70, s6;
	s6 =	sadd.s32 $0x1000, s6  }
0x2b2: {  	[hbm4b:s26+s3] =	stream.linear.scatter [tilespmem:s10], [sflag:$0x2], $0x80, $0x38;
	[tilespmem:$0x1F000] =	vst v63  }
.LBB2_9:
0x2b3: {  	[hbm4b:s9+s3] =	stream.linear.scatter [tilespmem:s7], [sflag:$0x2], $0x80, $0x38;
	[tilespmem:$0x1F000] =	vst v63  }
0x2b4: {  	s7 =	smov.u32 s1;
	s1 =	smov.u32 s8  }
0x2b5: {  	s10 =	sadd.s32 $0x1100, s8;
	s1 =	sshra.s32 s1, $0x2;
	s9 =	sadd.s32 $0x14600, s7  }
0x2b6: {  	[hbm4b:s6+s3] =	stream.linear.scatter [tilespmem:s9], [sflag:$0x2], $0x80, $0x38;
	[tilespmem:$0x1F000] =	vst v63  }
0x2b7: {  	p1 =	sne.s32 s8, $0x7700;
	s8 =	sadd.s32 $0x14688, s7;
	s9 =	sadd.s32 $0x10, s6  }
0x2b8: {  	[hbm4b:s9+s3] =	stream.linear.scatter [tilespmem:s8], [sflag:$0x2], $0x80, $0x38;
	[tilespmem:$0x1F000] =	vst v63  }
0x2b9: {  	s8 =	sadd.s32 $0x14710, s7;
	s9 =	sadd.s32 $0x20, s6  }
0x2ba: {  	[hbm4b:s9+s3] =	stream.linear.scatter [tilespmem:s8], [sflag:$0x2], $0x80, $0x38;
	[tilespmem:$0x1F000] =	vst v63  }
0x2bb: {  	s8 =	sadd.s32 $0x14798, s7;
	s9 =	sadd.s32 $0x30, s6  }
0x2bc: {  	[hbm4b:s9+s3] =	stream.linear.scatter [tilespmem:s8], [sflag:$0x2], $0x80, $0x38;
	[tilespmem:$0x1F000] =	vst v63  }
0x2bd: {  	s8 =	sadd.s32 $0x14820, s7;
	s9 =	sadd.s32 $0x40, s6  }
0x2be: {  	[hbm4b:s9+s3] =	stream.linear.scatter [tilespmem:s8], [sflag:$0x2], $0x80, $0x38;
	[tilespmem:$0x1F000] =	vst v63  }
.Ltmp3:
0x2bf: {  	s8 =	sadd.s32 $0x148A8, s7;
	s9 =	sadd.s32 $0x50, s6;
	(pc) =	sbr.rel @p1 .LBB2_9-.Ltmp3, $4  }
0x2c0: {  	[hbm4b:s9+s3] =	stream.linear.scatter [tilespmem:s8], [sflag:$0x2], $0x80, $0x38;
	[tilespmem:$0x1F000] =	vst v63  }
0x2c1: {  	s8 =	sadd.s32 $0x14930, s7;
	s9 =	sadd.s32 $0x60, s6;
	s7 =	sadd.s32 $0x149B8, s7  }
0x2c2: {  	[hbm4b:s9+s3] =	stream.linear.scatter [tilespmem:s8], [sflag:$0x2], $0x80, $0x38;
	[tilespmem:$0x1F000] =	vst v63  }
0x2c3: {  	s9 =	sadd.s32 $0x70, s6;
	s6 =	sadd.s32 $0x1000, s6;
	s8 =	smov.u32 s10  }
0x2c4: {  	[hbm4b:s9+s3] =	stream.linear.scatter [tilespmem:s7], [sflag:$0x2], $0x80, $0x38;
	[tilespmem:$0x1F000] =	vst v63  }
0x2c5: {  	s10 =	sadd.s32 $0x14600, s1  }
0x2c6: {  	[hbm4b:s6+s3] =	stream.linear.scatter [tilespmem:s10], [sflag:$0x2], $0x80, $0x38;
	[tilespmem:$0x1F000] =	vst v63  }
0x2c7: {  	s26 =	sadd.s32 $0x14688, s1;
	s8 =	sadd.s32 $0x10, s6  }
0x2c8: {  	[hbm4b:s8+s3] =	stream.linear.scatter [tilespmem:s26], [sflag:$0x2], $0x80, $0x38;
	[tilespmem:$0x1F000] =	vst v63  }
0x2c9: {  	s9 =	sadd.s32 $0x20, s6;
	s8 =	sadd.s32 $0x14710, s1  }
0x2ca: {  	[hbm4b:s9+s3] =	stream.linear.scatter [tilespmem:s8], [sflag:$0x2], $0x80, $0x38;
	[tilespmem:$0x1F000] =	vst v63  }
0x2cb: {  	s10 =	sadd.s32 $0x14798, s1;
	s26 =	sadd.s32 $0x30, s6  }
0x2cc: {  	[hbm4b:s26+s3] =	stream.linear.scatter [tilespmem:s10], [sflag:$0x2], $0x80, $0x38;
	[tilespmem:$0x1F000] =	vst v63  }
0x2cd: {  	s8 =	sadd.s32 $0x14820, s1;
	s9 =	sadd.s32 $0x40, s6  }
0x2ce: {  	[hbm4b:s9+s3] =	stream.linear.scatter [tilespmem:s8], [sflag:$0x2], $0x80, $0x38;
	[tilespmem:$0x1F000] =	vst v63  }
0x2cf: {  	s10 =	sadd.s32 $0x148A8, s1;
	s26 =	sadd.s32 $0x50, s6  }
0x2d0: {  	[hbm4b:s26+s3] =	stream.linear.scatter [tilespmem:s10], [sflag:$0x2], $0x80, $0x38;
	[tilespmem:$0x1F000] =	vst v63  }
0x2d1: {  	s9 =	sadd.s32 $0x14930, s1;
	s10 =	sadd.s32 $0x60, s6;
	s26 =	simm.s32 $0x0  }
0x2d2: {  	[hbm4b:s10+s3] =	stream.linear.scatter [tilespmem:s9], [sflag:$0x2], $0x80, $0x38;
	[tilespmem:$0x1F000] =	vst v63  }
0x2d3: {  	s8 =	sadd.s32 $0x149B8, s1;
	v33 =	vmov s26;
	s9 =	sadd.s32 $0x70, s6  }
0x2d4: {  	v33 =	vshrl.u32 v33, $0x3;
	[hbm4b:s9+s3] =	stream.linear.scatter [tilespmem:s8], [sflag:$0x2], $0x80, $0x38;
	[tilespmem:$0x1F000] =	vst v63  }
0x2d5: {  	v33 =	vshll.u32 v33, v1;
	_ =	swait.ge [sflag:s18], $0x2000  }
0x2d6: {  	v33 =	vbroadcast v33, $0x0;
	[sflag:s18] =	ssyncset.done $0x0  }
0x2d7: {  	s1 =	simm.s32 $0xA500;
	[sflag:s18] =	ssyncadd.s32 $0xFFFFE000  }
0x2d8: {  	v35 =	vadd.s32 v0, v33;
	v34 =	vld [tilespmem:s1+$0xFFFFFF00];
	_ =	sdelay $0x4  }
0x2d9: {  	[tilespmem:v35+s21+$0x0] =	vst.idx.msk $0xffff, v34  }
0x2da: {  	v56 =	vadd.s32 v2, v33;
	v34 =	vld [tilespmem:s1+$0xFFFFFF10];
	_ =	sdelay $0x4  }
0x2db: {  	[tilespmem:v56+s21+$0x0] =	vst.idx.msk $0xffff, v34  }
0x2dc: {  	v57 =	vadd.s32 v3, v33;
	v34 =	vld [tilespmem:s1+$0xFFFFFF20];
	_ =	sdelay $0x4  }
0x2dd: {  	[tilespmem:v57+s21+$0x0] =	vst.idx.msk $0xffff, v34  }
0x2de: {  	s10 =	simm.s32 $0x1;
	v33 =	vadd.s32 v4, v33;
	v34 =	vld [tilespmem:s1+$0xFFFFFF30]  }
0x2df: {  	v58 =	vmov s10  }
0x2e0: {  	v35 =	vshrl.u32 v58, $0x3  }
0x2e1: {  	v35 =	vshll.u32 v35, v1  }
0x2e2: {  	v35 =	vbroadcast v35, $0x0  }
0x2e3: {  	[tilespmem:v33+s21+$0x0] =	vst.idx.msk $0xffff, v34  }
0x2e4: {  	v59 =	vadd.s32 v5, v35;
	v33 =	vld [tilespmem:s1+$0xFFFFFF40];
	_ =	sdelay $0x4  }
0x2e5: {  	[tilespmem:v59+s21+$0x0] =	vst.idx.msk $0xffff, v33  }
0x2e6: {  	v60 =	vadd.s32 v6, v35;
	v33 =	vld [tilespmem:s1+$0xFFFFFF50];
	_ =	sdelay $0x4  }
0x2e7: {  	[tilespmem:v60+s21+$0x0] =	vst.idx.msk $0xffff, v33  }
0x2e8: {  	v61 =	vadd.s32 v7, v35;
	v33 =	vld [tilespmem:s1+$0xFFFFFF60];
	_ =	sdelay $0x4  }
0x2e9: {  	[tilespmem:v61+s21+$0x0] =	vst.idx.msk $0xffff, v33  }
0x2ea: {  	s26 =	simm.s32 $0x2;
	v62 =	vadd.s32 v8, v35;
	v33 =	vld [tilespmem:s1+$0xFFFFFF70]  }
0x2eb: {  	v63 =	vmov s26  }
0x2ec: {  	v35 =	vshrl.u32 v63, $0x3  }
0x2ed: {  	v35 =	vshll.u32 v35, v1  }
0x2ee: {  	v35 =	vbroadcast v35, $0x0  }
0x2ef: {  	[tilespmem:v62+s21+$0x0] =	vst.idx.msk $0xffff, v33  }
0x2f0: {  	v36 =	vadd.s32 v9, v35;
	v33 =	vld [tilespmem:s1+$0xFFFFFF80];
	_ =	sdelay $0x4  }
0x2f1: {  	[tilespmem:v36+s21+$0x0] =	vst.idx.msk $0xffff, v33  }
0x2f2: {  	v37 =	vadd.s32 v10, v35;
	v33 =	vld [tilespmem:s1+$0xFFFFFF90];
	_ =	sdelay $0x4  }
0x2f3: {  	[tilespmem:v37+s21+$0x0] =	vst.idx.msk $0xffff, v33  }
0x2f4: {  	v38 =	vadd.s32 v11, v35;
	v33 =	vld [tilespmem:s1+$0xFFFFFFA0];
	_ =	sdelay $0x4  }
0x2f5: {  	[tilespmem:v38+s21+$0x0] =	vst.idx.msk $0xffff, v33  }
0x2f6: {  	s7 =	simm.s32 $0x3;
	v39 =	vadd.s32 v12, v35;
	v33 =	vld [tilespmem:s1+$0xFFFFFFB0]  }
0x2f7: {  	v40 =	vmov s7  }
0x2f8: {  	v35 =	vshrl.u32 v40, $0x3  }
0x2f9: {  	v35 =	vshll.u32 v35, v1  }
0x2fa: {  	v35 =	vbroadcast v35, $0x0  }
0x2fb: {  	[tilespmem:v39+s21+$0x0] =	vst.idx.msk $0xffff, v33  }
0x2fc: {  	v41 =	vadd.s32 v13, v35;
	v33 =	vld [tilespmem:s1+$0xFFFFFFC0];
	_ =	sdelay $0x4  }
0x2fd: {  	[tilespmem:v41+s21+$0x0] =	vst.idx.msk $0xffff, v33  }
0x2fe: {  	v42 =	vadd.s32 v14, v35;
	v33 =	vld [tilespmem:s1+$0xFFFFFFD0];
	_ =	sdelay $0x4  }
0x2ff: {  	[tilespmem:v42+s21+$0x0] =	vst.idx.msk $0xffff, v33  }
0x300: {  	v43 =	vadd.s32 v15, v35;
	v33 =	vld [tilespmem:s1+$0xFFFFFFE0];
	_ =	sdelay $0x4  }
0x301: {  	[tilespmem:v43+s21+$0x0] =	vst.idx.msk $0xffff, v33  }
0x302: {  	s8 =	simm.s32 $0x4;
	v44 =	vadd.s32 v16, v35;
	v33 =	vld [tilespmem:s1+$0xFFFFFFF0]  }
0x303: {  	v45 =	vmov s8  }
0x304: {  	v35 =	vshrl.u32 v45, $0x3  }
0x305: {  	v35 =	vshll.u32 v35, v1  }
0x306: {  	v35 =	vbroadcast v35, $0x0  }
0x307: {  	[tilespmem:v44+s21+$0x0] =	vst.idx.msk $0xffff, v33  }
0x308: {  	v46 =	vadd.s32 v17, v35;
	v33 =	vld [tilespmem:s1+$0x0];
	_ =	sdelay $0x4  }
0x309: {  	[tilespmem:v46+s21+$0x0] =	vst.idx.msk $0xffff, v33  }
0x30a: {  	v47 =	vadd.s32 v18, v35;
	v33 =	vld [tilespmem:s1+$0x10];
	_ =	sdelay $0x4  }
0x30b: {  	[tilespmem:v47+s21+$0x0] =	vst.idx.msk $0xffff, v33  }
0x30c: {  	v48 =	vadd.s32 v19, v35;
	v33 =	vld [tilespmem:s1+$0x20];
	_ =	sdelay $0x4  }
0x30d: {  	[tilespmem:v48+s21+$0x0] =	vst.idx.msk $0xffff, v33  }
0x30e: {  	s9 =	simm.s32 $0x5;
	v49 =	vadd.s32 v20, v35;
	v33 =	vld [tilespmem:s1+$0x30]  }
0x30f: {  	v50 =	vmov s9  }
0x310: {  	v35 =	vshrl.u32 v50, $0x3  }
0x311: {  	v35 =	vshll.u32 v35, v1  }
0x312: {  	v35 =	vbroadcast v35, $0x0  }
0x313: {  	[tilespmem:v49+s21+$0x0] =	vst.idx.msk $0xffff, v33  }
0x314: {  	v51 =	vadd.s32 v21, v35;
	v33 =	vld [tilespmem:s1+$0x40];
	_ =	sdelay $0x4  }
0x315: {  	[tilespmem:v51+s21+$0x0] =	vst.idx.msk $0xffff, v33  }
0x316: {  	v52 =	vadd.s32 v22, v35;
	v33 =	vld [tilespmem:s1+$0x50];
	_ =	sdelay $0x4  }
0x317: {  	[tilespmem:v52+s21+$0x0] =	vst.idx.msk $0xffff, v33  }
0x318: {  	v53 =	vadd.s32 v23, v35;
	v33 =	vld [tilespmem:s1+$0x60];
	_ =	sdelay $0x4  }
0x319: {  	[tilespmem:v53+s21+$0x0] =	vst.idx.msk $0xffff, v33  }
0x31a: {  	s10 =	simm.s32 $0x6;
	v54 =	vadd.s32 v24, v35;
	v33 =	vld [tilespmem:s1+$0x70]  }
0x31b: {  	v55 =	vmov s10  }
0x31c: {  	v35 =	vshrl.u32 v55, $0x3  }
0x31d: {  	v35 =	vshll.u32 v35, v1  }
0x31e: {  	v35 =	vbroadcast v35, $0x0  }
0x31f: {  	[tilespmem:v54+s21+$0x0] =	vst.idx.msk $0xffff, v33  }
0x320: {  	v56 =	vadd.s32 v25, v35;
	v33 =	vld [tilespmem:s1+$0x80];
	_ =	sdelay $0x4  }
0x321: {  	[tilespmem:v56+s21+$0x0] =	vst.idx.msk $0xffff, v33  }
0x322: {  	v57 =	vadd.s32 v26, v35;
	v33 =	vld [tilespmem:s1+$0x90];
	_ =	sdelay $0x4  }
0x323: {  	[tilespmem:v57+s21+$0x0] =	vst.idx.msk $0xffff, v33  }
0x324: {  	v58 =	vadd.s32 v27, v35;
	v33 =	vld [tilespmem:s1+$0xA0];
	_ =	sdelay $0x4  }
0x325: {  	[tilespmem:v58+s21+$0x0] =	vst.idx.msk $0xffff, v33  }
0x326: {  	s26 =	simm.s32 $0x7;
	v59 =	vadd.s32 v28, v35;
	v33 =	vld [tilespmem:s1+$0xB0]  }
0x327: {  	v60 =	vmov s26  }
0x328: {  	v35 =	vshrl.u32 v60, $0x3  }
0x329: {  	v35 =	vshll.u32 v35, v1  }
0x32a: {  	v35 =	vbroadcast v35, $0x0  }
0x32b: {  	[tilespmem:v59+s21+$0x0] =	vst.idx.msk $0xffff, v33  }
0x32c: {  	v61 =	vadd.s32 v29, v35;
	v33 =	vld [tilespmem:s1+$0xC0];
	_ =	sdelay $0x4  }
0x32d: {  	[tilespmem:v61+s21+$0x0] =	vst.idx.msk $0xffff, v33  }
0x32e: {  	v62 =	vadd.s32 v30, v35;
	v33 =	vld [tilespmem:s1+$0xD0];
	_ =	sdelay $0x4  }
0x32f: {  	[tilespmem:v62+s21+$0x0] =	vst.idx.msk $0xffff, v33  }
0x330: {  	v63 =	vadd.s32 v31, v35;
	v33 =	vld [tilespmem:s1+$0xE0];
	_ =	sdelay $0x4  }
0x331: {  	[tilespmem:v63+s21+$0x0] =	vst.idx.msk $0xffff, v33  }
0x332: {  	s8 =	simm.s32 $0x8;
	v34 =	vadd.s32 v32, v35;
	v33 =	vld [tilespmem:s1+$0xF0]  }
0x333: {  	s6 =	simm.s32 $0x10;
	v35 =	vmov s8  }
.LBB2_11:
0x334: {  	p1 =	slt.u32 s6, $0x78;
	v35 =	vshrl.u32 v35, $0x3  }
0x335: {  	v35 =	vshll.u32 v35, v1  }
0x336: {  	v35 =	vbroadcast v35, $0x0  }
0x337: {  	s1 =	sadd.s32 $0x200, s1;
	[tilespmem:v34+s21+$0x0] =	vst.idx.msk $0xffff, v33  }
0x338: {  	v33 =	vld [tilespmem:s1+$0xFFFFFF00];
	v34 =	vadd.s32 v0, v35;
	_ =	sdelay $0x4  }
0x339: {  	[tilespmem:v34+s21+$0x0] =	vst.idx.msk $0xffff, v33  }
0x33a: {  	v34 =	vadd.s32 v2, v35;
	v33 =	vld [tilespmem:s1+$0xFFFFFF10];
	_ =	sdelay $0x4  }
0x33b: {  	[tilespmem:v34+s21+$0x0] =	vst.idx.msk $0xffff, v33  }
0x33c: {  	v34 =	vadd.s32 v3, v35;
	v33 =	vld [tilespmem:s1+$0xFFFFFF20];
	_ =	sdelay $0x4  }
0x33d: {  	[tilespmem:v34+s21+$0x0] =	vst.idx.msk $0xffff, v33  }
0x33e: {  	s7 =	sadd.s32 $0x1, s8;
	v34 =	vadd.s32 v4, v35;
	v33 =	vld [tilespmem:s1+$0xFFFFFF30]  }
0x33f: {  	v35 =	vmov s7  }
0x340: {  	v35 =	vshrl.u32 v35, $0x3  }
0x341: {  	v35 =	vshll.u32 v35, v1  }
0x342: {  	v35 =	vbroadcast v35, $0x0  }
0x343: {  	[tilespmem:v34+s21+$0x0] =	vst.idx.msk $0xffff, v33  }
0x344: {  	v34 =	vadd.s32 v5, v35;
	v33 =	vld [tilespmem:s1+$0xFFFFFF40];
	_ =	sdelay $0x4  }
0x345: {  	[tilespmem:v34+s21+$0x0] =	vst.idx.msk $0xffff, v33  }
0x346: {  	v34 =	vadd.s32 v6, v35;
	v33 =	vld [tilespmem:s1+$0xFFFFFF50];
	_ =	sdelay $0x4  }
0x347: {  	[tilespmem:v34+s21+$0x0] =	vst.idx.msk $0xffff, v33  }
0x348: {  	v34 =	vadd.s32 v7, v35;
	v33 =	vld [tilespmem:s1+$0xFFFFFF60];
	_ =	sdelay $0x4  }
0x349: {  	[tilespmem:v34+s21+$0x0] =	vst.idx.msk $0xffff, v33  }
0x34a: {  	s7 =	sadd.s32 $0x2, s8;
	v34 =	vadd.s32 v8, v35;
	v33 =	vld [tilespmem:s1+$0xFFFFFF70]  }
0x34b: {  	v35 =	vmov s7  }
0x34c: {  	v35 =	vshrl.u32 v35, $0x3  }
0x34d: {  	v35 =	vshll.u32 v35, v1  }
0x34e: {  	v35 =	vbroadcast v35, $0x0  }
0x34f: {  	[tilespmem:v34+s21+$0x0] =	vst.idx.msk $0xffff, v33  }
0x350: {  	v34 =	vadd.s32 v9, v35;
	v33 =	vld [tilespmem:s1+$0xFFFFFF80];
	_ =	sdelay $0x4  }
0x351: {  	[tilespmem:v34+s21+$0x0] =	vst.idx.msk $0xffff, v33  }
0x352: {  	v34 =	vadd.s32 v10, v35;
	v33 =	vld [tilespmem:s1+$0xFFFFFF90];
	_ =	sdelay $0x4  }
0x353: {  	[tilespmem:v34+s21+$0x0] =	vst.idx.msk $0xffff, v33  }
0x354: {  	v34 =	vadd.s32 v11, v35;
	v33 =	vld [tilespmem:s1+$0xFFFFFFA0];
	_ =	sdelay $0x4  }
0x355: {  	[tilespmem:v34+s21+$0x0] =	vst.idx.msk $0xffff, v33  }
0x356: {  	s7 =	sadd.s32 $0x3, s8;
	v34 =	vadd.s32 v12, v35;
	v33 =	vld [tilespmem:s1+$0xFFFFFFB0]  }
0x357: {  	v35 =	vmov s7  }
0x358: {  	v35 =	vshrl.u32 v35, $0x3  }
0x359: {  	v35 =	vshll.u32 v35, v1  }
0x35a: {  	v35 =	vbroadcast v35, $0x0  }
0x35b: {  	[tilespmem:v34+s21+$0x0] =	vst.idx.msk $0xffff, v33  }
0x35c: {  	v34 =	vadd.s32 v13, v35;
	v33 =	vld [tilespmem:s1+$0xFFFFFFC0];
	_ =	sdelay $0x4  }
0x35d: {  	[tilespmem:v34+s21+$0x0] =	vst.idx.msk $0xffff, v33  }
0x35e: {  	v34 =	vadd.s32 v14, v35;
	v33 =	vld [tilespmem:s1+$0xFFFFFFD0];
	_ =	sdelay $0x4  }
0x35f: {  	[tilespmem:v34+s21+$0x0] =	vst.idx.msk $0xffff, v33  }
0x360: {  	v34 =	vadd.s32 v15, v35;
	v33 =	vld [tilespmem:s1+$0xFFFFFFE0];
	_ =	sdelay $0x4  }
0x361: {  	[tilespmem:v34+s21+$0x0] =	vst.idx.msk $0xffff, v33  }
0x362: {  	s7 =	sadd.s32 $0x4, s8;
	v34 =	vadd.s32 v16, v35;
	v33 =	vld [tilespmem:s1+$0xFFFFFFF0]  }
0x363: {  	v35 =	vmov s7  }
0x364: {  	v35 =	vshrl.u32 v35, $0x3  }
0x365: {  	v35 =	vshll.u32 v35, v1  }
0x366: {  	v35 =	vbroadcast v35, $0x0  }
0x367: {  	[tilespmem:v34+s21+$0x0] =	vst.idx.msk $0xffff, v33  }
0x368: {  	v34 =	vadd.s32 v17, v35;
	v33 =	vld [tilespmem:s1+$0x0];
	_ =	sdelay $0x4  }
0x369: {  	[tilespmem:v34+s21+$0x0] =	vst.idx.msk $0xffff, v33  }
0x36a: {  	v34 =	vadd.s32 v18, v35;
	v33 =	vld [tilespmem:s1+$0x10];
	_ =	sdelay $0x4  }
0x36b: {  	[tilespmem:v34+s21+$0x0] =	vst.idx.msk $0xffff, v33  }
0x36c: {  	v34 =	vadd.s32 v19, v35;
	v33 =	vld [tilespmem:s1+$0x20];
	_ =	sdelay $0x4  }
0x36d: {  	[tilespmem:v34+s21+$0x0] =	vst.idx.msk $0xffff, v33  }
0x36e: {  	s7 =	sadd.s32 $0x5, s8;
	v34 =	vadd.s32 v20, v35;
	v33 =	vld [tilespmem:s1+$0x30]  }
0x36f: {  	v35 =	vmov s7  }
0x370: {  	v35 =	vshrl.u32 v35, $0x3  }
0x371: {  	v35 =	vshll.u32 v35, v1  }
0x372: {  	v35 =	vbroadcast v35, $0x0  }
0x373: {  	[tilespmem:v34+s21+$0x0] =	vst.idx.msk $0xffff, v33  }
0x374: {  	v34 =	vadd.s32 v21, v35;
	v33 =	vld [tilespmem:s1+$0x40];
	_ =	sdelay $0x4  }
0x375: {  	[tilespmem:v34+s21+$0x0] =	vst.idx.msk $0xffff, v33  }
0x376: {  	v34 =	vadd.s32 v22, v35;
	v33 =	vld [tilespmem:s1+$0x50];
	_ =	sdelay $0x4  }
0x377: {  	[tilespmem:v34+s21+$0x0] =	vst.idx.msk $0xffff, v33  }
0x378: {  	v34 =	vadd.s32 v23, v35;
	v33 =	vld [tilespmem:s1+$0x60];
	_ =	sdelay $0x4  }
0x379: {  	[tilespmem:v34+s21+$0x0] =	vst.idx.msk $0xffff, v33  }
0x37a: {  	s7 =	sadd.s32 $0x6, s8;
	v34 =	vadd.s32 v24, v35;
	v33 =	vld [tilespmem:s1+$0x70]  }
0x37b: {  	v35 =	vmov s7  }
0x37c: {  	v35 =	vshrl.u32 v35, $0x3  }
0x37d: {  	v35 =	vshll.u32 v35, v1  }
0x37e: {  	v35 =	vbroadcast v35, $0x0  }
0x37f: {  	[tilespmem:v34+s21+$0x0] =	vst.idx.msk $0xffff, v33  }
0x380: {  	v34 =	vadd.s32 v25, v35;
	v33 =	vld [tilespmem:s1+$0x80];
	_ =	sdelay $0x4  }
0x381: {  	[tilespmem:v34+s21+$0x0] =	vst.idx.msk $0xffff, v33  }
0x382: {  	v34 =	vadd.s32 v26, v35;
	v33 =	vld [tilespmem:s1+$0x90];
	_ =	sdelay $0x4  }
0x383: {  	[tilespmem:v34+s21+$0x0] =	vst.idx.msk $0xffff, v33  }
0x384: {  	v34 =	vadd.s32 v27, v35;
	v33 =	vld [tilespmem:s1+$0xA0];
	_ =	sdelay $0x4  }
0x385: {  	[tilespmem:v34+s21+$0x0] =	vst.idx.msk $0xffff, v33  }
0x386: {  	s7 =	sadd.s32 $0x7, s8;
	s8 =	smov.u32 s6;
	v34 =	vadd.s32 v28, v35;
	v33 =	vld [tilespmem:s1+$0xB0]  }
0x387: {  	v35 =	vmov s7  }
0x388: {  	v35 =	vshrl.u32 v35, $0x3  }
0x389: {  	v35 =	vshll.u32 v35, v1  }
0x38a: {  	v35 =	vbroadcast v35, $0x0  }
0x38b: {  	[tilespmem:v34+s21+$0x0] =	vst.idx.msk $0xffff, v33  }
0x38c: {  	v34 =	vadd.s32 v29, v35;
	v33 =	vld [tilespmem:s1+$0xC0];
	_ =	sdelay $0x4  }
0x38d: {  	[tilespmem:v34+s21+$0x0] =	vst.idx.msk $0xffff, v33  }
0x38e: {  	v34 =	vadd.s32 v30, v35;
	v33 =	vld [tilespmem:s1+$0xD0];
	_ =	sdelay $0x4  }
0x38f: {  	[tilespmem:v34+s21+$0x0] =	vst.idx.msk $0xffff, v33  }
0x390: {  	v34 =	vadd.s32 v31, v35;
	v33 =	vld [tilespmem:s1+$0xE0];
	_ =	sdelay $0x2  }
.Ltmp4:
0x391: {  	(pc) =	sbr.rel @p1 .LBB2_11-.Ltmp4, $4  }
0x392: {  	_ = 	snop  }
0x393: {  	[tilespmem:v34+s21+$0x0] =	vst.idx.msk $0xffff, v33  }
0x394: {  	v34 =	vadd.s32 v32, v35;
	v33 =	vld [tilespmem:s1+$0xF0]  }
0x395: {  	s6 =	sadd.s32 $0x8, s6;
	v35 =	vmov s8  }
0x396: {  	_ = 	snop  }
0x397: {  	v35 =	vshrl.u32 v35, $0x3  }
0x398: {  	v35 =	vshll.u32 v35, v1  }
0x399: {  	v35 =	vbroadcast v35, $0x0  }
0x39a: {  	s1 =	sadd.s32 $0x200, s1;
	[tilespmem:v34+s21+$0x0] =	vst.idx.msk $0xffff, v33  }
0x39b: {  	v33 =	vld [tilespmem:s1+$0xFFFFFF00];
	v53 =	vadd.s32 v0, v35;
	_ =	sdelay $0x4  }
0x39c: {  	[tilespmem:v53+s21+$0x0] =	vst.idx.msk $0xffff, v33  }
0x39d: {  	v54 =	vadd.s32 v2, v35;
	v33 =	vld [tilespmem:s1+$0xFFFFFF10];
	_ =	sdelay $0x4  }
0x39e: {  	[tilespmem:v54+s21+$0x0] =	vst.idx.msk $0xffff, v33  }
0x39f: {  	v55 =	vadd.s32 v3, v35;
	v33 =	vld [tilespmem:s1+$0xFFFFFF20];
	_ =	sdelay $0x4  }
0x3a0: {  	[tilespmem:v55+s21+$0x0] =	vst.idx.msk $0xffff, v33  }
0x3a1: {  	s6 =	sadd.s32 $0x1, s8;
	v56 =	vadd.s32 v4, v35;
	v33 =	vld [tilespmem:s1+$0xFFFFFF30]  }
0x3a2: {  	v57 =	vmov s6  }
0x3a3: {  	v35 =	vshrl.u32 v57, $0x3  }
0x3a4: {  	v35 =	vshll.u32 v35, v1  }
0x3a5: {  	v35 =	vbroadcast v35, $0x0  }
0x3a6: {  	[tilespmem:v56+s21+$0x0] =	vst.idx.msk $0xffff, v33  }
0x3a7: {  	v58 =	vadd.s32 v5, v35;
	v33 =	vld [tilespmem:s1+$0xFFFFFF40];
	_ =	sdelay $0x4  }
0x3a8: {  	[tilespmem:v58+s21+$0x0] =	vst.idx.msk $0xffff, v33  }
0x3a9: {  	v59 =	vadd.s32 v6, v35;
	v33 =	vld [tilespmem:s1+$0xFFFFFF50];
	_ =	sdelay $0x4  }
0x3aa: {  	[tilespmem:v59+s21+$0x0] =	vst.idx.msk $0xffff, v33  }
0x3ab: {  	v60 =	vadd.s32 v7, v35;
	v33 =	vld [tilespmem:s1+$0xFFFFFF60];
	_ =	sdelay $0x4  }
0x3ac: {  	[tilespmem:v60+s21+$0x0] =	vst.idx.msk $0xffff, v33  }
0x3ad: {  	s9 =	sadd.s32 $0x2, s8;
	v61 =	vadd.s32 v8, v35;
	v33 =	vld [tilespmem:s1+$0xFFFFFF70]  }
0x3ae: {  	v62 =	vmov s9  }
0x3af: {  	v35 =	vshrl.u32 v62, $0x3  }
0x3b0: {  	v35 =	vshll.u32 v35, v1  }
0x3b1: {  	v35 =	vbroadcast v35, $0x0  }
0x3b2: {  	[tilespmem:v61+s21+$0x0] =	vst.idx.msk $0xffff, v33  }
0x3b3: {  	v63 =	vadd.s32 v9, v35;
	v33 =	vld [tilespmem:s1+$0xFFFFFF80];
	_ =	sdelay $0x4  }
0x3b4: {  	[tilespmem:v63+s21+$0x0] =	vst.idx.msk $0xffff, v33  }
0x3b5: {  	v36 =	vadd.s32 v10, v35;
	v33 =	vld [tilespmem:s1+$0xFFFFFF90];
	_ =	sdelay $0x4  }
0x3b6: {  	[tilespmem:v36+s21+$0x0] =	vst.idx.msk $0xffff, v33  }
0x3b7: {  	v37 =	vadd.s32 v11, v35;
	v33 =	vld [tilespmem:s1+$0xFFFFFFA0];
	_ =	sdelay $0x4  }
0x3b8: {  	[tilespmem:v37+s21+$0x0] =	vst.idx.msk $0xffff, v33  }
0x3b9: {  	s10 =	sadd.s32 $0x3, s8;
	v38 =	vadd.s32 v12, v35;
	v33 =	vld [tilespmem:s1+$0xFFFFFFB0]  }
0x3ba: {  	v39 =	vmov s10  }
0x3bb: {  	v35 =	vshrl.u32 v39, $0x3  }
0x3bc: {  	v35 =	vshll.u32 v35, v1  }
0x3bd: {  	v35 =	vbroadcast v35, $0x0  }
0x3be: {  	[tilespmem:v38+s21+$0x0] =	vst.idx.msk $0xffff, v33  }
0x3bf: {  	v40 =	vadd.s32 v13, v35;
	v33 =	vld [tilespmem:s1+$0xFFFFFFC0];
	_ =	sdelay $0x4  }
0x3c0: {  	[tilespmem:v40+s21+$0x0] =	vst.idx.msk $0xffff, v33  }
0x3c1: {  	v41 =	vadd.s32 v14, v35;
	v33 =	vld [tilespmem:s1+$0xFFFFFFD0];
	_ =	sdelay $0x4  }
0x3c2: {  	[tilespmem:v41+s21+$0x0] =	vst.idx.msk $0xffff, v33  }
0x3c3: {  	v42 =	vadd.s32 v15, v35;
	v33 =	vld [tilespmem:s1+$0xFFFFFFE0];
	_ =	sdelay $0x4  }
0x3c4: {  	[tilespmem:v42+s21+$0x0] =	vst.idx.msk $0xffff, v33  }
0x3c5: {  	s26 =	sadd.s32 $0x4, s8;
	v43 =	vadd.s32 v16, v35;
	v33 =	vld [tilespmem:s1+$0xFFFFFFF0]  }
0x3c6: {  	v44 =	vmov s26  }
0x3c7: {  	v35 =	vshrl.u32 v44, $0x3  }
0x3c8: {  	v35 =	vshll.u32 v35, v1  }
0x3c9: {  	v35 =	vbroadcast v35, $0x0  }
0x3ca: {  	[tilespmem:v43+s21+$0x0] =	vst.idx.msk $0xffff, v33  }
0x3cb: {  	v45 =	vadd.s32 v17, v35;
	v33 =	vld [tilespmem:s1+$0x0];
	_ =	sdelay $0x4  }
0x3cc: {  	[tilespmem:v45+s21+$0x0] =	vst.idx.msk $0xffff, v33  }
0x3cd: {  	v46 =	vadd.s32 v18, v35;
	v33 =	vld [tilespmem:s1+$0x10];
	_ =	sdelay $0x4  }
0x3ce: {  	[tilespmem:v46+s21+$0x0] =	vst.idx.msk $0xffff, v33  }
0x3cf: {  	v47 =	vadd.s32 v19, v35;
	v33 =	vld [tilespmem:s1+$0x20];
	_ =	sdelay $0x4  }
0x3d0: {  	[tilespmem:v47+s21+$0x0] =	vst.idx.msk $0xffff, v33  }
0x3d1: {  	s7 =	sadd.s32 $0x5, s8;
	v48 =	vadd.s32 v20, v35;
	v33 =	vld [tilespmem:s1+$0x30]  }
0x3d2: {  	v49 =	vmov s7  }
0x3d3: {  	v35 =	vshrl.u32 v49, $0x3  }
0x3d4: {  	v35 =	vshll.u32 v35, v1  }
0x3d5: {  	v35 =	vbroadcast v35, $0x0  }
0x3d6: {  	[tilespmem:v48+s21+$0x0] =	vst.idx.msk $0xffff, v33  }
0x3d7: {  	v50 =	vadd.s32 v21, v35;
	v33 =	vld [tilespmem:s1+$0x40];
	_ =	sdelay $0x4  }
0x3d8: {  	[tilespmem:v50+s21+$0x0] =	vst.idx.msk $0xffff, v33  }
0x3d9: {  	v51 =	vadd.s32 v22, v35;
	v33 =	vld [tilespmem:s1+$0x50];
	_ =	sdelay $0x4  }
0x3da: {  	[tilespmem:v51+s21+$0x0] =	vst.idx.msk $0xffff, v33  }
0x3db: {  	v52 =	vadd.s32 v23, v35;
	v33 =	vld [tilespmem:s1+$0x60];
	_ =	sdelay $0x4  }
0x3dc: {  	[tilespmem:v52+s21+$0x0] =	vst.idx.msk $0xffff, v33  }
0x3dd: {  	s9 =	sadd.s32 $0x6, s8;
	v53 =	vadd.s32 v24, v35;
	v33 =	vld [tilespmem:s1+$0x70]  }
0x3de: {  	v54 =	vmov s9  }
0x3df: {  	v35 =	vshrl.u32 v54, $0x3  }
0x3e0: {  	v35 =	vshll.u32 v35, v1  }
0x3e1: {  	v35 =	vbroadcast v35, $0x0  }
0x3e2: {  	[tilespmem:v53+s21+$0x0] =	vst.idx.msk $0xffff, v33  }
0x3e3: {  	v55 =	vadd.s32 v25, v35;
	v33 =	vld [tilespmem:s1+$0x80];
	_ =	sdelay $0x4  }
0x3e4: {  	[tilespmem:v55+s21+$0x0] =	vst.idx.msk $0xffff, v33  }
0x3e5: {  	v56 =	vadd.s32 v26, v35;
	v33 =	vld [tilespmem:s1+$0x90];
	_ =	sdelay $0x4  }
0x3e6: {  	[tilespmem:v56+s21+$0x0] =	vst.idx.msk $0xffff, v33  }
0x3e7: {  	v57 =	vadd.s32 v27, v35;
	v33 =	vld [tilespmem:s1+$0xA0];
	_ =	sdelay $0x4  }
0x3e8: {  	[tilespmem:v57+s21+$0x0] =	vst.idx.msk $0xffff, v33  }
0x3e9: {  	s10 =	sadd.s32 $0x7, s8;
	v58 =	vadd.s32 v28, v35;
	v33 =	vld [tilespmem:s1+$0xB0]  }
0x3ea: {  	v59 =	vmov s10  }
0x3eb: {  	v35 =	vshrl.u32 v59, $0x3  }
0x3ec: {  	v35 =	vshll.u32 v35, v1  }
0x3ed: {  	v35 =	vbroadcast v35, $0x0  }
0x3ee: {  	[tilespmem:v58+s21+$0x0] =	vst.idx.msk $0xffff, v33  }
0x3ef: {  	v60 =	vadd.s32 v29, v35;
	v33 =	vld [tilespmem:s1+$0xC0];
	_ =	sdelay $0x4  }
0x3f0: {  	[tilespmem:v60+s21+$0x0] =	vst.idx.msk $0xffff, v33  }
0x3f1: {  	v61 =	vadd.s32 v30, v35;
	v33 =	vld [tilespmem:s1+$0xD0];
	_ =	sdelay $0x4  }
0x3f2: {  	[tilespmem:v61+s21+$0x0] =	vst.idx.msk $0xffff, v33  }
0x3f3: {  	v62 =	vadd.s32 v31, v35;
	v33 =	vld [tilespmem:s1+$0xE0];
	_ =	sdelay $0x4  }
0x3f4: {  	[tilespmem:v62+s21+$0x0] =	vst.idx.msk $0xffff, v33  }
0x3f5: {  	v63 =	vadd.s32 v32, v35;
	v33 =	vld [tilespmem:s1+$0xF0];
	_ =	sdelay $0x4  }
0x3f6: {  	s0 =	sshll.u32 s0, $0x12;
	s1 =	simm.s32 @!p0 $0x2;
	[tilespmem:v63+s21+$0x0] =	vst.idx.msk $0xffff, v33  }
0x3f7: {  	s0 =	sor.u32 s4, s0;
	_ =	swait.ge @!p0 [sflag:s1], $0x2000  }
0x3f8: {  	s0 =	sshrl.u32 s0, $0x3;
	[sflag:s1] =	ssyncset.done @!p0 $0x0  }
0x3f9: {  	s26 =	simm.s32 $0x16800;
	[sflag:s1] =	ssyncadd.s32 @!p0 $0xFFFFE000;
	s1 =	sadd.s32 s2, s0  }
0x3fa: {  	[hbm4b:s1+s3] =	stream.linear.scatter [tilespmem:s26], [sflag:$0x2], $0x80, $0x38;
	[tilespmem:$0x1F000] =	vst v63  }
0x3fb: {  	s6 =	simm.s32 $0x16888;
	s7 =	sadd.s32 $0x10, s1  }
0x3fc: {  	[hbm4b:s7+s3] =	stream.linear.scatter [tilespmem:s6], [sflag:$0x2], $0x80, $0x38;
	[tilespmem:$0x1F000] =	vst v63  }
0x3fd: {  	s8 =	simm.s32 $0x16910;
	s10 =	simm.s32 $0x16998;
	s9 =	sadd.s32 $0x20, s1  }
0x3fe: {  	[hbm4b:s9+s3] =	stream.linear.scatter [tilespmem:s8], [sflag:$0x2], $0x80, $0x38;
	[tilespmem:$0x1F000] =	vst v63  }
0x3ff: {  	s0 =	simm.s32 $0x440;
	s26 =	sadd.s32 $0x30, s1;
	s6 =	simm.s32 $0x16A20  }
0x400: {  	[hbm4b:s26+s3] =	stream.linear.scatter [tilespmem:s10], [sflag:$0x2], $0x80, $0x38;
	[tilespmem:$0x1F000] =	vst v63  }
0x401: {  	s7 =	sadd.s32 $0x40, s1;
	s8 =	simm.s32 $0x16AA8;
	s9 =	sadd.s32 $0x50, s1  }
0x402: {  	[hbm4b:s7+s3] =	stream.linear.scatter [tilespmem:s6], [sflag:$0x2], $0x80, $0x38;
	[tilespmem:$0x1F000] =	vst v63  }
0x403: {  	s10 =	simm.s32 $0x16B30;
	s26 =	sadd.s32 $0x60, s1;
	s6 =	simm.s32 $0x2200  }
0x404: {  	[hbm4b:s9+s3] =	stream.linear.scatter [tilespmem:s8], [sflag:$0x2], $0x80, $0x38;
	[tilespmem:$0x1F000] =	vst v63  }
0x405: {  	s7 =	simm.s32 $0x16BB8;
	s8 =	sadd.s32 $0x70, s1;
	s1 =	sadd.s32 $0x1000, s1  }
0x406: {  	[hbm4b:s26+s3] =	stream.linear.scatter [tilespmem:s10], [sflag:$0x2], $0x80, $0x38;
	[tilespmem:$0x1F000] =	vst v63  }
.LBB2_13:
0x407: {  	[hbm4b:s8+s3] =	stream.linear.scatter [tilespmem:s7], [sflag:$0x2], $0x80, $0x38;
	[tilespmem:$0x1F000] =	vst v63  }
0x408: {  	s7 =	smov.u32 s0;
	s0 =	smov.u32 s6  }
0x409: {  	s9 =	sadd.s32 $0x1100, s6;
	s0 =	sshra.s32 s0, $0x2;
	s8 =	sadd.s32 $0x16800, s7  }
0x40a: {  	[hbm4b:s1+s3] =	stream.linear.scatter [tilespmem:s8], [sflag:$0x2], $0x80, $0x38;
	[tilespmem:$0x1F000] =	vst v63  }
0x40b: {  	p1 =	sne.s32 s6, $0x7700;
	s6 =	sadd.s32 $0x16888, s7;
	s8 =	sadd.s32 $0x10, s1  }
0x40c: {  	[hbm4b:s8+s3] =	stream.linear.scatter [tilespmem:s6], [sflag:$0x2], $0x80, $0x38;
	[tilespmem:$0x1F000] =	vst v63  }
0x40d: {  	s6 =	sadd.s32 $0x16910, s7;
	s8 =	sadd.s32 $0x20, s1  }
0x40e: {  	[hbm4b:s8+s3] =	stream.linear.scatter [tilespmem:s6], [sflag:$0x2], $0x80, $0x38;
	[tilespmem:$0x1F000] =	vst v63  }
0x40f: {  	s6 =	sadd.s32 $0x16998, s7;
	s8 =	sadd.s32 $0x30, s1  }
0x410: {  	[hbm4b:s8+s3] =	stream.linear.scatter [tilespmem:s6], [sflag:$0x2], $0x80, $0x38;
	[tilespmem:$0x1F000] =	vst v63  }
0x411: {  	s6 =	sadd.s32 $0x16A20, s7;
	s8 =	sadd.s32 $0x40, s1  }
0x412: {  	[hbm4b:s8+s3] =	stream.linear.scatter [tilespmem:s6], [sflag:$0x2], $0x80, $0x38;
	[tilespmem:$0x1F000] =	vst v63  }
.Ltmp5:
0x413: {  	s6 =	sadd.s32 $0x16AA8, s7;
	s8 =	sadd.s32 $0x50, s1;
	(pc) =	sbr.rel @p1 .LBB2_13-.Ltmp5, $4  }
0x414: {  	[hbm4b:s8+s3] =	stream.linear.scatter [tilespmem:s6], [sflag:$0x2], $0x80, $0x38;
	[tilespmem:$0x1F000] =	vst v63  }
0x415: {  	s6 =	sadd.s32 $0x16B30, s7;
	s8 =	sadd.s32 $0x60, s1;
	s7 =	sadd.s32 $0x16BB8, s7  }
0x416: {  	[hbm4b:s8+s3] =	stream.linear.scatter [tilespmem:s6], [sflag:$0x2], $0x80, $0x38;
	[tilespmem:$0x1F000] =	vst v63  }
0x417: {  	s8 =	sadd.s32 $0x70, s1;
	s1 =	sadd.s32 $0x1000, s1;
	s6 =	smov.u32 s9  }
0x418: {  	[hbm4b:s8+s3] =	stream.linear.scatter [tilespmem:s7], [sflag:$0x2], $0x80, $0x38;
	[tilespmem:$0x1F000] =	vst v63  }
0x419: {  	s6 =	sadd.s32 $0x16800, s0  }
0x41a: {  	[hbm4b:s1+s3] =	stream.linear.scatter [tilespmem:s6], [sflag:$0x2], $0x80, $0x38;
	[tilespmem:$0x1F000] =	vst v63  }
0x41b: {  	s8 =	sadd.s32 $0x16888, s0;
	s9 =	sadd.s32 $0x10, s1  }
0x41c: {  	[hbm4b:s9+s3] =	stream.linear.scatter [tilespmem:s8], [sflag:$0x2], $0x80, $0x38;
	[tilespmem:$0x1F000] =	vst v63  }
0x41d: {  	s10 =	sadd.s32 $0x16910, s0;
	s26 =	sadd.s32 $0x20, s1  }
0x41e: {  	[hbm4b:s26+s3] =	stream.linear.scatter [tilespmem:s10], [sflag:$0x2], $0x80, $0x38;
	[tilespmem:$0x1F000] =	vst v63  }
0x41f: {  	s8 =	sadd.s32 $0x16998, s0;
	s9 =	sadd.s32 $0x30, s1  }
0x420: {  	[hbm4b:s9+s3] =	stream.linear.scatter [tilespmem:s8], [sflag:$0x2], $0x80, $0x38;
	[tilespmem:$0x1F000] =	vst v63  }
0x421: {  	s10 =	sadd.s32 $0x16A20, s0;
	s26 =	sadd.s32 $0x40, s1  }
0x422: {  	[hbm4b:s26+s3] =	stream.linear.scatter [tilespmem:s10], [sflag:$0x2], $0x80, $0x38;
	[tilespmem:$0x1F000] =	vst v63  }
0x423: {  	s8 =	sadd.s32 $0x16AA8, s0;
	s9 =	sadd.s32 $0x50, s1  }
0x424: {  	[hbm4b:s9+s3] =	stream.linear.scatter [tilespmem:s8], [sflag:$0x2], $0x80, $0x38;
	[tilespmem:$0x1F000] =	vst v63  }
0x425: {  	s10 =	sadd.s32 $0x16B30, s0;
	s26 =	sadd.s32 $0x60, s1;
	s8 =	simm.s32 $0x0  }
0x426: {  	[hbm4b:s26+s3] =	stream.linear.scatter [tilespmem:s10], [sflag:$0x2], $0x80, $0x38;
	[tilespmem:$0x1F000] =	vst v63  }
0x427: {  	s9 =	sadd.s32 $0x16BB8, s0;
	v33 =	vmov s8;
	s10 =	sadd.s32 $0x70, s1  }
0x428: {  	v33 =	vshrl.u32 v33, $0x3;
	[hbm4b:s10+s3] =	stream.linear.scatter [tilespmem:s9], [sflag:$0x2], $0x80, $0x38;
	[tilespmem:$0x1F000] =	vst v63  }
0x429: {  	v33 =	vshll.u32 v33, v1;
	_ =	swait.ge [sflag:s18], $0x2000  }
0x42a: {  	v33 =	vbroadcast v33, $0x0;
	[sflag:s18] =	ssyncset.done $0x0  }
0x42b: {  	s0 =	simm.s32 $0xC500;
	[sflag:s18] =	ssyncadd.s32 $0xFFFFE000  }
0x42c: {  	v35 =	vadd.s32 v0, v33;
	v34 =	vld [tilespmem:s0+$0xFFFFFF00];
	_ =	sdelay $0x4  }
0x42d: {  	[tilespmem:v35+s22+$0x0] =	vst.idx.msk $0xffff, v34  }
0x42e: {  	v56 =	vadd.s32 v2, v33;
	v34 =	vld [tilespmem:s0+$0xFFFFFF10];
	_ =	sdelay $0x4  }
0x42f: {  	[tilespmem:v56+s22+$0x0] =	vst.idx.msk $0xffff, v34  }
0x430: {  	v57 =	vadd.s32 v3, v33;
	v34 =	vld [tilespmem:s0+$0xFFFFFF20];
	_ =	sdelay $0x4  }
0x431: {  	[tilespmem:v57+s22+$0x0] =	vst.idx.msk $0xffff, v34  }
0x432: {  	s26 =	simm.s32 $0x1;
	v33 =	vadd.s32 v4, v33;
	v34 =	vld [tilespmem:s0+$0xFFFFFF30]  }
0x433: {  	v58 =	vmov s26  }
0x434: {  	v35 =	vshrl.u32 v58, $0x3  }
0x435: {  	v35 =	vshll.u32 v35, v1  }
0x436: {  	v35 =	vbroadcast v35, $0x0  }
0x437: {  	[tilespmem:v33+s22+$0x0] =	vst.idx.msk $0xffff, v34  }
0x438: {  	v59 =	vadd.s32 v5, v35;
	v33 =	vld [tilespmem:s0+$0xFFFFFF40];
	_ =	sdelay $0x4  }
0x439: {  	[tilespmem:v59+s22+$0x0] =	vst.idx.msk $0xffff, v33  }
0x43a: {  	v60 =	vadd.s32 v6, v35;
	v33 =	vld [tilespmem:s0+$0xFFFFFF50];
	_ =	sdelay $0x4  }
0x43b: {  	[tilespmem:v60+s22+$0x0] =	vst.idx.msk $0xffff, v33  }
0x43c: {  	v61 =	vadd.s32 v7, v35;
	v33 =	vld [tilespmem:s0+$0xFFFFFF60];
	_ =	sdelay $0x4  }
0x43d: {  	[tilespmem:v61+s22+$0x0] =	vst.idx.msk $0xffff, v33  }
0x43e: {  	s6 =	simm.s32 $0x2;
	v62 =	vadd.s32 v8, v35;
	v33 =	vld [tilespmem:s0+$0xFFFFFF70]  }
0x43f: {  	v63 =	vmov s6  }
0x440: {  	v35 =	vshrl.u32 v63, $0x3  }
0x441: {  	v35 =	vshll.u32 v35, v1  }
0x442: {  	v35 =	vbroadcast v35, $0x0  }
0x443: {  	[tilespmem:v62+s22+$0x0] =	vst.idx.msk $0xffff, v33  }
0x444: {  	v36 =	vadd.s32 v9, v35;
	v33 =	vld [tilespmem:s0+$0xFFFFFF80];
	_ =	sdelay $0x4  }
0x445: {  	[tilespmem:v36+s22+$0x0] =	vst.idx.msk $0xffff, v33  }
0x446: {  	v37 =	vadd.s32 v10, v35;
	v33 =	vld [tilespmem:s0+$0xFFFFFF90];
	_ =	sdelay $0x4  }
0x447: {  	[tilespmem:v37+s22+$0x0] =	vst.idx.msk $0xffff, v33  }
0x448: {  	v38 =	vadd.s32 v11, v35;
	v33 =	vld [tilespmem:s0+$0xFFFFFFA0];
	_ =	sdelay $0x4  }
0x449: {  	[tilespmem:v38+s22+$0x0] =	vst.idx.msk $0xffff, v33  }
0x44a: {  	s7 =	simm.s32 $0x3;
	v39 =	vadd.s32 v12, v35;
	v33 =	vld [tilespmem:s0+$0xFFFFFFB0]  }
0x44b: {  	v40 =	vmov s7  }
0x44c: {  	v35 =	vshrl.u32 v40, $0x3  }
0x44d: {  	v35 =	vshll.u32 v35, v1  }
0x44e: {  	v35 =	vbroadcast v35, $0x0  }
0x44f: {  	[tilespmem:v39+s22+$0x0] =	vst.idx.msk $0xffff, v33  }
0x450: {  	v41 =	vadd.s32 v13, v35;
	v33 =	vld [tilespmem:s0+$0xFFFFFFC0];
	_ =	sdelay $0x4  }
0x451: {  	[tilespmem:v41+s22+$0x0] =	vst.idx.msk $0xffff, v33  }
0x452: {  	v42 =	vadd.s32 v14, v35;
	v33 =	vld [tilespmem:s0+$0xFFFFFFD0];
	_ =	sdelay $0x4  }
0x453: {  	[tilespmem:v42+s22+$0x0] =	vst.idx.msk $0xffff, v33  }
0x454: {  	v43 =	vadd.s32 v15, v35;
	v33 =	vld [tilespmem:s0+$0xFFFFFFE0];
	_ =	sdelay $0x4  }
0x455: {  	[tilespmem:v43+s22+$0x0] =	vst.idx.msk $0xffff, v33  }
0x456: {  	s8 =	simm.s32 $0x4;
	v44 =	vadd.s32 v16, v35;
	v33 =	vld [tilespmem:s0+$0xFFFFFFF0]  }
0x457: {  	v45 =	vmov s8  }
0x458: {  	v35 =	vshrl.u32 v45, $0x3  }
0x459: {  	v35 =	vshll.u32 v35, v1  }
0x45a: {  	v35 =	vbroadcast v35, $0x0  }
0x45b: {  	[tilespmem:v44+s22+$0x0] =	vst.idx.msk $0xffff, v33  }
0x45c: {  	v46 =	vadd.s32 v17, v35;
	v33 =	vld [tilespmem:s0+$0x0];
	_ =	sdelay $0x4  }
0x45d: {  	[tilespmem:v46+s22+$0x0] =	vst.idx.msk $0xffff, v33  }
0x45e: {  	v47 =	vadd.s32 v18, v35;
	v33 =	vld [tilespmem:s0+$0x10];
	_ =	sdelay $0x4  }
0x45f: {  	[tilespmem:v47+s22+$0x0] =	vst.idx.msk $0xffff, v33  }
0x460: {  	v48 =	vadd.s32 v19, v35;
	v33 =	vld [tilespmem:s0+$0x20];
	_ =	sdelay $0x4  }
0x461: {  	[tilespmem:v48+s22+$0x0] =	vst.idx.msk $0xffff, v33  }
0x462: {  	s9 =	simm.s32 $0x5;
	v49 =	vadd.s32 v20, v35;
	v33 =	vld [tilespmem:s0+$0x30]  }
0x463: {  	v50 =	vmov s9  }
0x464: {  	v35 =	vshrl.u32 v50, $0x3  }
0x465: {  	v35 =	vshll.u32 v35, v1  }
0x466: {  	v35 =	vbroadcast v35, $0x0  }
0x467: {  	[tilespmem:v49+s22+$0x0] =	vst.idx.msk $0xffff, v33  }
0x468: {  	v51 =	vadd.s32 v21, v35;
	v33 =	vld [tilespmem:s0+$0x40];
	_ =	sdelay $0x4  }
0x469: {  	[tilespmem:v51+s22+$0x0] =	vst.idx.msk $0xffff, v33  }
0x46a: {  	v52 =	vadd.s32 v22, v35;
	v33 =	vld [tilespmem:s0+$0x50];
	_ =	sdelay $0x4  }
0x46b: {  	[tilespmem:v52+s22+$0x0] =	vst.idx.msk $0xffff, v33  }
0x46c: {  	v53 =	vadd.s32 v23, v35;
	v33 =	vld [tilespmem:s0+$0x60];
	_ =	sdelay $0x4  }
0x46d: {  	[tilespmem:v53+s22+$0x0] =	vst.idx.msk $0xffff, v33  }
0x46e: {  	s10 =	simm.s32 $0x6;
	v54 =	vadd.s32 v24, v35;
	v33 =	vld [tilespmem:s0+$0x70]  }
0x46f: {  	v55 =	vmov s10  }
0x470: {  	v35 =	vshrl.u32 v55, $0x3  }
0x471: {  	v35 =	vshll.u32 v35, v1  }
0x472: {  	v35 =	vbroadcast v35, $0x0  }
0x473: {  	[tilespmem:v54+s22+$0x0] =	vst.idx.msk $0xffff, v33  }
0x474: {  	v56 =	vadd.s32 v25, v35;
	v33 =	vld [tilespmem:s0+$0x80];
	_ =	sdelay $0x4  }
0x475: {  	[tilespmem:v56+s22+$0x0] =	vst.idx.msk $0xffff, v33  }
0x476: {  	v57 =	vadd.s32 v26, v35;
	v33 =	vld [tilespmem:s0+$0x90];
	_ =	sdelay $0x4  }
0x477: {  	[tilespmem:v57+s22+$0x0] =	vst.idx.msk $0xffff, v33  }
0x478: {  	v58 =	vadd.s32 v27, v35;
	v33 =	vld [tilespmem:s0+$0xA0];
	_ =	sdelay $0x4  }
0x479: {  	[tilespmem:v58+s22+$0x0] =	vst.idx.msk $0xffff, v33  }
0x47a: {  	s26 =	simm.s32 $0x7;
	v59 =	vadd.s32 v28, v35;
	v33 =	vld [tilespmem:s0+$0xB0]  }
0x47b: {  	v60 =	vmov s26  }
0x47c: {  	v35 =	vshrl.u32 v60, $0x3  }
0x47d: {  	v35 =	vshll.u32 v35, v1  }
0x47e: {  	v35 =	vbroadcast v35, $0x0  }
0x47f: {  	[tilespmem:v59+s22+$0x0] =	vst.idx.msk $0xffff, v33  }
0x480: {  	v61 =	vadd.s32 v29, v35;
	v33 =	vld [tilespmem:s0+$0xC0];
	_ =	sdelay $0x4  }
0x481: {  	[tilespmem:v61+s22+$0x0] =	vst.idx.msk $0xffff, v33  }
0x482: {  	v62 =	vadd.s32 v30, v35;
	v33 =	vld [tilespmem:s0+$0xD0];
	_ =	sdelay $0x4  }
0x483: {  	[tilespmem:v62+s22+$0x0] =	vst.idx.msk $0xffff, v33  }
0x484: {  	v63 =	vadd.s32 v31, v35;
	v33 =	vld [tilespmem:s0+$0xE0];
	_ =	sdelay $0x4  }
0x485: {  	[tilespmem:v63+s22+$0x0] =	vst.idx.msk $0xffff, v33  }
0x486: {  	s1 =	simm.s32 $0x8;
	v34 =	vadd.s32 v32, v35;
	v33 =	vld [tilespmem:s0+$0xF0]  }
0x487: {  	s6 =	simm.s32 $0x10;
	v35 =	vmov s1  }
.LBB2_15:
0x488: {  	p1 =	slt.u32 s6, $0x78;
	v35 =	vshrl.u32 v35, $0x3  }
0x489: {  	v35 =	vshll.u32 v35, v1  }
0x48a: {  	v35 =	vbroadcast v35, $0x0  }
0x48b: {  	s0 =	sadd.s32 $0x200, s0;
	[tilespmem:v34+s22+$0x0] =	vst.idx.msk $0xffff, v33  }
0x48c: {  	v33 =	vld [tilespmem:s0+$0xFFFFFF00];
	v34 =	vadd.s32 v0, v35;
	_ =	sdelay $0x4  }
0x48d: {  	[tilespmem:v34+s22+$0x0] =	vst.idx.msk $0xffff, v33  }
0x48e: {  	v34 =	vadd.s32 v2, v35;
	v33 =	vld [tilespmem:s0+$0xFFFFFF10];
	_ =	sdelay $0x4  }
0x48f: {  	[tilespmem:v34+s22+$0x0] =	vst.idx.msk $0xffff, v33  }
0x490: {  	v34 =	vadd.s32 v3, v35;
	v33 =	vld [tilespmem:s0+$0xFFFFFF20];
	_ =	sdelay $0x4  }
0x491: {  	[tilespmem:v34+s22+$0x0] =	vst.idx.msk $0xffff, v33  }
0x492: {  	s7 =	sadd.s32 $0x1, s1;
	v34 =	vadd.s32 v4, v35;
	v33 =	vld [tilespmem:s0+$0xFFFFFF30]  }
0x493: {  	v35 =	vmov s7  }
0x494: {  	v35 =	vshrl.u32 v35, $0x3  }
0x495: {  	v35 =	vshll.u32 v35, v1  }
0x496: {  	v35 =	vbroadcast v35, $0x0  }
0x497: {  	[tilespmem:v34+s22+$0x0] =	vst.idx.msk $0xffff, v33  }
0x498: {  	v34 =	vadd.s32 v5, v35;
	v33 =	vld [tilespmem:s0+$0xFFFFFF40];
	_ =	sdelay $0x4  }
0x499: {  	[tilespmem:v34+s22+$0x0] =	vst.idx.msk $0xffff, v33  }
0x49a: {  	v34 =	vadd.s32 v6, v35;
	v33 =	vld [tilespmem:s0+$0xFFFFFF50];
	_ =	sdelay $0x4  }
0x49b: {  	[tilespmem:v34+s22+$0x0] =	vst.idx.msk $0xffff, v33  }
0x49c: {  	v34 =	vadd.s32 v7, v35;
	v33 =	vld [tilespmem:s0+$0xFFFFFF60];
	_ =	sdelay $0x4  }
0x49d: {  	[tilespmem:v34+s22+$0x0] =	vst.idx.msk $0xffff, v33  }
0x49e: {  	s7 =	sadd.s32 $0x2, s1;
	v34 =	vadd.s32 v8, v35;
	v33 =	vld [tilespmem:s0+$0xFFFFFF70]  }
0x49f: {  	v35 =	vmov s7  }
0x4a0: {  	v35 =	vshrl.u32 v35, $0x3  }
0x4a1: {  	v35 =	vshll.u32 v35, v1  }
0x4a2: {  	v35 =	vbroadcast v35, $0x0  }
0x4a3: {  	[tilespmem:v34+s22+$0x0] =	vst.idx.msk $0xffff, v33  }
0x4a4: {  	v34 =	vadd.s32 v9, v35;
	v33 =	vld [tilespmem:s0+$0xFFFFFF80];
	_ =	sdelay $0x4  }
0x4a5: {  	[tilespmem:v34+s22+$0x0] =	vst.idx.msk $0xffff, v33  }
0x4a6: {  	v34 =	vadd.s32 v10, v35;
	v33 =	vld [tilespmem:s0+$0xFFFFFF90];
	_ =	sdelay $0x4  }
0x4a7: {  	[tilespmem:v34+s22+$0x0] =	vst.idx.msk $0xffff, v33  }
0x4a8: {  	v34 =	vadd.s32 v11, v35;
	v33 =	vld [tilespmem:s0+$0xFFFFFFA0];
	_ =	sdelay $0x4  }
0x4a9: {  	[tilespmem:v34+s22+$0x0] =	vst.idx.msk $0xffff, v33  }
0x4aa: {  	s7 =	sadd.s32 $0x3, s1;
	v34 =	vadd.s32 v12, v35;
	v33 =	vld [tilespmem:s0+$0xFFFFFFB0]  }
0x4ab: {  	v35 =	vmov s7  }
0x4ac: {  	v35 =	vshrl.u32 v35, $0x3  }
0x4ad: {  	v35 =	vshll.u32 v35, v1  }
0x4ae: {  	v35 =	vbroadcast v35, $0x0  }
0x4af: {  	[tilespmem:v34+s22+$0x0] =	vst.idx.msk $0xffff, v33  }
0x4b0: {  	v34 =	vadd.s32 v13, v35;
	v33 =	vld [tilespmem:s0+$0xFFFFFFC0];
	_ =	sdelay $0x4  }
0x4b1: {  	[tilespmem:v34+s22+$0x0] =	vst.idx.msk $0xffff, v33  }
0x4b2: {  	v34 =	vadd.s32 v14, v35;
	v33 =	vld [tilespmem:s0+$0xFFFFFFD0];
	_ =	sdelay $0x4  }
0x4b3: {  	[tilespmem:v34+s22+$0x0] =	vst.idx.msk $0xffff, v33  }
0x4b4: {  	v34 =	vadd.s32 v15, v35;
	v33 =	vld [tilespmem:s0+$0xFFFFFFE0];
	_ =	sdelay $0x4  }
0x4b5: {  	[tilespmem:v34+s22+$0x0] =	vst.idx.msk $0xffff, v33  }
0x4b6: {  	s7 =	sadd.s32 $0x4, s1;
	v34 =	vadd.s32 v16, v35;
	v33 =	vld [tilespmem:s0+$0xFFFFFFF0]  }
0x4b7: {  	v35 =	vmov s7  }
0x4b8: {  	v35 =	vshrl.u32 v35, $0x3  }
0x4b9: {  	v35 =	vshll.u32 v35, v1  }
0x4ba: {  	v35 =	vbroadcast v35, $0x0  }
0x4bb: {  	[tilespmem:v34+s22+$0x0] =	vst.idx.msk $0xffff, v33  }
0x4bc: {  	v34 =	vadd.s32 v17, v35;
	v33 =	vld [tilespmem:s0+$0x0];
	_ =	sdelay $0x4  }
0x4bd: {  	[tilespmem:v34+s22+$0x0] =	vst.idx.msk $0xffff, v33  }
0x4be: {  	v34 =	vadd.s32 v18, v35;
	v33 =	vld [tilespmem:s0+$0x10];
	_ =	sdelay $0x4  }
0x4bf: {  	[tilespmem:v34+s22+$0x0] =	vst.idx.msk $0xffff, v33  }
0x4c0: {  	v34 =	vadd.s32 v19, v35;
	v33 =	vld [tilespmem:s0+$0x20];
	_ =	sdelay $0x4  }
0x4c1: {  	[tilespmem:v34+s22+$0x0] =	vst.idx.msk $0xffff, v33  }
0x4c2: {  	s7 =	sadd.s32 $0x5, s1;
	v34 =	vadd.s32 v20, v35;
	v33 =	vld [tilespmem:s0+$0x30]  }
0x4c3: {  	v35 =	vmov s7  }
0x4c4: {  	v35 =	vshrl.u32 v35, $0x3  }
0x4c5: {  	v35 =	vshll.u32 v35, v1  }
0x4c6: {  	v35 =	vbroadcast v35, $0x0  }
0x4c7: {  	[tilespmem:v34+s22+$0x0] =	vst.idx.msk $0xffff, v33  }
0x4c8: {  	v34 =	vadd.s32 v21, v35;
	v33 =	vld [tilespmem:s0+$0x40];
	_ =	sdelay $0x4  }
0x4c9: {  	[tilespmem:v34+s22+$0x0] =	vst.idx.msk $0xffff, v33  }
0x4ca: {  	v34 =	vadd.s32 v22, v35;
	v33 =	vld [tilespmem:s0+$0x50];
	_ =	sdelay $0x4  }
0x4cb: {  	[tilespmem:v34+s22+$0x0] =	vst.idx.msk $0xffff, v33  }
0x4cc: {  	v34 =	vadd.s32 v23, v35;
	v33 =	vld [tilespmem:s0+$0x60];
	_ =	sdelay $0x4  }
0x4cd: {  	[tilespmem:v34+s22+$0x0] =	vst.idx.msk $0xffff, v33  }
0x4ce: {  	s7 =	sadd.s32 $0x6, s1;
	v34 =	vadd.s32 v24, v35;
	v33 =	vld [tilespmem:s0+$0x70]  }
0x4cf: {  	v35 =	vmov s7  }
0x4d0: {  	v35 =	vshrl.u32 v35, $0x3  }
0x4d1: {  	v35 =	vshll.u32 v35, v1  }
0x4d2: {  	v35 =	vbroadcast v35, $0x0  }
0x4d3: {  	[tilespmem:v34+s22+$0x0] =	vst.idx.msk $0xffff, v33  }
0x4d4: {  	v34 =	vadd.s32 v25, v35;
	v33 =	vld [tilespmem:s0+$0x80];
	_ =	sdelay $0x4  }
0x4d5: {  	[tilespmem:v34+s22+$0x0] =	vst.idx.msk $0xffff, v33  }
0x4d6: {  	v34 =	vadd.s32 v26, v35;
	v33 =	vld [tilespmem:s0+$0x90];
	_ =	sdelay $0x4  }
0x4d7: {  	[tilespmem:v34+s22+$0x0] =	vst.idx.msk $0xffff, v33  }
0x4d8: {  	v34 =	vadd.s32 v27, v35;
	v33 =	vld [tilespmem:s0+$0xA0];
	_ =	sdelay $0x4  }
0x4d9: {  	[tilespmem:v34+s22+$0x0] =	vst.idx.msk $0xffff, v33  }
0x4da: {  	s7 =	sadd.s32 $0x7, s1;
	s1 =	smov.u32 s6;
	v34 =	vadd.s32 v28, v35;
	v33 =	vld [tilespmem:s0+$0xB0]  }
0x4db: {  	v35 =	vmov s7  }
0x4dc: {  	v35 =	vshrl.u32 v35, $0x3  }
0x4dd: {  	v35 =	vshll.u32 v35, v1  }
0x4de: {  	v35 =	vbroadcast v35, $0x0  }
0x4df: {  	[tilespmem:v34+s22+$0x0] =	vst.idx.msk $0xffff, v33  }
0x4e0: {  	v34 =	vadd.s32 v29, v35;
	v33 =	vld [tilespmem:s0+$0xC0];
	_ =	sdelay $0x4  }
0x4e1: {  	[tilespmem:v34+s22+$0x0] =	vst.idx.msk $0xffff, v33  }
0x4e2: {  	v34 =	vadd.s32 v30, v35;
	v33 =	vld [tilespmem:s0+$0xD0];
	_ =	sdelay $0x4  }
0x4e3: {  	[tilespmem:v34+s22+$0x0] =	vst.idx.msk $0xffff, v33  }
0x4e4: {  	v34 =	vadd.s32 v31, v35;
	v33 =	vld [tilespmem:s0+$0xE0];
	_ =	sdelay $0x2  }
.Ltmp6:
0x4e5: {  	(pc) =	sbr.rel @p1 .LBB2_15-.Ltmp6, $4  }
0x4e6: {  	_ = 	snop  }
0x4e7: {  	[tilespmem:v34+s22+$0x0] =	vst.idx.msk $0xffff, v33  }
0x4e8: {  	v34 =	vadd.s32 v32, v35;
	v33 =	vld [tilespmem:s0+$0xF0]  }
0x4e9: {  	s6 =	sadd.s32 $0x8, s6;
	v35 =	vmov s1  }
0x4ea: {  	_ = 	snop  }
0x4eb: {  	v35 =	vshrl.u32 v35, $0x3  }
0x4ec: {  	v35 =	vshll.u32 v35, v1  }
0x4ed: {  	v35 =	vbroadcast v35, $0x0  }
0x4ee: {  	s0 =	sadd.s32 $0x200, s0;
	[tilespmem:v34+s22+$0x0] =	vst.idx.msk $0xffff, v33  }
0x4ef: {  	v33 =	vld [tilespmem:s0+$0xFFFFFF00];
	v53 =	vadd.s32 v0, v35;
	_ =	sdelay $0x4  }
0x4f0: {  	[tilespmem:v53+s22+$0x0] =	vst.idx.msk $0xffff, v33  }
0x4f1: {  	v54 =	vadd.s32 v2, v35;
	v33 =	vld [tilespmem:s0+$0xFFFFFF10];
	_ =	sdelay $0x4  }
0x4f2: {  	[tilespmem:v54+s22+$0x0] =	vst.idx.msk $0xffff, v33  }
0x4f3: {  	v55 =	vadd.s32 v3, v35;
	v33 =	vld [tilespmem:s0+$0xFFFFFF20];
	_ =	sdelay $0x4  }
0x4f4: {  	[tilespmem:v55+s22+$0x0] =	vst.idx.msk $0xffff, v33  }
0x4f5: {  	s6 =	sadd.s32 $0x1, s1;
	v56 =	vadd.s32 v4, v35;
	v33 =	vld [tilespmem:s0+$0xFFFFFF30]  }
0x4f6: {  	v57 =	vmov s6  }
0x4f7: {  	v35 =	vshrl.u32 v57, $0x3  }
0x4f8: {  	v35 =	vshll.u32 v35, v1  }
0x4f9: {  	v35 =	vbroadcast v35, $0x0  }
0x4fa: {  	[tilespmem:v56+s22+$0x0] =	vst.idx.msk $0xffff, v33  }
0x4fb: {  	v58 =	vadd.s32 v5, v35;
	v33 =	vld [tilespmem:s0+$0xFFFFFF40];
	_ =	sdelay $0x4  }
0x4fc: {  	[tilespmem:v58+s22+$0x0] =	vst.idx.msk $0xffff, v33  }
0x4fd: {  	v59 =	vadd.s32 v6, v35;
	v33 =	vld [tilespmem:s0+$0xFFFFFF50];
	_ =	sdelay $0x4  }
0x4fe: {  	[tilespmem:v59+s22+$0x0] =	vst.idx.msk $0xffff, v33  }
0x4ff: {  	v60 =	vadd.s32 v7, v35;
	v33 =	vld [tilespmem:s0+$0xFFFFFF60];
	_ =	sdelay $0x4  }
0x500: {  	[tilespmem:v60+s22+$0x0] =	vst.idx.msk $0xffff, v33  }
0x501: {  	s26 =	sadd.s32 $0x2, s1;
	v61 =	vadd.s32 v8, v35;
	v33 =	vld [tilespmem:s0+$0xFFFFFF70]  }
0x502: {  	v62 =	vmov s26  }
0x503: {  	v35 =	vshrl.u32 v62, $0x3  }
0x504: {  	v35 =	vshll.u32 v35, v1  }
0x505: {  	v35 =	vbroadcast v35, $0x0  }
0x506: {  	[tilespmem:v61+s22+$0x0] =	vst.idx.msk $0xffff, v33  }
0x507: {  	v63 =	vadd.s32 v9, v35;
	v33 =	vld [tilespmem:s0+$0xFFFFFF80];
	_ =	sdelay $0x4  }
0x508: {  	[tilespmem:v63+s22+$0x0] =	vst.idx.msk $0xffff, v33  }
0x509: {  	v36 =	vadd.s32 v10, v35;
	v33 =	vld [tilespmem:s0+$0xFFFFFF90];
	_ =	sdelay $0x4  }
0x50a: {  	[tilespmem:v36+s22+$0x0] =	vst.idx.msk $0xffff, v33  }
0x50b: {  	v37 =	vadd.s32 v11, v35;
	v33 =	vld [tilespmem:s0+$0xFFFFFFA0];
	_ =	sdelay $0x4  }
0x50c: {  	[tilespmem:v37+s22+$0x0] =	vst.idx.msk $0xffff, v33  }
0x50d: {  	s7 =	sadd.s32 $0x3, s1;
	v38 =	vadd.s32 v12, v35;
	v33 =	vld [tilespmem:s0+$0xFFFFFFB0]  }
0x50e: {  	v39 =	vmov s7  }
0x50f: {  	v35 =	vshrl.u32 v39, $0x3  }
0x510: {  	v35 =	vshll.u32 v35, v1  }
0x511: {  	v35 =	vbroadcast v35, $0x0  }
0x512: {  	[tilespmem:v38+s22+$0x0] =	vst.idx.msk $0xffff, v33  }
0x513: {  	v40 =	vadd.s32 v13, v35;
	v33 =	vld [tilespmem:s0+$0xFFFFFFC0];
	_ =	sdelay $0x4  }
0x514: {  	[tilespmem:v40+s22+$0x0] =	vst.idx.msk $0xffff, v33  }
0x515: {  	v41 =	vadd.s32 v14, v35;
	v33 =	vld [tilespmem:s0+$0xFFFFFFD0];
	_ =	sdelay $0x4  }
0x516: {  	[tilespmem:v41+s22+$0x0] =	vst.idx.msk $0xffff, v33  }
0x517: {  	v42 =	vadd.s32 v15, v35;
	v33 =	vld [tilespmem:s0+$0xFFFFFFE0];
	_ =	sdelay $0x4  }
0x518: {  	[tilespmem:v42+s22+$0x0] =	vst.idx.msk $0xffff, v33  }
0x519: {  	s8 =	sadd.s32 $0x4, s1;
	v43 =	vadd.s32 v16, v35;
	v33 =	vld [tilespmem:s0+$0xFFFFFFF0]  }
0x51a: {  	v44 =	vmov s8  }
0x51b: {  	v35 =	vshrl.u32 v44, $0x3  }
0x51c: {  	v35 =	vshll.u32 v35, v1  }
0x51d: {  	v35 =	vbroadcast v35, $0x0  }
0x51e: {  	[tilespmem:v43+s22+$0x0] =	vst.idx.msk $0xffff, v33  }
0x51f: {  	v45 =	vadd.s32 v17, v35;
	v33 =	vld [tilespmem:s0+$0x0];
	_ =	sdelay $0x4  }
0x520: {  	[tilespmem:v45+s22+$0x0] =	vst.idx.msk $0xffff, v33  }
0x521: {  	v46 =	vadd.s32 v18, v35;
	v33 =	vld [tilespmem:s0+$0x10];
	_ =	sdelay $0x4  }
0x522: {  	[tilespmem:v46+s22+$0x0] =	vst.idx.msk $0xffff, v33  }
0x523: {  	v47 =	vadd.s32 v19, v35;
	v33 =	vld [tilespmem:s0+$0x20];
	_ =	sdelay $0x4  }
0x524: {  	[tilespmem:v47+s22+$0x0] =	vst.idx.msk $0xffff, v33  }
0x525: {  	s9 =	sadd.s32 $0x5, s1;
	v48 =	vadd.s32 v20, v35;
	v33 =	vld [tilespmem:s0+$0x30]  }
0x526: {  	v49 =	vmov s9  }
0x527: {  	v35 =	vshrl.u32 v49, $0x3  }
0x528: {  	v35 =	vshll.u32 v35, v1  }
0x529: {  	v35 =	vbroadcast v35, $0x0  }
0x52a: {  	[tilespmem:v48+s22+$0x0] =	vst.idx.msk $0xffff, v33  }
0x52b: {  	v50 =	vadd.s32 v21, v35;
	v33 =	vld [tilespmem:s0+$0x40];
	_ =	sdelay $0x4  }
0x52c: {  	[tilespmem:v50+s22+$0x0] =	vst.idx.msk $0xffff, v33  }
0x52d: {  	v51 =	vadd.s32 v22, v35;
	v33 =	vld [tilespmem:s0+$0x50];
	_ =	sdelay $0x4  }
0x52e: {  	[tilespmem:v51+s22+$0x0] =	vst.idx.msk $0xffff, v33  }
0x52f: {  	v52 =	vadd.s32 v23, v35;
	v33 =	vld [tilespmem:s0+$0x60];
	_ =	sdelay $0x4  }
0x530: {  	[tilespmem:v52+s22+$0x0] =	vst.idx.msk $0xffff, v33  }
0x531: {  	s10 =	sadd.s32 $0x6, s1;
	v53 =	vadd.s32 v24, v35;
	v33 =	vld [tilespmem:s0+$0x70]  }
0x532: {  	v54 =	vmov s10  }
0x533: {  	v35 =	vshrl.u32 v54, $0x3  }
0x534: {  	v35 =	vshll.u32 v35, v1  }
0x535: {  	v35 =	vbroadcast v35, $0x0  }
0x536: {  	[tilespmem:v53+s22+$0x0] =	vst.idx.msk $0xffff, v33  }
0x537: {  	v55 =	vadd.s32 v25, v35;
	v33 =	vld [tilespmem:s0+$0x80];
	_ =	sdelay $0x4  }
0x538: {  	[tilespmem:v55+s22+$0x0] =	vst.idx.msk $0xffff, v33  }
0x539: {  	v56 =	vadd.s32 v26, v35;
	v33 =	vld [tilespmem:s0+$0x90];
	_ =	sdelay $0x4  }
0x53a: {  	[tilespmem:v56+s22+$0x0] =	vst.idx.msk $0xffff, v33  }
0x53b: {  	v57 =	vadd.s32 v27, v35;
	v33 =	vld [tilespmem:s0+$0xA0];
	_ =	sdelay $0x4  }
0x53c: {  	[tilespmem:v57+s22+$0x0] =	vst.idx.msk $0xffff, v33  }
0x53d: {  	s26 =	sadd.s32 $0x7, s1;
	v58 =	vadd.s32 v28, v35;
	v33 =	vld [tilespmem:s0+$0xB0]  }
0x53e: {  	v59 =	vmov s26  }
0x53f: {  	v35 =	vshrl.u32 v59, $0x3  }
0x540: {  	v35 =	vshll.u32 v35, v1  }
0x541: {  	v35 =	vbroadcast v35, $0x0  }
0x542: {  	[tilespmem:v58+s22+$0x0] =	vst.idx.msk $0xffff, v33  }
0x543: {  	v60 =	vadd.s32 v29, v35;
	v33 =	vld [tilespmem:s0+$0xC0];
	_ =	sdelay $0x4  }
0x544: {  	[tilespmem:v60+s22+$0x0] =	vst.idx.msk $0xffff, v33  }
0x545: {  	v61 =	vadd.s32 v30, v35;
	v33 =	vld [tilespmem:s0+$0xD0];
	_ =	sdelay $0x4  }
0x546: {  	[tilespmem:v61+s22+$0x0] =	vst.idx.msk $0xffff, v33  }
0x547: {  	v62 =	vadd.s32 v31, v35;
	v33 =	vld [tilespmem:s0+$0xE0];
	_ =	sdelay $0x4  }
0x548: {  	[tilespmem:v62+s22+$0x0] =	vst.idx.msk $0xffff, v33  }
0x549: {  	v63 =	vadd.s32 v32, v35;
	v33 =	vld [tilespmem:s0+$0xF0];
	_ =	sdelay $0x4  }
0x54a: {  	s31 =	sshll.u32 s31, $0x12;
	s0 =	simm.s32 @!p0 $0x2;
	[tilespmem:v63+s22+$0x0] =	vst.idx.msk $0xffff, v33  }
0x54b: {  	s1 =	sor.u32 s4, s31;
	_ =	swait.ge @!p0 [sflag:s0], $0x2000  }
0x54c: {  	s1 =	sshrl.u32 s1, $0x3;
	[sflag:s0] =	ssyncset.done @!p0 $0x0  }
0x54d: {  	s6 =	simm.s32 $0x18A00;
	s1 =	sadd.s32 s2, s1;
	[sflag:s0] =	ssyncadd.s32 @!p0 $0xFFFFE000  }
0x54e: {  	[hbm4b:s1+s3] =	stream.linear.scatter [tilespmem:s6], [sflag:$0x2], $0x80, $0x38;
	[tilespmem:$0x1F000] =	vst v63  }
0x54f: {  	s7 =	simm.s32 $0x18A88;
	s8 =	sadd.s32 $0x10, s1  }
0x550: {  	[hbm4b:s8+s3] =	stream.linear.scatter [tilespmem:s7], [sflag:$0x2], $0x80, $0x38;
	[tilespmem:$0x1F000] =	vst v63  }
0x551: {  	s9 =	simm.s32 $0x18B10;
	s31 =	sadd.s32 $0x30, s1;
	s10 =	sadd.s32 $0x20, s1  }
0x552: {  	[hbm4b:s10+s3] =	stream.linear.scatter [tilespmem:s9], [sflag:$0x2], $0x80, $0x38;
	[tilespmem:$0x1F000] =	vst v63  }
0x553: {  	s26 =	simm.s32 $0x18B98;
	s0 =	simm.s32 $0x440;
	s6 =	simm.s32 $0x2200  }
0x554: {  	[hbm4b:s31+s3] =	stream.linear.scatter [tilespmem:s26], [sflag:$0x2], $0x80, $0x38;
	[tilespmem:$0x1F000] =	vst v63  }
0x555: {  	s7 =	simm.s32 $0x18C20;
	s8 =	sadd.s32 $0x40, s1;
	s9 =	simm.s32 $0x18CA8  }
0x556: {  	[hbm4b:s8+s3] =	stream.linear.scatter [tilespmem:s7], [sflag:$0x2], $0x80, $0x38;
	[tilespmem:$0x1F000] =	vst v63  }
0x557: {  	s10 =	sadd.s32 $0x50, s1;
	s26 =	simm.s32 $0x18D30;
	s31 =	sadd.s32 $0x60, s1  }
0x558: {  	[hbm4b:s10+s3] =	stream.linear.scatter [tilespmem:s9], [sflag:$0x2], $0x80, $0x38;
	[tilespmem:$0x1F000] =	vst v63  }
0x559: {  	s7 =	simm.s32 $0x18DB8;
	s8 =	sadd.s32 $0x70, s1;
	s1 =	sadd.s32 $0x1000, s1  }
0x55a: {  	[hbm4b:s31+s3] =	stream.linear.scatter [tilespmem:s26], [sflag:$0x2], $0x80, $0x38;
	[tilespmem:$0x1F000] =	vst v63  }
.LBB2_17:
0x55b: {  	[hbm4b:s8+s3] =	stream.linear.scatter [tilespmem:s7], [sflag:$0x2], $0x80, $0x38;
	[tilespmem:$0x1F000] =	vst v63  }
0x55c: {  	s7 =	smov.u32 s0;
	s0 =	smov.u32 s6  }
0x55d: {  	s9 =	sadd.s32 $0x1100, s6;
	s0 =	sshra.s32 s0, $0x2;
	s8 =	sadd.s32 $0x18A00, s7  }
0x55e: {  	[hbm4b:s1+s3] =	stream.linear.scatter [tilespmem:s8], [sflag:$0x2], $0x80, $0x38;
	[tilespmem:$0x1F000] =	vst v63  }
0x55f: {  	p1 =	sne.s32 s6, $0x7700;
	s6 =	sadd.s32 $0x18A88, s7;
	s8 =	sadd.s32 $0x10, s1  }
0x560: {  	[hbm4b:s8+s3] =	stream.linear.scatter [tilespmem:s6], [sflag:$0x2], $0x80, $0x38;
	[tilespmem:$0x1F000] =	vst v63  }
0x561: {  	s6 =	sadd.s32 $0x18B10, s7;
	s8 =	sadd.s32 $0x20, s1  }
0x562: {  	[hbm4b:s8+s3] =	stream.linear.scatter [tilespmem:s6], [sflag:$0x2], $0x80, $0x38;
	[tilespmem:$0x1F000] =	vst v63  }
0x563: {  	s6 =	sadd.s32 $0x18B98, s7;
	s8 =	sadd.s32 $0x30, s1  }
0x564: {  	[hbm4b:s8+s3] =	stream.linear.scatter [tilespmem:s6], [sflag:$0x2], $0x80, $0x38;
	[tilespmem:$0x1F000] =	vst v63  }
0x565: {  	s6 =	sadd.s32 $0x18C20, s7;
	s8 =	sadd.s32 $0x40, s1  }
0x566: {  	[hbm4b:s8+s3] =	stream.linear.scatter [tilespmem:s6], [sflag:$0x2], $0x80, $0x38;
	[tilespmem:$0x1F000] =	vst v63  }
.Ltmp7:
0x567: {  	s6 =	sadd.s32 $0x18CA8, s7;
	s8 =	sadd.s32 $0x50, s1;
	(pc) =	sbr.rel @p1 .LBB2_17-.Ltmp7, $4  }
0x568: {  	[hbm4b:s8+s3] =	stream.linear.scatter [tilespmem:s6], [sflag:$0x2], $0x80, $0x38;
	[tilespmem:$0x1F000] =	vst v63  }
0x569: {  	s6 =	sadd.s32 $0x18D30, s7;
	s8 =	sadd.s32 $0x60, s1;
	s7 =	sadd.s32 $0x18DB8, s7  }
0x56a: {  	[hbm4b:s8+s3] =	stream.linear.scatter [tilespmem:s6], [sflag:$0x2], $0x80, $0x38;
	[tilespmem:$0x1F000] =	vst v63  }
0x56b: {  	s8 =	sadd.s32 $0x70, s1;
	s1 =	sadd.s32 $0x1000, s1;
	s6 =	smov.u32 s9  }
0x56c: {  	[hbm4b:s8+s3] =	stream.linear.scatter [tilespmem:s7], [sflag:$0x2], $0x80, $0x38;
	[tilespmem:$0x1F000] =	vst v63  }
0x56d: {  	s6 =	sadd.s32 $0x18A00, s0  }
0x56e: {  	[hbm4b:s1+s3] =	stream.linear.scatter [tilespmem:s6], [sflag:$0x2], $0x80, $0x38;
	[tilespmem:$0x1F000] =	vst v63  }
0x56f: {  	s9 =	sadd.s32 $0x18A88, s0;
	s10 =	sadd.s32 $0x10, s1  }
0x570: {  	[hbm4b:s10+s3] =	stream.linear.scatter [tilespmem:s9], [sflag:$0x2], $0x80, $0x38;
	[tilespmem:$0x1F000] =	vst v63  }
0x571: {  	s26 =	sadd.s32 $0x18B10, s0;
	s31 =	sadd.s32 $0x20, s1  }
0x572: {  	[hbm4b:s31+s3] =	stream.linear.scatter [tilespmem:s26], [sflag:$0x2], $0x80, $0x38;
	[tilespmem:$0x1F000] =	vst v63  }
0x573: {  	s7 =	sadd.s32 $0x18B98, s0;
	s8 =	sadd.s32 $0x30, s1  }
0x574: {  	[hbm4b:s8+s3] =	stream.linear.scatter [tilespmem:s7], [sflag:$0x2], $0x80, $0x38;
	[tilespmem:$0x1F000] =	vst v63  }
0x575: {  	s9 =	sadd.s32 $0x18C20, s0;
	s10 =	sadd.s32 $0x40, s1  }
0x576: {  	[hbm4b:s10+s3] =	stream.linear.scatter [tilespmem:s9], [sflag:$0x2], $0x80, $0x38;
	[tilespmem:$0x1F000] =	vst v63  }
0x577: {  	s26 =	sadd.s32 $0x18CA8, s0;
	s31 =	sadd.s32 $0x50, s1  }
0x578: {  	[hbm4b:s31+s3] =	stream.linear.scatter [tilespmem:s26], [sflag:$0x2], $0x80, $0x38;
	[tilespmem:$0x1F000] =	vst v63  }
0x579: {  	s8 =	sadd.s32 $0x18D30, s0;
	s9 =	sadd.s32 $0x60, s1;
	s10 =	simm.s32 $0x0  }
0x57a: {  	[hbm4b:s9+s3] =	stream.linear.scatter [tilespmem:s8], [sflag:$0x2], $0x80, $0x38;
	[tilespmem:$0x1F000] =	vst v63  }
0x57b: {  	v33 =	vmov s10;
	s26 =	sadd.s32 $0x18DB8, s0;
	s31 =	sadd.s32 $0x70, s1  }
0x57c: {  	v33 =	vshrl.u32 v33, $0x3;
	[hbm4b:s31+s3] =	stream.linear.scatter [tilespmem:s26], [sflag:$0x2], $0x80, $0x38;
	[tilespmem:$0x1F000] =	vst v63  }
0x57d: {  	v33 =	vshll.u32 v33, v1;
	_ =	swait.ge [sflag:s18], $0x2000  }
0x57e: {  	v33 =	vbroadcast v33, $0x0;
	[sflag:s18] =	ssyncset.done $0x0  }
0x57f: {  	s0 =	simm.s32 $0xE500;
	[sflag:s18] =	ssyncadd.s32 $0xFFFFE000  }
0x580: {  	v35 =	vadd.s32 v0, v33;
	v34 =	vld [tilespmem:s0+$0xFFFFFF00];
	_ =	sdelay $0x4  }
0x581: {  	[tilespmem:v35+s23+$0x0] =	vst.idx.msk $0xffff, v34  }
0x582: {  	v56 =	vadd.s32 v2, v33;
	v34 =	vld [tilespmem:s0+$0xFFFFFF10];
	_ =	sdelay $0x4  }
0x583: {  	[tilespmem:v56+s23+$0x0] =	vst.idx.msk $0xffff, v34  }
0x584: {  	v57 =	vadd.s32 v3, v33;
	v34 =	vld [tilespmem:s0+$0xFFFFFF20];
	_ =	sdelay $0x4  }
0x585: {  	[tilespmem:v57+s23+$0x0] =	vst.idx.msk $0xffff, v34  }
0x586: {  	s6 =	simm.s32 $0x1;
	v33 =	vadd.s32 v4, v33;
	v34 =	vld [tilespmem:s0+$0xFFFFFF30]  }
0x587: {  	v58 =	vmov s6  }
0x588: {  	v35 =	vshrl.u32 v58, $0x3  }
0x589: {  	v35 =	vshll.u32 v35, v1  }
0x58a: {  	v35 =	vbroadcast v35, $0x0  }
0x58b: {  	[tilespmem:v33+s23+$0x0] =	vst.idx.msk $0xffff, v34  }
0x58c: {  	v59 =	vadd.s32 v5, v35;
	v33 =	vld [tilespmem:s0+$0xFFFFFF40];
	_ =	sdelay $0x4  }
0x58d: {  	[tilespmem:v59+s23+$0x0] =	vst.idx.msk $0xffff, v33  }
0x58e: {  	v60 =	vadd.s32 v6, v35;
	v33 =	vld [tilespmem:s0+$0xFFFFFF50];
	_ =	sdelay $0x4  }
0x58f: {  	[tilespmem:v60+s23+$0x0] =	vst.idx.msk $0xffff, v33  }
0x590: {  	v61 =	vadd.s32 v7, v35;
	v33 =	vld [tilespmem:s0+$0xFFFFFF60];
	_ =	sdelay $0x4  }
0x591: {  	[tilespmem:v61+s23+$0x0] =	vst.idx.msk $0xffff, v33  }
0x592: {  	s7 =	simm.s32 $0x2;
	v62 =	vadd.s32 v8, v35;
	v33 =	vld [tilespmem:s0+$0xFFFFFF70]  }
0x593: {  	v63 =	vmov s7  }
0x594: {  	v35 =	vshrl.u32 v63, $0x3  }
0x595: {  	v35 =	vshll.u32 v35, v1  }
0x596: {  	v35 =	vbroadcast v35, $0x0  }
0x597: {  	[tilespmem:v62+s23+$0x0] =	vst.idx.msk $0xffff, v33  }
0x598: {  	v36 =	vadd.s32 v9, v35;
	v33 =	vld [tilespmem:s0+$0xFFFFFF80];
	_ =	sdelay $0x4  }
0x599: {  	[tilespmem:v36+s23+$0x0] =	vst.idx.msk $0xffff, v33  }
0x59a: {  	v37 =	vadd.s32 v10, v35;
	v33 =	vld [tilespmem:s0+$0xFFFFFF90];
	_ =	sdelay $0x4  }
0x59b: {  	[tilespmem:v37+s23+$0x0] =	vst.idx.msk $0xffff, v33  }
0x59c: {  	v38 =	vadd.s32 v11, v35;
	v33 =	vld [tilespmem:s0+$0xFFFFFFA0];
	_ =	sdelay $0x4  }
0x59d: {  	[tilespmem:v38+s23+$0x0] =	vst.idx.msk $0xffff, v33  }
0x59e: {  	s8 =	simm.s32 $0x3;
	v39 =	vadd.s32 v12, v35;
	v33 =	vld [tilespmem:s0+$0xFFFFFFB0]  }
0x59f: {  	v40 =	vmov s8  }
0x5a0: {  	v35 =	vshrl.u32 v40, $0x3  }
0x5a1: {  	v35 =	vshll.u32 v35, v1  }
0x5a2: {  	v35 =	vbroadcast v35, $0x0  }
0x5a3: {  	[tilespmem:v39+s23+$0x0] =	vst.idx.msk $0xffff, v33  }
0x5a4: {  	v41 =	vadd.s32 v13, v35;
	v33 =	vld [tilespmem:s0+$0xFFFFFFC0];
	_ =	sdelay $0x4  }
0x5a5: {  	[tilespmem:v41+s23+$0x0] =	vst.idx.msk $0xffff, v33  }
0x5a6: {  	v42 =	vadd.s32 v14, v35;
	v33 =	vld [tilespmem:s0+$0xFFFFFFD0];
	_ =	sdelay $0x4  }
0x5a7: {  	[tilespmem:v42+s23+$0x0] =	vst.idx.msk $0xffff, v33  }
0x5a8: {  	v43 =	vadd.s32 v15, v35;
	v33 =	vld [tilespmem:s0+$0xFFFFFFE0];
	_ =	sdelay $0x4  }
0x5a9: {  	[tilespmem:v43+s23+$0x0] =	vst.idx.msk $0xffff, v33  }
0x5aa: {  	s9 =	simm.s32 $0x4;
	v44 =	vadd.s32 v16, v35;
	v33 =	vld [tilespmem:s0+$0xFFFFFFF0]  }
0x5ab: {  	v45 =	vmov s9  }
0x5ac: {  	v35 =	vshrl.u32 v45, $0x3  }
0x5ad: {  	v35 =	vshll.u32 v35, v1  }
0x5ae: {  	v35 =	vbroadcast v35, $0x0  }
0x5af: {  	[tilespmem:v44+s23+$0x0] =	vst.idx.msk $0xffff, v33  }
0x5b0: {  	v46 =	vadd.s32 v17, v35;
	v33 =	vld [tilespmem:s0+$0x0];
	_ =	sdelay $0x4  }
0x5b1: {  	[tilespmem:v46+s23+$0x0] =	vst.idx.msk $0xffff, v33  }
0x5b2: {  	v47 =	vadd.s32 v18, v35;
	v33 =	vld [tilespmem:s0+$0x10];
	_ =	sdelay $0x4  }
0x5b3: {  	[tilespmem:v47+s23+$0x0] =	vst.idx.msk $0xffff, v33  }
0x5b4: {  	v48 =	vadd.s32 v19, v35;
	v33 =	vld [tilespmem:s0+$0x20];
	_ =	sdelay $0x4  }
0x5b5: {  	[tilespmem:v48+s23+$0x0] =	vst.idx.msk $0xffff, v33  }
0x5b6: {  	s10 =	simm.s32 $0x5;
	v49 =	vadd.s32 v20, v35;
	v33 =	vld [tilespmem:s0+$0x30]  }
0x5b7: {  	v50 =	vmov s10  }
0x5b8: {  	v35 =	vshrl.u32 v50, $0x3  }
0x5b9: {  	v35 =	vshll.u32 v35, v1  }
0x5ba: {  	v35 =	vbroadcast v35, $0x0  }
0x5bb: {  	[tilespmem:v49+s23+$0x0] =	vst.idx.msk $0xffff, v33  }
0x5bc: {  	v51 =	vadd.s32 v21, v35;
	v33 =	vld [tilespmem:s0+$0x40];
	_ =	sdelay $0x4  }
0x5bd: {  	[tilespmem:v51+s23+$0x0] =	vst.idx.msk $0xffff, v33  }
0x5be: {  	v52 =	vadd.s32 v22, v35;
	v33 =	vld [tilespmem:s0+$0x50];
	_ =	sdelay $0x4  }
0x5bf: {  	[tilespmem:v52+s23+$0x0] =	vst.idx.msk $0xffff, v33  }
0x5c0: {  	v53 =	vadd.s32 v23, v35;
	v33 =	vld [tilespmem:s0+$0x60];
	_ =	sdelay $0x4  }
0x5c1: {  	[tilespmem:v53+s23+$0x0] =	vst.idx.msk $0xffff, v33  }
0x5c2: {  	s26 =	simm.s32 $0x6;
	v54 =	vadd.s32 v24, v35;
	v33 =	vld [tilespmem:s0+$0x70]  }
0x5c3: {  	v55 =	vmov s26  }
0x5c4: {  	v35 =	vshrl.u32 v55, $0x3  }
0x5c5: {  	v35 =	vshll.u32 v35, v1  }
0x5c6: {  	v35 =	vbroadcast v35, $0x0  }
0x5c7: {  	[tilespmem:v54+s23+$0x0] =	vst.idx.msk $0xffff, v33  }
0x5c8: {  	v56 =	vadd.s32 v25, v35;
	v33 =	vld [tilespmem:s0+$0x80];
	_ =	sdelay $0x4  }
0x5c9: {  	[tilespmem:v56+s23+$0x0] =	vst.idx.msk $0xffff, v33  }
0x5ca: {  	v57 =	vadd.s32 v26, v35;
	v33 =	vld [tilespmem:s0+$0x90];
	_ =	sdelay $0x4  }
0x5cb: {  	[tilespmem:v57+s23+$0x0] =	vst.idx.msk $0xffff, v33  }
0x5cc: {  	v58 =	vadd.s32 v27, v35;
	v33 =	vld [tilespmem:s0+$0xA0];
	_ =	sdelay $0x4  }
0x5cd: {  	[tilespmem:v58+s23+$0x0] =	vst.idx.msk $0xffff, v33  }
0x5ce: {  	s31 =	simm.s32 $0x7;
	v59 =	vadd.s32 v28, v35;
	v33 =	vld [tilespmem:s0+$0xB0]  }
0x5cf: {  	v60 =	vmov s31  }
0x5d0: {  	v35 =	vshrl.u32 v60, $0x3  }
0x5d1: {  	v35 =	vshll.u32 v35, v1  }
0x5d2: {  	v35 =	vbroadcast v35, $0x0  }
0x5d3: {  	[tilespmem:v59+s23+$0x0] =	vst.idx.msk $0xffff, v33  }
0x5d4: {  	v61 =	vadd.s32 v29, v35;
	v33 =	vld [tilespmem:s0+$0xC0];
	_ =	sdelay $0x4  }
0x5d5: {  	[tilespmem:v61+s23+$0x0] =	vst.idx.msk $0xffff, v33  }
0x5d6: {  	v62 =	vadd.s32 v30, v35;
	v33 =	vld [tilespmem:s0+$0xD0];
	_ =	sdelay $0x4  }
0x5d7: {  	[tilespmem:v62+s23+$0x0] =	vst.idx.msk $0xffff, v33  }
0x5d8: {  	v63 =	vadd.s32 v31, v35;
	v33 =	vld [tilespmem:s0+$0xE0];
	_ =	sdelay $0x4  }
0x5d9: {  	[tilespmem:v63+s23+$0x0] =	vst.idx.msk $0xffff, v33  }
0x5da: {  	s1 =	simm.s32 $0x8;
	v34 =	vadd.s32 v32, v35;
	v33 =	vld [tilespmem:s0+$0xF0]  }
0x5db: {  	s6 =	simm.s32 $0x10;
	v35 =	vmov s1  }
.LBB2_19:
0x5dc: {  	p1 =	slt.u32 s6, $0x78;
	v35 =	vshrl.u32 v35, $0x3  }
0x5dd: {  	v35 =	vshll.u32 v35, v1  }
0x5de: {  	v35 =	vbroadcast v35, $0x0  }
0x5df: {  	s0 =	sadd.s32 $0x200, s0;
	[tilespmem:v34+s23+$0x0] =	vst.idx.msk $0xffff, v33  }
0x5e0: {  	v33 =	vld [tilespmem:s0+$0xFFFFFF00];
	v34 =	vadd.s32 v0, v35;
	_ =	sdelay $0x4  }
0x5e1: {  	[tilespmem:v34+s23+$0x0] =	vst.idx.msk $0xffff, v33  }
0x5e2: {  	v34 =	vadd.s32 v2, v35;
	v33 =	vld [tilespmem:s0+$0xFFFFFF10];
	_ =	sdelay $0x4  }
0x5e3: {  	[tilespmem:v34+s23+$0x0] =	vst.idx.msk $0xffff, v33  }
0x5e4: {  	v34 =	vadd.s32 v3, v35;
	v33 =	vld [tilespmem:s0+$0xFFFFFF20];
	_ =	sdelay $0x4  }
0x5e5: {  	[tilespmem:v34+s23+$0x0] =	vst.idx.msk $0xffff, v33  }
0x5e6: {  	s7 =	sadd.s32 $0x1, s1;
	v34 =	vadd.s32 v4, v35;
	v33 =	vld [tilespmem:s0+$0xFFFFFF30]  }
0x5e7: {  	v35 =	vmov s7  }
0x5e8: {  	v35 =	vshrl.u32 v35, $0x3  }
0x5e9: {  	v35 =	vshll.u32 v35, v1  }
0x5ea: {  	v35 =	vbroadcast v35, $0x0  }
0x5eb: {  	[tilespmem:v34+s23+$0x0] =	vst.idx.msk $0xffff, v33  }
0x5ec: {  	v34 =	vadd.s32 v5, v35;
	v33 =	vld [tilespmem:s0+$0xFFFFFF40];
	_ =	sdelay $0x4  }
0x5ed: {  	[tilespmem:v34+s23+$0x0] =	vst.idx.msk $0xffff, v33  }
0x5ee: {  	v34 =	vadd.s32 v6, v35;
	v33 =	vld [tilespmem:s0+$0xFFFFFF50];
	_ =	sdelay $0x4  }
0x5ef: {  	[tilespmem:v34+s23+$0x0] =	vst.idx.msk $0xffff, v33  }
0x5f0: {  	v34 =	vadd.s32 v7, v35;
	v33 =	vld [tilespmem:s0+$0xFFFFFF60];
	_ =	sdelay $0x4  }
0x5f1: {  	[tilespmem:v34+s23+$0x0] =	vst.idx.msk $0xffff, v33  }
0x5f2: {  	s7 =	sadd.s32 $0x2, s1;
	v34 =	vadd.s32 v8, v35;
	v33 =	vld [tilespmem:s0+$0xFFFFFF70]  }
0x5f3: {  	v35 =	vmov s7  }
0x5f4: {  	v35 =	vshrl.u32 v35, $0x3  }
0x5f5: {  	v35 =	vshll.u32 v35, v1  }
0x5f6: {  	v35 =	vbroadcast v35, $0x0  }
0x5f7: {  	[tilespmem:v34+s23+$0x0] =	vst.idx.msk $0xffff, v33  }
0x5f8: {  	v34 =	vadd.s32 v9, v35;
	v33 =	vld [tilespmem:s0+$0xFFFFFF80];
	_ =	sdelay $0x4  }
0x5f9: {  	[tilespmem:v34+s23+$0x0] =	vst.idx.msk $0xffff, v33  }
0x5fa: {  	v34 =	vadd.s32 v10, v35;
	v33 =	vld [tilespmem:s0+$0xFFFFFF90];
	_ =	sdelay $0x4  }
0x5fb: {  	[tilespmem:v34+s23+$0x0] =	vst.idx.msk $0xffff, v33  }
0x5fc: {  	v34 =	vadd.s32 v11, v35;
	v33 =	vld [tilespmem:s0+$0xFFFFFFA0];
	_ =	sdelay $0x4  }
0x5fd: {  	[tilespmem:v34+s23+$0x0] =	vst.idx.msk $0xffff, v33  }
0x5fe: {  	s7 =	sadd.s32 $0x3, s1;
	v34 =	vadd.s32 v12, v35;
	v33 =	vld [tilespmem:s0+$0xFFFFFFB0]  }
0x5ff: {  	v35 =	vmov s7  }
0x600: {  	v35 =	vshrl.u32 v35, $0x3  }
0x601: {  	v35 =	vshll.u32 v35, v1  }
0x602: {  	v35 =	vbroadcast v35, $0x0  }
0x603: {  	[tilespmem:v34+s23+$0x0] =	vst.idx.msk $0xffff, v33  }
0x604: {  	v34 =	vadd.s32 v13, v35;
	v33 =	vld [tilespmem:s0+$0xFFFFFFC0];
	_ =	sdelay $0x4  }
0x605: {  	[tilespmem:v34+s23+$0x0] =	vst.idx.msk $0xffff, v33  }
0x606: {  	v34 =	vadd.s32 v14, v35;
	v33 =	vld [tilespmem:s0+$0xFFFFFFD0];
	_ =	sdelay $0x4  }
0x607: {  	[tilespmem:v34+s23+$0x0] =	vst.idx.msk $0xffff, v33  }
0x608: {  	v34 =	vadd.s32 v15, v35;
	v33 =	vld [tilespmem:s0+$0xFFFFFFE0];
	_ =	sdelay $0x4  }
0x609: {  	[tilespmem:v34+s23+$0x0] =	vst.idx.msk $0xffff, v33  }
0x60a: {  	s7 =	sadd.s32 $0x4, s1;
	v34 =	vadd.s32 v16, v35;
	v33 =	vld [tilespmem:s0+$0xFFFFFFF0]  }
0x60b: {  	v35 =	vmov s7  }
0x60c: {  	v35 =	vshrl.u32 v35, $0x3  }
0x60d: {  	v35 =	vshll.u32 v35, v1  }
0x60e: {  	v35 =	vbroadcast v35, $0x0  }
0x60f: {  	[tilespmem:v34+s23+$0x0] =	vst.idx.msk $0xffff, v33  }
0x610: {  	v34 =	vadd.s32 v17, v35;
	v33 =	vld [tilespmem:s0+$0x0];
	_ =	sdelay $0x4  }
0x611: {  	[tilespmem:v34+s23+$0x0] =	vst.idx.msk $0xffff, v33  }
0x612: {  	v34 =	vadd.s32 v18, v35;
	v33 =	vld [tilespmem:s0+$0x10];
	_ =	sdelay $0x4  }
0x613: {  	[tilespmem:v34+s23+$0x0] =	vst.idx.msk $0xffff, v33  }
0x614: {  	v34 =	vadd.s32 v19, v35;
	v33 =	vld [tilespmem:s0+$0x20];
	_ =	sdelay $0x4  }
0x615: {  	[tilespmem:v34+s23+$0x0] =	vst.idx.msk $0xffff, v33  }
0x616: {  	s7 =	sadd.s32 $0x5, s1;
	v34 =	vadd.s32 v20, v35;
	v33 =	vld [tilespmem:s0+$0x30]  }
0x617: {  	v35 =	vmov s7  }
0x618: {  	v35 =	vshrl.u32 v35, $0x3  }
0x619: {  	v35 =	vshll.u32 v35, v1  }
0x61a: {  	v35 =	vbroadcast v35, $0x0  }
0x61b: {  	[tilespmem:v34+s23+$0x0] =	vst.idx.msk $0xffff, v33  }
0x61c: {  	v34 =	vadd.s32 v21, v35;
	v33 =	vld [tilespmem:s0+$0x40];
	_ =	sdelay $0x4  }
0x61d: {  	[tilespmem:v34+s23+$0x0] =	vst.idx.msk $0xffff, v33  }
0x61e: {  	v34 =	vadd.s32 v22, v35;
	v33 =	vld [tilespmem:s0+$0x50];
	_ =	sdelay $0x4  }
0x61f: {  	[tilespmem:v34+s23+$0x0] =	vst.idx.msk $0xffff, v33  }
0x620: {  	v34 =	vadd.s32 v23, v35;
	v33 =	vld [tilespmem:s0+$0x60];
	_ =	sdelay $0x4  }
0x621: {  	[tilespmem:v34+s23+$0x0] =	vst.idx.msk $0xffff, v33  }
0x622: {  	s7 =	sadd.s32 $0x6, s1;
	v34 =	vadd.s32 v24, v35;
	v33 =	vld [tilespmem:s0+$0x70]  }
0x623: {  	v35 =	vmov s7  }
0x624: {  	v35 =	vshrl.u32 v35, $0x3  }
0x625: {  	v35 =	vshll.u32 v35, v1  }
0x626: {  	v35 =	vbroadcast v35, $0x0  }
0x627: {  	[tilespmem:v34+s23+$0x0] =	vst.idx.msk $0xffff, v33  }
0x628: {  	v34 =	vadd.s32 v25, v35;
	v33 =	vld [tilespmem:s0+$0x80];
	_ =	sdelay $0x4  }
0x629: {  	[tilespmem:v34+s23+$0x0] =	vst.idx.msk $0xffff, v33  }
0x62a: {  	v34 =	vadd.s32 v26, v35;
	v33 =	vld [tilespmem:s0+$0x90];
	_ =	sdelay $0x4  }
0x62b: {  	[tilespmem:v34+s23+$0x0] =	vst.idx.msk $0xffff, v33  }
0x62c: {  	v34 =	vadd.s32 v27, v35;
	v33 =	vld [tilespmem:s0+$0xA0];
	_ =	sdelay $0x4  }
0x62d: {  	[tilespmem:v34+s23+$0x0] =	vst.idx.msk $0xffff, v33  }
0x62e: {  	s7 =	sadd.s32 $0x7, s1;
	s1 =	smov.u32 s6;
	v34 =	vadd.s32 v28, v35;
	v33 =	vld [tilespmem:s0+$0xB0]  }
0x62f: {  	v35 =	vmov s7  }
0x630: {  	v35 =	vshrl.u32 v35, $0x3  }
0x631: {  	v35 =	vshll.u32 v35, v1  }
0x632: {  	v35 =	vbroadcast v35, $0x0  }
0x633: {  	[tilespmem:v34+s23+$0x0] =	vst.idx.msk $0xffff, v33  }
0x634: {  	v34 =	vadd.s32 v29, v35;
	v33 =	vld [tilespmem:s0+$0xC0];
	_ =	sdelay $0x4  }
0x635: {  	[tilespmem:v34+s23+$0x0] =	vst.idx.msk $0xffff, v33  }
0x636: {  	v34 =	vadd.s32 v30, v35;
	v33 =	vld [tilespmem:s0+$0xD0];
	_ =	sdelay $0x4  }
0x637: {  	[tilespmem:v34+s23+$0x0] =	vst.idx.msk $0xffff, v33  }
0x638: {  	v34 =	vadd.s32 v31, v35;
	v33 =	vld [tilespmem:s0+$0xE0];
	_ =	sdelay $0x2  }
.Ltmp8:
0x639: {  	(pc) =	sbr.rel @p1 .LBB2_19-.Ltmp8, $4  }
0x63a: {  	_ = 	snop  }
0x63b: {  	[tilespmem:v34+s23+$0x0] =	vst.idx.msk $0xffff, v33  }
0x63c: {  	v34 =	vadd.s32 v32, v35;
	v33 =	vld [tilespmem:s0+$0xF0]  }
0x63d: {  	s6 =	sadd.s32 $0x8, s6;
	v35 =	vmov s1  }
0x63e: {  	_ = 	snop  }
0x63f: {  	v35 =	vshrl.u32 v35, $0x3  }
0x640: {  	v35 =	vshll.u32 v35, v1  }
0x641: {  	v35 =	vbroadcast v35, $0x0  }
0x642: {  	s0 =	sadd.s32 $0x200, s0;
	[tilespmem:v34+s23+$0x0] =	vst.idx.msk $0xffff, v33  }
0x643: {  	v33 =	vld [tilespmem:s0+$0xFFFFFF00];
	v53 =	vadd.s32 v0, v35;
	_ =	sdelay $0x4  }
0x644: {  	[tilespmem:v53+s23+$0x0] =	vst.idx.msk $0xffff, v33  }
0x645: {  	v54 =	vadd.s32 v2, v35;
	v33 =	vld [tilespmem:s0+$0xFFFFFF10];
	_ =	sdelay $0x4  }
0x646: {  	[tilespmem:v54+s23+$0x0] =	vst.idx.msk $0xffff, v33  }
0x647: {  	v55 =	vadd.s32 v3, v35;
	v33 =	vld [tilespmem:s0+$0xFFFFFF20];
	_ =	sdelay $0x4  }
0x648: {  	[tilespmem:v55+s23+$0x0] =	vst.idx.msk $0xffff, v33  }
0x649: {  	s6 =	sadd.s32 $0x1, s1;
	v56 =	vadd.s32 v4, v35;
	v33 =	vld [tilespmem:s0+$0xFFFFFF30]  }
0x64a: {  	v57 =	vmov s6  }
0x64b: {  	v35 =	vshrl.u32 v57, $0x3  }
0x64c: {  	v35 =	vshll.u32 v35, v1  }
0x64d: {  	v35 =	vbroadcast v35, $0x0  }
0x64e: {  	[tilespmem:v56+s23+$0x0] =	vst.idx.msk $0xffff, v33  }
0x64f: {  	v58 =	vadd.s32 v5, v35;
	v33 =	vld [tilespmem:s0+$0xFFFFFF40];
	_ =	sdelay $0x4  }
0x650: {  	[tilespmem:v58+s23+$0x0] =	vst.idx.msk $0xffff, v33  }
0x651: {  	v59 =	vadd.s32 v6, v35;
	v33 =	vld [tilespmem:s0+$0xFFFFFF50];
	_ =	sdelay $0x4  }
0x652: {  	[tilespmem:v59+s23+$0x0] =	vst.idx.msk $0xffff, v33  }
0x653: {  	v60 =	vadd.s32 v7, v35;
	v33 =	vld [tilespmem:s0+$0xFFFFFF60];
	_ =	sdelay $0x4  }
0x654: {  	[tilespmem:v60+s23+$0x0] =	vst.idx.msk $0xffff, v33  }
0x655: {  	s8 =	sadd.s32 $0x2, s1;
	v61 =	vadd.s32 v8, v35;
	v33 =	vld [tilespmem:s0+$0xFFFFFF70]  }
0x656: {  	v62 =	vmov s8  }
0x657: {  	v35 =	vshrl.u32 v62, $0x3  }
0x658: {  	v35 =	vshll.u32 v35, v1  }
0x659: {  	v35 =	vbroadcast v35, $0x0  }
0x65a: {  	[tilespmem:v61+s23+$0x0] =	vst.idx.msk $0xffff, v33  }
0x65b: {  	v63 =	vadd.s32 v9, v35;
	v33 =	vld [tilespmem:s0+$0xFFFFFF80];
	_ =	sdelay $0x4  }
0x65c: {  	[tilespmem:v63+s23+$0x0] =	vst.idx.msk $0xffff, v33  }
0x65d: {  	v36 =	vadd.s32 v10, v35;
	v33 =	vld [tilespmem:s0+$0xFFFFFF90];
	_ =	sdelay $0x4  }
0x65e: {  	[tilespmem:v36+s23+$0x0] =	vst.idx.msk $0xffff, v33  }
0x65f: {  	v37 =	vadd.s32 v11, v35;
	v33 =	vld [tilespmem:s0+$0xFFFFFFA0];
	_ =	sdelay $0x4  }
0x660: {  	[tilespmem:v37+s23+$0x0] =	vst.idx.msk $0xffff, v33  }
0x661: {  	s9 =	sadd.s32 $0x3, s1;
	v38 =	vadd.s32 v12, v35;
	v33 =	vld [tilespmem:s0+$0xFFFFFFB0]  }
0x662: {  	v39 =	vmov s9  }
0x663: {  	v35 =	vshrl.u32 v39, $0x3  }
0x664: {  	v35 =	vshll.u32 v35, v1  }
0x665: {  	v35 =	vbroadcast v35, $0x0  }
0x666: {  	[tilespmem:v38+s23+$0x0] =	vst.idx.msk $0xffff, v33  }
0x667: {  	v40 =	vadd.s32 v13, v35;
	v33 =	vld [tilespmem:s0+$0xFFFFFFC0];
	_ =	sdelay $0x4  }
0x668: {  	[tilespmem:v40+s23+$0x0] =	vst.idx.msk $0xffff, v33  }
0x669: {  	v41 =	vadd.s32 v14, v35;
	v33 =	vld [tilespmem:s0+$0xFFFFFFD0];
	_ =	sdelay $0x4  }
0x66a: {  	[tilespmem:v41+s23+$0x0] =	vst.idx.msk $0xffff, v33  }
0x66b: {  	v42 =	vadd.s32 v15, v35;
	v33 =	vld [tilespmem:s0+$0xFFFFFFE0];
	_ =	sdelay $0x4  }
0x66c: {  	[tilespmem:v42+s23+$0x0] =	vst.idx.msk $0xffff, v33  }
0x66d: {  	s10 =	sadd.s32 $0x4, s1;
	v43 =	vadd.s32 v16, v35;
	v33 =	vld [tilespmem:s0+$0xFFFFFFF0]  }
0x66e: {  	v44 =	vmov s10  }
0x66f: {  	v35 =	vshrl.u32 v44, $0x3  }
0x670: {  	v35 =	vshll.u32 v35, v1  }
0x671: {  	v35 =	vbroadcast v35, $0x0  }
0x672: {  	[tilespmem:v43+s23+$0x0] =	vst.idx.msk $0xffff, v33  }
0x673: {  	v45 =	vadd.s32 v17, v35;
	v33 =	vld [tilespmem:s0+$0x0];
	_ =	sdelay $0x4  }
0x674: {  	[tilespmem:v45+s23+$0x0] =	vst.idx.msk $0xffff, v33  }
0x675: {  	v46 =	vadd.s32 v18, v35;
	v33 =	vld [tilespmem:s0+$0x10];
	_ =	sdelay $0x4  }
0x676: {  	[tilespmem:v46+s23+$0x0] =	vst.idx.msk $0xffff, v33  }
0x677: {  	v47 =	vadd.s32 v19, v35;
	v33 =	vld [tilespmem:s0+$0x20];
	_ =	sdelay $0x4  }
0x678: {  	[tilespmem:v47+s23+$0x0] =	vst.idx.msk $0xffff, v33  }
0x679: {  	s26 =	sadd.s32 $0x5, s1;
	v48 =	vadd.s32 v20, v35;
	v33 =	vld [tilespmem:s0+$0x30]  }
0x67a: {  	v49 =	vmov s26  }
0x67b: {  	v35 =	vshrl.u32 v49, $0x3  }
0x67c: {  	v35 =	vshll.u32 v35, v1  }
0x67d: {  	v35 =	vbroadcast v35, $0x0  }
0x67e: {  	[tilespmem:v48+s23+$0x0] =	vst.idx.msk $0xffff, v33  }
0x67f: {  	v50 =	vadd.s32 v21, v35;
	v33 =	vld [tilespmem:s0+$0x40];
	_ =	sdelay $0x4  }
0x680: {  	[tilespmem:v50+s23+$0x0] =	vst.idx.msk $0xffff, v33  }
0x681: {  	v51 =	vadd.s32 v22, v35;
	v33 =	vld [tilespmem:s0+$0x50];
	_ =	sdelay $0x4  }
0x682: {  	[tilespmem:v51+s23+$0x0] =	vst.idx.msk $0xffff, v33  }
0x683: {  	v52 =	vadd.s32 v23, v35;
	v33 =	vld [tilespmem:s0+$0x60];
	_ =	sdelay $0x4  }
0x684: {  	[tilespmem:v52+s23+$0x0] =	vst.idx.msk $0xffff, v33  }
0x685: {  	s31 =	sadd.s32 $0x6, s1;
	v53 =	vadd.s32 v24, v35;
	v33 =	vld [tilespmem:s0+$0x70]  }
0x686: {  	v54 =	vmov s31  }
0x687: {  	v35 =	vshrl.u32 v54, $0x3  }
0x688: {  	v35 =	vshll.u32 v35, v1  }
0x689: {  	v35 =	vbroadcast v35, $0x0  }
0x68a: {  	[tilespmem:v53+s23+$0x0] =	vst.idx.msk $0xffff, v33  }
0x68b: {  	v55 =	vadd.s32 v25, v35;
	v33 =	vld [tilespmem:s0+$0x80];
	_ =	sdelay $0x4  }
0x68c: {  	[tilespmem:v55+s23+$0x0] =	vst.idx.msk $0xffff, v33  }
0x68d: {  	v56 =	vadd.s32 v26, v35;
	v33 =	vld [tilespmem:s0+$0x90];
	_ =	sdelay $0x4  }
0x68e: {  	[tilespmem:v56+s23+$0x0] =	vst.idx.msk $0xffff, v33  }
0x68f: {  	v57 =	vadd.s32 v27, v35;
	v33 =	vld [tilespmem:s0+$0xA0];
	_ =	sdelay $0x4  }
0x690: {  	[tilespmem:v57+s23+$0x0] =	vst.idx.msk $0xffff, v33  }
0x691: {  	s7 =	sadd.s32 $0x7, s1;
	v58 =	vadd.s32 v28, v35;
	v33 =	vld [tilespmem:s0+$0xB0]  }
0x692: {  	v59 =	vmov s7  }
0x693: {  	v35 =	vshrl.u32 v59, $0x3  }
0x694: {  	v35 =	vshll.u32 v35, v1  }
0x695: {  	v35 =	vbroadcast v35, $0x0  }
0x696: {  	[tilespmem:v58+s23+$0x0] =	vst.idx.msk $0xffff, v33  }
0x697: {  	v60 =	vadd.s32 v29, v35;
	v33 =	vld [tilespmem:s0+$0xC0];
	_ =	sdelay $0x4  }
0x698: {  	[tilespmem:v60+s23+$0x0] =	vst.idx.msk $0xffff, v33  }
0x699: {  	v61 =	vadd.s32 v30, v35;
	v33 =	vld [tilespmem:s0+$0xD0];
	_ =	sdelay $0x4  }
0x69a: {  	[tilespmem:v61+s23+$0x0] =	vst.idx.msk $0xffff, v33  }
0x69b: {  	v62 =	vadd.s32 v31, v35;
	v33 =	vld [tilespmem:s0+$0xE0];
	_ =	sdelay $0x4  }
0x69c: {  	[tilespmem:v62+s23+$0x0] =	vst.idx.msk $0xffff, v33  }
0x69d: {  	v63 =	vadd.s32 v32, v35;
	v33 =	vld [tilespmem:s0+$0xF0];
	_ =	sdelay $0x4  }
0x69e: {  	s8 =	sshll.u32 s30, $0x12;
	s0 =	simm.s32 @!p0 $0x2;
	[tilespmem:v63+s23+$0x0] =	vst.idx.msk $0xffff, v33  }
0x69f: {  	s1 =	sor.u32 s4, s8;
	_ =	swait.ge @!p0 [sflag:s0], $0x2000  }
0x6a0: {  	s1 =	sshrl.u32 s1, $0x3;
	[sflag:s0] =	ssyncset.done @!p0 $0x0  }
0x6a1: {  	s9 =	simm.s32 $0x1AC00;
	s1 =	sadd.s32 s2, s1;
	[sflag:s0] =	ssyncadd.s32 @!p0 $0xFFFFE000  }
0x6a2: {  	[hbm4b:s1+s3] =	stream.linear.scatter [tilespmem:s9], [sflag:$0x2], $0x80, $0x38;
	[tilespmem:$0x1F000] =	vst v63  }
0x6a3: {  	s10 =	simm.s32 $0x1AC88;
	s26 =	sadd.s32 $0x10, s1  }
0x6a4: {  	[hbm4b:s26+s3] =	stream.linear.scatter [tilespmem:s10], [sflag:$0x2], $0x80, $0x38;
	[tilespmem:$0x1F000] =	vst v63  }
0x6a5: {  	s30 =	simm.s32 $0x1AD10;
	s6 =	simm.s32 $0x1AD98;
	s31 =	sadd.s32 $0x20, s1  }
0x6a6: {  	[hbm4b:s31+s3] =	stream.linear.scatter [tilespmem:s30], [sflag:$0x2], $0x80, $0x38;
	[tilespmem:$0x1F000] =	vst v63  }
0x6a7: {  	s8 =	simm.s32 $0x1AE20;
	s7 =	sadd.s32 $0x30, s1;
	s0 =	simm.s32 $0x440  }
0x6a8: {  	[hbm4b:s7+s3] =	stream.linear.scatter [tilespmem:s6], [sflag:$0x2], $0x80, $0x38;
	[tilespmem:$0x1F000] =	vst v63  }
0x6a9: {  	s9 =	sadd.s32 $0x40, s1;
	s10 =	simm.s32 $0x1AEA8;
	s26 =	sadd.s32 $0x50, s1  }
0x6aa: {  	[hbm4b:s9+s3] =	stream.linear.scatter [tilespmem:s8], [sflag:$0x2], $0x80, $0x38;
	[tilespmem:$0x1F000] =	vst v63  }
0x6ab: {  	s30 =	simm.s32 $0x1AF30;
	s31 =	sadd.s32 $0x60, s1;
	s6 =	simm.s32 $0x2200  }
0x6ac: {  	[hbm4b:s26+s3] =	stream.linear.scatter [tilespmem:s10], [sflag:$0x2], $0x80, $0x38;
	[tilespmem:$0x1F000] =	vst v63  }
0x6ad: {  	s7 =	simm.s32 $0x1AFB8;
	s8 =	sadd.s32 $0x70, s1;
	s1 =	sadd.s32 $0x1000, s1  }
0x6ae: {  	[hbm4b:s31+s3] =	stream.linear.scatter [tilespmem:s30], [sflag:$0x2], $0x80, $0x38;
	[tilespmem:$0x1F000] =	vst v63  }
.LBB2_21:
0x6af: {  	[hbm4b:s8+s3] =	stream.linear.scatter [tilespmem:s7], [sflag:$0x2], $0x80, $0x38;
	[tilespmem:$0x1F000] =	vst v63  }
0x6b0: {  	s7 =	smov.u32 s0;
	s0 =	smov.u32 s6  }
0x6b1: {  	s9 =	sadd.s32 $0x1100, s6;
	s0 =	sshra.s32 s0, $0x2;
	s8 =	sadd.s32 $0x1AC00, s7  }
0x6b2: {  	[hbm4b:s1+s3] =	stream.linear.scatter [tilespmem:s8], [sflag:$0x2], $0x80, $0x38;
	[tilespmem:$0x1F000] =	vst v63  }
0x6b3: {  	p1 =	sne.s32 s6, $0x7700;
	s6 =	sadd.s32 $0x1AC88, s7;
	s8 =	sadd.s32 $0x10, s1  }
0x6b4: {  	[hbm4b:s8+s3] =	stream.linear.scatter [tilespmem:s6], [sflag:$0x2], $0x80, $0x38;
	[tilespmem:$0x1F000] =	vst v63  }
0x6b5: {  	s6 =	sadd.s32 $0x1AD10, s7;
	s8 =	sadd.s32 $0x20, s1  }
0x6b6: {  	[hbm4b:s8+s3] =	stream.linear.scatter [tilespmem:s6], [sflag:$0x2], $0x80, $0x38;
	[tilespmem:$0x1F000] =	vst v63  }
0x6b7: {  	s6 =	sadd.s32 $0x1AD98, s7;
	s8 =	sadd.s32 $0x30, s1  }
0x6b8: {  	[hbm4b:s8+s3] =	stream.linear.scatter [tilespmem:s6], [sflag:$0x2], $0x80, $0x38;
	[tilespmem:$0x1F000] =	vst v63  }
0x6b9: {  	s6 =	sadd.s32 $0x1AE20, s7;
	s8 =	sadd.s32 $0x40, s1  }
0x6ba: {  	[hbm4b:s8+s3] =	stream.linear.scatter [tilespmem:s6], [sflag:$0x2], $0x80, $0x38;
	[tilespmem:$0x1F000] =	vst v63  }
.Ltmp9:
0x6bb: {  	s6 =	sadd.s32 $0x1AEA8, s7;
	s8 =	sadd.s32 $0x50, s1;
	(pc) =	sbr.rel @p1 .LBB2_21-.Ltmp9, $4  }
0x6bc: {  	[hbm4b:s8+s3] =	stream.linear.scatter [tilespmem:s6], [sflag:$0x2], $0x80, $0x38;
	[tilespmem:$0x1F000] =	vst v63  }
0x6bd: {  	s6 =	sadd.s32 $0x1AF30, s7;
	s8 =	sadd.s32 $0x60, s1;
	s7 =	sadd.s32 $0x1AFB8, s7  }
0x6be: {  	[hbm4b:s8+s3] =	stream.linear.scatter [tilespmem:s6], [sflag:$0x2], $0x80, $0x38;
	[tilespmem:$0x1F000] =	vst v63  }
0x6bf: {  	s8 =	sadd.s32 $0x70, s1;
	s1 =	sadd.s32 $0x1000, s1;
	s6 =	smov.u32 s9  }
0x6c0: {  	[hbm4b:s8+s3] =	stream.linear.scatter [tilespmem:s7], [sflag:$0x2], $0x80, $0x38;
	[tilespmem:$0x1F000] =	vst v63  }
0x6c1: {  	s6 =	sadd.s32 $0x1AC00, s0  }
0x6c2: {  	[hbm4b:s1+s3] =	stream.linear.scatter [tilespmem:s6], [sflag:$0x2], $0x80, $0x38;
	[tilespmem:$0x1F000] =	vst v63  }
0x6c3: {  	s30 =	sadd.s32 $0x1AC88, s0;
	s31 =	sadd.s32 $0x10, s1  }
0x6c4: {  	[hbm4b:s31+s3] =	stream.linear.scatter [tilespmem:s30], [sflag:$0x2], $0x80, $0x38;
	[tilespmem:$0x1F000] =	vst v63  }
0x6c5: {  	s8 =	sadd.s32 $0x1AD10, s0;
	s9 =	sadd.s32 $0x20, s1  }
0x6c6: {  	[hbm4b:s9+s3] =	stream.linear.scatter [tilespmem:s8], [sflag:$0x2], $0x80, $0x38;
	[tilespmem:$0x1F000] =	vst v63  }
0x6c7: {  	s10 =	sadd.s32 $0x1AD98, s0;
	s26 =	sadd.s32 $0x30, s1  }
0x6c8: {  	[hbm4b:s26+s3] =	stream.linear.scatter [tilespmem:s10], [sflag:$0x2], $0x80, $0x38;
	[tilespmem:$0x1F000] =	vst v63  }
0x6c9: {  	s30 =	sadd.s32 $0x1AE20, s0;
	s31 =	sadd.s32 $0x40, s1  }
0x6ca: {  	[hbm4b:s31+s3] =	stream.linear.scatter [tilespmem:s30], [sflag:$0x2], $0x80, $0x38;
	[tilespmem:$0x1F000] =	vst v63  }
0x6cb: {  	s7 =	sadd.s32 $0x1AEA8, s0;
	s8 =	sadd.s32 $0x50, s1  }
0x6cc: {  	[hbm4b:s8+s3] =	stream.linear.scatter [tilespmem:s7], [sflag:$0x2], $0x80, $0x38;
	[tilespmem:$0x1F000] =	vst v63  }
0x6cd: {  	s9 =	sadd.s32 $0x1AF30, s0;
	s10 =	sadd.s32 $0x60, s1;
	s26 =	simm.s32 $0x0  }
0x6ce: {  	[hbm4b:s10+s3] =	stream.linear.scatter [tilespmem:s9], [sflag:$0x2], $0x80, $0x38;
	[tilespmem:$0x1F000] =	vst v63  }
0x6cf: {  	v33 =	vmov s26;
	s30 =	sadd.s32 $0x1AFB8, s0;
	s31 =	sadd.s32 $0x70, s1  }
0x6d0: {  	v33 =	vshrl.u32 v33, $0x3;
	[hbm4b:s31+s3] =	stream.linear.scatter [tilespmem:s30], [sflag:$0x2], $0x80, $0x38;
	[tilespmem:$0x1F000] =	vst v63  }
0x6d1: {  	v33 =	vshll.u32 v33, v1;
	_ =	swait.ge [sflag:s18], $0x2000  }
0x6d2: {  	v33 =	vbroadcast v33, $0x0;
	[sflag:s18] =	ssyncset.done $0x0  }
0x6d3: {  	s0 =	simm.s32 $0x10500;
	[sflag:s18] =	ssyncadd.s32 $0xFFFFE000  }
0x6d4: {  	v35 =	vadd.s32 v0, v33;
	v34 =	vld [tilespmem:s0+$0xFFFFFF00];
	_ =	sdelay $0x4  }
0x6d5: {  	[tilespmem:v35+s24+$0x0] =	vst.idx.msk $0xffff, v34  }
0x6d6: {  	v56 =	vadd.s32 v2, v33;
	v34 =	vld [tilespmem:s0+$0xFFFFFF10];
	_ =	sdelay $0x4  }
0x6d7: {  	[tilespmem:v56+s24+$0x0] =	vst.idx.msk $0xffff, v34  }
0x6d8: {  	v57 =	vadd.s32 v3, v33;
	v34 =	vld [tilespmem:s0+$0xFFFFFF20];
	_ =	sdelay $0x4  }
0x6d9: {  	[tilespmem:v57+s24+$0x0] =	vst.idx.msk $0xffff, v34  }
0x6da: {  	s7 =	simm.s32 $0x1;
	v33 =	vadd.s32 v4, v33;
	v34 =	vld [tilespmem:s0+$0xFFFFFF30]  }
0x6db: {  	v58 =	vmov s7  }
0x6dc: {  	v35 =	vshrl.u32 v58, $0x3  }
0x6dd: {  	v35 =	vshll.u32 v35, v1  }
0x6de: {  	v35 =	vbroadcast v35, $0x0  }
0x6df: {  	[tilespmem:v33+s24+$0x0] =	vst.idx.msk $0xffff, v34  }
0x6e0: {  	v59 =	vadd.s32 v5, v35;
	v33 =	vld [tilespmem:s0+$0xFFFFFF40];
	_ =	sdelay $0x4  }
0x6e1: {  	[tilespmem:v59+s24+$0x0] =	vst.idx.msk $0xffff, v33  }
0x6e2: {  	v60 =	vadd.s32 v6, v35;
	v33 =	vld [tilespmem:s0+$0xFFFFFF50];
	_ =	sdelay $0x4  }
0x6e3: {  	[tilespmem:v60+s24+$0x0] =	vst.idx.msk $0xffff, v33  }
0x6e4: {  	v61 =	vadd.s32 v7, v35;
	v33 =	vld [tilespmem:s0+$0xFFFFFF60];
	_ =	sdelay $0x4  }
0x6e5: {  	[tilespmem:v61+s24+$0x0] =	vst.idx.msk $0xffff, v33  }
0x6e6: {  	s8 =	simm.s32 $0x2;
	v62 =	vadd.s32 v8, v35;
	v33 =	vld [tilespmem:s0+$0xFFFFFF70]  }
0x6e7: {  	v63 =	vmov s8  }
0x6e8: {  	v35 =	vshrl.u32 v63, $0x3  }
0x6e9: {  	v35 =	vshll.u32 v35, v1  }
0x6ea: {  	v35 =	vbroadcast v35, $0x0  }
0x6eb: {  	[tilespmem:v62+s24+$0x0] =	vst.idx.msk $0xffff, v33  }
0x6ec: {  	v36 =	vadd.s32 v9, v35;
	v33 =	vld [tilespmem:s0+$0xFFFFFF80];
	_ =	sdelay $0x4  }
0x6ed: {  	[tilespmem:v36+s24+$0x0] =	vst.idx.msk $0xffff, v33  }
0x6ee: {  	v37 =	vadd.s32 v10, v35;
	v33 =	vld [tilespmem:s0+$0xFFFFFF90];
	_ =	sdelay $0x4  }
0x6ef: {  	[tilespmem:v37+s24+$0x0] =	vst.idx.msk $0xffff, v33  }
0x6f0: {  	v38 =	vadd.s32 v11, v35;
	v33 =	vld [tilespmem:s0+$0xFFFFFFA0];
	_ =	sdelay $0x4  }
0x6f1: {  	[tilespmem:v38+s24+$0x0] =	vst.idx.msk $0xffff, v33  }
0x6f2: {  	s9 =	simm.s32 $0x3;
	v39 =	vadd.s32 v12, v35;
	v33 =	vld [tilespmem:s0+$0xFFFFFFB0]  }
0x6f3: {  	v40 =	vmov s9  }
0x6f4: {  	v35 =	vshrl.u32 v40, $0x3  }
0x6f5: {  	v35 =	vshll.u32 v35, v1  }
0x6f6: {  	v35 =	vbroadcast v35, $0x0  }
0x6f7: {  	[tilespmem:v39+s24+$0x0] =	vst.idx.msk $0xffff, v33  }
0x6f8: {  	v41 =	vadd.s32 v13, v35;
	v33 =	vld [tilespmem:s0+$0xFFFFFFC0];
	_ =	sdelay $0x4  }
0x6f9: {  	[tilespmem:v41+s24+$0x0] =	vst.idx.msk $0xffff, v33  }
0x6fa: {  	v42 =	vadd.s32 v14, v35;
	v33 =	vld [tilespmem:s0+$0xFFFFFFD0];
	_ =	sdelay $0x4  }
0x6fb: {  	[tilespmem:v42+s24+$0x0] =	vst.idx.msk $0xffff, v33  }
0x6fc: {  	v43 =	vadd.s32 v15, v35;
	v33 =	vld [tilespmem:s0+$0xFFFFFFE0];
	_ =	sdelay $0x4  }
0x6fd: {  	[tilespmem:v43+s24+$0x0] =	vst.idx.msk $0xffff, v33  }
0x6fe: {  	s10 =	simm.s32 $0x4;
	v44 =	vadd.s32 v16, v35;
	v33 =	vld [tilespmem:s0+$0xFFFFFFF0]  }
0x6ff: {  	v45 =	vmov s10  }
0x700: {  	v35 =	vshrl.u32 v45, $0x3  }
0x701: {  	v35 =	vshll.u32 v35, v1  }
0x702: {  	v35 =	vbroadcast v35, $0x0  }
0x703: {  	[tilespmem:v44+s24+$0x0] =	vst.idx.msk $0xffff, v33  }
0x704: {  	v46 =	vadd.s32 v17, v35;
	v33 =	vld [tilespmem:s0+$0x0];
	_ =	sdelay $0x4  }
0x705: {  	[tilespmem:v46+s24+$0x0] =	vst.idx.msk $0xffff, v33  }
0x706: {  	v47 =	vadd.s32 v18, v35;
	v33 =	vld [tilespmem:s0+$0x10];
	_ =	sdelay $0x4  }
0x707: {  	[tilespmem:v47+s24+$0x0] =	vst.idx.msk $0xffff, v33  }
0x708: {  	v48 =	vadd.s32 v19, v35;
	v33 =	vld [tilespmem:s0+$0x20];
	_ =	sdelay $0x4  }
0x709: {  	[tilespmem:v48+s24+$0x0] =	vst.idx.msk $0xffff, v33  }
0x70a: {  	s26 =	simm.s32 $0x5;
	v49 =	vadd.s32 v20, v35;
	v33 =	vld [tilespmem:s0+$0x30]  }
0x70b: {  	v50 =	vmov s26  }
0x70c: {  	v35 =	vshrl.u32 v50, $0x3  }
0x70d: {  	v35 =	vshll.u32 v35, v1  }
0x70e: {  	v35 =	vbroadcast v35, $0x0  }
0x70f: {  	[tilespmem:v49+s24+$0x0] =	vst.idx.msk $0xffff, v33  }
0x710: {  	v51 =	vadd.s32 v21, v35;
	v33 =	vld [tilespmem:s0+$0x40];
	_ =	sdelay $0x4  }
0x711: {  	[tilespmem:v51+s24+$0x0] =	vst.idx.msk $0xffff, v33  }
0x712: {  	v52 =	vadd.s32 v22, v35;
	v33 =	vld [tilespmem:s0+$0x50];
	_ =	sdelay $0x4  }
0x713: {  	[tilespmem:v52+s24+$0x0] =	vst.idx.msk $0xffff, v33  }
0x714: {  	v53 =	vadd.s32 v23, v35;
	v33 =	vld [tilespmem:s0+$0x60];
	_ =	sdelay $0x4  }
0x715: {  	[tilespmem:v53+s24+$0x0] =	vst.idx.msk $0xffff, v33  }
0x716: {  	s30 =	simm.s32 $0x6;
	v54 =	vadd.s32 v24, v35;
	v33 =	vld [tilespmem:s0+$0x70]  }
0x717: {  	v55 =	vmov s30  }
0x718: {  	v35 =	vshrl.u32 v55, $0x3  }
0x719: {  	v35 =	vshll.u32 v35, v1  }
0x71a: {  	v35 =	vbroadcast v35, $0x0  }
0x71b: {  	[tilespmem:v54+s24+$0x0] =	vst.idx.msk $0xffff, v33  }
0x71c: {  	v56 =	vadd.s32 v25, v35;
	v33 =	vld [tilespmem:s0+$0x80];
	_ =	sdelay $0x4  }
0x71d: {  	[tilespmem:v56+s24+$0x0] =	vst.idx.msk $0xffff, v33  }
0x71e: {  	v57 =	vadd.s32 v26, v35;
	v33 =	vld [tilespmem:s0+$0x90];
	_ =	sdelay $0x4  }
0x71f: {  	[tilespmem:v57+s24+$0x0] =	vst.idx.msk $0xffff, v33  }
0x720: {  	v58 =	vadd.s32 v27, v35;
	v33 =	vld [tilespmem:s0+$0xA0];
	_ =	sdelay $0x4  }
0x721: {  	[tilespmem:v58+s24+$0x0] =	vst.idx.msk $0xffff, v33  }
0x722: {  	s31 =	simm.s32 $0x7;
	v59 =	vadd.s32 v28, v35;
	v33 =	vld [tilespmem:s0+$0xB0]  }
0x723: {  	v60 =	vmov s31  }
0x724: {  	v35 =	vshrl.u32 v60, $0x3  }
0x725: {  	v35 =	vshll.u32 v35, v1  }
0x726: {  	v35 =	vbroadcast v35, $0x0  }
0x727: {  	[tilespmem:v59+s24+$0x0] =	vst.idx.msk $0xffff, v33  }
0x728: {  	v61 =	vadd.s32 v29, v35;
	v33 =	vld [tilespmem:s0+$0xC0];
	_ =	sdelay $0x4  }
0x729: {  	[tilespmem:v61+s24+$0x0] =	vst.idx.msk $0xffff, v33  }
0x72a: {  	v62 =	vadd.s32 v30, v35;
	v33 =	vld [tilespmem:s0+$0xD0];
	_ =	sdelay $0x4  }
0x72b: {  	[tilespmem:v62+s24+$0x0] =	vst.idx.msk $0xffff, v33  }
0x72c: {  	v63 =	vadd.s32 v31, v35;
	v33 =	vld [tilespmem:s0+$0xE0];
	_ =	sdelay $0x4  }
0x72d: {  	[tilespmem:v63+s24+$0x0] =	vst.idx.msk $0xffff, v33  }
0x72e: {  	s1 =	simm.s32 $0x8;
	v34 =	vadd.s32 v32, v35;
	v33 =	vld [tilespmem:s0+$0xF0]  }
0x72f: {  	s6 =	simm.s32 $0x10;
	v35 =	vmov s1  }
.LBB2_23:
0x730: {  	p1 =	slt.u32 s6, $0x78;
	v35 =	vshrl.u32 v35, $0x3  }
0x731: {  	v35 =	vshll.u32 v35, v1  }
0x732: {  	v35 =	vbroadcast v35, $0x0  }
0x733: {  	s0 =	sadd.s32 $0x200, s0;
	[tilespmem:v34+s24+$0x0] =	vst.idx.msk $0xffff, v33  }
0x734: {  	v33 =	vld [tilespmem:s0+$0xFFFFFF00];
	v34 =	vadd.s32 v0, v35;
	_ =	sdelay $0x4  }
0x735: {  	[tilespmem:v34+s24+$0x0] =	vst.idx.msk $0xffff, v33  }
0x736: {  	v34 =	vadd.s32 v2, v35;
	v33 =	vld [tilespmem:s0+$0xFFFFFF10];
	_ =	sdelay $0x4  }
0x737: {  	[tilespmem:v34+s24+$0x0] =	vst.idx.msk $0xffff, v33  }
0x738: {  	v34 =	vadd.s32 v3, v35;
	v33 =	vld [tilespmem:s0+$0xFFFFFF20];
	_ =	sdelay $0x4  }
0x739: {  	[tilespmem:v34+s24+$0x0] =	vst.idx.msk $0xffff, v33  }
0x73a: {  	s7 =	sadd.s32 $0x1, s1;
	v34 =	vadd.s32 v4, v35;
	v33 =	vld [tilespmem:s0+$0xFFFFFF30]  }
0x73b: {  	v35 =	vmov s7  }
0x73c: {  	v35 =	vshrl.u32 v35, $0x3  }
0x73d: {  	v35 =	vshll.u32 v35, v1  }
0x73e: {  	v35 =	vbroadcast v35, $0x0  }
0x73f: {  	[tilespmem:v34+s24+$0x0] =	vst.idx.msk $0xffff, v33  }
0x740: {  	v34 =	vadd.s32 v5, v35;
	v33 =	vld [tilespmem:s0+$0xFFFFFF40];
	_ =	sdelay $0x4  }
0x741: {  	[tilespmem:v34+s24+$0x0] =	vst.idx.msk $0xffff, v33  }
0x742: {  	v34 =	vadd.s32 v6, v35;
	v33 =	vld [tilespmem:s0+$0xFFFFFF50];
	_ =	sdelay $0x4  }
0x743: {  	[tilespmem:v34+s24+$0x0] =	vst.idx.msk $0xffff, v33  }
0x744: {  	v34 =	vadd.s32 v7, v35;
	v33 =	vld [tilespmem:s0+$0xFFFFFF60];
	_ =	sdelay $0x4  }
0x745: {  	[tilespmem:v34+s24+$0x0] =	vst.idx.msk $0xffff, v33  }
0x746: {  	s7 =	sadd.s32 $0x2, s1;
	v34 =	vadd.s32 v8, v35;
	v33 =	vld [tilespmem:s0+$0xFFFFFF70]  }
0x747: {  	v35 =	vmov s7  }
0x748: {  	v35 =	vshrl.u32 v35, $0x3  }
0x749: {  	v35 =	vshll.u32 v35, v1  }
0x74a: {  	v35 =	vbroadcast v35, $0x0  }
0x74b: {  	[tilespmem:v34+s24+$0x0] =	vst.idx.msk $0xffff, v33  }
0x74c: {  	v34 =	vadd.s32 v9, v35;
	v33 =	vld [tilespmem:s0+$0xFFFFFF80];
	_ =	sdelay $0x4  }
0x74d: {  	[tilespmem:v34+s24+$0x0] =	vst.idx.msk $0xffff, v33  }
0x74e: {  	v34 =	vadd.s32 v10, v35;
	v33 =	vld [tilespmem:s0+$0xFFFFFF90];
	_ =	sdelay $0x4  }
0x74f: {  	[tilespmem:v34+s24+$0x0] =	vst.idx.msk $0xffff, v33  }
0x750: {  	v34 =	vadd.s32 v11, v35;
	v33 =	vld [tilespmem:s0+$0xFFFFFFA0];
	_ =	sdelay $0x4  }
0x751: {  	[tilespmem:v34+s24+$0x0] =	vst.idx.msk $0xffff, v33  }
0x752: {  	s7 =	sadd.s32 $0x3, s1;
	v34 =	vadd.s32 v12, v35;
	v33 =	vld [tilespmem:s0+$0xFFFFFFB0]  }
0x753: {  	v35 =	vmov s7  }
0x754: {  	v35 =	vshrl.u32 v35, $0x3  }
0x755: {  	v35 =	vshll.u32 v35, v1  }
0x756: {  	v35 =	vbroadcast v35, $0x0  }
0x757: {  	[tilespmem:v34+s24+$0x0] =	vst.idx.msk $0xffff, v33  }
0x758: {  	v34 =	vadd.s32 v13, v35;
	v33 =	vld [tilespmem:s0+$0xFFFFFFC0];
	_ =	sdelay $0x4  }
0x759: {  	[tilespmem:v34+s24+$0x0] =	vst.idx.msk $0xffff, v33  }
0x75a: {  	v34 =	vadd.s32 v14, v35;
	v33 =	vld [tilespmem:s0+$0xFFFFFFD0];
	_ =	sdelay $0x4  }
0x75b: {  	[tilespmem:v34+s24+$0x0] =	vst.idx.msk $0xffff, v33  }
0x75c: {  	v34 =	vadd.s32 v15, v35;
	v33 =	vld [tilespmem:s0+$0xFFFFFFE0];
	_ =	sdelay $0x4  }
0x75d: {  	[tilespmem:v34+s24+$0x0] =	vst.idx.msk $0xffff, v33  }
0x75e: {  	s7 =	sadd.s32 $0x4, s1;
	v34 =	vadd.s32 v16, v35;
	v33 =	vld [tilespmem:s0+$0xFFFFFFF0]  }
0x75f: {  	v35 =	vmov s7  }
0x760: {  	v35 =	vshrl.u32 v35, $0x3  }
0x761: {  	v35 =	vshll.u32 v35, v1  }
0x762: {  	v35 =	vbroadcast v35, $0x0  }
0x763: {  	[tilespmem:v34+s24+$0x0] =	vst.idx.msk $0xffff, v33  }
0x764: {  	v34 =	vadd.s32 v17, v35;
	v33 =	vld [tilespmem:s0+$0x0];
	_ =	sdelay $0x4  }
0x765: {  	[tilespmem:v34+s24+$0x0] =	vst.idx.msk $0xffff, v33  }
0x766: {  	v34 =	vadd.s32 v18, v35;
	v33 =	vld [tilespmem:s0+$0x10];
	_ =	sdelay $0x4  }
0x767: {  	[tilespmem:v34+s24+$0x0] =	vst.idx.msk $0xffff, v33  }
0x768: {  	v34 =	vadd.s32 v19, v35;
	v33 =	vld [tilespmem:s0+$0x20];
	_ =	sdelay $0x4  }
0x769: {  	[tilespmem:v34+s24+$0x0] =	vst.idx.msk $0xffff, v33  }
0x76a: {  	s7 =	sadd.s32 $0x5, s1;
	v34 =	vadd.s32 v20, v35;
	v33 =	vld [tilespmem:s0+$0x30]  }
0x76b: {  	v35 =	vmov s7  }
0x76c: {  	v35 =	vshrl.u32 v35, $0x3  }
0x76d: {  	v35 =	vshll.u32 v35, v1  }
0x76e: {  	v35 =	vbroadcast v35, $0x0  }
0x76f: {  	[tilespmem:v34+s24+$0x0] =	vst.idx.msk $0xffff, v33  }
0x770: {  	v34 =	vadd.s32 v21, v35;
	v33 =	vld [tilespmem:s0+$0x40];
	_ =	sdelay $0x4  }
0x771: {  	[tilespmem:v34+s24+$0x0] =	vst.idx.msk $0xffff, v33  }
0x772: {  	v34 =	vadd.s32 v22, v35;
	v33 =	vld [tilespmem:s0+$0x50];
	_ =	sdelay $0x4  }
0x773: {  	[tilespmem:v34+s24+$0x0] =	vst.idx.msk $0xffff, v33  }
0x774: {  	v34 =	vadd.s32 v23, v35;
	v33 =	vld [tilespmem:s0+$0x60];
	_ =	sdelay $0x4  }
0x775: {  	[tilespmem:v34+s24+$0x0] =	vst.idx.msk $0xffff, v33  }
0x776: {  	s7 =	sadd.s32 $0x6, s1;
	v34 =	vadd.s32 v24, v35;
	v33 =	vld [tilespmem:s0+$0x70]  }
0x777: {  	v35 =	vmov s7  }
0x778: {  	v35 =	vshrl.u32 v35, $0x3  }
0x779: {  	v35 =	vshll.u32 v35, v1  }
0x77a: {  	v35 =	vbroadcast v35, $0x0  }
0x77b: {  	[tilespmem:v34+s24+$0x0] =	vst.idx.msk $0xffff, v33  }
0x77c: {  	v34 =	vadd.s32 v25, v35;
	v33 =	vld [tilespmem:s0+$0x80];
	_ =	sdelay $0x4  }
0x77d: {  	[tilespmem:v34+s24+$0x0] =	vst.idx.msk $0xffff, v33  }
0x77e: {  	v34 =	vadd.s32 v26, v35;
	v33 =	vld [tilespmem:s0+$0x90];
	_ =	sdelay $0x4  }
0x77f: {  	[tilespmem:v34+s24+$0x0] =	vst.idx.msk $0xffff, v33  }
0x780: {  	v34 =	vadd.s32 v27, v35;
	v33 =	vld [tilespmem:s0+$0xA0];
	_ =	sdelay $0x4  }
0x781: {  	[tilespmem:v34+s24+$0x0] =	vst.idx.msk $0xffff, v33  }
0x782: {  	s7 =	sadd.s32 $0x7, s1;
	s1 =	smov.u32 s6;
	v34 =	vadd.s32 v28, v35;
	v33 =	vld [tilespmem:s0+$0xB0]  }
0x783: {  	v35 =	vmov s7  }
0x784: {  	v35 =	vshrl.u32 v35, $0x3  }
0x785: {  	v35 =	vshll.u32 v35, v1  }
0x786: {  	v35 =	vbroadcast v35, $0x0  }
0x787: {  	[tilespmem:v34+s24+$0x0] =	vst.idx.msk $0xffff, v33  }
0x788: {  	v34 =	vadd.s32 v29, v35;
	v33 =	vld [tilespmem:s0+$0xC0];
	_ =	sdelay $0x4  }
0x789: {  	[tilespmem:v34+s24+$0x0] =	vst.idx.msk $0xffff, v33  }
0x78a: {  	v34 =	vadd.s32 v30, v35;
	v33 =	vld [tilespmem:s0+$0xD0];
	_ =	sdelay $0x4  }
0x78b: {  	[tilespmem:v34+s24+$0x0] =	vst.idx.msk $0xffff, v33  }
0x78c: {  	v34 =	vadd.s32 v31, v35;
	v33 =	vld [tilespmem:s0+$0xE0];
	_ =	sdelay $0x2  }
.Ltmp10:
0x78d: {  	(pc) =	sbr.rel @p1 .LBB2_23-.Ltmp10, $4  }
0x78e: {  	_ = 	snop  }
0x78f: {  	[tilespmem:v34+s24+$0x0] =	vst.idx.msk $0xffff, v33  }
0x790: {  	v34 =	vadd.s32 v32, v35;
	v33 =	vld [tilespmem:s0+$0xF0]  }
0x791: {  	s6 =	sadd.s32 $0x8, s6;
	v35 =	vmov s1  }
0x792: {  	_ = 	snop  }
0x793: {  	v35 =	vshrl.u32 v35, $0x3  }
0x794: {  	v35 =	vshll.u32 v35, v1  }
0x795: {  	v35 =	vbroadcast v35, $0x0  }
0x796: {  	s0 =	sadd.s32 $0x200, s0;
	[tilespmem:v34+s24+$0x0] =	vst.idx.msk $0xffff, v33  }
0x797: {  	v33 =	vld [tilespmem:s0+$0xFFFFFF00];
	v53 =	vadd.s32 v0, v35;
	_ =	sdelay $0x4  }
0x798: {  	[tilespmem:v53+s24+$0x0] =	vst.idx.msk $0xffff, v33  }
0x799: {  	v54 =	vadd.s32 v2, v35;
	v33 =	vld [tilespmem:s0+$0xFFFFFF10];
	_ =	sdelay $0x4  }
0x79a: {  	[tilespmem:v54+s24+$0x0] =	vst.idx.msk $0xffff, v33  }
0x79b: {  	v55 =	vadd.s32 v3, v35;
	v33 =	vld [tilespmem:s0+$0xFFFFFF20];
	_ =	sdelay $0x4  }
0x79c: {  	[tilespmem:v55+s24+$0x0] =	vst.idx.msk $0xffff, v33  }
0x79d: {  	s6 =	sadd.s32 $0x1, s1;
	v56 =	vadd.s32 v4, v35;
	v33 =	vld [tilespmem:s0+$0xFFFFFF30]  }
0x79e: {  	v57 =	vmov s6  }
0x79f: {  	v35 =	vshrl.u32 v57, $0x3  }
0x7a0: {  	v35 =	vshll.u32 v35, v1  }
0x7a1: {  	v35 =	vbroadcast v35, $0x0  }
0x7a2: {  	[tilespmem:v56+s24+$0x0] =	vst.idx.msk $0xffff, v33  }
0x7a3: {  	v58 =	vadd.s32 v5, v35;
	v33 =	vld [tilespmem:s0+$0xFFFFFF40];
	_ =	sdelay $0x4  }
0x7a4: {  	[tilespmem:v58+s24+$0x0] =	vst.idx.msk $0xffff, v33  }
0x7a5: {  	v59 =	vadd.s32 v6, v35;
	v33 =	vld [tilespmem:s0+$0xFFFFFF50];
	_ =	sdelay $0x4  }
0x7a6: {  	[tilespmem:v59+s24+$0x0] =	vst.idx.msk $0xffff, v33  }
0x7a7: {  	v60 =	vadd.s32 v7, v35;
	v33 =	vld [tilespmem:s0+$0xFFFFFF60];
	_ =	sdelay $0x4  }
0x7a8: {  	[tilespmem:v60+s24+$0x0] =	vst.idx.msk $0xffff, v33  }
0x7a9: {  	s10 =	sadd.s32 $0x2, s1;
	v61 =	vadd.s32 v8, v35;
	v33 =	vld [tilespmem:s0+$0xFFFFFF70]  }
0x7aa: {  	v62 =	vmov s10  }
0x7ab: {  	v35 =	vshrl.u32 v62, $0x3  }
0x7ac: {  	v35 =	vshll.u32 v35, v1  }
0x7ad: {  	v35 =	vbroadcast v35, $0x0  }
0x7ae: {  	[tilespmem:v61+s24+$0x0] =	vst.idx.msk $0xffff, v33  }
0x7af: {  	v63 =	vadd.s32 v9, v35;
	v33 =	vld [tilespmem:s0+$0xFFFFFF80];
	_ =	sdelay $0x4  }
0x7b0: {  	[tilespmem:v63+s24+$0x0] =	vst.idx.msk $0xffff, v33  }
0x7b1: {  	v36 =	vadd.s32 v10, v35;
	v33 =	vld [tilespmem:s0+$0xFFFFFF90];
	_ =	sdelay $0x4  }
0x7b2: {  	[tilespmem:v36+s24+$0x0] =	vst.idx.msk $0xffff, v33  }
0x7b3: {  	v37 =	vadd.s32 v11, v35;
	v33 =	vld [tilespmem:s0+$0xFFFFFFA0];
	_ =	sdelay $0x4  }
0x7b4: {  	[tilespmem:v37+s24+$0x0] =	vst.idx.msk $0xffff, v33  }
0x7b5: {  	s26 =	sadd.s32 $0x3, s1;
	v38 =	vadd.s32 v12, v35;
	v33 =	vld [tilespmem:s0+$0xFFFFFFB0]  }
0x7b6: {  	v39 =	vmov s26  }
0x7b7: {  	v35 =	vshrl.u32 v39, $0x3  }
0x7b8: {  	v35 =	vshll.u32 v35, v1  }
0x7b9: {  	v35 =	vbroadcast v35, $0x0  }
0x7ba: {  	[tilespmem:v38+s24+$0x0] =	vst.idx.msk $0xffff, v33  }
0x7bb: {  	v40 =	vadd.s32 v13, v35;
	v33 =	vld [tilespmem:s0+$0xFFFFFFC0];
	_ =	sdelay $0x4  }
0x7bc: {  	[tilespmem:v40+s24+$0x0] =	vst.idx.msk $0xffff, v33  }
0x7bd: {  	v41 =	vadd.s32 v14, v35;
	v33 =	vld [tilespmem:s0+$0xFFFFFFD0];
	_ =	sdelay $0x4  }
0x7be: {  	[tilespmem:v41+s24+$0x0] =	vst.idx.msk $0xffff, v33  }
0x7bf: {  	v42 =	vadd.s32 v15, v35;
	v33 =	vld [tilespmem:s0+$0xFFFFFFE0];
	_ =	sdelay $0x4  }
0x7c0: {  	[tilespmem:v42+s24+$0x0] =	vst.idx.msk $0xffff, v33  }
0x7c1: {  	s30 =	sadd.s32 $0x4, s1;
	v43 =	vadd.s32 v16, v35;
	v33 =	vld [tilespmem:s0+$0xFFFFFFF0]  }
0x7c2: {  	v44 =	vmov s30  }
0x7c3: {  	v35 =	vshrl.u32 v44, $0x3  }
0x7c4: {  	v35 =	vshll.u32 v35, v1  }
0x7c5: {  	v35 =	vbroadcast v35, $0x0  }
0x7c6: {  	[tilespmem:v43+s24+$0x0] =	vst.idx.msk $0xffff, v33  }
0x7c7: {  	v45 =	vadd.s32 v17, v35;
	v33 =	vld [tilespmem:s0+$0x0];
	_ =	sdelay $0x4  }
0x7c8: {  	[tilespmem:v45+s24+$0x0] =	vst.idx.msk $0xffff, v33  }
0x7c9: {  	v46 =	vadd.s32 v18, v35;
	v33 =	vld [tilespmem:s0+$0x10];
	_ =	sdelay $0x4  }
0x7ca: {  	[tilespmem:v46+s24+$0x0] =	vst.idx.msk $0xffff, v33  }
0x7cb: {  	v47 =	vadd.s32 v19, v35;
	v33 =	vld [tilespmem:s0+$0x20];
	_ =	sdelay $0x4  }
0x7cc: {  	[tilespmem:v47+s24+$0x0] =	vst.idx.msk $0xffff, v33  }
0x7cd: {  	s31 =	sadd.s32 $0x5, s1;
	v48 =	vadd.s32 v20, v35;
	v33 =	vld [tilespmem:s0+$0x30]  }
0x7ce: {  	v49 =	vmov s31  }
0x7cf: {  	v35 =	vshrl.u32 v49, $0x3  }
0x7d0: {  	v35 =	vshll.u32 v35, v1  }
0x7d1: {  	v35 =	vbroadcast v35, $0x0  }
0x7d2: {  	[tilespmem:v48+s24+$0x0] =	vst.idx.msk $0xffff, v33  }
0x7d3: {  	v50 =	vadd.s32 v21, v35;
	v33 =	vld [tilespmem:s0+$0x40];
	_ =	sdelay $0x4  }
0x7d4: {  	[tilespmem:v50+s24+$0x0] =	vst.idx.msk $0xffff, v33  }
0x7d5: {  	v51 =	vadd.s32 v22, v35;
	v33 =	vld [tilespmem:s0+$0x50];
	_ =	sdelay $0x4  }
0x7d6: {  	[tilespmem:v51+s24+$0x0] =	vst.idx.msk $0xffff, v33  }
0x7d7: {  	v52 =	vadd.s32 v23, v35;
	v33 =	vld [tilespmem:s0+$0x60];
	_ =	sdelay $0x4  }
0x7d8: {  	[tilespmem:v52+s24+$0x0] =	vst.idx.msk $0xffff, v33  }
0x7d9: {  	s7 =	sadd.s32 $0x6, s1;
	v53 =	vadd.s32 v24, v35;
	v33 =	vld [tilespmem:s0+$0x70]  }
0x7da: {  	v54 =	vmov s7  }
0x7db: {  	v35 =	vshrl.u32 v54, $0x3  }
0x7dc: {  	v35 =	vshll.u32 v35, v1  }
0x7dd: {  	v35 =	vbroadcast v35, $0x0  }
0x7de: {  	[tilespmem:v53+s24+$0x0] =	vst.idx.msk $0xffff, v33  }
0x7df: {  	v55 =	vadd.s32 v25, v35;
	v33 =	vld [tilespmem:s0+$0x80];
	_ =	sdelay $0x4  }
0x7e0: {  	[tilespmem:v55+s24+$0x0] =	vst.idx.msk $0xffff, v33  }
0x7e1: {  	v56 =	vadd.s32 v26, v35;
	v33 =	vld [tilespmem:s0+$0x90];
	_ =	sdelay $0x4  }
0x7e2: {  	[tilespmem:v56+s24+$0x0] =	vst.idx.msk $0xffff, v33  }
0x7e3: {  	v57 =	vadd.s32 v27, v35;
	v33 =	vld [tilespmem:s0+$0xA0];
	_ =	sdelay $0x4  }
0x7e4: {  	[tilespmem:v57+s24+$0x0] =	vst.idx.msk $0xffff, v33  }
0x7e5: {  	s8 =	sadd.s32 $0x7, s1;
	v58 =	vadd.s32 v28, v35;
	v33 =	vld [tilespmem:s0+$0xB0]  }
0x7e6: {  	v59 =	vmov s8  }
0x7e7: {  	v35 =	vshrl.u32 v59, $0x3  }
0x7e8: {  	v35 =	vshll.u32 v35, v1  }
0x7e9: {  	v35 =	vbroadcast v35, $0x0  }
0x7ea: {  	[tilespmem:v58+s24+$0x0] =	vst.idx.msk $0xffff, v33  }
0x7eb: {  	v60 =	vadd.s32 v29, v35;
	v33 =	vld [tilespmem:s0+$0xC0];
	_ =	sdelay $0x4  }
0x7ec: {  	[tilespmem:v60+s24+$0x0] =	vst.idx.msk $0xffff, v33  }
0x7ed: {  	v61 =	vadd.s32 v30, v35;
	v33 =	vld [tilespmem:s0+$0xD0];
	_ =	sdelay $0x4  }
0x7ee: {  	[tilespmem:v61+s24+$0x0] =	vst.idx.msk $0xffff, v33  }
0x7ef: {  	v62 =	vadd.s32 v31, v35;
	v33 =	vld [tilespmem:s0+$0xE0];
	_ =	sdelay $0x4  }
0x7f0: {  	[tilespmem:v62+s24+$0x0] =	vst.idx.msk $0xffff, v33  }
0x7f1: {  	v63 =	vadd.s32 v32, v35;
	v33 =	vld [tilespmem:s0+$0xF0];
	_ =	sdelay $0x4  }
0x7f2: {  	s9 =	sshll.u32 s29, $0x12;
	s0 =	simm.s32 @!p0 $0x2;
	[tilespmem:v63+s24+$0x0] =	vst.idx.msk $0xffff, v33  }
0x7f3: {  	s1 =	sor.u32 s4, s9;
	_ =	swait.ge @!p0 [sflag:s0], $0x2000  }
0x7f4: {  	s1 =	sshrl.u32 s1, $0x3;
	[sflag:s0] =	ssyncset.done @!p0 $0x0  }
0x7f5: {  	s10 =	simm.s32 $0x1CE00;
	s1 =	sadd.s32 s2, s1;
	[sflag:s0] =	ssyncadd.s32 @!p0 $0xFFFFE000  }
0x7f6: {  	[hbm4b:s1+s3] =	stream.linear.scatter [tilespmem:s10], [sflag:$0x2], $0x80, $0x38;
	[tilespmem:$0x1F000] =	vst v63  }
0x7f7: {  	s26 =	simm.s32 $0x1CE88;
	s29 =	sadd.s32 $0x10, s1  }
0x7f8: {  	[hbm4b:s29+s3] =	stream.linear.scatter [tilespmem:s26], [sflag:$0x2], $0x80, $0x38;
	[tilespmem:$0x1F000] =	vst v63  }
0x7f9: {  	s30 =	simm.s32 $0x1CF10;
	s9 =	simm.s32 $0x1D020;
	s31 =	sadd.s32 $0x20, s1  }
0x7fa: {  	[hbm4b:s31+s3] =	stream.linear.scatter [tilespmem:s30], [sflag:$0x2], $0x80, $0x38;
	[tilespmem:$0x1F000] =	vst v63  }
0x7fb: {  	s6 =	simm.s32 $0x2200;
	s7 =	simm.s32 $0x1CF98;
	s8 =	sadd.s32 $0x30, s1  }
0x7fc: {  	[hbm4b:s8+s3] =	stream.linear.scatter [tilespmem:s7], [sflag:$0x2], $0x80, $0x38;
	[tilespmem:$0x1F000] =	vst v63  }
0x7fd: {  	s0 =	simm.s32 $0x440;
	s10 =	sadd.s32 $0x40, s1;
	s26 =	simm.s32 $0x1D0A8  }
0x7fe: {  	[hbm4b:s10+s3] =	stream.linear.scatter [tilespmem:s9], [sflag:$0x2], $0x80, $0x38;
	[tilespmem:$0x1F000] =	vst v63  }
0x7ff: {  	s29 =	sadd.s32 $0x50, s1;
	s30 =	simm.s32 $0x1D130;
	s31 =	sadd.s32 $0x60, s1  }
0x800: {  	[hbm4b:s29+s3] =	stream.linear.scatter [tilespmem:s26], [sflag:$0x2], $0x80, $0x38;
	[tilespmem:$0x1F000] =	vst v63  }
0x801: {  	s7 =	simm.s32 $0x1D1B8;
	s8 =	sadd.s32 $0x70, s1;
	s1 =	sadd.s32 $0x1000, s1  }
0x802: {  	[hbm4b:s31+s3] =	stream.linear.scatter [tilespmem:s30], [sflag:$0x2], $0x80, $0x38;
	[tilespmem:$0x1F000] =	vst v63  }
.LBB2_25:
0x803: {  	[hbm4b:s8+s3] =	stream.linear.scatter [tilespmem:s7], [sflag:$0x2], $0x80, $0x38;
	[tilespmem:$0x1F000] =	vst v63  }
0x804: {  	s7 =	smov.u32 s0;
	s0 =	smov.u32 s6  }
0x805: {  	s9 =	sadd.s32 $0x1100, s6;
	s0 =	sshra.s32 s0, $0x2;
	s8 =	sadd.s32 $0x1CE00, s7  }
0x806: {  	[hbm4b:s1+s3] =	stream.linear.scatter [tilespmem:s8], [sflag:$0x2], $0x80, $0x38;
	[tilespmem:$0x1F000] =	vst v63  }
0x807: {  	p0 =	sne.s32 s6, $0x7700;
	s6 =	sadd.s32 $0x1CE88, s7;
	s8 =	sadd.s32 $0x10, s1  }
0x808: {  	[hbm4b:s8+s3] =	stream.linear.scatter [tilespmem:s6], [sflag:$0x2], $0x80, $0x38;
	[tilespmem:$0x1F000] =	vst v63  }
0x809: {  	s6 =	sadd.s32 $0x1CF10, s7;
	s8 =	sadd.s32 $0x20, s1  }
0x80a: {  	[hbm4b:s8+s3] =	stream.linear.scatter [tilespmem:s6], [sflag:$0x2], $0x80, $0x38;
	[tilespmem:$0x1F000] =	vst v63  }
0x80b: {  	s6 =	sadd.s32 $0x1CF98, s7;
	s8 =	sadd.s32 $0x30, s1  }
0x80c: {  	[hbm4b:s8+s3] =	stream.linear.scatter [tilespmem:s6], [sflag:$0x2], $0x80, $0x38;
	[tilespmem:$0x1F000] =	vst v63  }
0x80d: {  	s6 =	sadd.s32 $0x1D020, s7;
	s8 =	sadd.s32 $0x40, s1  }
0x80e: {  	[hbm4b:s8+s3] =	stream.linear.scatter [tilespmem:s6], [sflag:$0x2], $0x80, $0x38;
	[tilespmem:$0x1F000] =	vst v63  }
.Ltmp11:
0x80f: {  	s6 =	sadd.s32 $0x1D0A8, s7;
	s8 =	sadd.s32 $0x50, s1;
	(pc) =	sbr.rel @p0 .LBB2_25-.Ltmp11, $4  }
0x810: {  	[hbm4b:s8+s3] =	stream.linear.scatter [tilespmem:s6], [sflag:$0x2], $0x80, $0x38;
	[tilespmem:$0x1F000] =	vst v63  }
0x811: {  	s6 =	sadd.s32 $0x1D130, s7;
	s8 =	sadd.s32 $0x60, s1;
	s7 =	sadd.s32 $0x1D1B8, s7  }
0x812: {  	[hbm4b:s8+s3] =	stream.linear.scatter [tilespmem:s6], [sflag:$0x2], $0x80, $0x38;
	[tilespmem:$0x1F000] =	vst v63  }
0x813: {  	s8 =	sadd.s32 $0x70, s1;
	s1 =	sadd.s32 $0x1000, s1;
	s6 =	smov.u32 s9  }
0x814: {  	[hbm4b:s8+s3] =	stream.linear.scatter [tilespmem:s7], [sflag:$0x2], $0x80, $0x38;
	[tilespmem:$0x1F000] =	vst v63  }
0x815: {  	s6 =	sadd.s32 $0x1CE00, s0  }
0x816: {  	[hbm4b:s1+s3] =	stream.linear.scatter [tilespmem:s6], [sflag:$0x2], $0x80, $0x38;
	[tilespmem:$0x1F000] =	vst v63  }
0x817: {  	s9 =	sadd.s32 $0x1CE88, s0;
	s10 =	sadd.s32 $0x10, s1  }
0x818: {  	[hbm4b:s10+s3] =	stream.linear.scatter [tilespmem:s9], [sflag:$0x2], $0x80, $0x38;
	[tilespmem:$0x1F000] =	vst v63  }
0x819: {  	s26 =	sadd.s32 $0x1CF10, s0;
	s29 =	sadd.s32 $0x20, s1  }
0x81a: {  	[hbm4b:s29+s3] =	stream.linear.scatter [tilespmem:s26], [sflag:$0x2], $0x80, $0x38;
	[tilespmem:$0x1F000] =	vst v63  }
0x81b: {  	s30 =	sadd.s32 $0x1CF98, s0;
	s31 =	sadd.s32 $0x30, s1  }
0x81c: {  	[hbm4b:s31+s3] =	stream.linear.scatter [tilespmem:s30], [sflag:$0x2], $0x80, $0x38;
	[tilespmem:$0x1F000] =	vst v63  }
0x81d: {  	s7 =	sadd.s32 $0x1D020, s0;
	s8 =	sadd.s32 $0x40, s1;
	s28 =	sadd.s32 $0x1, s28  }
0x81e: {  	[hbm4b:s8+s3] =	stream.linear.scatter [tilespmem:s7], [sflag:$0x2], $0x80, $0x38;
	[tilespmem:$0x1F000] =	vst v63  }
0x81f: {  	p0 =	sne.s32 s28, $0x21;
	s9 =	sadd.s32 $0x1D0A8, s0;
	s10 =	sadd.s32 $0x50, s1  }
0x820: {  	[hbm4b:s10+s3] =	stream.linear.scatter [tilespmem:s9], [sflag:$0x2], $0x80, $0x38;
	[tilespmem:$0x1F000] =	vst v63  }
.Ltmp12:
0x821: {  	_ = 	snop;
	(pc) =	sbr.rel @p0 .LBB2_2-.Ltmp12, $4  }
0x822: {  	s26 =	sadd.s32 $0x1D130, s0;
	s29 =	sadd.s32 $0x60, s1  }
0x823: {  	[hbm4b:s29+s3] =	stream.linear.scatter [tilespmem:s26], [sflag:$0x2], $0x80, $0x38;
	[tilespmem:$0x1F000] =	vst v63  }
0x824: {  	s30 =	sadd.s32 $0x1D1B8, s0;
	s31 =	sadd.s32 $0x70, s1  }
0x825: {  	[hbm4b:s31+s3] =	stream.linear.scatter [tilespmem:s30], [sflag:$0x2], $0x80, $0x38;
	[tilespmem:$0x1F000] =	vst v63  }
0x826: {  	_ =	swait.ge [sflag:s25], $0x2000  }
0x827: {  	[sflag:s25] =	ssyncset.done $0x0  }
0x828: {  	[sflag:s25] =	ssyncadd.s32 $0xFFFFE000  }
0x829: {  	_ =	swait.ge [sflag:s25], $0x2000  }
0x82a: {  	[sflag:s25] =	ssyncset.done $0x0  }
0x82b: {  	[sflag:s25] =	ssyncadd.s32 $0xFFFFE000  }
0x82c: {  	_ =	swait.ge [sflag:s25], $0x2000  }
0x82d: {  	[sflag:s25] =	ssyncset.done $0x0  }
0x82e: {  	[sflag:s25] =	ssyncadd.s32 $0xFFFFE000  }
0x82f: {  	_ =	swait.ge [sflag:s25], $0x2000  }
0x830: {  	[sflag:s25] =	ssyncset.done $0x0  }
0x831: {  	[sflag:s25] =	ssyncadd.s32 $0xFFFFE000  }
0x832: {  	_ =	swait.ge [sflag:s25], $0x2000  }
0x833: {  	[sflag:s25] =	ssyncset.done $0x0  }
0x834: {  	[sflag:s25] =	ssyncadd.s32 $0xFFFFE000  }
0x835: {  	_ =	swait.ge [sflag:s25], $0x2000  }
0x836: {  	s1 =	rddreg [dreg:$0x5]  }
0x837: {  	s0 =	rddreg [dreg:$0x4];
	s1 =	sadd.s32 $0x1, s1  }
0x838: {  	p0 =	sne.s32 s1, s0  }
.Ltmp13:
0x839: {  	_ = 	snop;
	(pc) =	sbr.rel @p0 .LBB2_1-.Ltmp13, $3  }
0x83a: {  	_ =	sdelay $0x1  }
0x83b: {  	[sflag:s25] =	ssyncset.done $0x0  }
0x83c: {  	[sflag:s25] =	ssyncadd.s32 $0xFFFFE000  }
0x83d: {  	_ =	sfence.sel $0x180000  }
0x83e: {  	[bflag:$0x0] =	sbarrier.arrive $0xFFFF  }
0x83f: {  	_ =	strace $0x90000047  }
0x840: {  	s0 =	stileid.u32;
	[bflag:$0x2] =	sbarrier.arrive $0xFFFF  }
0x841: {  	p0 =	sne.s32 s0, $0x0;
	s0 =	rddreg [dreg:$0x2]  }
0x842: {  	s0 =	sadd.s32 @!p0 $0x100000, s0  }
0x843: {  	[sflag:s0] =	ssyncadd.tile.s32 @!p0 $0x1;
	_ =	shalt  }
.Lfunc_end2:
_tile_overlayer_lowered:
.L_overlay_start_2:
0x844: {  	(tag) =	ssettag $0x2  }
0x845: {  	s0 =	rddreg [dreg:$0x0];
	s2 =	stileid.u32  }
0x846: {  	s1 =	rddreg [dreg:$0x1];
	p0 =	sne.s32 s2, $0x0  }
0x847: {  	s3 =	rddreg [dreg:$0x2];
	[bflag:$0x3] =	sbarrier.arrive $0xFFFF;
	s2 =	simm.s32 @!p0 $0x1C03  }
0x848: {  	[timem:s3], [sflag:s2] =	dma.local @!p0 [hbm:s0], s1  }
0x849: {  	s0 =	simm.s32 @!p0 $0x3  }
0x84a: {  	_ =	swait.ge @!p0 [sflag:s0], s1  }
0x84b: {  	s1 =	ssub.s32 @!p0 $0x0, s1;
	[sflag:s0] =	ssyncset.done @!p0 $0x0  }
0x84c: {  	[sflag:s0] =	ssyncadd.s32 @!p0 s1  }
0x84d: {  	[bflag:$0x3] =	sbarrier.arrive $0xFFFF  }
0x84e: {  	_ =	shalt  }

</sc_bundles>
